<compile_context>
chip_gen: v7x
topology: tpu7x:2x2x1
jax: 0.10.2.dev20260603
libtpu: 0.0.44.dev20260713+nightly
codegen_flags: <defaults>
</compile_context>

<pallas_src>
import jax
import jax.numpy as jnp
from jax import lax
from jax.experimental import pallas as pl
from jax.experimental.pallas import tpu as pltpu
from jax.experimental.pallas import tpu_sc as plsc

_NUM_FEATURES = 26
_FEATURE_SIZE = 100000
_BATCH = 4096
_EMBED_DIM = 32
_NC = 2
_NS = 16
_NW = _NC * _NS
_BPW = _BATCH // _NW
_CB = 8
_NCH = _BPW // _CB
_NSEM = 4
_W16 = _NUM_FEATURES - 16


def _sc_body(x_hbm, table_hbm, out_hbm, x_v, rows_v, g_sems, s_sems):
    wid = lax.axis_index("s") * _NC + lax.axis_index("c")
    b0 = wid * _BPW

    pltpu.sync_copy(x_hbm.at[pl.ds(b0, _BPW)], x_v)

    def issue(c, b):
        def body(jb, _):
            row = c * _CB + jb
            w0 = x_v[row, pl.ds(0, 16)]
            w1 = x_v[row, pl.ds(_W16, 16)]
            for jf in range(_NUM_FEATURES):
                xv = w0[jf] if jf < 16 else w1[jf - _W16]
                r = xv + jf * _FEATURE_SIZE
                pltpu.async_copy(
                    table_hbm.at[r], rows_v.at[b, jb, jf],
                    g_sems.at[b, jf % _NSEM])
            return _

        lax.fori_loop(0, _CB, body, None)

    def drain_and_scatter(c, b):
        for s in range(_NSEM):
            n_waits = _CB * len(
                [f for f in range(_NUM_FEATURES) if f % _NSEM == s])

            def drain(j, _, s=s):
                pltpu.make_async_copy(
                    table_hbm.at[0], rows_v.at[b, 0, 0],
                    g_sems.at[b, s]).wait()
                return _

            lax.fori_loop(0, n_waits, drain, None, unroll=8)

        pltpu.async_copy(
            rows_v.at[b], out_hbm.at[pl.ds(b0 + c * _CB, _CB)], s_sems.at[b])

    def chunk(c, _):
        b = lax.rem(c, 2)

        @pl.when(c >= 2)
        def _wait_prev():
            pltpu.make_async_copy(
                rows_v.at[b], out_hbm.at[pl.ds(b0, _CB)], s_sems.at[b]
            ).wait()

        issue(c, b)

        @pl.when(c >= 1)
        def _finish_prev():
            drain_and_scatter(c - 1, 1 - b)

        return _

    lax.fori_loop(0, _NCH, chunk, None)
    drain_and_scatter(_NCH - 1, lax.rem(_NCH - 1, 2))

    for b in range(2):
        pltpu.make_async_copy(
            rows_v.at[b], out_hbm.at[pl.ds(b0, _CB)], s_sems.at[b]).wait()


@jax.jit
def kernel(x, table):
    x = x.astype(jnp.int32)
    mesh = plsc.VectorSubcoreMesh(
        core_axis_name="c", subcore_axis_name="s",
        num_cores=_NC, num_subcores=_NS,
    )
    return pl.kernel(
        _sc_body,
        out_type=jax.ShapeDtypeStruct(
            (_BATCH, _NUM_FEATURES, _EMBED_DIM), jnp.float32),
        mesh=mesh,
        scratch_types=[
            pltpu.VMEM((_BPW, _NUM_FEATURES), jnp.int32),
            pltpu.VMEM((2, _CB, _NUM_FEATURES, _EMBED_DIM), jnp.float32),
            pltpu.SemaphoreType.DMA((2, _NSEM)),
            pltpu.SemaphoreType.DMA((2,)),
        ],
    )(x, table)

# --- scband reference (transcript-rebuilt; emitter-appended) ---
"""Pipeline reference for scband-multi-feature-embedding-82025285419743 (READ-ONLY COPY).

The authoritative reference and input builder live on the scoring server;
editing this copy changes nothing except your own understanding.
"""

import jax, jax.numpy as jnp
import numpy as np

FEATURES_N_VALUES = [100000] * 26
EMBED_DIM = 32
NUM_EMBEDDINGS = sum(FEATURES_N_VALUES)


def _xavier_uniform(key, shape, dtype=jnp.float32):
    fan_in, fan_out = shape[1], shape[0]
    a = float(np.sqrt(6.0 / (fan_in + fan_out)))
    return jax.random.uniform(key, shape, dtype=dtype, minval=-a, maxval=a)


def setup_inputs(seed: int = 0) -> dict:
    key = jax.random.key(seed)
    k_x, k_w = jax.random.split(key)
    x = jax.random.randint(k_x, (4096, 26), 0, 100000, dtype=jnp.int64) if jax.config.jax_enable_x64 else jax.random.randint(k_x, (4096, 26), 0, 100000, dtype=jnp.int32)
    table = _xavier_uniform(k_w, (NUM_EMBEDDINGS, EMBED_DIM))
    return {"x": x, "table": table}


def reference(x, table):
    # feat_emb_offset = concat([0], cumsum(features_n_values)[:-1])
    offsets_np = np.concatenate((np.zeros(1), np.cumsum(np.array(FEATURES_N_VALUES))[:-1]), axis=0)
    offsets = jnp.asarray(offsets_np, dtype=x.dtype)
    idx = x + offsets[None, :]  # broadcast per-field offset
    # embedding lookup -> gather rows
    return jnp.take(table, idx, axis=0)

if __name__ == "__main__":
    import jax
    _d = setup_inputs()
    print(jax.jit(kernel)(*tuple(_d.values())))

</pallas_src>

<mosaic_0001>
#map = affine_map<(d0, d1) -> (0, 0)>
#map1 = affine_map<(d0, d1) -> (0, 0, 0)>
module attributes {stable_mosaic.version = 14 : i64} {
  func.func @_sc_body(%arg0: i32, %arg1: i32, %arg2: memref<4096x26xi32, #tpu.memory_space<hbm>>, %arg3: memref<2600000x32xf32, #tpu.memory_space<hbm>>, %arg4: memref<4096x26x32xf32, #tpu.memory_space<hbm>>, %arg5: memref<128x26xi32, #tpu.memory_space<vmem>>, %arg6: memref<2x8x26x32xf32, #tpu.memory_space<vmem>>, %arg7: memref<2x4x!tpu.dma_semaphore, #tpu.memory_space<semaphore_mem>>, %arg8: memref<2x!tpu.dma_semaphore, #tpu.memory_space<semaphore_mem>>) attributes {dimension_semantics = [#tpu.dimension_semantics<core_parallel>, #tpu.dimension_semantics<subcore_parallel>], iteration_bounds = array<i64: 2, 16>, scalar_prefetch = 0 : i64, scratch_operands = 4 : i64, tpu.core_type = #tpu.core_type<sc_vector_subcore>, window_params = [{transform_indices = #map}, {transform_indices = #map}, {transform_indices = #map1}]} {
    %mul3A = arith.constant 2 : i32
    %mul3A_0 = arith.muli %arg1, %mul3A : i32
    %add3A = arith.addi %mul3A_0, %arg0 : i32
    %mul3A_1 = arith.constant 128 : i32
    %mul3A_2 = arith.muli %add3A, %mul3A_1 : i32
    "tpu.region"() ({
      %run_scoped3A = tpu.sem_alloc : memref<!tpu.dma_semaphore, #tpu.memory_space<semaphore_mem>>
      %dma_start3A_87 = arith.constant 0 : i32
      %dma_start3A_88 = tpu.memref_slice %arg2[%mul3A_2, %dma_start3A_87] : memref<4096x26xi32, #tpu.memory_space<hbm>> -> memref<128x26xi32, #tpu.memory_space<hbm>>
      %dma_start3A_89 = arith.constant 0 : i32
      %dma_start3A_90 = tpu.memref_slice %arg2[%mul3A_2, %dma_start3A_89] : memref<4096x26xi32, #tpu.memory_space<hbm>> -> memref<128x26xi32, #tpu.memory_space<hbm>>
      tpu.enqueue_dma source(%dma_start3A_90 : memref<128x26xi32, #tpu.memory_space<hbm>>) target(%arg5 : memref<128x26xi32, #tpu.memory_space<vmem>>) target_semaphore(%run_scoped3A : memref<!tpu.dma_semaphore, #tpu.memory_space<semaphore_mem>>)
      %dma_wait3A_91 = arith.constant 0 : i32
      %dma_wait3A_92 = tpu.memref_slice %arg2[%mul3A_2, %dma_wait3A_91] : memref<4096x26xi32, #tpu.memory_space<hbm>> -> memref<128x26xi32, #tpu.memory_space<hbm>>
      %dma_wait3A_93 = arith.constant 0 : i32
      %dma_wait3A_94 = tpu.memref_slice %arg2[%mul3A_2, %dma_wait3A_93] : memref<4096x26xi32, #tpu.memory_space<hbm>> -> memref<128x26xi32, #tpu.memory_space<hbm>>
      tpu.wait_dma2 semaphore(%run_scoped3A : memref<!tpu.dma_semaphore, #tpu.memory_space<semaphore_mem>>) src(%dma_wait3A_94 : memref<128x26xi32, #tpu.memory_space<hbm>>) dst(%arg5 : memref<128x26xi32, #tpu.memory_space<vmem>>)
      tpu.yield
    }) : () -> ()
    %scan3A = arith.constant 0 : i32
    %scan3A_3 = arith.constant 16 : i32
    %scan3A_4 = arith.addi %scan3A, %scan3A_3 : i32
    %scan3A_5 = arith.constant 1 : i32
    scf.for %scan3A_87 = %scan3A to %scan3A_4 step %scan3A_5  : i32 {
      %rem3A_88 = arith.constant 2 : i32
      %rem3A_89 = arith.remsi %scan3A_87, %rem3A_88 : i32
      %ge3A = arith.constant 2 : i32
      %ge3A_90 = arith.cmpi sge, %scan3A_87, %ge3A : i32
      %convert_element_type3A = arith.extui %ge3A_90 : i1 to i32
      %cond3A = arith.constant 0 : i32
      %cond3A_91 = arith.cmpi ne, %convert_element_type3A, %cond3A : i32
      scf.if %cond3A_91 {
        %dma_wait3A_102 = arith.constant 0 : i32
        %dma_wait3A_103 = arith.constant 0 : i32
        %dma_wait3A_104 = arith.constant 0 : i32
        %dma_wait3A_105 = tpu.memref_slice %arg6[%rem3A_89, %dma_wait3A_102, %dma_wait3A_103, %dma_wait3A_104] : memref<2x8x26x32xf32, #tpu.memory_space<vmem>> -> memref<1x8x26x32xf32, #tpu.memory_space<vmem>>
        %dma_wait3A_106 = tpu.memref_squeeze %dma_wait3A_105 : memref<1x8x26x32xf32, #tpu.memory_space<vmem>> -> memref<8x26x32xf32, #tpu.memory_space<vmem>>
        %dma_wait3A_107 = arith.constant 0 : i32
        %dma_wait3A_108 = arith.constant 0 : i32
        %dma_wait3A_109 = tpu.memref_slice %arg4[%mul3A_2, %dma_wait3A_107, %dma_wait3A_108] : memref<4096x26x32xf32, #tpu.memory_space<hbm>> -> memref<8x26x32xf32, #tpu.memory_space<hbm>>
        %dma_wait3A_110 = tpu.memref_slice %arg8[%rem3A_89] : memref<2x!tpu.dma_semaphore, #tpu.memory_space<semaphore_mem>> -> memref<1x!tpu.dma_semaphore, #tpu.memory_space<semaphore_mem>>
        %dma_wait3A_111 = tpu.memref_squeeze %dma_wait3A_110 : memref<1x!tpu.dma_semaphore, #tpu.memory_space<semaphore_mem>> -> memref<!tpu.dma_semaphore, #tpu.memory_space<semaphore_mem>>
        %dma_wait3A_112 = arith.constant 0 : i32
        %dma_wait3A_113 = arith.constant 0 : i32
        %dma_wait3A_114 = tpu.memref_slice %arg4[%mul3A_2, %dma_wait3A_112, %dma_wait3A_113] : memref<4096x26x32xf32, #tpu.memory_space<hbm>> -> memref<8x26x32xf32, #tpu.memory_space<hbm>>
        %dma_wait3A_115 = arith.constant 0 : i32
        %dma_wait3A_116 = arith.constant 0 : i32
        %dma_wait3A_117 = arith.constant 0 : i32
        %dma_wait3A_118 = tpu.memref_slice %arg6[%rem3A_89, %dma_wait3A_115, %dma_wait3A_116, %dma_wait3A_117] : memref<2x8x26x32xf32, #tpu.memory_space<vmem>> -> memref<1x8x26x32xf32, #tpu.memory_space<vmem>>
        %dma_wait3A_119 = tpu.memref_squeeze %dma_wait3A_118 : memref<1x8x26x32xf32, #tpu.memory_space<vmem>> -> memref<8x26x32xf32, #tpu.memory_space<vmem>>
        tpu.wait_dma2 semaphore(%dma_wait3A_111 : memref<!tpu.dma_semaphore, #tpu.memory_space<semaphore_mem>>) src(%dma_wait3A_119 : memref<8x26x32xf32, #tpu.memory_space<vmem>>) dst(%dma_wait3A_114 : memref<8x26x32xf32, #tpu.memory_space<hbm>>)
      } else {
      }
      %scan3A_92 = arith.constant 0 : i32
      %scan3A_93 = arith.constant 8 : i32
      %scan3A_94 = arith.addi %scan3A_92, %scan3A_93 : i32
      %scan3A_95 = arith.constant 1 : i32
      scf.for %scan3A_102 = %scan3A_92 to %scan3A_94 step %scan3A_95  : i32 {
        %mul3A_103 = arith.constant 8 : i32
        %mul3A_104 = arith.muli %scan3A_87, %mul3A_103 : i32
        %add3A_105 = arith.addi %mul3A_104, %scan3A_102 : i32
        %get3A = arith.index_cast %add3A_105 : i32 to index
        %get3A_106 = arith.constant 0 : index
        %get3A_107 = tpu.vector_load %arg5[%get3A, %get3A_106] {strides = array<i32>} : memref<128x26xi32, #tpu.memory_space<vmem>>, vector<1x16xi32>,
        %get3A_108 = vector.shape_cast %get3A_107 : vector<1x16xi32> to vector<16xi32>
        %get3A_109 = arith.index_cast %add3A_105 : i32 to index
        %get3A_110 = arith.constant 10 : index
        %get3A_111 = tpu.vector_load %arg5[%get3A_109, %get3A_110] {strides = array<i32>} : memref<128x26xi32, #tpu.memory_space<vmem>>, vector<1x16xi32>,
        %get3A_112 = vector.shape_cast %get3A_111 : vector<1x16xi32> to vector<16xi32>
        %slice3A = vector.extract_strided_slice %get3A_108 {offsets = [0], sizes = [1], strides = [1]} : vector<16xi32> to vector<1xi32>
        %squeeze3A = vector.extract %slice3A[0] : i32 from vector<1xi32>
        %add3A_113 = arith.constant 0 : i32
        %add3A_114 = arith.addi %squeeze3A, %add3A_113 : i32
        %dma_start3A_115 = arith.constant 0 : i32
        %dma_start3A_116 = arith.constant 0 : i32
        %dma_start3A_117 = arith.constant 0 : i32
        %dma_start3A_118 = tpu.memref_slice %arg6[%rem3A_89, %scan3A_102, %dma_start3A_115, %dma_start3A_117] : memref<2x8x26x32xf32, #tpu.memory_space<vmem>> -> memref<1x1x1x32xf32, #tpu.memory_space<vmem>>
        %dma_start3A_119 = tpu.memref_squeeze %dma_start3A_118 : memref<1x1x1x32xf32, #tpu.memory_space<vmem>> -> memref<32xf32, #tpu.memory_space<vmem>>
        %dma_start3A_120 = arith.constant 0 : i32
        %dma_start3A_121 = tpu.memref_slice %arg3[%add3A_114, %dma_start3A_120] : memref<2600000x32xf32, #tpu.memory_space<hbm>> -> memref<1x32xf32, #tpu.memory_space<hbm>>
        %dma_start3A_122 = tpu.memref_squeeze %dma_start3A_121 : memref<1x32xf32, #tpu.memory_space<hbm>> -> memref<32xf32, #tpu.memory_space<hbm>>
        %dma_start3A_123 = tpu.memref_slice %arg7[%rem3A_89, %dma_start3A_116] : memref<2x4x!tpu.dma_semaphore, #tpu.memory_space<semaphore_mem>> -> memref<1x1x!tpu.dma_semaphore, #tpu.memory_space<semaphore_mem>>
        %dma_start3A_124 = tpu.memref_squeeze %dma_start3A_123 : memref<1x1x!tpu.dma_semaphore, #tpu.memory_space<semaphore_mem>> -> memref<!tpu.dma_semaphore, #tpu.memory_space<semaphore_mem>>
        %dma_start3A_125 = arith.constant 0 : i32
        %dma_start3A_126 = tpu.memref_slice %arg6[%rem3A_89, %scan3A_102, %dma_start3A_115, %dma_start3A_125] : memref<2x8x26x32xf32, #tpu.memory_space<vmem>> -> memref<1x1x1x32xf32, #tpu.memory_space<vmem>>
        %dma_start3A_127 = tpu.memref_squeeze %dma_start3A_126 : memref<1x1x1x32xf32, #tpu.memory_space<vmem>> -> memref<32xf32, #tpu.memory_space<vmem>>
        %dma_start3A_128 = arith.constant 0 : i32
        %dma_start3A_129 = tpu.memref_slice %arg3[%add3A_114, %dma_start3A_128] : memref<2600000x32xf32, #tpu.memory_space<hbm>> -> memref<1x32xf32, #tpu.memory_space<hbm>>
        %dma_start3A_130 = tpu.memref_squeeze %dma_start3A_129 : memref<1x32xf32, #tpu.memory_space<hbm>> -> memref<32xf32, #tpu.memory_space<hbm>>
        tpu.enqueue_dma source(%dma_start3A_130 : memref<32xf32, #tpu.memory_space<hbm>>) target(%dma_start3A_127 : memref<32xf32, #tpu.memory_space<vmem>>) target_semaphore(%dma_start3A_124 : memref<!tpu.dma_semaphore, #tpu.memory_space<semaphore_mem>>)
        %slice3A_131 = vector.extract_strided_slice %get3A_108 {offsets = [1], sizes = [1], strides = [1]} : vector<16xi32> to vector<1xi32>
        %squeeze3A_132 = vector.extract %slice3A_131[0] : i32 from vector<1xi32>
        %add3A_133 = arith.constant 100000 : i32
        %add3A_134 = arith.addi %squeeze3A_132, %add3A_133 : i32
        %dma_start3A_135 = arith.constant 1 : i32
        %dma_start3A_136 = arith.constant 1 : i32
        %dma_start3A_137 = arith.constant 0 : i32
        %dma_start3A_138 = tpu.memref_slice %arg6[%rem3A_89, %scan3A_102, %dma_start3A_135, %dma_start3A_137] : memref<2x8x26x32xf32, #tpu.memory_space<vmem>> -> memref<1x1x1x32xf32, #tpu.memory_space<vmem>>
        %dma_start3A_139 = tpu.memref_squeeze %dma_start3A_138 : memref<1x1x1x32xf32, #tpu.memory_space<vmem>> -> memref<32xf32, #tpu.memory_space<vmem>>
        %dma_start3A_140 = arith.constant 0 : i32
        %dma_start3A_141 = tpu.memref_slice %arg3[%add3A_134, %dma_start3A_140] : memref<2600000x32xf32, #tpu.memory_space<hbm>> -> memref<1x32xf32, #tpu.memory_space<hbm>>
        %dma_start3A_142 = tpu.memref_squeeze %dma_start3A_141 : memref<1x32xf32, #tpu.memory_space<hbm>> -> memref<32xf32, #tpu.memory_space<hbm>>
        %dma_start3A_143 = tpu.memref_slice %arg7[%rem3A_89, %dma_start3A_136] : memref<2x4x!tpu.dma_semaphore, #tpu.memory_space<semaphore_mem>> -> memref<1x1x!tpu.dma_semaphore, #tpu.memory_space<semaphore_mem>>
        %dma_start3A_144 = tpu.memref_squeeze %dma_start3A_143 : memref<1x1x!tpu.dma_semaphore, #tpu.memory_space<semaphore_mem>> -> memref<!tpu.dma_semaphore, #tpu.memory_space<semaphore_mem>>
        %dma_start3A_145 = arith.constant 0 : i32
        %dma_start3A_146 = tpu.memref_slice %arg6[%rem3A_89, %scan3A_102, %dma_start3A_135, %dma_start3A_145] : memref<2x8x26x32xf32, #tpu.memory_space<vmem>> -> memref<1x1x1x32xf32, #tpu.memory_space<vmem>>
        %dma_start3A_147 = tpu.memref_squeeze %dma_start3A_146 : memref<1x1x1x32xf32, #tpu.memory_space<vmem>> -> memref<32xf32, #tpu.memory_space<vmem>>
        %dma_start3A_148 = arith.constant 0 : i32
        %dma_start3A_149 = tpu.memref_slice %arg3[%add3A_134, %dma_start3A_148] : memref<2600000x32xf32, #tpu.memory_space<hbm>> -> memref<1x32xf32, #tpu.memory_space<hbm>>
        %dma_start3A_150 = tpu.memref_squeeze %dma_start3A_149 : memref<1x32xf32, #tpu.memory_space<hbm>> -> memref<32xf32, #tpu.memory_space<hbm>>
        tpu.enqueue_dma source(%dma_start3A_150 : memref<32xf32, #tpu.memory_space<hbm>>) target(%dma_start3A_147 : memref<32xf32, #tpu.memory_space<vmem>>) target_semaphore(%dma_start3A_144 : memref<!tpu.dma_semaphore, #tpu.memory_space<semaphore_mem>>)
        %slice3A_151 = vector.extract_strided_slice %get3A_108 {offsets = [2], sizes = [1], strides = [1]} : vector<16xi32> to vector<1xi32>
        %squeeze3A_152 = vector.extract %slice3A_151[0] : i32 from vector<1xi32>
        %add3A_153 = arith.constant 200000 : i32
        %add3A_154 = arith.addi %squeeze3A_152, %add3A_153 : i32
        %dma_start3A_155 = arith.constant 2 : i32
        %dma_start3A_156 = arith.constant 2 : i32
        %dma_start3A_157 = arith.constant 0 : i32
        %dma_start3A_158 = tpu.memref_slice %arg6[%rem3A_89, %scan3A_102, %dma_start3A_155, %dma_start3A_157] : memref<2x8x26x32xf32, #tpu.memory_space<vmem>> -> memref<1x1x1x32xf32, #tpu.memory_space<vmem>>
        %dma_start3A_159 = tpu.memref_squeeze %dma_start3A_158 : memref<1x1x1x32xf32, #tpu.memory_space<vmem>> -> memref<32xf32, #tpu.memory_space<vmem>>
        %dma_start3A_160 = arith.constant 0 : i32
        %dma_start3A_161 = tpu.memref_slice %arg3[%add3A_154, %dma_start3A_160] : memref<2600000x32xf32, #tpu.memory_space<hbm>> -> memref<1x32xf32, #tpu.memory_space<hbm>>
        %dma_start3A_162 = tpu.memref_squeeze %dma_start3A_161 : memref<1x32xf32, #tpu.memory_space<hbm>> -> memref<32xf32, #tpu.memory_space<hbm>>
        %dma_start3A_163 = tpu.memref_slice %arg7[%rem3A_89, %dma_start3A_156] : memref<2x4x!tpu.dma_semaphore, #tpu.memory_space<semaphore_mem>> -> memref<1x1x!tpu.dma_semaphore, #tpu.memory_space<semaphore_mem>>
        %dma_start3A_164 = tpu.memref_squeeze %dma_start3A_163 : memref<1x1x!tpu.dma_semaphore, #tpu.memory_space<semaphore_mem>> -> memref<!tpu.dma_semaphore, #tpu.memory_space<semaphore_mem>>
        %dma_start3A_165 = arith.constant 0 : i32
        %dma_start3A_166 = tpu.memref_slice %arg6[%rem3A_89, %scan3A_102, %dma_start3A_155, %dma_start3A_165] : memref<2x8x26x32xf32, #tpu.memory_space<vmem>> -> memref<1x1x1x32xf32, #tpu.memory_space<vmem>>
        %dma_start3A_167 = tpu.memref_squeeze %dma_start3A_166 : memref<1x1x1x32xf32, #tpu.memory_space<vmem>> -> memref<32xf32, #tpu.memory_space<vmem>>
        %dma_start3A_168 = arith.constant 0 : i32
        %dma_start3A_169 = tpu.memref_slice %arg3[%add3A_154, %dma_start3A_168] : memref<2600000x32xf32, #tpu.memory_space<hbm>> -> memref<1x32xf32, #tpu.memory_space<hbm>>
        %dma_start3A_170 = tpu.memref_squeeze %dma_start3A_169 : memref<1x32xf32, #tpu.memory_space<hbm>> -> memref<32xf32, #tpu.memory_space<hbm>>
        tpu.enqueue_dma source(%dma_start3A_170 : memref<32xf32, #tpu.memory_space<hbm>>) target(%dma_start3A_167 : memref<32xf32, #tpu.memory_space<vmem>>) target_semaphore(%dma_start3A_164 : memref<!tpu.dma_semaphore, #tpu.memory_space<semaphore_mem>>)
        %slice3A_171 = vector.extract_strided_slice %get3A_108 {offsets = [3], sizes = [1], strides = [1]} : vector<16xi32> to vector<1xi32>
        %squeeze3A_172 = vector.extract %slice3A_171[0] : i32 from vector<1xi32>
        %add3A_173 = arith.constant 300000 : i32
        %add3A_174 = arith.addi %squeeze3A_172, %add3A_173 : i32
        %dma_start3A_175 = arith.constant 3 : i32
        %dma_start3A_176 = arith.constant 3 : i32
        %dma_start3A_177 = arith.constant 0 : i32
        %dma_start3A_178 = tpu.memref_slice %arg6[%rem3A_89, %scan3A_102, %dma_start3A_175, %dma_start3A_177] : memref<2x8x26x32xf32, #tpu.memory_space<vmem>> -> memref<1x1x1x32xf32, #tpu.memory_space<vmem>>
        %dma_start3A_179 = tpu.memref_squeeze %dma_start3A_178 : memref<1x1x1x32xf32, #tpu.memory_space<vmem>> -> memref<32xf32, #tpu.memory_space<vmem>>
        %dma_start3A_180 = arith.constant 0 : i32
        %dma_start3A_181 = tpu.memref_slice %arg3[%add3A_174, %dma_start3A_180] : memref<2600000x32xf32, #tpu.memory_space<hbm>> -> memref<1x32xf32, #tpu.memory_space<hbm>>
        %dma_start3A_182 = tpu.memref_squeeze %dma_start3A_181 : memref<1x32xf32, #tpu.memory_space<hbm>> -> memref<32xf32, #tpu.memory_space<hbm>>
        %dma_start3A_183 = tpu.memref_slice %arg7[%rem3A_89, %dma_start3A_176] : memref<2x4x!tpu.dma_semaphore, #tpu.memory_space<semaphore_mem>> -> memref<1x1x!tpu.dma_semaphore, #tpu.memory_space<semaphore_mem>>
        %dma_start3A_184 = tpu.memref_squeeze %dma_start3A_183 : memref<1x1x!tpu.dma_semaphore, #tpu.memory_space<semaphore_mem>> -> memref<!tpu.dma_semaphore, #tpu.memory_space<semaphore_mem>>
        %dma_start3A_185 = arith.constant 0 : i32
        %dma_start3A_186 = tpu.memref_slice %arg6[%rem3A_89, %scan3A_102, %dma_start3A_175, %dma_start3A_185] : memref<2x8x26x32xf32, #tpu.memory_space<vmem>> -> memref<1x1x1x32xf32, #tpu.memory_space<vmem>>
        %dma_start3A_187 = tpu.memref_squeeze %dma_start3A_186 : memref<1x1x1x32xf32, #tpu.memory_space<vmem>> -> memref<32xf32, #tpu.memory_space<vmem>>
        %dma_start3A_188 = arith.constant 0 : i32
        %dma_start3A_189 = tpu.memref_slice %arg3[%add3A_174, %dma_start3A_188] : memref<2600000x32xf32, #tpu.memory_space<hbm>> -> memref<1x32xf32, #tpu.memory_space<hbm>>
        %dma_start3A_190 = tpu.memref_squeeze %dma_start3A_189 : memref<1x32xf32, #tpu.memory_space<hbm>> -> memref<32xf32, #tpu.memory_space<hbm>>
        tpu.enqueue_dma source(%dma_start3A_190 : memref<32xf32, #tpu.memory_space<hbm>>) target(%dma_start3A_187 : memref<32xf32, #tpu.memory_space<vmem>>) target_semaphore(%dma_start3A_184 : memref<!tpu.dma_semaphore, #tpu.memory_space<semaphore_mem>>)
        %slice3A_191 = vector.extract_strided_slice %get3A_108 {offsets = [4], sizes = [1], strides = [1]} : vector<16xi32> to vector<1xi32>
        %squeeze3A_192 = vector.extract %slice3A_191[0] : i32 from vector<1xi32>
        %add3A_193 = arith.constant 400000 : i32
        %add3A_194 = arith.addi %squeeze3A_192, %add3A_193 : i32
        %dma_start3A_195 = arith.constant 4 : i32
        %dma_start3A_196 = arith.constant 0 : i32
        %dma_start3A_197 = arith.constant 0 : i32
        %dma_start3A_198 = tpu.memref_slice %arg6[%rem3A_89, %scan3A_102, %dma_start3A_195, %dma_start3A_197] : memref<2x8x26x32xf32, #tpu.memory_space<vmem>> -> memref<1x1x1x32xf32, #tpu.memory_space<vmem>>
        %dma_start3A_199 = tpu.memref_squeeze %dma_start3A_198 : memref<1x1x1x32xf32, #tpu.memory_space<vmem>> -> memref<32xf32, #tpu.memory_space<vmem>>
        %dma_start3A_200 = arith.constant 0 : i32
        %dma_start3A_201 = tpu.memref_slice %arg3[%add3A_194, %dma_start3A_200] : memref<2600000x32xf32, #tpu.memory_space<hbm>> -> memref<1x32xf32, #tpu.memory_space<hbm>>
        %dma_start3A_202 = tpu.memref_squeeze %dma_start3A_201 : memref<1x32xf32, #tpu.memory_space<hbm>> -> memref<32xf32, #tpu.memory_space<hbm>>
        %dma_start3A_203 = tpu.memref_slice %arg7[%rem3A_89, %dma_start3A_196] : memref<2x4x!tpu.dma_semaphore, #tpu.memory_space<semaphore_mem>> -> memref<1x1x!tpu.dma_semaphore, #tpu.memory_space<semaphore_mem>>
        %dma_start3A_204 = tpu.memref_squeeze %dma_start3A_203 : memref<1x1x!tpu.dma_semaphore, #tpu.memory_space<semaphore_mem>> -> memref<!tpu.dma_semaphore, #tpu.memory_space<semaphore_mem>>
        %dma_start3A_205 = arith.constant 0 : i32
        %dma_start3A_206 = tpu.memref_slice %arg6[%rem3A_89, %scan3A_102, %dma_start3A_195, %dma_start3A_205] : memref<2x8x26x32xf32, #tpu.memory_space<vmem>> -> memref<1x1x1x32xf32, #tpu.memory_space<vmem>>
        %dma_start3A_207 = tpu.memref_squeeze %dma_start3A_206 : memref<1x1x1x32xf32, #tpu.memory_space<vmem>> -> memref<32xf32, #tpu.memory_space<vmem>>
        %dma_start3A_208 = arith.constant 0 : i32
        %dma_start3A_209 = tpu.memref_slice %arg3[%add3A_194, %dma_start3A_208] : memref<2600000x32xf32, #tpu.memory_space<hbm>> -> memref<1x32xf32, #tpu.memory_space<hbm>>
        %dma_start3A_210 = tpu.memref_squeeze %dma_start3A_209 : memref<1x32xf32, #tpu.memory_space<hbm>> -> memref<32xf32, #tpu.memory_space<hbm>>
        tpu.enqueue_dma source(%dma_start3A_210 : memref<32xf32, #tpu.memory_space<hbm>>) target(%dma_start3A_207 : memref<32xf32, #tpu.memory_space<vmem>>) target_semaphore(%dma_start3A_204 : memref<!tpu.dma_semaphore, #tpu.memory_space<semaphore_mem>>)
        %slice3A_211 = vector.extract_strided_slice %get3A_108 {offsets = [5], sizes = [1], strides = [1]} : vector<16xi32> to vector<1xi32>
        %squeeze3A_212 = vector.extract %slice3A_211[0] : i32 from vector<1xi32>
        %add3A_213 = arith.constant 500000 : i32
        %add3A_214 = arith.addi %squeeze3A_212, %add3A_213 : i32
        %dma_start3A_215 = arith.constant 5 : i32
        %dma_start3A_216 = arith.constant 1 : i32
        %dma_start3A_217 = arith.constant 0 : i32
        %dma_start3A_218 = tpu.memref_slice %arg6[%rem3A_89, %scan3A_102, %dma_start3A_215, %dma_start3A_217] : memref<2x8x26x32xf32, #tpu.memory_space<vmem>> -> memref<1x1x1x32xf32, #tpu.memory_space<vmem>>
        %dma_start3A_219 = tpu.memref_squeeze %dma_start3A_218 : memref<1x1x1x32xf32, #tpu.memory_space<vmem>> -> memref<32xf32, #tpu.memory_space<vmem>>
        %dma_start3A_220 = arith.constant 0 : i32
        %dma_start3A_221 = tpu.memref_slice %arg3[%add3A_214, %dma_start3A_220] : memref<2600000x32xf32, #tpu.memory_space<hbm>> -> memref<1x32xf32, #tpu.memory_space<hbm>>
        %dma_start3A_222 = tpu.memref_squeeze %dma_start3A_221 : memref<1x32xf32, #tpu.memory_space<hbm>> -> memref<32xf32, #tpu.memory_space<hbm>>
        %dma_start3A_223 = tpu.memref_slice %arg7[%rem3A_89, %dma_start3A_216] : memref<2x4x!tpu.dma_semaphore, #tpu.memory_space<semaphore_mem>> -> memref<1x1x!tpu.dma_semaphore, #tpu.memory_space<semaphore_mem>>
        %dma_start3A_224 = tpu.memref_squeeze %dma_start3A_223 : memref<1x1x!tpu.dma_semaphore, #tpu.memory_space<semaphore_mem>> -> memref<!tpu.dma_semaphore, #tpu.memory_space<semaphore_mem>>
        %dma_start3A_225 = arith.constant 0 : i32
        %dma_start3A_226 = tpu.memref_slice %arg6[%rem3A_89, %scan3A_102, %dma_start3A_215, %dma_start3A_225] : memref<2x8x26x32xf32, #tpu.memory_space<vmem>> -> memref<1x1x1x32xf32, #tpu.memory_space<vmem>>
        %dma_start3A_227 = tpu.memref_squeeze %dma_start3A_226 : memref<1x1x1x32xf32, #tpu.memory_space<vmem>> -> memref<32xf32, #tpu.memory_space<vmem>>
        %dma_start3A_228 = arith.constant 0 : i32
        %dma_start3A_229 = tpu.memref_slice %arg3[%add3A_214, %dma_start3A_228] : memref<2600000x32xf32, #tpu.memory_space<hbm>> -> memref<1x32xf32, #tpu.memory_space<hbm>>
        %dma_start3A_230 = tpu.memref_squeeze %dma_start3A_229 : memref<1x32xf32, #tpu.memory_space<hbm>> -> memref<32xf32, #tpu.memory_space<hbm>>
        tpu.enqueue_dma source(%dma_start3A_230 : memref<32xf32, #tpu.memory_space<hbm>>) target(%dma_start3A_227 : memref<32xf32, #tpu.memory_space<vmem>>) target_semaphore(%dma_start3A_224 : memref<!tpu.dma_semaphore, #tpu.memory_space<semaphore_mem>>)
        %slice3A_231 = vector.extract_strided_slice %get3A_108 {offsets = [6], sizes = [1], strides = [1]} : vector<16xi32> to vector<1xi32>
        %squeeze3A_232 = vector.extract %slice3A_231[0] : i32 from vector<1xi32>
        %add3A_233 = arith.constant 600000 : i32
        %add3A_234 = arith.addi %squeeze3A_232, %add3A_233 : i32
        %dma_start3A_235 = arith.constant 6 : i32
        %dma_start3A_236 = arith.constant 2 : i32
        %dma_start3A_237 = arith.constant 0 : i32
        %dma_start3A_238 = tpu.memref_slice %arg6[%rem3A_89, %scan3A_102, %dma_start3A_235, %dma_start3A_237] : memref<2x8x26x32xf32, #tpu.memory_space<vmem>> -> memref<1x1x1x32xf32, #tpu.memory_space<vmem>>
        %dma_start3A_239 = tpu.memref_squeeze %dma_start3A_238 : memref<1x1x1x32xf32, #tpu.memory_space<vmem>> -> memref<32xf32, #tpu.memory_space<vmem>>
        %dma_start3A_240 = arith.constant 0 : i32
        %dma_start3A_241 = tpu.memref_slice %arg3[%add3A_234, %dma_start3A_240] : memref<2600000x32xf32, #tpu.memory_space<hbm>> -> memref<1x32xf32, #tpu.memory_space<hbm>>
        %dma_start3A_242 = tpu.memref_squeeze %dma_start3A_241 : memref<1x32xf32, #tpu.memory_space<hbm>> -> memref<32xf32, #tpu.memory_space<hbm>>
        %dma_start3A_243 = tpu.memref_slice %arg7[%rem3A_89, %dma_start3A_236] : memref<2x4x!tpu.dma_semaphore, #tpu.memory_space<semaphore_mem>> -> memref<1x1x!tpu.dma_semaphore, #tpu.memory_space<semaphore_mem>>
        %dma_start3A_244 = tpu.memref_squeeze %dma_start3A_243 : memref<1x1x!tpu.dma_semaphore, #tpu.memory_space<semaphore_mem>> -> memref<!tpu.dma_semaphore, #tpu.memory_space<semaphore_mem>>
        %dma_start3A_245 = arith.constant 0 : i32
        %dma_start3A_246 = tpu.memref_slice %arg6[%rem3A_89, %scan3A_102, %dma_start3A_235, %dma_start3A_245] : memref<2x8x26x32xf32, #tpu.memory_space<vmem>> -> memref<1x1x1x32xf32, #tpu.memory_space<vmem>>
        %dma_start3A_247 = tpu.memref_squeeze %dma_start3A_246 : memref<1x1x1x32xf32, #tpu.memory_space<vmem>> -> memref<32xf32, #tpu.memory_space<vmem>>
        %dma_start3A_248 = arith.constant 0 : i32
        %dma_start3A_249 = tpu.memref_slice %arg3[%add3A_234, %dma_start3A_248] : memref<2600000x32xf32, #tpu.memory_space<hbm>> -> memref<1x32xf32, #tpu.memory_space<hbm>>
        %dma_start3A_250 = tpu.memref_squeeze %dma_start3A_249 : memref<1x32xf32, #tpu.memory_space<hbm>> -> memref<32xf32, #tpu.memory_space<hbm>>
        tpu.enqueue_dma source(%dma_start3A_250 : memref<32xf32, #tpu.memory_space<hbm>>) target(%dma_start3A_247 : memref<32xf32, #tpu.memory_space<vmem>>) target_semaphore(%dma_start3A_244 : memref<!tpu.dma_semaphore, #tpu.memory_space<semaphore_mem>>)
        %slice3A_251 = vector.extract_strided_slice %get3A_108 {offsets = [7], sizes = [1], strides = [1]} : vector<16xi32> to vector<1xi32>
        %squeeze3A_252 = vector.extract %slice3A_251[0] : i32 from vector<1xi32>
        %add3A_253 = arith.constant 700000 : i32
        %add3A_254 = arith.addi %squeeze3A_252, %add3A_253 : i32
        %dma_start3A_255 = arith.constant 7 : i32
        %dma_start3A_256 = arith.constant 3 : i32
        %dma_start3A_257 = arith.constant 0 : i32
        %dma_start3A_258 = tpu.memref_slice %arg6[%rem3A_89, %scan3A_102, %dma_start3A_255, %dma_start3A_257] : memref<2x8x26x32xf32, #tpu.memory_space<vmem>> -> memref<1x1x1x32xf32, #tpu.memory_space<vmem>>
        %dma_start3A_259 = tpu.memref_squeeze %dma_start3A_258 : memref<1x1x1x32xf32, #tpu.memory_space<vmem>> -> memref<32xf32, #tpu.memory_space<vmem>>
        %dma_start3A_260 = arith.constant 0 : i32
        %dma_start3A_261 = tpu.memref_slice %arg3[%add3A_254, %dma_start3A_260] : memref<2600000x32xf32, #tpu.memory_space<hbm>> -> memref<1x32xf32, #tpu.memory_space<hbm>>
        %dma_start3A_262 = tpu.memref_squeeze %dma_start3A_261 : memref<1x32xf32, #tpu.memory_space<hbm>> -> memref<32xf32, #tpu.memory_space<hbm>>
        %dma_start3A_263 = tpu.memref_slice %arg7[%rem3A_89, %dma_start3A_256] : memref<2x4x!tpu.dma_semaphore, #tpu.memory_space<semaphore_mem>> -> memref<1x1x!tpu.dma_semaphore, #tpu.memory_space<semaphore_mem>>
        %dma_start3A_264 = tpu.memref_squeeze %dma_start3A_263 : memref<1x1x!tpu.dma_semaphore, #tpu.memory_space<semaphore_mem>> -> memref<!tpu.dma_semaphore, #tpu.memory_space<semaphore_mem>>
        %dma_start3A_265 = arith.constant 0 : i32
        %dma_start3A_266 = tpu.memref_slice %arg6[%rem3A_89, %scan3A_102, %dma_start3A_255, %dma_start3A_265] : memref<2x8x26x32xf32, #tpu.memory_space<vmem>> -> memref<1x1x1x32xf32, #tpu.memory_space<vmem>>
        %dma_start3A_267 = tpu.memref_squeeze %dma_start3A_266 : memref<1x1x1x32xf32, #tpu.memory_space<vmem>> -> memref<32xf32, #tpu.memory_space<vmem>>
        %dma_start3A_268 = arith.constant 0 : i32
        %dma_start3A_269 = tpu.memref_slice %arg3[%add3A_254, %dma_start3A_268] : memref<2600000x32xf32, #tpu.memory_space<hbm>> -> memref<1x32xf32, #tpu.memory_space<hbm>>
        %dma_start3A_270 = tpu.memref_squeeze %dma_start3A_269 : memref<1x32xf32, #tpu.memory_space<hbm>> -> memref<32xf32, #tpu.memory_space<hbm>>
        tpu.enqueue_dma source(%dma_start3A_270 : memref<32xf32, #tpu.memory_space<hbm>>) target(%dma_start3A_267 : memref<32xf32, #tpu.memory_space<vmem>>) target_semaphore(%dma_start3A_264 : memref<!tpu.dma_semaphore, #tpu.memory_space<semaphore_mem>>)
        %slice3A_271 = vector.extract_strided_slice %get3A_108 {offsets = [8], sizes = [1], strides = [1]} : vector<16xi32> to vector<1xi32>
        %squeeze3A_272 = vector.extract %slice3A_271[0] : i32 from vector<1xi32>
        %add3A_273 = arith.constant 800000 : i32
        %add3A_274 = arith.addi %squeeze3A_272, %add3A_273 : i32
        %dma_start3A_275 = arith.constant 8 : i32
        %dma_start3A_276 = arith.constant 0 : i32
        %dma_start3A_277 = arith.constant 0 : i32
        %dma_start3A_278 = tpu.memref_slice %arg6[%rem3A_89, %scan3A_102, %dma_start3A_275, %dma_start3A_277] : memref<2x8x26x32xf32, #tpu.memory_space<vmem>> -> memref<1x1x1x32xf32, #tpu.memory_space<vmem>>
        %dma_start3A_279 = tpu.memref_squeeze %dma_start3A_278 : memref<1x1x1x32xf32, #tpu.memory_space<vmem>> -> memref<32xf32, #tpu.memory_space<vmem>>
        %dma_start3A_280 = arith.constant 0 : i32
        %dma_start3A_281 = tpu.memref_slice %arg3[%add3A_274, %dma_start3A_280] : memref<2600000x32xf32, #tpu.memory_space<hbm>> -> memref<1x32xf32, #tpu.memory_space<hbm>>
        %dma_start3A_282 = tpu.memref_squeeze %dma_start3A_281 : memref<1x32xf32, #tpu.memory_space<hbm>> -> memref<32xf32, #tpu.memory_space<hbm>>
        %dma_start3A_283 = tpu.memref_slice %arg7[%rem3A_89, %dma_start3A_276] : memref<2x4x!tpu.dma_semaphore, #tpu.memory_space<semaphore_mem>> -> memref<1x1x!tpu.dma_semaphore, #tpu.memory_space<semaphore_mem>>
        %dma_start3A_284 = tpu.memref_squeeze %dma_start3A_283 : memref<1x1x!tpu.dma_semaphore, #tpu.memory_space<semaphore_mem>> -> memref<!tpu.dma_semaphore, #tpu.memory_space<semaphore_mem>>
        %dma_start3A_285 = arith.constant 0 : i32
        %dma_start3A_286 = tpu.memref_slice %arg6[%rem3A_89, %scan3A_102, %dma_start3A_275, %dma_start3A_285] : memref<2x8x26x32xf32, #tpu.memory_space<vmem>> -> memref<1x1x1x32xf32, #tpu.memory_space<vmem>>
        %dma_start3A_287 = tpu.memref_squeeze %dma_start3A_286 : memref<1x1x1x32xf32, #tpu.memory_space<vmem>> -> memref<32xf32, #tpu.memory_space<vmem>>
        %dma_start3A_288 = arith.constant 0 : i32
        %dma_start3A_289 = tpu.memref_slice %arg3[%add3A_274, %dma_start3A_288] : memref<2600000x32xf32, #tpu.memory_space<hbm>> -> memref<1x32xf32, #tpu.memory_space<hbm>>
        %dma_start3A_290 = tpu.memref_squeeze %dma_start3A_289 : memref<1x32xf32, #tpu.memory_space<hbm>> -> memref<32xf32, #tpu.memory_space<hbm>>
        tpu.enqueue_dma source(%dma_start3A_290 : memref<32xf32, #tpu.memory_space<hbm>>) target(%dma_start3A_287 : memref<32xf32, #tpu.memory_space<vmem>>) target_semaphore(%dma_start3A_284 : memref<!tpu.dma_semaphore, #tpu.memory_space<semaphore_mem>>)
        %slice3A_291 = vector.extract_strided_slice %get3A_108 {offsets = [9], sizes = [1], strides = [1]} : vector<16xi32> to vector<1xi32>
        %squeeze3A_292 = vector.extract %slice3A_291[0] : i32 from vector<1xi32>
        %add3A_293 = arith.constant 900000 : i32
        %add3A_294 = arith.addi %squeeze3A_292, %add3A_293 : i32
        %dma_start3A_295 = arith.constant 9 : i32
        %dma_start3A_296 = arith.constant 1 : i32
        %dma_start3A_297 = arith.constant 0 : i32
        %dma_start3A_298 = tpu.memref_slice %arg6[%rem3A_89, %scan3A_102, %dma_start3A_295, %dma_start3A_297] : memref<2x8x26x32xf32, #tpu.memory_space<vmem>> -> memref<1x1x1x32xf32, #tpu.memory_space<vmem>>
        %dma_start3A_299 = tpu.memref_squeeze %dma_start3A_298 : memref<1x1x1x32xf32, #tpu.memory_space<vmem>> -> memref<32xf32, #tpu.memory_space<vmem>>
        %dma_start3A_300 = arith.constant 0 : i32
        %dma_start3A_301 = tpu.memref_slice %arg3[%add3A_294, %dma_start3A_300] : memref<2600000x32xf32, #tpu.memory_space<hbm>> -> memref<1x32xf32, #tpu.memory_space<hbm>>
        %dma_start3A_302 = tpu.memref_squeeze %dma_start3A_301 : memref<1x32xf32, #tpu.memory_space<hbm>> -> memref<32xf32, #tpu.memory_space<hbm>>
        %dma_start3A_303 = tpu.memref_slice %arg7[%rem3A_89, %dma_start3A_296] : memref<2x4x!tpu.dma_semaphore, #tpu.memory_space<semaphore_mem>> -> memref<1x1x!tpu.dma_semaphore, #tpu.memory_space<semaphore_mem>>
        %dma_start3A_304 = tpu.memref_squeeze %dma_start3A_303 : memref<1x1x!tpu.dma_semaphore, #tpu.memory_space<semaphore_mem>> -> memref<!tpu.dma_semaphore, #tpu.memory_space<semaphore_mem>>
        %dma_start3A_305 = arith.constant 0 : i32
        %dma_start3A_306 = tpu.memref_slice %arg6[%rem3A_89, %scan3A_102, %dma_start3A_295, %dma_start3A_305] : memref<2x8x26x32xf32, #tpu.memory_space<vmem>> -> memref<1x1x1x32xf32, #tpu.memory_space<vmem>>
        %dma_start3A_307 = tpu.memref_squeeze %dma_start3A_306 : memref<1x1x1x32xf32, #tpu.memory_space<vmem>> -> memref<32xf32, #tpu.memory_space<vmem>>
        %dma_start3A_308 = arith.constant 0 : i32
        %dma_start3A_309 = tpu.memref_slice %arg3[%add3A_294, %dma_start3A_308] : memref<2600000x32xf32, #tpu.memory_space<hbm>> -> memref<1x32xf32, #tpu.memory_space<hbm>>
        %dma_start3A_310 = tpu.memref_squeeze %dma_start3A_309 : memref<1x32xf32, #tpu.memory_space<hbm>> -> memref<32xf32, #tpu.memory_space<hbm>>
        tpu.enqueue_dma source(%dma_start3A_310 : memref<32xf32, #tpu.memory_space<hbm>>) target(%dma_start3A_307 : memref<32xf32, #tpu.memory_space<vmem>>) target_semaphore(%dma_start3A_304 : memref<!tpu.dma_semaphore, #tpu.memory_space<semaphore_mem>>)
        %slice3A_311 = vector.extract_strided_slice %get3A_108 {offsets = [10], sizes = [1], strides = [1]} : vector<16xi32> to vector<1xi32>
        %squeeze3A_312 = vector.extract %slice3A_311[0] : i32 from vector<1xi32>
        %add3A_313 = arith.constant 1000000 : i32
        %add3A_314 = arith.addi %squeeze3A_312, %add3A_313 : i32
        %dma_start3A_315 = arith.constant 10 : i32
        %dma_start3A_316 = arith.constant 2 : i32
        %dma_start3A_317 = arith.constant 0 : i32
        %dma_start3A_318 = tpu.memref_slice %arg6[%rem3A_89, %scan3A_102, %dma_start3A_315, %dma_start3A_317] : memref<2x8x26x32xf32, #tpu.memory_space<vmem>> -> memref<1x1x1x32xf32, #tpu.memory_space<vmem>>
        %dma_start3A_319 = tpu.memref_squeeze %dma_start3A_318 : memref<1x1x1x32xf32, #tpu.memory_space<vmem>> -> memref<32xf32, #tpu.memory_space<vmem>>
        %dma_start3A_320 = arith.constant 0 : i32
        %dma_start3A_321 = tpu.memref_slice %arg3[%add3A_314, %dma_start3A_320] : memref<2600000x32xf32, #tpu.memory_space<hbm>> -> memref<1x32xf32, #tpu.memory_space<hbm>>
        %dma_start3A_322 = tpu.memref_squeeze %dma_start3A_321 : memref<1x32xf32, #tpu.memory_space<hbm>> -> memref<32xf32, #tpu.memory_space<hbm>>
        %dma_start3A_323 = tpu.memref_slice %arg7[%rem3A_89, %dma_start3A_316] : memref<2x4x!tpu.dma_semaphore, #tpu.memory_space<semaphore_mem>> -> memref<1x1x!tpu.dma_semaphore, #tpu.memory_space<semaphore_mem>>
        %dma_start3A_324 = tpu.memref_squeeze %dma_start3A_323 : memref<1x1x!tpu.dma_semaphore, #tpu.memory_space<semaphore_mem>> -> memref<!tpu.dma_semaphore, #tpu.memory_space<semaphore_mem>>
        %dma_start3A_325 = arith.constant 0 : i32
        %dma_start3A_326 = tpu.memref_slice %arg6[%rem3A_89, %scan3A_102, %dma_start3A_315, %dma_start3A_325] : memref<2x8x26x32xf32, #tpu.memory_space<vmem>> -> memref<1x1x1x32xf32, #tpu.memory_space<vmem>>
        %dma_start3A_327 = tpu.memref_squeeze %dma_start3A_326 : memref<1x1x1x32xf32, #tpu.memory_space<vmem>> -> memref<32xf32, #tpu.memory_space<vmem>>
        %dma_start3A_328 = arith.constant 0 : i32
        %dma_start3A_329 = tpu.memref_slice %arg3[%add3A_314, %dma_start3A_328] : memref<2600000x32xf32, #tpu.memory_space<hbm>> -> memref<1x32xf32, #tpu.memory_space<hbm>>
        %dma_start3A_330 = tpu.memref_squeeze %dma_start3A_329 : memref<1x32xf32, #tpu.memory_space<hbm>> -> memref<32xf32, #tpu.memory_space<hbm>>
        tpu.enqueue_dma source(%dma_start3A_330 : memref<32xf32, #tpu.memory_space<hbm>>) target(%dma_start3A_327 : memref<32xf32, #tpu.memory_space<vmem>>) target_semaphore(%dma_start3A_324 : memref<!tpu.dma_semaphore, #tpu.memory_space<semaphore_mem>>)
        %slice3A_331 = vector.extract_strided_slice %get3A_108 {offsets = [11], sizes = [1], strides = [1]} : vector<16xi32> to vector<1xi32>
        %squeeze3A_332 = vector.extract %slice3A_331[0] : i32 from vector<1xi32>
        %add3A_333 = arith.constant 1100000 : i32
        %add3A_334 = arith.addi %squeeze3A_332, %add3A_333 : i32
        %dma_start3A_335 = arith.constant 11 : i32
        %dma_start3A_336 = arith.constant 3 : i32
        %dma_start3A_337 = arith.constant 0 : i32
        %dma_start3A_338 = tpu.memref_slice %arg6[%rem3A_89, %scan3A_102, %dma_start3A_335, %dma_start3A_337] : memref<2x8x26x32xf32, #tpu.memory_space<vmem>> -> memref<1x1x1x32xf32, #tpu.memory_space<vmem>>
        %dma_start3A_339 = tpu.memref_squeeze %dma_start3A_338 : memref<1x1x1x32xf32, #tpu.memory_space<vmem>> -> memref<32xf32, #tpu.memory_space<vmem>>
        %dma_start3A_340 = arith.constant 0 : i32
        %dma_start3A_341 = tpu.memref_slice %arg3[%add3A_334, %dma_start3A_340] : memref<2600000x32xf32, #tpu.memory_space<hbm>> -> memref<1x32xf32, #tpu.memory_space<hbm>>
        %dma_start3A_342 = tpu.memref_squeeze %dma_start3A_341 : memref<1x32xf32, #tpu.memory_space<hbm>> -> memref<32xf32, #tpu.memory_space<hbm>>
        %dma_start3A_343 = tpu.memref_slice %arg7[%rem3A_89, %dma_start3A_336] : memref<2x4x!tpu.dma_semaphore, #tpu.memory_space<semaphore_mem>> -> memref<1x1x!tpu.dma_semaphore, #tpu.memory_space<semaphore_mem>>
        %dma_start3A_344 = tpu.memref_squeeze %dma_start3A_343 : memref<1x1x!tpu.dma_semaphore, #tpu.memory_space<semaphore_mem>> -> memref<!tpu.dma_semaphore, #tpu.memory_space<semaphore_mem>>
        %dma_start3A_345 = arith.constant 0 : i32
        %dma_start3A_346 = tpu.memref_slice %arg6[%rem3A_89, %scan3A_102, %dma_start3A_335, %dma_start3A_345] : memref<2x8x26x32xf32, #tpu.memory_space<vmem>> -> memref<1x1x1x32xf32, #tpu.memory_space<vmem>>
        %dma_start3A_347 = tpu.memref_squeeze %dma_start3A_346 : memref<1x1x1x32xf32, #tpu.memory_space<vmem>> -> memref<32xf32, #tpu.memory_space<vmem>>
        %dma_start3A_348 = arith.constant 0 : i32
        %dma_start3A_349 = tpu.memref_slice %arg3[%add3A_334, %dma_start3A_348] : memref<2600000x32xf32, #tpu.memory_space<hbm>> -> memref<1x32xf32, #tpu.memory_space<hbm>>
        %dma_start3A_350 = tpu.memref_squeeze %dma_start3A_349 : memref<1x32xf32, #tpu.memory_space<hbm>> -> memref<32xf32, #tpu.memory_space<hbm>>
        tpu.enqueue_dma source(%dma_start3A_350 : memref<32xf32, #tpu.memory_space<hbm>>) target(%dma_start3A_347 : memref<32xf32, #tpu.memory_space<vmem>>) target_semaphore(%dma_start3A_344 : memref<!tpu.dma_semaphore, #tpu.memory_space<semaphore_mem>>)
        %slice3A_351 = vector.extract_strided_slice %get3A_108 {offsets = [12], sizes = [1], strides = [1]} : vector<16xi32> to vector<1xi32>
        %squeeze3A_352 = vector.extract %slice3A_351[0] : i32 from vector<1xi32>
        %add3A_353 = arith.constant 1200000 : i32
        %add3A_354 = arith.addi %squeeze3A_352, %add3A_353 : i32
        %dma_start3A_355 = arith.constant 12 : i32
        %dma_start3A_356 = arith.constant 0 : i32
        %dma_start3A_357 = arith.constant 0 : i32
        %dma_start3A_358 = tpu.memref_slice %arg6[%rem3A_89, %scan3A_102, %dma_start3A_355, %dma_start3A_357] : memref<2x8x26x32xf32, #tpu.memory_space<vmem>> -> memref<1x1x1x32xf32, #tpu.memory_space<vmem>>
        %dma_start3A_359 = tpu.memref_squeeze %dma_start3A_358 : memref<1x1x1x32xf32, #tpu.memory_space<vmem>> -> memref<32xf32, #tpu.memory_space<vmem>>
        %dma_start3A_360 = arith.constant 0 : i32
        %dma_start3A_361 = tpu.memref_slice %arg3[%add3A_354, %dma_start3A_360] : memref<2600000x32xf32, #tpu.memory_space<hbm>> -> memref<1x32xf32, #tpu.memory_space<hbm>>
        %dma_start3A_362 = tpu.memref_squeeze %dma_start3A_361 : memref<1x32xf32, #tpu.memory_space<hbm>> -> memref<32xf32, #tpu.memory_space<hbm>>
        %dma_start3A_363 = tpu.memref_slice %arg7[%rem3A_89, %dma_start3A_356] : memref<2x4x!tpu.dma_semaphore, #tpu.memory_space<semaphore_mem>> -> memref<1x1x!tpu.dma_semaphore, #tpu.memory_space<semaphore_mem>>
        %dma_start3A_364 = tpu.memref_squeeze %dma_start3A_363 : memref<1x1x!tpu.dma_semaphore, #tpu.memory_space<semaphore_mem>> -> memref<!tpu.dma_semaphore, #tpu.memory_space<semaphore_mem>>
        %dma_start3A_365 = arith.constant 0 : i32
        %dma_start3A_366 = tpu.memref_slice %arg6[%rem3A_89, %scan3A_102, %dma_start3A_355, %dma_start3A_365] : memref<2x8x26x32xf32, #tpu.memory_space<vmem>> -> memref<1x1x1x32xf32, #tpu.memory_space<vmem>>
        %dma_start3A_367 = tpu.memref_squeeze %dma_start3A_366 : memref<1x1x1x32xf32, #tpu.memory_space<vmem>> -> memref<32xf32, #tpu.memory_space<vmem>>
        %dma_start3A_368 = arith.constant 0 : i32
        %dma_start3A_369 = tpu.memref_slice %arg3[%add3A_354, %dma_start3A_368] : memref<2600000x32xf32, #tpu.memory_space<hbm>> -> memref<1x32xf32, #tpu.memory_space<hbm>>
        %dma_start3A_370 = tpu.memref_squeeze %dma_start3A_369 : memref<1x32xf32, #tpu.memory_space<hbm>> -> memref<32xf32, #tpu.memory_space<hbm>>
        tpu.enqueue_dma source(%dma_start3A_370 : memref<32xf32, #tpu.memory_space<hbm>>) target(%dma_start3A_367 : memref<32xf32, #tpu.memory_space<vmem>>) target_semaphore(%dma_start3A_364 : memref<!tpu.dma_semaphore, #tpu.memory_space<semaphore_mem>>)
        %slice3A_371 = vector.extract_strided_slice %get3A_108 {offsets = [13], sizes = [1], strides = [1]} : vector<16xi32> to vector<1xi32>
        %squeeze3A_372 = vector.extract %slice3A_371[0] : i32 from vector<1xi32>
        %add3A_373 = arith.constant 1300000 : i32
        %add3A_374 = arith.addi %squeeze3A_372, %add3A_373 : i32
        %dma_start3A_375 = arith.constant 13 : i32
        %dma_start3A_376 = arith.constant 1 : i32
        %dma_start3A_377 = arith.constant 0 : i32
        %dma_start3A_378 = tpu.memref_slice %arg6[%rem3A_89, %scan3A_102, %dma_start3A_375, %dma_start3A_377] : memref<2x8x26x32xf32, #tpu.memory_space<vmem>> -> memref<1x1x1x32xf32, #tpu.memory_space<vmem>>
        %dma_start3A_379 = tpu.memref_squeeze %dma_start3A_378 : memref<1x1x1x32xf32, #tpu.memory_space<vmem>> -> memref<32xf32, #tpu.memory_space<vmem>>
        %dma_start3A_380 = arith.constant 0 : i32
        %dma_start3A_381 = tpu.memref_slice %arg3[%add3A_374, %dma_start3A_380] : memref<2600000x32xf32, #tpu.memory_space<hbm>> -> memref<1x32xf32, #tpu.memory_space<hbm>>
        %dma_start3A_382 = tpu.memref_squeeze %dma_start3A_381 : memref<1x32xf32, #tpu.memory_space<hbm>> -> memref<32xf32, #tpu.memory_space<hbm>>
        %dma_start3A_383 = tpu.memref_slice %arg7[%rem3A_89, %dma_start3A_376] : memref<2x4x!tpu.dma_semaphore, #tpu.memory_space<semaphore_mem>> -> memref<1x1x!tpu.dma_semaphore, #tpu.memory_space<semaphore_mem>>
        %dma_start3A_384 = tpu.memref_squeeze %dma_start3A_383 : memref<1x1x!tpu.dma_semaphore, #tpu.memory_space<semaphore_mem>> -> memref<!tpu.dma_semaphore, #tpu.memory_space<semaphore_mem>>
        %dma_start3A_385 = arith.constant 0 : i32
        %dma_start3A_386 = tpu.memref_slice %arg6[%rem3A_89, %scan3A_102, %dma_start3A_375, %dma_start3A_385] : memref<2x8x26x32xf32, #tpu.memory_space<vmem>> -> memref<1x1x1x32xf32, #tpu.memory_space<vmem>>
        %dma_start3A_387 = tpu.memref_squeeze %dma_start3A_386 : memref<1x1x1x32xf32, #tpu.memory_space<vmem>> -> memref<32xf32, #tpu.memory_space<vmem>>
        %dma_start3A_388 = arith.constant 0 : i32
        %dma_start3A_389 = tpu.memref_slice %arg3[%add3A_374, %dma_start3A_388] : memref<2600000x32xf32, #tpu.memory_space<hbm>> -> memref<1x32xf32, #tpu.memory_space<hbm>>
        %dma_start3A_390 = tpu.memref_squeeze %dma_start3A_389 : memref<1x32xf32, #tpu.memory_space<hbm>> -> memref<32xf32, #tpu.memory_space<hbm>>
        tpu.enqueue_dma source(%dma_start3A_390 : memref<32xf32, #tpu.memory_space<hbm>>) target(%dma_start3A_387 : memref<32xf32, #tpu.memory_space<vmem>>) target_semaphore(%dma_start3A_384 : memref<!tpu.dma_semaphore, #tpu.memory_space<semaphore_mem>>)
        %slice3A_391 = vector.extract_strided_slice %get3A_108 {offsets = [14], sizes = [1], strides = [1]} : vector<16xi32> to vector<1xi32>
        %squeeze3A_392 = vector.extract %slice3A_391[0] : i32 from vector<1xi32>
        %add3A_393 = arith.constant 1400000 : i32
        %add3A_394 = arith.addi %squeeze3A_392, %add3A_393 : i32
        %dma_start3A_395 = arith.constant 14 : i32
        %dma_start3A_396 = arith.constant 2 : i32
        %dma_start3A_397 = arith.constant 0 : i32
        %dma_start3A_398 = tpu.memref_slice %arg6[%rem3A_89, %scan3A_102, %dma_start3A_395, %dma_start3A_397] : memref<2x8x26x32xf32, #tpu.memory_space<vmem>> -> memref<1x1x1x32xf32, #tpu.memory_space<vmem>>
        %dma_start3A_399 = tpu.memref_squeeze %dma_start3A_398 : memref<1x1x1x32xf32, #tpu.memory_space<vmem>> -> memref<32xf32, #tpu.memory_space<vmem>>
        %dma_start3A_400 = arith.constant 0 : i32
        %dma_start3A_401 = tpu.memref_slice %arg3[%add3A_394, %dma_start3A_400] : memref<2600000x32xf32, #tpu.memory_space<hbm>> -> memref<1x32xf32, #tpu.memory_space<hbm>>
        %dma_start3A_402 = tpu.memref_squeeze %dma_start3A_401 : memref<1x32xf32, #tpu.memory_space<hbm>> -> memref<32xf32, #tpu.memory_space<hbm>>
        %dma_start3A_403 = tpu.memref_slice %arg7[%rem3A_89, %dma_start3A_396] : memref<2x4x!tpu.dma_semaphore, #tpu.memory_space<semaphore_mem>> -> memref<1x1x!tpu.dma_semaphore, #tpu.memory_space<semaphore_mem>>
        %dma_start3A_404 = tpu.memref_squeeze %dma_start3A_403 : memref<1x1x!tpu.dma_semaphore, #tpu.memory_space<semaphore_mem>> -> memref<!tpu.dma_semaphore, #tpu.memory_space<semaphore_mem>>
        %dma_start3A_405 = arith.constant 0 : i32
        %dma_start3A_406 = tpu.memref_slice %arg6[%rem3A_89, %scan3A_102, %dma_start3A_395, %dma_start3A_405] : memref<2x8x26x32xf32, #tpu.memory_space<vmem>> -> memref<1x1x1x32xf32, #tpu.memory_space<vmem>>
        %dma_start3A_407 = tpu.memref_squeeze %dma_start3A_406 : memref<1x1x1x32xf32, #tpu.memory_space<vmem>> -> memref<32xf32, #tpu.memory_space<vmem>>
        %dma_start3A_408 = arith.constant 0 : i32
        %dma_start3A_409 = tpu.memref_slice %arg3[%add3A_394, %dma_start3A_408] : memref<2600000x32xf32, #tpu.memory_space<hbm>> -> memref<1x32xf32, #tpu.memory_space<hbm>>
        %dma_start3A_410 = tpu.memref_squeeze %dma_start3A_409 : memref<1x32xf32, #tpu.memory_space<hbm>> -> memref<32xf32, #tpu.memory_space<hbm>>
        tpu.enqueue_dma source(%dma_start3A_410 : memref<32xf32, #tpu.memory_space<hbm>>) target(%dma_start3A_407 : memref<32xf32, #tpu.memory_space<vmem>>) target_semaphore(%dma_start3A_404 : memref<!tpu.dma_semaphore, #tpu.memory_space<semaphore_mem>>)
        %slice3A_411 = vector.extract_strided_slice %get3A_108 {offsets = [15], sizes = [1], strides = [1]} : vector<16xi32> to vector<1xi32>
        %squeeze3A_412 = vector.extract %slice3A_411[0] : i32 from vector<1xi32>
        %add3A_413 = arith.constant 1500000 : i32
        %add3A_414 = arith.addi %squeeze3A_412, %add3A_413 : i32
        %dma_start3A_415 = arith.constant 15 : i32
        %dma_start3A_416 = arith.constant 3 : i32
        %dma_start3A_417 = arith.constant 0 : i32
        %dma_start3A_418 = tpu.memref_slice %arg6[%rem3A_89, %scan3A_102, %dma_start3A_415, %dma_start3A_417] : memref<2x8x26x32xf32, #tpu.memory_space<vmem>> -> memref<1x1x1x32xf32, #tpu.memory_space<vmem>>
        %dma_start3A_419 = tpu.memref_squeeze %dma_start3A_418 : memref<1x1x1x32xf32, #tpu.memory_space<vmem>> -> memref<32xf32, #tpu.memory_space<vmem>>
        %dma_start3A_420 = arith.constant 0 : i32
        %dma_start3A_421 = tpu.memref_slice %arg3[%add3A_414, %dma_start3A_420] : memref<2600000x32xf32, #tpu.memory_space<hbm>> -> memref<1x32xf32, #tpu.memory_space<hbm>>
        %dma_start3A_422 = tpu.memref_squeeze %dma_start3A_421 : memref<1x32xf32, #tpu.memory_space<hbm>> -> memref<32xf32, #tpu.memory_space<hbm>>
        %dma_start3A_423 = tpu.memref_slice %arg7[%rem3A_89, %dma_start3A_416] : memref<2x4x!tpu.dma_semaphore, #tpu.memory_space<semaphore_mem>> -> memref<1x1x!tpu.dma_semaphore, #tpu.memory_space<semaphore_mem>>
        %dma_start3A_424 = tpu.memref_squeeze %dma_start3A_423 : memref<1x1x!tpu.dma_semaphore, #tpu.memory_space<semaphore_mem>> -> memref<!tpu.dma_semaphore, #tpu.memory_space<semaphore_mem>>
        %dma_start3A_425 = arith.constant 0 : i32
        %dma_start3A_426 = tpu.memref_slice %arg6[%rem3A_89, %scan3A_102, %dma_start3A_415, %dma_start3A_425] : memref<2x8x26x32xf32, #tpu.memory_space<vmem>> -> memref<1x1x1x32xf32, #tpu.memory_space<vmem>>
        %dma_start3A_427 = tpu.memref_squeeze %dma_start3A_426 : memref<1x1x1x32xf32, #tpu.memory_space<vmem>> -> memref<32xf32, #tpu.memory_space<vmem>>
        %dma_start3A_428 = arith.constant 0 : i32
        %dma_start3A_429 = tpu.memref_slice %arg3[%add3A_414, %dma_start3A_428] : memref<2600000x32xf32, #tpu.memory_space<hbm>> -> memref<1x32xf32, #tpu.memory_space<hbm>>
        %dma_start3A_430 = tpu.memref_squeeze %dma_start3A_429 : memref<1x32xf32, #tpu.memory_space<hbm>> -> memref<32xf32, #tpu.memory_space<hbm>>
        tpu.enqueue_dma source(%dma_start3A_430 : memref<32xf32, #tpu.memory_space<hbm>>) target(%dma_start3A_427 : memref<32xf32, #tpu.memory_space<vmem>>) target_semaphore(%dma_start3A_424 : memref<!tpu.dma_semaphore, #tpu.memory_space<semaphore_mem>>)
        %slice3A_431 = vector.extract_strided_slice %get3A_112 {offsets = [6], sizes = [1], strides = [1]} : vector<16xi32> to vector<1xi32>
        %squeeze3A_432 = vector.extract %slice3A_431[0] : i32 from vector<1xi32>
        %add3A_433 = arith.constant 1600000 : i32
        %add3A_434 = arith.addi %squeeze3A_432, %add3A_433 : i32
        %dma_start3A_435 = arith.constant 16 : i32
        %dma_start3A_436 = arith.constant 0 : i32
        %dma_start3A_437 = arith.constant 0 : i32
        %dma_start3A_438 = tpu.memref_slice %arg6[%rem3A_89, %scan3A_102, %dma_start3A_435, %dma_start3A_437] : memref<2x8x26x32xf32, #tpu.memory_space<vmem>> -> memref<1x1x1x32xf32, #tpu.memory_space<vmem>>
        %dma_start3A_439 = tpu.memref_squeeze %dma_start3A_438 : memref<1x1x1x32xf32, #tpu.memory_space<vmem>> -> memref<32xf32, #tpu.memory_space<vmem>>
        %dma_start3A_440 = arith.constant 0 : i32
        %dma_start3A_441 = tpu.memref_slice %arg3[%add3A_434, %dma_start3A_440] : memref<2600000x32xf32, #tpu.memory_space<hbm>> -> memref<1x32xf32, #tpu.memory_space<hbm>>
        %dma_start3A_442 = tpu.memref_squeeze %dma_start3A_441 : memref<1x32xf32, #tpu.memory_space<hbm>> -> memref<32xf32, #tpu.memory_space<hbm>>
        %dma_start3A_443 = tpu.memref_slice %arg7[%rem3A_89, %dma_start3A_436] : memref<2x4x!tpu.dma_semaphore, #tpu.memory_space<semaphore_mem>> -> memref<1x1x!tpu.dma_semaphore, #tpu.memory_space<semaphore_mem>>
        %dma_start3A_444 = tpu.memref_squeeze %dma_start3A_443 : memref<1x1x!tpu.dma_semaphore, #tpu.memory_space<semaphore_mem>> -> memref<!tpu.dma_semaphore, #tpu.memory_space<semaphore_mem>>
        %dma_start3A_445 = arith.constant 0 : i32
        %dma_start3A_446 = tpu.memref_slice %arg6[%rem3A_89, %scan3A_102, %dma_start3A_435, %dma_start3A_445] : memref<2x8x26x32xf32, #tpu.memory_space<vmem>> -> memref<1x1x1x32xf32, #tpu.memory_space<vmem>>
        %dma_start3A_447 = tpu.memref_squeeze %dma_start3A_446 : memref<1x1x1x32xf32, #tpu.memory_space<vmem>> -> memref<32xf32, #tpu.memory_space<vmem>>
        %dma_start3A_448 = arith.constant 0 : i32
        %dma_start3A_449 = tpu.memref_slice %arg3[%add3A_434, %dma_start3A_448] : memref<2600000x32xf32, #tpu.memory_space<hbm>> -> memref<1x32xf32, #tpu.memory_space<hbm>>
        %dma_start3A_450 = tpu.memref_squeeze %dma_start3A_449 : memref<1x32xf32, #tpu.memory_space<hbm>> -> memref<32xf32, #tpu.memory_space<hbm>>
        tpu.enqueue_dma source(%dma_start3A_450 : memref<32xf32, #tpu.memory_space<hbm>>) target(%dma_start3A_447 : memref<32xf32, #tpu.memory_space<vmem>>) target_semaphore(%dma_start3A_444 : memref<!tpu.dma_semaphore, #tpu.memory_space<semaphore_mem>>)
        %slice3A_451 = vector.extract_strided_slice %get3A_112 {offsets = [7], sizes = [1], strides = [1]} : vector<16xi32> to vector<1xi32>
        %squeeze3A_452 = vector.extract %slice3A_451[0] : i32 from vector<1xi32>
        %add3A_453 = arith.constant 1700000 : i32
        %add3A_454 = arith.addi %squeeze3A_452, %add3A_453 : i32
        %dma_start3A_455 = arith.constant 17 : i32
        %dma_start3A_456 = arith.constant 1 : i32
        %dma_start3A_457 = arith.constant 0 : i32
        %dma_start3A_458 = tpu.memref_slice %arg6[%rem3A_89, %scan3A_102, %dma_start3A_455, %dma_start3A_457] : memref<2x8x26x32xf32, #tpu.memory_space<vmem>> -> memref<1x1x1x32xf32, #tpu.memory_space<vmem>>
        %dma_start3A_459 = tpu.memref_squeeze %dma_start3A_458 : memref<1x1x1x32xf32, #tpu.memory_space<vmem>> -> memref<32xf32, #tpu.memory_space<vmem>>
        %dma_start3A_460 = arith.constant 0 : i32
        %dma_start3A_461 = tpu.memref_slice %arg3[%add3A_454, %dma_start3A_460] : memref<2600000x32xf32, #tpu.memory_space<hbm>> -> memref<1x32xf32, #tpu.memory_space<hbm>>
        %dma_start3A_462 = tpu.memref_squeeze %dma_start3A_461 : memref<1x32xf32, #tpu.memory_space<hbm>> -> memref<32xf32, #tpu.memory_space<hbm>>
        %dma_start3A_463 = tpu.memref_slice %arg7[%rem3A_89, %dma_start3A_456] : memref<2x4x!tpu.dma_semaphore, #tpu.memory_space<semaphore_mem>> -> memref<1x1x!tpu.dma_semaphore, #tpu.memory_space<semaphore_mem>>
        %dma_start3A_464 = tpu.memref_squeeze %dma_start3A_463 : memref<1x1x!tpu.dma_semaphore, #tpu.memory_space<semaphore_mem>> -> memref<!tpu.dma_semaphore, #tpu.memory_space<semaphore_mem>>
        %dma_start3A_465 = arith.constant 0 : i32
        %dma_start3A_466 = tpu.memref_slice %arg6[%rem3A_89, %scan3A_102, %dma_start3A_455, %dma_start3A_465] : memref<2x8x26x32xf32, #tpu.memory_space<vmem>> -> memref<1x1x1x32xf32, #tpu.memory_space<vmem>>
        %dma_start3A_467 = tpu.memref_squeeze %dma_start3A_466 : memref<1x1x1x32xf32, #tpu.memory_space<vmem>> -> memref<32xf32, #tpu.memory_space<vmem>>
        %dma_start3A_468 = arith.constant 0 : i32
        %dma_start3A_469 = tpu.memref_slice %arg3[%add3A_454, %dma_start3A_468] : memref<2600000x32xf32, #tpu.memory_space<hbm>> -> memref<1x32xf32, #tpu.memory_space<hbm>>
        %dma_start3A_470 = tpu.memref_squeeze %dma_start3A_469 : memref<1x32xf32, #tpu.memory_space<hbm>> -> memref<32xf32, #tpu.memory_space<hbm>>
        tpu.enqueue_dma source(%dma_start3A_470 : memref<32xf32, #tpu.memory_space<hbm>>) target(%dma_start3A_467 : memref<32xf32, #tpu.memory_space<vmem>>) target_semaphore(%dma_start3A_464 : memref<!tpu.dma_semaphore, #tpu.memory_space<semaphore_mem>>)
        %slice3A_471 = vector.extract_strided_slice %get3A_112 {offsets = [8], sizes = [1], strides = [1]} : vector<16xi32> to vector<1xi32>
        %squeeze3A_472 = vector.extract %slice3A_471[0] : i32 from vector<1xi32>
        %add3A_473 = arith.constant 1800000 : i32
        %add3A_474 = arith.addi %squeeze3A_472, %add3A_473 : i32
        %dma_start3A_475 = arith.constant 18 : i32
        %dma_start3A_476 = arith.constant 2 : i32
        %dma_start3A_477 = arith.constant 0 : i32
        %dma_start3A_478 = tpu.memref_slice %arg6[%rem3A_89, %scan3A_102, %dma_start3A_475, %dma_start3A_477] : memref<2x8x26x32xf32, #tpu.memory_space<vmem>> -> memref<1x1x1x32xf32, #tpu.memory_space<vmem>>
        %dma_start3A_479 = tpu.memref_squeeze %dma_start3A_478 : memref<1x1x1x32xf32, #tpu.memory_space<vmem>> -> memref<32xf32, #tpu.memory_space<vmem>>
        %dma_start3A_480 = arith.constant 0 : i32
        %dma_start3A_481 = tpu.memref_slice %arg3[%add3A_474, %dma_start3A_480] : memref<2600000x32xf32, #tpu.memory_space<hbm>> -> memref<1x32xf32, #tpu.memory_space<hbm>>
        %dma_start3A_482 = tpu.memref_squeeze %dma_start3A_481 : memref<1x32xf32, #tpu.memory_space<hbm>> -> memref<32xf32, #tpu.memory_space<hbm>>
        %dma_start3A_483 = tpu.memref_slice %arg7[%rem3A_89, %dma_start3A_476] : memref<2x4x!tpu.dma_semaphore, #tpu.memory_space<semaphore_mem>> -> memref<1x1x!tpu.dma_semaphore, #tpu.memory_space<semaphore_mem>>
        %dma_start3A_484 = tpu.memref_squeeze %dma_start3A_483 : memref<1x1x!tpu.dma_semaphore, #tpu.memory_space<semaphore_mem>> -> memref<!tpu.dma_semaphore, #tpu.memory_space<semaphore_mem>>
        %dma_start3A_485 = arith.constant 0 : i32
        %dma_start3A_486 = tpu.memref_slice %arg6[%rem3A_89, %scan3A_102, %dma_start3A_475, %dma_start3A_485] : memref<2x8x26x32xf32, #tpu.memory_space<vmem>> -> memref<1x1x1x32xf32, #tpu.memory_space<vmem>>
        %dma_start3A_487 = tpu.memref_squeeze %dma_start3A_486 : memref<1x1x1x32xf32, #tpu.memory_space<vmem>> -> memref<32xf32, #tpu.memory_space<vmem>>
        %dma_start3A_488 = arith.constant 0 : i32
        %dma_start3A_489 = tpu.memref_slice %arg3[%add3A_474, %dma_start3A_488] : memref<2600000x32xf32, #tpu.memory_space<hbm>> -> memref<1x32xf32, #tpu.memory_space<hbm>>
        %dma_start3A_490 = tpu.memref_squeeze %dma_start3A_489 : memref<1x32xf32, #tpu.memory_space<hbm>> -> memref<32xf32, #tpu.memory_space<hbm>>
        tpu.enqueue_dma source(%dma_start3A_490 : memref<32xf32, #tpu.memory_space<hbm>>) target(%dma_start3A_487 : memref<32xf32, #tpu.memory_space<vmem>>) target_semaphore(%dma_start3A_484 : memref<!tpu.dma_semaphore, #tpu.memory_space<semaphore_mem>>)
        %slice3A_491 = vector.extract_strided_slice %get3A_112 {offsets = [9], sizes = [1], strides = [1]} : vector<16xi32> to vector<1xi32>
        %squeeze3A_492 = vector.extract %slice3A_491[0] : i32 from vector<1xi32>
        %add3A_493 = arith.constant 1900000 : i32
        %add3A_494 = arith.addi %squeeze3A_492, %add3A_493 : i32
        %dma_start3A_495 = arith.constant 19 : i32
        %dma_start3A_496 = arith.constant 3 : i32
        %dma_start3A_497 = arith.constant 0 : i32
        %dma_start3A_498 = tpu.memref_slice %arg6[%rem3A_89, %scan3A_102, %dma_start3A_495, %dma_start3A_497] : memref<2x8x26x32xf32, #tpu.memory_space<vmem>> -> memref<1x1x1x32xf32, #tpu.memory_space<vmem>>
        %dma_start3A_499 = tpu.memref_squeeze %dma_start3A_498 : memref<1x1x1x32xf32, #tpu.memory_space<vmem>> -> memref<32xf32, #tpu.memory_space<vmem>>
        %dma_start3A_500 = arith.constant 0 : i32
        %dma_start3A_501 = tpu.memref_slice %arg3[%add3A_494, %dma_start3A_500] : memref<2600000x32xf32, #tpu.memory_space<hbm>> -> memref<1x32xf32, #tpu.memory_space<hbm>>
        %dma_start3A_502 = tpu.memref_squeeze %dma_start3A_501 : memref<1x32xf32, #tpu.memory_space<hbm>> -> memref<32xf32, #tpu.memory_space<hbm>>
        %dma_start3A_503 = tpu.memref_slice %arg7[%rem3A_89, %dma_start3A_496] : memref<2x4x!tpu.dma_semaphore, #tpu.memory_space<semaphore_mem>> -> memref<1x1x!tpu.dma_semaphore, #tpu.memory_space<semaphore_mem>>
        %dma_start3A_504 = tpu.memref_squeeze %dma_start3A_503 : memref<1x1x!tpu.dma_semaphore, #tpu.memory_space<semaphore_mem>> -> memref<!tpu.dma_semaphore, #tpu.memory_space<semaphore_mem>>
        %dma_start3A_505 = arith.constant 0 : i32
        %dma_start3A_506 = tpu.memref_slice %arg6[%rem3A_89, %scan3A_102, %dma_start3A_495, %dma_start3A_505] : memref<2x8x26x32xf32, #tpu.memory_space<vmem>> -> memref<1x1x1x32xf32, #tpu.memory_space<vmem>>
        %dma_start3A_507 = tpu.memref_squeeze %dma_start3A_506 : memref<1x1x1x32xf32, #tpu.memory_space<vmem>> -> memref<32xf32, #tpu.memory_space<vmem>>
        %dma_start3A_508 = arith.constant 0 : i32
        %dma_start3A_509 = tpu.memref_slice %arg3[%add3A_494, %dma_start3A_508] : memref<2600000x32xf32, #tpu.memory_space<hbm>> -> memref<1x32xf32, #tpu.memory_space<hbm>>
        %dma_start3A_510 = tpu.memref_squeeze %dma_start3A_509 : memref<1x32xf32, #tpu.memory_space<hbm>> -> memref<32xf32, #tpu.memory_space<hbm>>
        tpu.enqueue_dma source(%dma_start3A_510 : memref<32xf32, #tpu.memory_space<hbm>>) target(%dma_start3A_507 : memref<32xf32, #tpu.memory_space<vmem>>) target_semaphore(%dma_start3A_504 : memref<!tpu.dma_semaphore, #tpu.memory_space<semaphore_mem>>)
        %slice3A_511 = vector.extract_strided_slice %get3A_112 {offsets = [10], sizes = [1], strides = [1]} : vector<16xi32> to vector<1xi32>
        %squeeze3A_512 = vector.extract %slice3A_511[0] : i32 from vector<1xi32>
        %add3A_513 = arith.constant 2000000 : i32
        %add3A_514 = arith.addi %squeeze3A_512, %add3A_513 : i32
        %dma_start3A_515 = arith.constant 20 : i32
        %dma_start3A_516 = arith.constant 0 : i32
        %dma_start3A_517 = arith.constant 0 : i32
        %dma_start3A_518 = tpu.memref_slice %arg6[%rem3A_89, %scan3A_102, %dma_start3A_515, %dma_start3A_517] : memref<2x8x26x32xf32, #tpu.memory_space<vmem>> -> memref<1x1x1x32xf32, #tpu.memory_space<vmem>>
        %dma_start3A_519 = tpu.memref_squeeze %dma_start3A_518 : memref<1x1x1x32xf32, #tpu.memory_space<vmem>> -> memref<32xf32, #tpu.memory_space<vmem>>
        %dma_start3A_520 = arith.constant 0 : i32
        %dma_start3A_521 = tpu.memref_slice %arg3[%add3A_514, %dma_start3A_520] : memref<2600000x32xf32, #tpu.memory_space<hbm>> -> memref<1x32xf32, #tpu.memory_space<hbm>>
        %dma_start3A_522 = tpu.memref_squeeze %dma_start3A_521 : memref<1x32xf32, #tpu.memory_space<hbm>> -> memref<32xf32, #tpu.memory_space<hbm>>
        %dma_start3A_523 = tpu.memref_slice %arg7[%rem3A_89, %dma_start3A_516] : memref<2x4x!tpu.dma_semaphore, #tpu.memory_space<semaphore_mem>> -> memref<1x1x!tpu.dma_semaphore, #tpu.memory_space<semaphore_mem>>
        %dma_start3A_524 = tpu.memref_squeeze %dma_start3A_523 : memref<1x1x!tpu.dma_semaphore, #tpu.memory_space<semaphore_mem>> -> memref<!tpu.dma_semaphore, #tpu.memory_space<semaphore_mem>>
        %dma_start3A_525 = arith.constant 0 : i32
        %dma_start3A_526 = tpu.memref_slice %arg6[%rem3A_89, %scan3A_102, %dma_start3A_515, %dma_start3A_525] : memref<2x8x26x32xf32, #tpu.memory_space<vmem>> -> memref<1x1x1x32xf32, #tpu.memory_space<vmem>>
        %dma_start3A_527 = tpu.memref_squeeze %dma_start3A_526 : memref<1x1x1x32xf32, #tpu.memory_space<vmem>> -> memref<32xf32, #tpu.memory_space<vmem>>
        %dma_start3A_528 = arith.constant 0 : i32
        %dma_start3A_529 = tpu.memref_slice %arg3[%add3A_514, %dma_start3A_528] : memref<2600000x32xf32, #tpu.memory_space<hbm>> -> memref<1x32xf32, #tpu.memory_space<hbm>>
        %dma_start3A_530 = tpu.memref_squeeze %dma_start3A_529 : memref<1x32xf32, #tpu.memory_space<hbm>> -> memref<32xf32, #tpu.memory_space<hbm>>
        tpu.enqueue_dma source(%dma_start3A_530 : memref<32xf32, #tpu.memory_space<hbm>>) target(%dma_start3A_527 : memref<32xf32, #tpu.memory_space<vmem>>) target_semaphore(%dma_start3A_524 : memref<!tpu.dma_semaphore, #tpu.memory_space<semaphore_mem>>)
        %slice3A_531 = vector.extract_strided_slice %get3A_112 {offsets = [11], sizes = [1], strides = [1]} : vector<16xi32> to vector<1xi32>
        %squeeze3A_532 = vector.extract %slice3A_531[0] : i32 from vector<1xi32>
        %add3A_533 = arith.constant 2100000 : i32
        %add3A_534 = arith.addi %squeeze3A_532, %add3A_533 : i32
        %dma_start3A_535 = arith.constant 21 : i32
        %dma_start3A_536 = arith.constant 1 : i32
        %dma_start3A_537 = arith.constant 0 : i32
        %dma_start3A_538 = tpu.memref_slice %arg6[%rem3A_89, %scan3A_102, %dma_start3A_535, %dma_start3A_537] : memref<2x8x26x32xf32, #tpu.memory_space<vmem>> -> memref<1x1x1x32xf32, #tpu.memory_space<vmem>>
        %dma_start3A_539 = tpu.memref_squeeze %dma_start3A_538 : memref<1x1x1x32xf32, #tpu.memory_space<vmem>> -> memref<32xf32, #tpu.memory_space<vmem>>
        %dma_start3A_540 = arith.constant 0 : i32
        %dma_start3A_541 = tpu.memref_slice %arg3[%add3A_534, %dma_start3A_540] : memref<2600000x32xf32, #tpu.memory_space<hbm>> -> memref<1x32xf32, #tpu.memory_space<hbm>>
        %dma_start3A_542 = tpu.memref_squeeze %dma_start3A_541 : memref<1x32xf32, #tpu.memory_space<hbm>> -> memref<32xf32, #tpu.memory_space<hbm>>
        %dma_start3A_543 = tpu.memref_slice %arg7[%rem3A_89, %dma_start3A_536] : memref<2x4x!tpu.dma_semaphore, #tpu.memory_space<semaphore_mem>> -> memref<1x1x!tpu.dma_semaphore, #tpu.memory_space<semaphore_mem>>
        %dma_start3A_544 = tpu.memref_squeeze %dma_start3A_543 : memref<1x1x!tpu.dma_semaphore, #tpu.memory_space<semaphore_mem>> -> memref<!tpu.dma_semaphore, #tpu.memory_space<semaphore_mem>>
        %dma_start3A_545 = arith.constant 0 : i32
        %dma_start3A_546 = tpu.memref_slice %arg6[%rem3A_89, %scan3A_102, %dma_start3A_535, %dma_start3A_545] : memref<2x8x26x32xf32, #tpu.memory_space<vmem>> -> memref<1x1x1x32xf32, #tpu.memory_space<vmem>>
        %dma_start3A_547 = tpu.memref_squeeze %dma_start3A_546 : memref<1x1x1x32xf32, #tpu.memory_space<vmem>> -> memref<32xf32, #tpu.memory_space<vmem>>
        %dma_start3A_548 = arith.constant 0 : i32
        %dma_start3A_549 = tpu.memref_slice %arg3[%add3A_534, %dma_start3A_548] : memref<2600000x32xf32, #tpu.memory_space<hbm>> -> memref<1x32xf32, #tpu.memory_space<hbm>>
        %dma_start3A_550 = tpu.memref_squeeze %dma_start3A_549 : memref<1x32xf32, #tpu.memory_space<hbm>> -> memref<32xf32, #tpu.memory_space<hbm>>
        tpu.enqueue_dma source(%dma_start3A_550 : memref<32xf32, #tpu.memory_space<hbm>>) target(%dma_start3A_547 : memref<32xf32, #tpu.memory_space<vmem>>) target_semaphore(%dma_start3A_544 : memref<!tpu.dma_semaphore, #tpu.memory_space<semaphore_mem>>)
        %slice3A_551 = vector.extract_strided_slice %get3A_112 {offsets = [12], sizes = [1], strides = [1]} : vector<16xi32> to vector<1xi32>
        %squeeze3A_552 = vector.extract %slice3A_551[0] : i32 from vector<1xi32>
        %add3A_553 = arith.constant 2200000 : i32
        %add3A_554 = arith.addi %squeeze3A_552, %add3A_553 : i32
        %dma_start3A_555 = arith.constant 22 : i32
        %dma_start3A_556 = arith.constant 2 : i32
        %dma_start3A_557 = arith.constant 0 : i32
        %dma_start3A_558 = tpu.memref_slice %arg6[%rem3A_89, %scan3A_102, %dma_start3A_555, %dma_start3A_557] : memref<2x8x26x32xf32, #tpu.memory_space<vmem>> -> memref<1x1x1x32xf32, #tpu.memory_space<vmem>>
        %dma_start3A_559 = tpu.memref_squeeze %dma_start3A_558 : memref<1x1x1x32xf32, #tpu.memory_space<vmem>> -> memref<32xf32, #tpu.memory_space<vmem>>
        %dma_start3A_560 = arith.constant 0 : i32
        %dma_start3A_561 = tpu.memref_slice %arg3[%add3A_554, %dma_start3A_560] : memref<2600000x32xf32, #tpu.memory_space<hbm>> -> memref<1x32xf32, #tpu.memory_space<hbm>>
        %dma_start3A_562 = tpu.memref_squeeze %dma_start3A_561 : memref<1x32xf32, #tpu.memory_space<hbm>> -> memref<32xf32, #tpu.memory_space<hbm>>
        %dma_start3A_563 = tpu.memref_slice %arg7[%rem3A_89, %dma_start3A_556] : memref<2x4x!tpu.dma_semaphore, #tpu.memory_space<semaphore_mem>> -> memref<1x1x!tpu.dma_semaphore, #tpu.memory_space<semaphore_mem>>
        %dma_start3A_564 = tpu.memref_squeeze %dma_start3A_563 : memref<1x1x!tpu.dma_semaphore, #tpu.memory_space<semaphore_mem>> -> memref<!tpu.dma_semaphore, #tpu.memory_space<semaphore_mem>>
        %dma_start3A_565 = arith.constant 0 : i32
        %dma_start3A_566 = tpu.memref_slice %arg6[%rem3A_89, %scan3A_102, %dma_start3A_555, %dma_start3A_565] : memref<2x8x26x32xf32, #tpu.memory_space<vmem>> -> memref<1x1x1x32xf32, #tpu.memory_space<vmem>>
        %dma_start3A_567 = tpu.memref_squeeze %dma_start3A_566 : memref<1x1x1x32xf32, #tpu.memory_space<vmem>> -> memref<32xf32, #tpu.memory_space<vmem>>
        %dma_start3A_568 = arith.constant 0 : i32
        %dma_start3A_569 = tpu.memref_slice %arg3[%add3A_554, %dma_start3A_568] : memref<2600000x32xf32, #tpu.memory_space<hbm>> -> memref<1x32xf32, #tpu.memory_space<hbm>>
        %dma_start3A_570 = tpu.memref_squeeze %dma_start3A_569 : memref<1x32xf32, #tpu.memory_space<hbm>> -> memref<32xf32, #tpu.memory_space<hbm>>
        tpu.enqueue_dma source(%dma_start3A_570 : memref<32xf32, #tpu.memory_space<hbm>>) target(%dma_start3A_567 : memref<32xf32, #tpu.memory_space<vmem>>) target_semaphore(%dma_start3A_564 : memref<!tpu.dma_semaphore, #tpu.memory_space<semaphore_mem>>)
        %slice3A_571 = vector.extract_strided_slice %get3A_112 {offsets = [13], sizes = [1], strides = [1]} : vector<16xi32> to vector<1xi32>
        %squeeze3A_572 = vector.extract %slice3A_571[0] : i32 from vector<1xi32>
        %add3A_573 = arith.constant 2300000 : i32
        %add3A_574 = arith.addi %squeeze3A_572, %add3A_573 : i32
        %dma_start3A_575 = arith.constant 23 : i32
        %dma_start3A_576 = arith.constant 3 : i32
        %dma_start3A_577 = arith.constant 0 : i32
        %dma_start3A_578 = tpu.memref_slice %arg6[%rem3A_89, %scan3A_102, %dma_start3A_575, %dma_start3A_577] : memref<2x8x26x32xf32, #tpu.memory_space<vmem>> -> memref<1x1x1x32xf32, #tpu.memory_space<vmem>>
        %dma_start3A_579 = tpu.memref_squeeze %dma_start3A_578 : memref<1x1x1x32xf32, #tpu.memory_space<vmem>> -> memref<32xf32, #tpu.memory_space<vmem>>
        %dma_start3A_580 = arith.constant 0 : i32
        %dma_start3A_581 = tpu.memref_slice %arg3[%add3A_574, %dma_start3A_580] : memref<2600000x32xf32, #tpu.memory_space<hbm>> -> memref<1x32xf32, #tpu.memory_space<hbm>>
        %dma_start3A_582 = tpu.memref_squeeze %dma_start3A_581 : memref<1x32xf32, #tpu.memory_space<hbm>> -> memref<32xf32, #tpu.memory_space<hbm>>
        %dma_start3A_583 = tpu.memref_slice %arg7[%rem3A_89, %dma_start3A_576] : memref<2x4x!tpu.dma_semaphore, #tpu.memory_space<semaphore_mem>> -> memref<1x1x!tpu.dma_semaphore, #tpu.memory_space<semaphore_mem>>
        %dma_start3A_584 = tpu.memref_squeeze %dma_start3A_583 : memref<1x1x!tpu.dma_semaphore, #tpu.memory_space<semaphore_mem>> -> memref<!tpu.dma_semaphore, #tpu.memory_space<semaphore_mem>>
        %dma_start3A_585 = arith.constant 0 : i32
        %dma_start3A_586 = tpu.memref_slice %arg6[%rem3A_89, %scan3A_102, %dma_start3A_575, %dma_start3A_585] : memref<2x8x26x32xf32, #tpu.memory_space<vmem>> -> memref<1x1x1x32xf32, #tpu.memory_space<vmem>>
        %dma_start3A_587 = tpu.memref_squeeze %dma_start3A_586 : memref<1x1x1x32xf32, #tpu.memory_space<vmem>> -> memref<32xf32, #tpu.memory_space<vmem>>
        %dma_start3A_588 = arith.constant 0 : i32
        %dma_start3A_589 = tpu.memref_slice %arg3[%add3A_574, %dma_start3A_588] : memref<2600000x32xf32, #tpu.memory_space<hbm>> -> memref<1x32xf32, #tpu.memory_space<hbm>>
        %dma_start3A_590 = tpu.memref_squeeze %dma_start3A_589 : memref<1x32xf32, #tpu.memory_space<hbm>> -> memref<32xf32, #tpu.memory_space<hbm>>
        tpu.enqueue_dma source(%dma_start3A_590 : memref<32xf32, #tpu.memory_space<hbm>>) target(%dma_start3A_587 : memref<32xf32, #tpu.memory_space<vmem>>) target_semaphore(%dma_start3A_584 : memref<!tpu.dma_semaphore, #tpu.memory_space<semaphore_mem>>)
        %slice3A_591 = vector.extract_strided_slice %get3A_112 {offsets = [14], sizes = [1], strides = [1]} : vector<16xi32> to vector<1xi32>
        %squeeze3A_592 = vector.extract %slice3A_591[0] : i32 from vector<1xi32>
        %add3A_593 = arith.constant 2400000 : i32
        %add3A_594 = arith.addi %squeeze3A_592, %add3A_593 : i32
        %dma_start3A_595 = arith.constant 24 : i32
        %dma_start3A_596 = arith.constant 0 : i32
        %dma_start3A_597 = arith.constant 0 : i32
        %dma_start3A_598 = tpu.memref_slice %arg6[%rem3A_89, %scan3A_102, %dma_start3A_595, %dma_start3A_597] : memref<2x8x26x32xf32, #tpu.memory_space<vmem>> -> memref<1x1x1x32xf32, #tpu.memory_space<vmem>>
        %dma_start3A_599 = tpu.memref_squeeze %dma_start3A_598 : memref<1x1x1x32xf32, #tpu.memory_space<vmem>> -> memref<32xf32, #tpu.memory_space<vmem>>
        %dma_start3A_600 = arith.constant 0 : i32
        %dma_start3A_601 = tpu.memref_slice %arg3[%add3A_594, %dma_start3A_600] : memref<2600000x32xf32, #tpu.memory_space<hbm>> -> memref<1x32xf32, #tpu.memory_space<hbm>>
        %dma_start3A_602 = tpu.memref_squeeze %dma_start3A_601 : memref<1x32xf32, #tpu.memory_space<hbm>> -> memref<32xf32, #tpu.memory_space<hbm>>
        %dma_start3A_603 = tpu.memref_slice %arg7[%rem3A_89, %dma_start3A_596] : memref<2x4x!tpu.dma_semaphore, #tpu.memory_space<semaphore_mem>> -> memref<1x1x!tpu.dma_semaphore, #tpu.memory_space<semaphore_mem>>
        %dma_start3A_604 = tpu.memref_squeeze %dma_start3A_603 : memref<1x1x!tpu.dma_semaphore, #tpu.memory_space<semaphore_mem>> -> memref<!tpu.dma_semaphore, #tpu.memory_space<semaphore_mem>>
        %dma_start3A_605 = arith.constant 0 : i32
        %dma_start3A_606 = tpu.memref_slice %arg6[%rem3A_89, %scan3A_102, %dma_start3A_595, %dma_start3A_605] : memref<2x8x26x32xf32, #tpu.memory_space<vmem>> -> memref<1x1x1x32xf32, #tpu.memory_space<vmem>>
        %dma_start3A_607 = tpu.memref_squeeze %dma_start3A_606 : memref<1x1x1x32xf32, #tpu.memory_space<vmem>> -> memref<32xf32, #tpu.memory_space<vmem>>
        %dma_start3A_608 = arith.constant 0 : i32
        %dma_start3A_609 = tpu.memref_slice %arg3[%add3A_594, %dma_start3A_608] : memref<2600000x32xf32, #tpu.memory_space<hbm>> -> memref<1x32xf32, #tpu.memory_space<hbm>>
        %dma_start3A_610 = tpu.memref_squeeze %dma_start3A_609 : memref<1x32xf32, #tpu.memory_space<hbm>> -> memref<32xf32, #tpu.memory_space<hbm>>
        tpu.enqueue_dma source(%dma_start3A_610 : memref<32xf32, #tpu.memory_space<hbm>>) target(%dma_start3A_607 : memref<32xf32, #tpu.memory_space<vmem>>) target_semaphore(%dma_start3A_604 : memref<!tpu.dma_semaphore, #tpu.memory_space<semaphore_mem>>)
        %slice3A_611 = vector.extract_strided_slice %get3A_112 {offsets = [15], sizes = [1], strides = [1]} : vector<16xi32> to vector<1xi32>
        %squeeze3A_612 = vector.extract %slice3A_611[0] : i32 from vector<1xi32>
        %add3A_613 = arith.constant 2500000 : i32
        %add3A_614 = arith.addi %squeeze3A_612, %add3A_613 : i32
        %dma_start3A_615 = arith.constant 25 : i32
        %dma_start3A_616 = arith.constant 1 : i32
        %dma_start3A_617 = arith.constant 0 : i32
        %dma_start3A_618 = tpu.memref_slice %arg6[%rem3A_89, %scan3A_102, %dma_start3A_615, %dma_start3A_617] : memref<2x8x26x32xf32, #tpu.memory_space<vmem>> -> memref<1x1x1x32xf32, #tpu.memory_space<vmem>>
        %dma_start3A_619 = tpu.memref_squeeze %dma_start3A_618 : memref<1x1x1x32xf32, #tpu.memory_space<vmem>> -> memref<32xf32, #tpu.memory_space<vmem>>
        %dma_start3A_620 = arith.constant 0 : i32
        %dma_start3A_621 = tpu.memref_slice %arg3[%add3A_614, %dma_start3A_620] : memref<2600000x32xf32, #tpu.memory_space<hbm>> -> memref<1x32xf32, #tpu.memory_space<hbm>>
        %dma_start3A_622 = tpu.memref_squeeze %dma_start3A_621 : memref<1x32xf32, #tpu.memory_space<hbm>> -> memref<32xf32, #tpu.memory_space<hbm>>
        %dma_start3A_623 = tpu.memref_slice %arg7[%rem3A_89, %dma_start3A_616] : memref<2x4x!tpu.dma_semaphore, #tpu.memory_space<semaphore_mem>> -> memref<1x1x!tpu.dma_semaphore, #tpu.memory_space<semaphore_mem>>
        %dma_start3A_624 = tpu.memref_squeeze %dma_start3A_623 : memref<1x1x!tpu.dma_semaphore, #tpu.memory_space<semaphore_mem>> -> memref<!tpu.dma_semaphore, #tpu.memory_space<semaphore_mem>>
        %dma_start3A_625 = arith.constant 0 : i32
        %dma_start3A_626 = tpu.memref_slice %arg6[%rem3A_89, %scan3A_102, %dma_start3A_615, %dma_start3A_625] : memref<2x8x26x32xf32, #tpu.memory_space<vmem>> -> memref<1x1x1x32xf32, #tpu.memory_space<vmem>>
        %dma_start3A_627 = tpu.memref_squeeze %dma_start3A_626 : memref<1x1x1x32xf32, #tpu.memory_space<vmem>> -> memref<32xf32, #tpu.memory_space<vmem>>
        %dma_start3A_628 = arith.constant 0 : i32
        %dma_start3A_629 = tpu.memref_slice %arg3[%add3A_614, %dma_start3A_628] : memref<2600000x32xf32, #tpu.memory_space<hbm>> -> memref<1x32xf32, #tpu.memory_space<hbm>>
        %dma_start3A_630 = tpu.memref_squeeze %dma_start3A_629 : memref<1x32xf32, #tpu.memory_space<hbm>> -> memref<32xf32, #tpu.memory_space<hbm>>
        tpu.enqueue_dma source(%dma_start3A_630 : memref<32xf32, #tpu.memory_space<hbm>>) target(%dma_start3A_627 : memref<32xf32, #tpu.memory_space<vmem>>) target_semaphore(%dma_start3A_624 : memref<!tpu.dma_semaphore, #tpu.memory_space<semaphore_mem>>)
      }
      %scan3A_96 = arith.constant 8 : i32
      %ge3A_97 = arith.constant 1 : i32
      %ge3A_98 = arith.cmpi sge, %scan3A_87, %ge3A_97 : i32
      %convert_element_type3A_99 = arith.extui %ge3A_98 : i1 to i32
      %cond3A_100 = arith.constant 0 : i32
      %cond3A_101 = arith.cmpi ne, %convert_element_type3A_99, %cond3A_100 : i32
      scf.if %cond3A_101 {
        %sub3A = arith.constant 1 : i32
        %sub3A_102 = arith.subi %scan3A_87, %sub3A : i32
        %sub3A_103 = arith.constant 1 : i32
        %sub3A_104 = arith.subi %sub3A_103, %rem3A_89 : i32
        %scan3A_105 = arith.constant 0 : i32
        %scan3A_106 = arith.constant 56 : i32
        %scan3A_107 = arith.addi %scan3A_105, %scan3A_106 : i32
        %scan3A_108 = arith.constant 8 : i32
        scf.for %scan3A_146 = %scan3A_105 to %scan3A_107 step %scan3A_108  : i32 {
          %dma_wait3A_147 = arith.constant 0 : i32
          %dma_wait3A_148 = arith.constant 0 : i32
          %dma_wait3A_149 = arith.constant 0 : i32
          %dma_wait3A_150 = arith.constant 0 : i32
          %dma_wait3A_151 = arith.constant 0 : i32
          %dma_wait3A_152 = tpu.memref_slice %arg6[%sub3A_104, %dma_wait3A_148, %dma_wait3A_149, %dma_wait3A_151] : memref<2x8x26x32xf32, #tpu.memory_space<vmem>> -> memref<1x1x1x32xf32, #tpu.memory_space<vmem>>
          %dma_wait3A_153 = tpu.memref_squeeze %dma_wait3A_152 : memref<1x1x1x32xf32, #tpu.memory_space<vmem>> -> memref<32xf32, #tpu.memory_space<vmem>>
          %dma_wait3A_154 = arith.constant 0 : i32
          %dma_wait3A_155 = tpu.memref_slice %arg3[%dma_wait3A_147, %dma_wait3A_154] : memref<2600000x32xf32, #tpu.memory_space<hbm>> -> memref<1x32xf32, #tpu.memory_space<hbm>>
          %dma_wait3A_156 = tpu.memref_squeeze %dma_wait3A_155 : memref<1x32xf32, #tpu.memory_space<hbm>> -> memref<32xf32, #tpu.memory_space<hbm>>
          %dma_wait3A_157 = tpu.memref_slice %arg7[%sub3A_104, %dma_wait3A_150] : memref<2x4x!tpu.dma_semaphore, #tpu.memory_space<semaphore_mem>> -> memref<1x1x!tpu.dma_semaphore, #tpu.memory_space<semaphore_mem>>
          %dma_wait3A_158 = tpu.memref_squeeze %dma_wait3A_157 : memref<1x1x!tpu.dma_semaphore, #tpu.memory_space<semaphore_mem>> -> memref<!tpu.dma_semaphore, #tpu.memory_space<semaphore_mem>>
          %dma_wait3A_159 = arith.constant 0 : i32
          %dma_wait3A_160 = tpu.memref_slice %arg6[%sub3A_104, %dma_wait3A_148, %dma_wait3A_149, %dma_wait3A_159] : memref<2x8x26x32xf32, #tpu.memory_space<vmem>> -> memref<1x1x1x32xf32, #tpu.memory_space<vmem>>
          %dma_wait3A_161 = tpu.memref_squeeze %dma_wait3A_160 : memref<1x1x1x32xf32, #tpu.memory_space<vmem>> -> memref<32xf32, #tpu.memory_space<vmem>>
          %dma_wait3A_162 = arith.constant 0 : i32
          %dma_wait3A_163 = tpu.memref_slice %arg3[%dma_wait3A_147, %dma_wait3A_162] : memref<2600000x32xf32, #tpu.memory_space<hbm>> -> memref<1x32xf32, #tpu.memory_space<hbm>>
          %dma_wait3A_164 = tpu.memref_squeeze %dma_wait3A_163 : memref<1x32xf32, #tpu.memory_space<hbm>> -> memref<32xf32, #tpu.memory_space<hbm>>
          tpu.wait_dma2 semaphore(%dma_wait3A_158 : memref<!tpu.dma_semaphore, #tpu.memory_space<semaphore_mem>>) src(%dma_wait3A_164 : memref<32xf32, #tpu.memory_space<hbm>>) dst(%dma_wait3A_161 : memref<32xf32, #tpu.memory_space<vmem>>)
          %scan3A_165 = arith.constant 1 : i32
          %scan3A_166 = arith.addi %scan3A_146, %scan3A_165 : i32
          %dma_wait3A_167 = arith.constant 0 : i32
          %dma_wait3A_168 = arith.constant 0 : i32
          %dma_wait3A_169 = arith.constant 0 : i32
          %dma_wait3A_170 = arith.constant 0 : i32
          %dma_wait3A_171 = arith.constant 0 : i32
          %dma_wait3A_172 = tpu.memref_slice %arg6[%sub3A_104, %dma_wait3A_168, %dma_wait3A_169, %dma_wait3A_171] : memref<2x8x26x32xf32, #tpu.memory_space<vmem>> -> memref<1x1x1x32xf32, #tpu.memory_space<vmem>>
          %dma_wait3A_173 = tpu.memref_squeeze %dma_wait3A_172 : memref<1x1x1x32xf32, #tpu.memory_space<vmem>> -> memref<32xf32, #tpu.memory_space<vmem>>
          %dma_wait3A_174 = arith.constant 0 : i32
          %dma_wait3A_175 = tpu.memref_slice %arg3[%dma_wait3A_167, %dma_wait3A_174] : memref<2600000x32xf32, #tpu.memory_space<hbm>> -> memref<1x32xf32, #tpu.memory_space<hbm>>
          %dma_wait3A_176 = tpu.memref_squeeze %dma_wait3A_175 : memref<1x32xf32, #tpu.memory_space<hbm>> -> memref<32xf32, #tpu.memory_space<hbm>>
          %dma_wait3A_177 = tpu.memref_slice %arg7[%sub3A_104, %dma_wait3A_170] : memref<2x4x!tpu.dma_semaphore, #tpu.memory_space<semaphore_mem>> -> memref<1x1x!tpu.dma_semaphore, #tpu.memory_space<semaphore_mem>>
          %dma_wait3A_178 = tpu.memref_squeeze %dma_wait3A_177 : memref<1x1x!tpu.dma_semaphore, #tpu.memory_space<semaphore_mem>> -> memref<!tpu.dma_semaphore, #tpu.memory_space<semaphore_mem>>
          %dma_wait3A_179 = arith.constant 0 : i32
          %dma_wait3A_180 = tpu.memref_slice %arg6[%sub3A_104, %dma_wait3A_168, %dma_wait3A_169, %dma_wait3A_179] : memref<2x8x26x32xf32, #tpu.memory_space<vmem>> -> memref<1x1x1x32xf32, #tpu.memory_space<vmem>>
          %dma_wait3A_181 = tpu.memref_squeeze %dma_wait3A_180 : memref<1x1x1x32xf32, #tpu.memory_space<vmem>> -> memref<32xf32, #tpu.memory_space<vmem>>
          %dma_wait3A_182 = arith.constant 0 : i32
          %dma_wait3A_183 = tpu.memref_slice %arg3[%dma_wait3A_167, %dma_wait3A_182] : memref<2600000x32xf32, #tpu.memory_space<hbm>> -> memref<1x32xf32, #tpu.memory_space<hbm>>
          %dma_wait3A_184 = tpu.memref_squeeze %dma_wait3A_183 : memref<1x32xf32, #tpu.memory_space<hbm>> -> memref<32xf32, #tpu.memory_space<hbm>>
          tpu.wait_dma2 semaphore(%dma_wait3A_178 : memref<!tpu.dma_semaphore, #tpu.memory_space<semaphore_mem>>) src(%dma_wait3A_184 : memref<32xf32, #tpu.memory_space<hbm>>) dst(%dma_wait3A_181 : memref<32xf32, #tpu.memory_space<vmem>>)
          %scan3A_185 = arith.constant 2 : i32
          %scan3A_186 = arith.addi %scan3A_146, %scan3A_185 : i32
          %dma_wait3A_187 = arith.constant 0 : i32
          %dma_wait3A_188 = arith.constant 0 : i32
          %dma_wait3A_189 = arith.constant 0 : i32
          %dma_wait3A_190 = arith.constant 0 : i32
          %dma_wait3A_191 = arith.constant 0 : i32
          %dma_wait3A_192 = tpu.memref_slice %arg6[%sub3A_104, %dma_wait3A_188, %dma_wait3A_189, %dma_wait3A_191] : memref<2x8x26x32xf32, #tpu.memory_space<vmem>> -> memref<1x1x1x32xf32, #tpu.memory_space<vmem>>
          %dma_wait3A_193 = tpu.memref_squeeze %dma_wait3A_192 : memref<1x1x1x32xf32, #tpu.memory_space<vmem>> -> memref<32xf32, #tpu.memory_space<vmem>>
          %dma_wait3A_194 = arith.constant 0 : i32
          %dma_wait3A_195 = tpu.memref_slice %arg3[%dma_wait3A_187, %dma_wait3A_194] : memref<2600000x32xf32, #tpu.memory_space<hbm>> -> memref<1x32xf32, #tpu.memory_space<hbm>>
          %dma_wait3A_196 = tpu.memref_squeeze %dma_wait3A_195 : memref<1x32xf32, #tpu.memory_space<hbm>> -> memref<32xf32, #tpu.memory_space<hbm>>
          %dma_wait3A_197 = tpu.memref_slice %arg7[%sub3A_104, %dma_wait3A_190] : memref<2x4x!tpu.dma_semaphore, #tpu.memory_space<semaphore_mem>> -> memref<1x1x!tpu.dma_semaphore, #tpu.memory_space<semaphore_mem>>
          %dma_wait3A_198 = tpu.memref_squeeze %dma_wait3A_197 : memref<1x1x!tpu.dma_semaphore, #tpu.memory_space<semaphore_mem>> -> memref<!tpu.dma_semaphore, #tpu.memory_space<semaphore_mem>>
          %dma_wait3A_199 = arith.constant 0 : i32
          %dma_wait3A_200 = tpu.memref_slice %arg6[%sub3A_104, %dma_wait3A_188, %dma_wait3A_189, %dma_wait3A_199] : memref<2x8x26x32xf32, #tpu.memory_space<vmem>> -> memref<1x1x1x32xf32, #tpu.memory_space<vmem>>
          %dma_wait3A_201 = tpu.memref_squeeze %dma_wait3A_200 : memref<1x1x1x32xf32, #tpu.memory_space<vmem>> -> memref<32xf32, #tpu.memory_space<vmem>>
          %dma_wait3A_202 = arith.constant 0 : i32
          %dma_wait3A_203 = tpu.memref_slice %arg3[%dma_wait3A_187, %dma_wait3A_202] : memref<2600000x32xf32, #tpu.memory_space<hbm>> -> memref<1x32xf32, #tpu.memory_space<hbm>>
          %dma_wait3A_204 = tpu.memref_squeeze %dma_wait3A_203 : memref<1x32xf32, #tpu.memory_space<hbm>> -> memref<32xf32, #tpu.memory_space<hbm>>
          tpu.wait_dma2 semaphore(%dma_wait3A_198 : memref<!tpu.dma_semaphore, #tpu.memory_space<semaphore_mem>>) src(%dma_wait3A_204 : memref<32xf32, #tpu.memory_space<hbm>>) dst(%dma_wait3A_201 : memref<32xf32, #tpu.memory_space<vmem>>)
          %scan3A_205 = arith.constant 3 : i32
          %scan3A_206 = arith.addi %scan3A_146, %scan3A_205 : i32
          %dma_wait3A_207 = arith.constant 0 : i32
          %dma_wait3A_208 = arith.constant 0 : i32
          %dma_wait3A_209 = arith.constant 0 : i32
          %dma_wait3A_210 = arith.constant 0 : i32
          %dma_wait3A_211 = arith.constant 0 : i32
          %dma_wait3A_212 = tpu.memref_slice %arg6[%sub3A_104, %dma_wait3A_208, %dma_wait3A_209, %dma_wait3A_211] : memref<2x8x26x32xf32, #tpu.memory_space<vmem>> -> memref<1x1x1x32xf32, #tpu.memory_space<vmem>>
          %dma_wait3A_213 = tpu.memref_squeeze %dma_wait3A_212 : memref<1x1x1x32xf32, #tpu.memory_space<vmem>> -> memref<32xf32, #tpu.memory_space<vmem>>
          %dma_wait3A_214 = arith.constant 0 : i32
          %dma_wait3A_215 = tpu.memref_slice %arg3[%dma_wait3A_207, %dma_wait3A_214] : memref<2600000x32xf32, #tpu.memory_space<hbm>> -> memref<1x32xf32, #tpu.memory_space<hbm>>
          %dma_wait3A_216 = tpu.memref_squeeze %dma_wait3A_215 : memref<1x32xf32, #tpu.memory_space<hbm>> -> memref<32xf32, #tpu.memory_space<hbm>>
          %dma_wait3A_217 = tpu.memref_slice %arg7[%sub3A_104, %dma_wait3A_210] : memref<2x4x!tpu.dma_semaphore, #tpu.memory_space<semaphore_mem>> -> memref<1x1x!tpu.dma_semaphore, #tpu.memory_space<semaphore_mem>>
          %dma_wait3A_218 = tpu.memref_squeeze %dma_wait3A_217 : memref<1x1x!tpu.dma_semaphore, #tpu.memory_space<semaphore_mem>> -> memref<!tpu.dma_semaphore, #tpu.memory_space<semaphore_mem>>
          %dma_wait3A_219 = arith.constant 0 : i32
          %dma_wait3A_220 = tpu.memref_slice %arg6[%sub3A_104, %dma_wait3A_208, %dma_wait3A_209, %dma_wait3A_219] : memref<2x8x26x32xf32, #tpu.memory_space<vmem>> -> memref<1x1x1x32xf32, #tpu.memory_space<vmem>>
          %dma_wait3A_221 = tpu.memref_squeeze %dma_wait3A_220 : memref<1x1x1x32xf32, #tpu.memory_space<vmem>> -> memref<32xf32, #tpu.memory_space<vmem>>
          %dma_wait3A_222 = arith.constant 0 : i32
          %dma_wait3A_223 = tpu.memref_slice %arg3[%dma_wait3A_207, %dma_wait3A_222] : memref<2600000x32xf32, #tpu.memory_space<hbm>> -> memref<1x32xf32, #tpu.memory_space<hbm>>
          %dma_wait3A_224 = tpu.memref_squeeze %dma_wait3A_223 : memref<1x32xf32, #tpu.memory_space<hbm>> -> memref<32xf32, #tpu.memory_space<hbm>>
          tpu.wait_dma2 semaphore(%dma_wait3A_218 : memref<!tpu.dma_semaphore, #tpu.memory_space<semaphore_mem>>) src(%dma_wait3A_224 : memref<32xf32, #tpu.memory_space<hbm>>) dst(%dma_wait3A_221 : memref<32xf32, #tpu.memory_space<vmem>>)
          %scan3A_225 = arith.constant 4 : i32
          %scan3A_226 = arith.addi %scan3A_146, %scan3A_225 : i32
          %dma_wait3A_227 = arith.constant 0 : i32
          %dma_wait3A_228 = arith.constant 0 : i32
          %dma_wait3A_229 = arith.constant 0 : i32
          %dma_wait3A_230 = arith.constant 0 : i32
          %dma_wait3A_231 = arith.constant 0 : i32
          %dma_wait3A_232 = tpu.memref_slice %arg6[%sub3A_104, %dma_wait3A_228, %dma_wait3A_229, %dma_wait3A_231] : memref<2x8x26x32xf32, #tpu.memory_space<vmem>> -> memref<1x1x1x32xf32, #tpu.memory_space<vmem>>
          %dma_wait3A_233 = tpu.memref_squeeze %dma_wait3A_232 : memref<1x1x1x32xf32, #tpu.memory_space<vmem>> -> memref<32xf32, #tpu.memory_space<vmem>>
          %dma_wait3A_234 = arith.constant 0 : i32
          %dma_wait3A_235 = tpu.memref_slice %arg3[%dma_wait3A_227, %dma_wait3A_234] : memref<2600000x32xf32, #tpu.memory_space<hbm>> -> memref<1x32xf32, #tpu.memory_space<hbm>>
          %dma_wait3A_236 = tpu.memref_squeeze %dma_wait3A_235 : memref<1x32xf32, #tpu.memory_space<hbm>> -> memref<32xf32, #tpu.memory_space<hbm>>
          %dma_wait3A_237 = tpu.memref_slice %arg7[%sub3A_104, %dma_wait3A_230] : memref<2x4x!tpu.dma_semaphore, #tpu.memory_space<semaphore_mem>> -> memref<1x1x!tpu.dma_semaphore, #tpu.memory_space<semaphore_mem>>
          %dma_wait3A_238 = tpu.memref_squeeze %dma_wait3A_237 : memref<1x1x!tpu.dma_semaphore, #tpu.memory_space<semaphore_mem>> -> memref<!tpu.dma_semaphore, #tpu.memory_space<semaphore_mem>>
          %dma_wait3A_239 = arith.constant 0 : i32
          %dma_wait3A_240 = tpu.memref_slice %arg6[%sub3A_104, %dma_wait3A_228, %dma_wait3A_229, %dma_wait3A_239] : memref<2x8x26x32xf32, #tpu.memory_space<vmem>> -> memref<1x1x1x32xf32, #tpu.memory_space<vmem>>
          %dma_wait3A_241 = tpu.memref_squeeze %dma_wait3A_240 : memref<1x1x1x32xf32, #tpu.memory_space<vmem>> -> memref<32xf32, #tpu.memory_space<vmem>>
          %dma_wait3A_242 = arith.constant 0 : i32
          %dma_wait3A_243 = tpu.memref_slice %arg3[%dma_wait3A_227, %dma_wait3A_242] : memref<2600000x32xf32, #tpu.memory_space<hbm>> -> memref<1x32xf32, #tpu.memory_space<hbm>>
          %dma_wait3A_244 = tpu.memref_squeeze %dma_wait3A_243 : memref<1x32xf32, #tpu.memory_space<hbm>> -> memref<32xf32, #tpu.memory_space<hbm>>
          tpu.wait_dma2 semaphore(%dma_wait3A_238 : memref<!tpu.dma_semaphore, #tpu.memory_space<semaphore_mem>>) src(%dma_wait3A_244 : memref<32xf32, #tpu.memory_space<hbm>>) dst(%dma_wait3A_241 : memref<32xf32, #tpu.memory_space<vmem>>)
          %scan3A_245 = arith.constant 5 : i32
          %scan3A_246 = arith.addi %scan3A_146, %scan3A_245 : i32
          %dma_wait3A_247 = arith.constant 0 : i32
          %dma_wait3A_248 = arith.constant 0 : i32
          %dma_wait3A_249 = arith.constant 0 : i32
          %dma_wait3A_250 = arith.constant 0 : i32
          %dma_wait3A_251 = arith.constant 0 : i32
          %dma_wait3A_252 = tpu.memref_slice %arg6[%sub3A_104, %dma_wait3A_248, %dma_wait3A_249, %dma_wait3A_251] : memref<2x8x26x32xf32, #tpu.memory_space<vmem>> -> memref<1x1x1x32xf32, #tpu.memory_space<vmem>>
          %dma_wait3A_253 = tpu.memref_squeeze %dma_wait3A_252 : memref<1x1x1x32xf32, #tpu.memory_space<vmem>> -> memref<32xf32, #tpu.memory_space<vmem>>
          %dma_wait3A_254 = arith.constant 0 : i32
          %dma_wait3A_255 = tpu.memref_slice %arg3[%dma_wait3A_247, %dma_wait3A_254] : memref<2600000x32xf32, #tpu.memory_space<hbm>> -> memref<1x32xf32, #tpu.memory_space<hbm>>
          %dma_wait3A_256 = tpu.memref_squeeze %dma_wait3A_255 : memref<1x32xf32, #tpu.memory_space<hbm>> -> memref<32xf32, #tpu.memory_space<hbm>>
          %dma_wait3A_257 = tpu.memref_slice %arg7[%sub3A_104, %dma_wait3A_250] : memref<2x4x!tpu.dma_semaphore, #tpu.memory_space<semaphore_mem>> -> memref<1x1x!tpu.dma_semaphore, #tpu.memory_space<semaphore_mem>>
          %dma_wait3A_258 = tpu.memref_squeeze %dma_wait3A_257 : memref<1x1x!tpu.dma_semaphore, #tpu.memory_space<semaphore_mem>> -> memref<!tpu.dma_semaphore, #tpu.memory_space<semaphore_mem>>
          %dma_wait3A_259 = arith.constant 0 : i32
          %dma_wait3A_260 = tpu.memref_slice %arg6[%sub3A_104, %dma_wait3A_248, %dma_wait3A_249, %dma_wait3A_259] : memref<2x8x26x32xf32, #tpu.memory_space<vmem>> -> memref<1x1x1x32xf32, #tpu.memory_space<vmem>>
          %dma_wait3A_261 = tpu.memref_squeeze %dma_wait3A_260 : memref<1x1x1x32xf32, #tpu.memory_space<vmem>> -> memref<32xf32, #tpu.memory_space<vmem>>
          %dma_wait3A_262 = arith.constant 0 : i32
          %dma_wait3A_263 = tpu.memref_slice %arg3[%dma_wait3A_247, %dma_wait3A_262] : memref<2600000x32xf32, #tpu.memory_space<hbm>> -> memref<1x32xf32, #tpu.memory_space<hbm>>
          %dma_wait3A_264 = tpu.memref_squeeze %dma_wait3A_263 : memref<1x32xf32, #tpu.memory_space<hbm>> -> memref<32xf32, #tpu.memory_space<hbm>>
          tpu.wait_dma2 semaphore(%dma_wait3A_258 : memref<!tpu.dma_semaphore, #tpu.memory_space<semaphore_mem>>) src(%dma_wait3A_264 : memref<32xf32, #tpu.memory_space<hbm>>) dst(%dma_wait3A_261 : memref<32xf32, #tpu.memory_space<vmem>>)
          %scan3A_265 = arith.constant 6 : i32
          %scan3A_266 = arith.addi %scan3A_146, %scan3A_265 : i32
          %dma_wait3A_267 = arith.constant 0 : i32
          %dma_wait3A_268 = arith.constant 0 : i32
          %dma_wait3A_269 = arith.constant 0 : i32
          %dma_wait3A_270 = arith.constant 0 : i32
          %dma_wait3A_271 = arith.constant 0 : i32
          %dma_wait3A_272 = tpu.memref_slice %arg6[%sub3A_104, %dma_wait3A_268, %dma_wait3A_269, %dma_wait3A_271] : memref<2x8x26x32xf32, #tpu.memory_space<vmem>> -> memref<1x1x1x32xf32, #tpu.memory_space<vmem>>
          %dma_wait3A_273 = tpu.memref_squeeze %dma_wait3A_272 : memref<1x1x1x32xf32, #tpu.memory_space<vmem>> -> memref<32xf32, #tpu.memory_space<vmem>>
          %dma_wait3A_274 = arith.constant 0 : i32
          %dma_wait3A_275 = tpu.memref_slice %arg3[%dma_wait3A_267, %dma_wait3A_274] : memref<2600000x32xf32, #tpu.memory_space<hbm>> -> memref<1x32xf32, #tpu.memory_space<hbm>>
          %dma_wait3A_276 = tpu.memref_squeeze %dma_wait3A_275 : memref<1x32xf32, #tpu.memory_space<hbm>> -> memref<32xf32, #tpu.memory_space<hbm>>
          %dma_wait3A_277 = tpu.memref_slice %arg7[%sub3A_104, %dma_wait3A_270] : memref<2x4x!tpu.dma_semaphore, #tpu.memory_space<semaphore_mem>> -> memref<1x1x!tpu.dma_semaphore, #tpu.memory_space<semaphore_mem>>
          %dma_wait3A_278 = tpu.memref_squeeze %dma_wait3A_277 : memref<1x1x!tpu.dma_semaphore, #tpu.memory_space<semaphore_mem>> -> memref<!tpu.dma_semaphore, #tpu.memory_space<semaphore_mem>>
          %dma_wait3A_279 = arith.constant 0 : i32
          %dma_wait3A_280 = tpu.memref_slice %arg6[%sub3A_104, %dma_wait3A_268, %dma_wait3A_269, %dma_wait3A_279] : memref<2x8x26x32xf32, #tpu.memory_space<vmem>> -> memref<1x1x1x32xf32, #tpu.memory_space<vmem>>
          %dma_wait3A_281 = tpu.memref_squeeze %dma_wait3A_280 : memref<1x1x1x32xf32, #tpu.memory_space<vmem>> -> memref<32xf32, #tpu.memory_space<vmem>>
          %dma_wait3A_282 = arith.constant 0 : i32
          %dma_wait3A_283 = tpu.memref_slice %arg3[%dma_wait3A_267, %dma_wait3A_282] : memref<2600000x32xf32, #tpu.memory_space<hbm>> -> memref<1x32xf32, #tpu.memory_space<hbm>>
          %dma_wait3A_284 = tpu.memref_squeeze %dma_wait3A_283 : memref<1x32xf32, #tpu.memory_space<hbm>> -> memref<32xf32, #tpu.memory_space<hbm>>
          tpu.wait_dma2 semaphore(%dma_wait3A_278 : memref<!tpu.dma_semaphore, #tpu.memory_space<semaphore_mem>>) src(%dma_wait3A_284 : memref<32xf32, #tpu.memory_space<hbm>>) dst(%dma_wait3A_281 : memref<32xf32, #tpu.memory_space<vmem>>)
          %scan3A_285 = arith.constant 7 : i32
          %scan3A_286 = arith.addi %scan3A_146, %scan3A_285 : i32
          %dma_wait3A_287 = arith.constant 0 : i32
          %dma_wait3A_288 = arith.constant 0 : i32
          %dma_wait3A_289 = arith.constant 0 : i32
          %dma_wait3A_290 = arith.constant 0 : i32
          %dma_wait3A_291 = arith.constant 0 : i32
          %dma_wait3A_292 = tpu.memref_slice %arg6[%sub3A_104, %dma_wait3A_288, %dma_wait3A_289, %dma_wait3A_291] : memref<2x8x26x32xf32, #tpu.memory_space<vmem>> -> memref<1x1x1x32xf32, #tpu.memory_space<vmem>>
          %dma_wait3A_293 = tpu.memref_squeeze %dma_wait3A_292 : memref<1x1x1x32xf32, #tpu.memory_space<vmem>> -> memref<32xf32, #tpu.memory_space<vmem>>
          %dma_wait3A_294 = arith.constant 0 : i32
          %dma_wait3A_295 = tpu.memref_slice %arg3[%dma_wait3A_287, %dma_wait3A_294] : memref<2600000x32xf32, #tpu.memory_space<hbm>> -> memref<1x32xf32, #tpu.memory_space<hbm>>
          %dma_wait3A_296 = tpu.memref_squeeze %dma_wait3A_295 : memref<1x32xf32, #tpu.memory_space<hbm>> -> memref<32xf32, #tpu.memory_space<hbm>>
          %dma_wait3A_297 = tpu.memref_slice %arg7[%sub3A_104, %dma_wait3A_290] : memref<2x4x!tpu.dma_semaphore, #tpu.memory_space<semaphore_mem>> -> memref<1x1x!tpu.dma_semaphore, #tpu.memory_space<semaphore_mem>>
          %dma_wait3A_298 = tpu.memref_squeeze %dma_wait3A_297 : memref<1x1x!tpu.dma_semaphore, #tpu.memory_space<semaphore_mem>> -> memref<!tpu.dma_semaphore, #tpu.memory_space<semaphore_mem>>
          %dma_wait3A_299 = arith.constant 0 : i32
          %dma_wait3A_300 = tpu.memref_slice %arg6[%sub3A_104, %dma_wait3A_288, %dma_wait3A_289, %dma_wait3A_299] : memref<2x8x26x32xf32, #tpu.memory_space<vmem>> -> memref<1x1x1x32xf32, #tpu.memory_space<vmem>>
          %dma_wait3A_301 = tpu.memref_squeeze %dma_wait3A_300 : memref<1x1x1x32xf32, #tpu.memory_space<vmem>> -> memref<32xf32, #tpu.memory_space<vmem>>
          %dma_wait3A_302 = arith.constant 0 : i32
          %dma_wait3A_303 = tpu.memref_slice %arg3[%dma_wait3A_287, %dma_wait3A_302] : memref<2600000x32xf32, #tpu.memory_space<hbm>> -> memref<1x32xf32, #tpu.memory_space<hbm>>
          %dma_wait3A_304 = tpu.memref_squeeze %dma_wait3A_303 : memref<1x32xf32, #tpu.memory_space<hbm>> -> memref<32xf32, #tpu.memory_space<hbm>>
          tpu.wait_dma2 semaphore(%dma_wait3A_298 : memref<!tpu.dma_semaphore, #tpu.memory_space<semaphore_mem>>) src(%dma_wait3A_304 : memref<32xf32, #tpu.memory_space<hbm>>) dst(%dma_wait3A_301 : memref<32xf32, #tpu.memory_space<vmem>>)
        }
        %scan3A_109 = arith.constant 56 : i32
        %scan3A_110 = arith.constant 0 : i32
        %scan3A_111 = arith.constant 56 : i32
        %scan3A_112 = arith.addi %scan3A_110, %scan3A_111 : i32
        %scan3A_113 = arith.constant 8 : i32
        scf.for %scan3A_146 = %scan3A_110 to %scan3A_112 step %scan3A_113  : i32 {
          %dma_wait3A_147 = arith.constant 0 : i32
          %dma_wait3A_148 = arith.constant 0 : i32
          %dma_wait3A_149 = arith.constant 0 : i32
          %dma_wait3A_150 = arith.constant 1 : i32
          %dma_wait3A_151 = arith.constant 0 : i32
          %dma_wait3A_152 = tpu.memref_slice %arg6[%sub3A_104, %dma_wait3A_148, %dma_wait3A_149, %dma_wait3A_151] : memref<2x8x26x32xf32, #tpu.memory_space<vmem>> -> memref<1x1x1x32xf32, #tpu.memory_space<vmem>>
          %dma_wait3A_153 = tpu.memref_squeeze %dma_wait3A_152 : memref<1x1x1x32xf32, #tpu.memory_space<vmem>> -> memref<32xf32, #tpu.memory_space<vmem>>
          %dma_wait3A_154 = arith.constant 0 : i32
          %dma_wait3A_155 = tpu.memref_slice %arg3[%dma_wait3A_147, %dma_wait3A_154] : memref<2600000x32xf32, #tpu.memory_space<hbm>> -> memref<1x32xf32, #tpu.memory_space<hbm>>
          %dma_wait3A_156 = tpu.memref_squeeze %dma_wait3A_155 : memref<1x32xf32, #tpu.memory_space<hbm>> -> memref<32xf32, #tpu.memory_space<hbm>>
          %dma_wait3A_157 = tpu.memref_slice %arg7[%sub3A_104, %dma_wait3A_150] : memref<2x4x!tpu.dma_semaphore, #tpu.memory_space<semaphore_mem>> -> memref<1x1x!tpu.dma_semaphore, #tpu.memory_space<semaphore_mem>>
          %dma_wait3A_158 = tpu.memref_squeeze %dma_wait3A_157 : memref<1x1x!tpu.dma_semaphore, #tpu.memory_space<semaphore_mem>> -> memref<!tpu.dma_semaphore, #tpu.memory_space<semaphore_mem>>
          %dma_wait3A_159 = arith.constant 0 : i32
          %dma_wait3A_160 = tpu.memref_slice %arg6[%sub3A_104, %dma_wait3A_148, %dma_wait3A_149, %dma_wait3A_159] : memref<2x8x26x32xf32, #tpu.memory_space<vmem>> -> memref<1x1x1x32xf32, #tpu.memory_space<vmem>>
          %dma_wait3A_161 = tpu.memref_squeeze %dma_wait3A_160 : memref<1x1x1x32xf32, #tpu.memory_space<vmem>> -> memref<32xf32, #tpu.memory_space<vmem>>
          %dma_wait3A_162 = arith.constant 0 : i32
          %dma_wait3A_163 = tpu.memref_slice %arg3[%dma_wait3A_147, %dma_wait3A_162] : memref<2600000x32xf32, #tpu.memory_space<hbm>> -> memref<1x32xf32, #tpu.memory_space<hbm>>
          %dma_wait3A_164 = tpu.memref_squeeze %dma_wait3A_163 : memref<1x32xf32, #tpu.memory_space<hbm>> -> memref<32xf32, #tpu.memory_space<hbm>>
          tpu.wait_dma2 semaphore(%dma_wait3A_158 : memref<!tpu.dma_semaphore, #tpu.memory_space<semaphore_mem>>) src(%dma_wait3A_164 : memref<32xf32, #tpu.memory_space<hbm>>) dst(%dma_wait3A_161 : memref<32xf32, #tpu.memory_space<vmem>>)
          %scan3A_165 = arith.constant 1 : i32
          %scan3A_166 = arith.addi %scan3A_146, %scan3A_165 : i32
          %dma_wait3A_167 = arith.constant 0 : i32
          %dma_wait3A_168 = arith.constant 0 : i32
          %dma_wait3A_169 = arith.constant 0 : i32
          %dma_wait3A_170 = arith.constant 1 : i32
          %dma_wait3A_171 = arith.constant 0 : i32
          %dma_wait3A_172 = tpu.memref_slice %arg6[%sub3A_104, %dma_wait3A_168, %dma_wait3A_169, %dma_wait3A_171] : memref<2x8x26x32xf32, #tpu.memory_space<vmem>> -> memref<1x1x1x32xf32, #tpu.memory_space<vmem>>
          %dma_wait3A_173 = tpu.memref_squeeze %dma_wait3A_172 : memref<1x1x1x32xf32, #tpu.memory_space<vmem>> -> memref<32xf32, #tpu.memory_space<vmem>>
          %dma_wait3A_174 = arith.constant 0 : i32
          %dma_wait3A_175 = tpu.memref_slice %arg3[%dma_wait3A_167, %dma_wait3A_174] : memref<2600000x32xf32, #tpu.memory_space<hbm>> -> memref<1x32xf32, #tpu.memory_space<hbm>>
          %dma_wait3A_176 = tpu.memref_squeeze %dma_wait3A_175 : memref<1x32xf32, #tpu.memory_space<hbm>> -> memref<32xf32, #tpu.memory_space<hbm>>
          %dma_wait3A_177 = tpu.memref_slice %arg7[%sub3A_104, %dma_wait3A_170] : memref<2x4x!tpu.dma_semaphore, #tpu.memory_space<semaphore_mem>> -> memref<1x1x!tpu.dma_semaphore, #tpu.memory_space<semaphore_mem>>
          %dma_wait3A_178 = tpu.memref_squeeze %dma_wait3A_177 : memref<1x1x!tpu.dma_semaphore, #tpu.memory_space<semaphore_mem>> -> memref<!tpu.dma_semaphore, #tpu.memory_space<semaphore_mem>>
          %dma_wait3A_179 = arith.constant 0 : i32
          %dma_wait3A_180 = tpu.memref_slice %arg6[%sub3A_104, %dma_wait3A_168, %dma_wait3A_169, %dma_wait3A_179] : memref<2x8x26x32xf32, #tpu.memory_space<vmem>> -> memref<1x1x1x32xf32, #tpu.memory_space<vmem>>
          %dma_wait3A_181 = tpu.memref_squeeze %dma_wait3A_180 : memref<1x1x1x32xf32, #tpu.memory_space<vmem>> -> memref<32xf32, #tpu.memory_space<vmem>>
          %dma_wait3A_182 = arith.constant 0 : i32
          %dma_wait3A_183 = tpu.memref_slice %arg3[%dma_wait3A_167, %dma_wait3A_182] : memref<2600000x32xf32, #tpu.memory_space<hbm>> -> memref<1x32xf32, #tpu.memory_space<hbm>>
          %dma_wait3A_184 = tpu.memref_squeeze %dma_wait3A_183 : memref<1x32xf32, #tpu.memory_space<hbm>> -> memref<32xf32, #tpu.memory_space<hbm>>
          tpu.wait_dma2 semaphore(%dma_wait3A_178 : memref<!tpu.dma_semaphore, #tpu.memory_space<semaphore_mem>>) src(%dma_wait3A_184 : memref<32xf32, #tpu.memory_space<hbm>>) dst(%dma_wait3A_181 : memref<32xf32, #tpu.memory_space<vmem>>)
          %scan3A_185 = arith.constant 2 : i32
          %scan3A_186 = arith.addi %scan3A_146, %scan3A_185 : i32
          %dma_wait3A_187 = arith.constant 0 : i32
          %dma_wait3A_188 = arith.constant 0 : i32
          %dma_wait3A_189 = arith.constant 0 : i32
          %dma_wait3A_190 = arith.constant 1 : i32
          %dma_wait3A_191 = arith.constant 0 : i32
          %dma_wait3A_192 = tpu.memref_slice %arg6[%sub3A_104, %dma_wait3A_188, %dma_wait3A_189, %dma_wait3A_191] : memref<2x8x26x32xf32, #tpu.memory_space<vmem>> -> memref<1x1x1x32xf32, #tpu.memory_space<vmem>>
          %dma_wait3A_193 = tpu.memref_squeeze %dma_wait3A_192 : memref<1x1x1x32xf32, #tpu.memory_space<vmem>> -> memref<32xf32, #tpu.memory_space<vmem>>
          %dma_wait3A_194 = arith.constant 0 : i32
          %dma_wait3A_195 = tpu.memref_slice %arg3[%dma_wait3A_187, %dma_wait3A_194] : memref<2600000x32xf32, #tpu.memory_space<hbm>> -> memref<1x32xf32, #tpu.memory_space<hbm>>
          %dma_wait3A_196 = tpu.memref_squeeze %dma_wait3A_195 : memref<1x32xf32, #tpu.memory_space<hbm>> -> memref<32xf32, #tpu.memory_space<hbm>>
          %dma_wait3A_197 = tpu.memref_slice %arg7[%sub3A_104, %dma_wait3A_190] : memref<2x4x!tpu.dma_semaphore, #tpu.memory_space<semaphore_mem>> -> memref<1x1x!tpu.dma_semaphore, #tpu.memory_space<semaphore_mem>>
          %dma_wait3A_198 = tpu.memref_squeeze %dma_wait3A_197 : memref<1x1x!tpu.dma_semaphore, #tpu.memory_space<semaphore_mem>> -> memref<!tpu.dma_semaphore, #tpu.memory_space<semaphore_mem>>
          %dma_wait3A_199 = arith.constant 0 : i32
          %dma_wait3A_200 = tpu.memref_slice %arg6[%sub3A_104, %dma_wait3A_188, %dma_wait3A_189, %dma_wait3A_199] : memref<2x8x26x32xf32, #tpu.memory_space<vmem>> -> memref<1x1x1x32xf32, #tpu.memory_space<vmem>>
          %dma_wait3A_201 = tpu.memref_squeeze %dma_wait3A_200 : memref<1x1x1x32xf32, #tpu.memory_space<vmem>> -> memref<32xf32, #tpu.memory_space<vmem>>
          %dma_wait3A_202 = arith.constant 0 : i32
          %dma_wait3A_203 = tpu.memref_slice %arg3[%dma_wait3A_187, %dma_wait3A_202] : memref<2600000x32xf32, #tpu.memory_space<hbm>> -> memref<1x32xf32, #tpu.memory_space<hbm>>
          %dma_wait3A_204 = tpu.memref_squeeze %dma_wait3A_203 : memref<1x32xf32, #tpu.memory_space<hbm>> -> memref<32xf32, #tpu.memory_space<hbm>>
          tpu.wait_dma2 semaphore(%dma_wait3A_198 : memref<!tpu.dma_semaphore, #tpu.memory_space<semaphore_mem>>) src(%dma_wait3A_204 : memref<32xf32, #tpu.memory_space<hbm>>) dst(%dma_wait3A_201 : memref<32xf32, #tpu.memory_space<vmem>>)
          %scan3A_205 = arith.constant 3 : i32
          %scan3A_206 = arith.addi %scan3A_146, %scan3A_205 : i32
          %dma_wait3A_207 = arith.constant 0 : i32
          %dma_wait3A_208 = arith.constant 0 : i32
          %dma_wait3A_209 = arith.constant 0 : i32
          %dma_wait3A_210 = arith.constant 1 : i32
          %dma_wait3A_211 = arith.constant 0 : i32
          %dma_wait3A_212 = tpu.memref_slice %arg6[%sub3A_104, %dma_wait3A_208, %dma_wait3A_209, %dma_wait3A_211] : memref<2x8x26x32xf32, #tpu.memory_space<vmem>> -> memref<1x1x1x32xf32, #tpu.memory_space<vmem>>
          %dma_wait3A_213 = tpu.memref_squeeze %dma_wait3A_212 : memref<1x1x1x32xf32, #tpu.memory_space<vmem>> -> memref<32xf32, #tpu.memory_space<vmem>>
          %dma_wait3A_214 = arith.constant 0 : i32
          %dma_wait3A_215 = tpu.memref_slice %arg3[%dma_wait3A_207, %dma_wait3A_214] : memref<2600000x32xf32, #tpu.memory_space<hbm>> -> memref<1x32xf32, #tpu.memory_space<hbm>>
          %dma_wait3A_216 = tpu.memref_squeeze %dma_wait3A_215 : memref<1x32xf32, #tpu.memory_space<hbm>> -> memref<32xf32, #tpu.memory_space<hbm>>
          %dma_wait3A_217 = tpu.memref_slice %arg7[%sub3A_104, %dma_wait3A_210] : memref<2x4x!tpu.dma_semaphore, #tpu.memory_space<semaphore_mem>> -> memref<1x1x!tpu.dma_semaphore, #tpu.memory_space<semaphore_mem>>
          %dma_wait3A_218 = tpu.memref_squeeze %dma_wait3A_217 : memref<1x1x!tpu.dma_semaphore, #tpu.memory_space<semaphore_mem>> -> memref<!tpu.dma_semaphore, #tpu.memory_space<semaphore_mem>>
          %dma_wait3A_219 = arith.constant 0 : i32
          %dma_wait3A_220 = tpu.memref_slice %arg6[%sub3A_104, %dma_wait3A_208, %dma_wait3A_209, %dma_wait3A_219] : memref<2x8x26x32xf32, #tpu.memory_space<vmem>> -> memref<1x1x1x32xf32, #tpu.memory_space<vmem>>
          %dma_wait3A_221 = tpu.memref_squeeze %dma_wait3A_220 : memref<1x1x1x32xf32, #tpu.memory_space<vmem>> -> memref<32xf32, #tpu.memory_space<vmem>>
          %dma_wait3A_222 = arith.constant 0 : i32
          %dma_wait3A_223 = tpu.memref_slice %arg3[%dma_wait3A_207, %dma_wait3A_222] : memref<2600000x32xf32, #tpu.memory_space<hbm>> -> memref<1x32xf32, #tpu.memory_space<hbm>>
          %dma_wait3A_224 = tpu.memref_squeeze %dma_wait3A_223 : memref<1x32xf32, #tpu.memory_space<hbm>> -> memref<32xf32, #tpu.memory_space<hbm>>
          tpu.wait_dma2 semaphore(%dma_wait3A_218 : memref<!tpu.dma_semaphore, #tpu.memory_space<semaphore_mem>>) src(%dma_wait3A_224 : memref<32xf32, #tpu.memory_space<hbm>>) dst(%dma_wait3A_221 : memref<32xf32, #tpu.memory_space<vmem>>)
          %scan3A_225 = arith.constant 4 : i32
          %scan3A_226 = arith.addi %scan3A_146, %scan3A_225 : i32
          %dma_wait3A_227 = arith.constant 0 : i32
          %dma_wait3A_228 = arith.constant 0 : i32
          %dma_wait3A_229 = arith.constant 0 : i32
          %dma_wait3A_230 = arith.constant 1 : i32
          %dma_wait3A_231 = arith.constant 0 : i32
          %dma_wait3A_232 = tpu.memref_slice %arg6[%sub3A_104, %dma_wait3A_228, %dma_wait3A_229, %dma_wait3A_231] : memref<2x8x26x32xf32, #tpu.memory_space<vmem>> -> memref<1x1x1x32xf32, #tpu.memory_space<vmem>>
          %dma_wait3A_233 = tpu.memref_squeeze %dma_wait3A_232 : memref<1x1x1x32xf32, #tpu.memory_space<vmem>> -> memref<32xf32, #tpu.memory_space<vmem>>
          %dma_wait3A_234 = arith.constant 0 : i32
          %dma_wait3A_235 = tpu.memref_slice %arg3[%dma_wait3A_227, %dma_wait3A_234] : memref<2600000x32xf32, #tpu.memory_space<hbm>> -> memref<1x32xf32, #tpu.memory_space<hbm>>
          %dma_wait3A_236 = tpu.memref_squeeze %dma_wait3A_235 : memref<1x32xf32, #tpu.memory_space<hbm>> -> memref<32xf32, #tpu.memory_space<hbm>>
          %dma_wait3A_237 = tpu.memref_slice %arg7[%sub3A_104, %dma_wait3A_230] : memref<2x4x!tpu.dma_semaphore, #tpu.memory_space<semaphore_mem>> -> memref<1x1x!tpu.dma_semaphore, #tpu.memory_space<semaphore_mem>>
          %dma_wait3A_238 = tpu.memref_squeeze %dma_wait3A_237 : memref<1x1x!tpu.dma_semaphore, #tpu.memory_space<semaphore_mem>> -> memref<!tpu.dma_semaphore, #tpu.memory_space<semaphore_mem>>
          %dma_wait3A_239 = arith.constant 0 : i32
          %dma_wait3A_240 = tpu.memref_slice %arg6[%sub3A_104, %dma_wait3A_228, %dma_wait3A_229, %dma_wait3A_239] : memref<2x8x26x32xf32, #tpu.memory_space<vmem>> -> memref<1x1x1x32xf32, #tpu.memory_space<vmem>>
          %dma_wait3A_241 = tpu.memref_squeeze %dma_wait3A_240 : memref<1x1x1x32xf32, #tpu.memory_space<vmem>> -> memref<32xf32, #tpu.memory_space<vmem>>
          %dma_wait3A_242 = arith.constant 0 : i32
          %dma_wait3A_243 = tpu.memref_slice %arg3[%dma_wait3A_227, %dma_wait3A_242] : memref<2600000x32xf32, #tpu.memory_space<hbm>> -> memref<1x32xf32, #tpu.memory_space<hbm>>
          %dma_wait3A_244 = tpu.memref_squeeze %dma_wait3A_243 : memref<1x32xf32, #tpu.memory_space<hbm>> -> memref<32xf32, #tpu.memory_space<hbm>>
          tpu.wait_dma2 semaphore(%dma_wait3A_238 : memref<!tpu.dma_semaphore, #tpu.memory_space<semaphore_mem>>) src(%dma_wait3A_244 : memref<32xf32, #tpu.memory_space<hbm>>) dst(%dma_wait3A_241 : memref<32xf32, #tpu.memory_space<vmem>>)
          %scan3A_245 = arith.constant 5 : i32
          %scan3A_246 = arith.addi %scan3A_146, %scan3A_245 : i32
          %dma_wait3A_247 = arith.constant 0 : i32
          %dma_wait3A_248 = arith.constant 0 : i32
          %dma_wait3A_249 = arith.constant 0 : i32
          %dma_wait3A_250 = arith.constant 1 : i32
          %dma_wait3A_251 = arith.constant 0 : i32
          %dma_wait3A_252 = tpu.memref_slice %arg6[%sub3A_104, %dma_wait3A_248, %dma_wait3A_249, %dma_wait3A_251] : memref<2x8x26x32xf32, #tpu.memory_space<vmem>> -> memref<1x1x1x32xf32, #tpu.memory_space<vmem>>
          %dma_wait3A_253 = tpu.memref_squeeze %dma_wait3A_252 : memref<1x1x1x32xf32, #tpu.memory_space<vmem>> -> memref<32xf32, #tpu.memory_space<vmem>>
          %dma_wait3A_254 = arith.constant 0 : i32
          %dma_wait3A_255 = tpu.memref_slice %arg3[%dma_wait3A_247, %dma_wait3A_254] : memref<2600000x32xf32, #tpu.memory_space<hbm>> -> memref<1x32xf32, #tpu.memory_space<hbm>>
          %dma_wait3A_256 = tpu.memref_squeeze %dma_wait3A_255 : memref<1x32xf32, #tpu.memory_space<hbm>> -> memref<32xf32, #tpu.memory_space<hbm>>
          %dma_wait3A_257 = tpu.memref_slice %arg7[%sub3A_104, %dma_wait3A_250] : memref<2x4x!tpu.dma_semaphore, #tpu.memory_space<semaphore_mem>> -> memref<1x1x!tpu.dma_semaphore, #tpu.memory_space<semaphore_mem>>
          %dma_wait3A_258 = tpu.memref_squeeze %dma_wait3A_257 : memref<1x1x!tpu.dma_semaphore, #tpu.memory_space<semaphore_mem>> -> memref<!tpu.dma_semaphore, #tpu.memory_space<semaphore_mem>>
          %dma_wait3A_259 = arith.constant 0 : i32
          %dma_wait3A_260 = tpu.memref_slice %arg6[%sub3A_104, %dma_wait3A_248, %dma_wait3A_249, %dma_wait3A_259] : memref<2x8x26x32xf32, #tpu.memory_space<vmem>> -> memref<1x1x1x32xf32, #tpu.memory_space<vmem>>
          %dma_wait3A_261 = tpu.memref_squeeze %dma_wait3A_260 : memref<1x1x1x32xf32, #tpu.memory_space<vmem>> -> memref<32xf32, #tpu.memory_space<vmem>>
          %dma_wait3A_262 = arith.constant 0 : i32
          %dma_wait3A_263 = tpu.memref_slice %arg3[%dma_wait3A_247, %dma_wait3A_262] : memref<2600000x32xf32, #tpu.memory_space<hbm>> -> memref<1x32xf32, #tpu.memory_space<hbm>>
          %dma_wait3A_264 = tpu.memref_squeeze %dma_wait3A_263 : memref<1x32xf32, #tpu.memory_space<hbm>> -> memref<32xf32, #tpu.memory_space<hbm>>
          tpu.wait_dma2 semaphore(%dma_wait3A_258 : memref<!tpu.dma_semaphore, #tpu.memory_space<semaphore_mem>>) src(%dma_wait3A_264 : memref<32xf32, #tpu.memory_space<hbm>>) dst(%dma_wait3A_261 : memref<32xf32, #tpu.memory_space<vmem>>)
          %scan3A_265 = arith.constant 6 : i32
          %scan3A_266 = arith.addi %scan3A_146, %scan3A_265 : i32
          %dma_wait3A_267 = arith.constant 0 : i32
          %dma_wait3A_268 = arith.constant 0 : i32
          %dma_wait3A_269 = arith.constant 0 : i32
          %dma_wait3A_270 = arith.constant 1 : i32
          %dma_wait3A_271 = arith.constant 0 : i32
          %dma_wait3A_272 = tpu.memref_slice %arg6[%sub3A_104, %dma_wait3A_268, %dma_wait3A_269, %dma_wait3A_271] : memref<2x8x26x32xf32, #tpu.memory_space<vmem>> -> memref<1x1x1x32xf32, #tpu.memory_space<vmem>>
          %dma_wait3A_273 = tpu.memref_squeeze %dma_wait3A_272 : memref<1x1x1x32xf32, #tpu.memory_space<vmem>> -> memref<32xf32, #tpu.memory_space<vmem>>
          %dma_wait3A_274 = arith.constant 0 : i32
          %dma_wait3A_275 = tpu.memref_slice %arg3[%dma_wait3A_267, %dma_wait3A_274] : memref<2600000x32xf32, #tpu.memory_space<hbm>> -> memref<1x32xf32, #tpu.memory_space<hbm>>
          %dma_wait3A_276 = tpu.memref_squeeze %dma_wait3A_275 : memref<1x32xf32, #tpu.memory_space<hbm>> -> memref<32xf32, #tpu.memory_space<hbm>>
          %dma_wait3A_277 = tpu.memref_slice %arg7[%sub3A_104, %dma_wait3A_270] : memref<2x4x!tpu.dma_semaphore, #tpu.memory_space<semaphore_mem>> -> memref<1x1x!tpu.dma_semaphore, #tpu.memory_space<semaphore_mem>>
          %dma_wait3A_278 = tpu.memref_squeeze %dma_wait3A_277 : memref<1x1x!tpu.dma_semaphore, #tpu.memory_space<semaphore_mem>> -> memref<!tpu.dma_semaphore, #tpu.memory_space<semaphore_mem>>
          %dma_wait3A_279 = arith.constant 0 : i32
          %dma_wait3A_280 = tpu.memref_slice %arg6[%sub3A_104, %dma_wait3A_268, %dma_wait3A_269, %dma_wait3A_279] : memref<2x8x26x32xf32, #tpu.memory_space<vmem>> -> memref<1x1x1x32xf32, #tpu.memory_space<vmem>>
          %dma_wait3A_281 = tpu.memref_squeeze %dma_wait3A_280 : memref<1x1x1x32xf32, #tpu.memory_space<vmem>> -> memref<32xf32, #tpu.memory_space<vmem>>
          %dma_wait3A_282 = arith.constant 0 : i32
          %dma_wait3A_283 = tpu.memref_slice %arg3[%dma_wait3A_267, %dma_wait3A_282] : memref<2600000x32xf32, #tpu.memory_space<hbm>> -> memref<1x32xf32, #tpu.memory_space<hbm>>
          %dma_wait3A_284 = tpu.memref_squeeze %dma_wait3A_283 : memref<1x32xf32, #tpu.memory_space<hbm>> -> memref<32xf32, #tpu.memory_space<hbm>>
          tpu.wait_dma2 semaphore(%dma_wait3A_278 : memref<!tpu.dma_semaphore, #tpu.memory_space<semaphore_mem>>) src(%dma_wait3A_284 : memref<32xf32, #tpu.memory_space<hbm>>) dst(%dma_wait3A_281 : memref<32xf32, #tpu.memory_space<vmem>>)
          %scan3A_285 = arith.constant 7 : i32
          %scan3A_286 = arith.addi %scan3A_146, %scan3A_285 : i32
          %dma_wait3A_287 = arith.constant 0 : i32
          %dma_wait3A_288 = arith.constant 0 : i32
          %dma_wait3A_289 = arith.constant 0 : i32
          %dma_wait3A_290 = arith.constant 1 : i32
          %dma_wait3A_291 = arith.constant 0 : i32
          %dma_wait3A_292 = tpu.memref_slice %arg6[%sub3A_104, %dma_wait3A_288, %dma_wait3A_289, %dma_wait3A_291] : memref<2x8x26x32xf32, #tpu.memory_space<vmem>> -> memref<1x1x1x32xf32, #tpu.memory_space<vmem>>
          %dma_wait3A_293 = tpu.memref_squeeze %dma_wait3A_292 : memref<1x1x1x32xf32, #tpu.memory_space<vmem>> -> memref<32xf32, #tpu.memory_space<vmem>>
          %dma_wait3A_294 = arith.constant 0 : i32
          %dma_wait3A_295 = tpu.memref_slice %arg3[%dma_wait3A_287, %dma_wait3A_294] : memref<2600000x32xf32, #tpu.memory_space<hbm>> -> memref<1x32xf32, #tpu.memory_space<hbm>>
          %dma_wait3A_296 = tpu.memref_squeeze %dma_wait3A_295 : memref<1x32xf32, #tpu.memory_space<hbm>> -> memref<32xf32, #tpu.memory_space<hbm>>
          %dma_wait3A_297 = tpu.memref_slice %arg7[%sub3A_104, %dma_wait3A_290] : memref<2x4x!tpu.dma_semaphore, #tpu.memory_space<semaphore_mem>> -> memref<1x1x!tpu.dma_semaphore, #tpu.memory_space<semaphore_mem>>
          %dma_wait3A_298 = tpu.memref_squeeze %dma_wait3A_297 : memref<1x1x!tpu.dma_semaphore, #tpu.memory_space<semaphore_mem>> -> memref<!tpu.dma_semaphore, #tpu.memory_space<semaphore_mem>>
          %dma_wait3A_299 = arith.constant 0 : i32
          %dma_wait3A_300 = tpu.memref_slice %arg6[%sub3A_104, %dma_wait3A_288, %dma_wait3A_289, %dma_wait3A_299] : memref<2x8x26x32xf32, #tpu.memory_space<vmem>> -> memref<1x1x1x32xf32, #tpu.memory_space<vmem>>
          %dma_wait3A_301 = tpu.memref_squeeze %dma_wait3A_300 : memref<1x1x1x32xf32, #tpu.memory_space<vmem>> -> memref<32xf32, #tpu.memory_space<vmem>>
          %dma_wait3A_302 = arith.constant 0 : i32
          %dma_wait3A_303 = tpu.memref_slice %arg3[%dma_wait3A_287, %dma_wait3A_302] : memref<2600000x32xf32, #tpu.memory_space<hbm>> -> memref<1x32xf32, #tpu.memory_space<hbm>>
          %dma_wait3A_304 = tpu.memref_squeeze %dma_wait3A_303 : memref<1x32xf32, #tpu.memory_space<hbm>> -> memref<32xf32, #tpu.memory_space<hbm>>
          tpu.wait_dma2 semaphore(%dma_wait3A_298 : memref<!tpu.dma_semaphore, #tpu.memory_space<semaphore_mem>>) src(%dma_wait3A_304 : memref<32xf32, #tpu.memory_space<hbm>>) dst(%dma_wait3A_301 : memref<32xf32, #tpu.memory_space<vmem>>)
        }
        %scan3A_114 = arith.constant 56 : i32
        %scan3A_115 = arith.constant 0 : i32
        %scan3A_116 = arith.constant 48 : i32
        %scan3A_117 = arith.addi %scan3A_115, %scan3A_116 : i32
        %scan3A_118 = arith.constant 8 : i32
        scf.for %scan3A_146 = %scan3A_115 to %scan3A_117 step %scan3A_118  : i32 {
          %dma_wait3A_147 = arith.constant 0 : i32
          %dma_wait3A_148 = arith.constant 0 : i32
          %dma_wait3A_149 = arith.constant 0 : i32
          %dma_wait3A_150 = arith.constant 2 : i32
          %dma_wait3A_151 = arith.constant 0 : i32
          %dma_wait3A_152 = tpu.memref_slice %arg6[%sub3A_104, %dma_wait3A_148, %dma_wait3A_149, %dma_wait3A_151] : memref<2x8x26x32xf32, #tpu.memory_space<vmem>> -> memref<1x1x1x32xf32, #tpu.memory_space<vmem>>
          %dma_wait3A_153 = tpu.memref_squeeze %dma_wait3A_152 : memref<1x1x1x32xf32, #tpu.memory_space<vmem>> -> memref<32xf32, #tpu.memory_space<vmem>>
          %dma_wait3A_154 = arith.constant 0 : i32
          %dma_wait3A_155 = tpu.memref_slice %arg3[%dma_wait3A_147, %dma_wait3A_154] : memref<2600000x32xf32, #tpu.memory_space<hbm>> -> memref<1x32xf32, #tpu.memory_space<hbm>>
          %dma_wait3A_156 = tpu.memref_squeeze %dma_wait3A_155 : memref<1x32xf32, #tpu.memory_space<hbm>> -> memref<32xf32, #tpu.memory_space<hbm>>
          %dma_wait3A_157 = tpu.memref_slice %arg7[%sub3A_104, %dma_wait3A_150] : memref<2x4x!tpu.dma_semaphore, #tpu.memory_space<semaphore_mem>> -> memref<1x1x!tpu.dma_semaphore, #tpu.memory_space<semaphore_mem>>
          %dma_wait3A_158 = tpu.memref_squeeze %dma_wait3A_157 : memref<1x1x!tpu.dma_semaphore, #tpu.memory_space<semaphore_mem>> -> memref<!tpu.dma_semaphore, #tpu.memory_space<semaphore_mem>>
          %dma_wait3A_159 = arith.constant 0 : i32
          %dma_wait3A_160 = tpu.memref_slice %arg6[%sub3A_104, %dma_wait3A_148, %dma_wait3A_149, %dma_wait3A_159] : memref<2x8x26x32xf32, #tpu.memory_space<vmem>> -> memref<1x1x1x32xf32, #tpu.memory_space<vmem>>
          %dma_wait3A_161 = tpu.memref_squeeze %dma_wait3A_160 : memref<1x1x1x32xf32, #tpu.memory_space<vmem>> -> memref<32xf32, #tpu.memory_space<vmem>>
          %dma_wait3A_162 = arith.constant 0 : i32
          %dma_wait3A_163 = tpu.memref_slice %arg3[%dma_wait3A_147, %dma_wait3A_162] : memref<2600000x32xf32, #tpu.memory_space<hbm>> -> memref<1x32xf32, #tpu.memory_space<hbm>>
          %dma_wait3A_164 = tpu.memref_squeeze %dma_wait3A_163 : memref<1x32xf32, #tpu.memory_space<hbm>> -> memref<32xf32, #tpu.memory_space<hbm>>
          tpu.wait_dma2 semaphore(%dma_wait3A_158 : memref<!tpu.dma_semaphore, #tpu.memory_space<semaphore_mem>>) src(%dma_wait3A_164 : memref<32xf32, #tpu.memory_space<hbm>>) dst(%dma_wait3A_161 : memref<32xf32, #tpu.memory_space<vmem>>)
          %scan3A_165 = arith.constant 1 : i32
          %scan3A_166 = arith.addi %scan3A_146, %scan3A_165 : i32
          %dma_wait3A_167 = arith.constant 0 : i32
          %dma_wait3A_168 = arith.constant 0 : i32
          %dma_wait3A_169 = arith.constant 0 : i32
          %dma_wait3A_170 = arith.constant 2 : i32
          %dma_wait3A_171 = arith.constant 0 : i32
          %dma_wait3A_172 = tpu.memref_slice %arg6[%sub3A_104, %dma_wait3A_168, %dma_wait3A_169, %dma_wait3A_171] : memref<2x8x26x32xf32, #tpu.memory_space<vmem>> -> memref<1x1x1x32xf32, #tpu.memory_space<vmem>>
          %dma_wait3A_173 = tpu.memref_squeeze %dma_wait3A_172 : memref<1x1x1x32xf32, #tpu.memory_space<vmem>> -> memref<32xf32, #tpu.memory_space<vmem>>
          %dma_wait3A_174 = arith.constant 0 : i32
          %dma_wait3A_175 = tpu.memref_slice %arg3[%dma_wait3A_167, %dma_wait3A_174] : memref<2600000x32xf32, #tpu.memory_space<hbm>> -> memref<1x32xf32, #tpu.memory_space<hbm>>
          %dma_wait3A_176 = tpu.memref_squeeze %dma_wait3A_175 : memref<1x32xf32, #tpu.memory_space<hbm>> -> memref<32xf32, #tpu.memory_space<hbm>>
          %dma_wait3A_177 = tpu.memref_slice %arg7[%sub3A_104, %dma_wait3A_170] : memref<2x4x!tpu.dma_semaphore, #tpu.memory_space<semaphore_mem>> -> memref<1x1x!tpu.dma_semaphore, #tpu.memory_space<semaphore_mem>>
          %dma_wait3A_178 = tpu.memref_squeeze %dma_wait3A_177 : memref<1x1x!tpu.dma_semaphore, #tpu.memory_space<semaphore_mem>> -> memref<!tpu.dma_semaphore, #tpu.memory_space<semaphore_mem>>
          %dma_wait3A_179 = arith.constant 0 : i32
          %dma_wait3A_180 = tpu.memref_slice %arg6[%sub3A_104, %dma_wait3A_168, %dma_wait3A_169, %dma_wait3A_179] : memref<2x8x26x32xf32, #tpu.memory_space<vmem>> -> memref<1x1x1x32xf32, #tpu.memory_space<vmem>>
          %dma_wait3A_181 = tpu.memref_squeeze %dma_wait3A_180 : memref<1x1x1x32xf32, #tpu.memory_space<vmem>> -> memref<32xf32, #tpu.memory_space<vmem>>
          %dma_wait3A_182 = arith.constant 0 : i32
          %dma_wait3A_183 = tpu.memref_slice %arg3[%dma_wait3A_167, %dma_wait3A_182] : memref<2600000x32xf32, #tpu.memory_space<hbm>> -> memref<1x32xf32, #tpu.memory_space<hbm>>
          %dma_wait3A_184 = tpu.memref_squeeze %dma_wait3A_183 : memref<1x32xf32, #tpu.memory_space<hbm>> -> memref<32xf32, #tpu.memory_space<hbm>>
          tpu.wait_dma2 semaphore(%dma_wait3A_178 : memref<!tpu.dma_semaphore, #tpu.memory_space<semaphore_mem>>) src(%dma_wait3A_184 : memref<32xf32, #tpu.memory_space<hbm>>) dst(%dma_wait3A_181 : memref<32xf32, #tpu.memory_space<vmem>>)
          %scan3A_185 = arith.constant 2 : i32
          %scan3A_186 = arith.addi %scan3A_146, %scan3A_185 : i32
          %dma_wait3A_187 = arith.constant 0 : i32
          %dma_wait3A_188 = arith.constant 0 : i32
          %dma_wait3A_189 = arith.constant 0 : i32
          %dma_wait3A_190 = arith.constant 2 : i32
          %dma_wait3A_191 = arith.constant 0 : i32
          %dma_wait3A_192 = tpu.memref_slice %arg6[%sub3A_104, %dma_wait3A_188, %dma_wait3A_189, %dma_wait3A_191] : memref<2x8x26x32xf32, #tpu.memory_space<vmem>> -> memref<1x1x1x32xf32, #tpu.memory_space<vmem>>
          %dma_wait3A_193 = tpu.memref_squeeze %dma_wait3A_192 : memref<1x1x1x32xf32, #tpu.memory_space<vmem>> -> memref<32xf32, #tpu.memory_space<vmem>>
          %dma_wait3A_194 = arith.constant 0 : i32
          %dma_wait3A_195 = tpu.memref_slice %arg3[%dma_wait3A_187, %dma_wait3A_194] : memref<2600000x32xf32, #tpu.memory_space<hbm>> -> memref<1x32xf32, #tpu.memory_space<hbm>>
          %dma_wait3A_196 = tpu.memref_squeeze %dma_wait3A_195 : memref<1x32xf32, #tpu.memory_space<hbm>> -> memref<32xf32, #tpu.memory_space<hbm>>
          %dma_wait3A_197 = tpu.memref_slice %arg7[%sub3A_104, %dma_wait3A_190] : memref<2x4x!tpu.dma_semaphore, #tpu.memory_space<semaphore_mem>> -> memref<1x1x!tpu.dma_semaphore, #tpu.memory_space<semaphore_mem>>
          %dma_wait3A_198 = tpu.memref_squeeze %dma_wait3A_197 : memref<1x1x!tpu.dma_semaphore, #tpu.memory_space<semaphore_mem>> -> memref<!tpu.dma_semaphore, #tpu.memory_space<semaphore_mem>>
          %dma_wait3A_199 = arith.constant 0 : i32
          %dma_wait3A_200 = tpu.memref_slice %arg6[%sub3A_104, %dma_wait3A_188, %dma_wait3A_189, %dma_wait3A_199] : memref<2x8x26x32xf32, #tpu.memory_space<vmem>> -> memref<1x1x1x32xf32, #tpu.memory_space<vmem>>
          %dma_wait3A_201 = tpu.memref_squeeze %dma_wait3A_200 : memref<1x1x1x32xf32, #tpu.memory_space<vmem>> -> memref<32xf32, #tpu.memory_space<vmem>>
          %dma_wait3A_202 = arith.constant 0 : i32
          %dma_wait3A_203 = tpu.memref_slice %arg3[%dma_wait3A_187, %dma_wait3A_202] : memref<2600000x32xf32, #tpu.memory_space<hbm>> -> memref<1x32xf32, #tpu.memory_space<hbm>>
          %dma_wait3A_204 = tpu.memref_squeeze %dma_wait3A_203 : memref<1x32xf32, #tpu.memory_space<hbm>> -> memref<32xf32, #tpu.memory_space<hbm>>
          tpu.wait_dma2 semaphore(%dma_wait3A_198 : memref<!tpu.dma_semaphore, #tpu.memory_space<semaphore_mem>>) src(%dma_wait3A_204 : memref<32xf32, #tpu.memory_space<hbm>>) dst(%dma_wait3A_201 : memref<32xf32, #tpu.memory_space<vmem>>)
          %scan3A_205 = arith.constant 3 : i32
          %scan3A_206 = arith.addi %scan3A_146, %scan3A_205 : i32
          %dma_wait3A_207 = arith.constant 0 : i32
          %dma_wait3A_208 = arith.constant 0 : i32
          %dma_wait3A_209 = arith.constant 0 : i32
          %dma_wait3A_210 = arith.constant 2 : i32
          %dma_wait3A_211 = arith.constant 0 : i32
          %dma_wait3A_212 = tpu.memref_slice %arg6[%sub3A_104, %dma_wait3A_208, %dma_wait3A_209, %dma_wait3A_211] : memref<2x8x26x32xf32, #tpu.memory_space<vmem>> -> memref<1x1x1x32xf32, #tpu.memory_space<vmem>>
          %dma_wait3A_213 = tpu.memref_squeeze %dma_wait3A_212 : memref<1x1x1x32xf32, #tpu.memory_space<vmem>> -> memref<32xf32, #tpu.memory_space<vmem>>
          %dma_wait3A_214 = arith.constant 0 : i32
          %dma_wait3A_215 = tpu.memref_slice %arg3[%dma_wait3A_207, %dma_wait3A_214] : memref<2600000x32xf32, #tpu.memory_space<hbm>> -> memref<1x32xf32, #tpu.memory_space<hbm>>
          %dma_wait3A_216 = tpu.memref_squeeze %dma_wait3A_215 : memref<1x32xf32, #tpu.memory_space<hbm>> -> memref<32xf32, #tpu.memory_space<hbm>>
          %dma_wait3A_217 = tpu.memref_slice %arg7[%sub3A_104, %dma_wait3A_210] : memref<2x4x!tpu.dma_semaphore, #tpu.memory_space<semaphore_mem>> -> memref<1x1x!tpu.dma_semaphore, #tpu.memory_space<semaphore_mem>>
          %dma_wait3A_218 = tpu.memref_squeeze %dma_wait3A_217 : memref<1x1x!tpu.dma_semaphore, #tpu.memory_space<semaphore_mem>> -> memref<!tpu.dma_semaphore, #tpu.memory_space<semaphore_mem>>
          %dma_wait3A_219 = arith.constant 0 : i32
          %dma_wait3A_220 = tpu.memref_slice %arg6[%sub3A_104, %dma_wait3A_208, %dma_wait3A_209, %dma_wait3A_219] : memref<2x8x26x32xf32, #tpu.memory_space<vmem>> -> memref<1x1x1x32xf32, #tpu.memory_space<vmem>>
          %dma_wait3A_221 = tpu.memref_squeeze %dma_wait3A_220 : memref<1x1x1x32xf32, #tpu.memory_space<vmem>> -> memref<32xf32, #tpu.memory_space<vmem>>
          %dma_wait3A_222 = arith.constant 0 : i32
          %dma_wait3A_223 = tpu.memref_slice %arg3[%dma_wait3A_207, %dma_wait3A_222] : memref<2600000x32xf32, #tpu.memory_space<hbm>> -> memref<1x32xf32, #tpu.memory_space<hbm>>
          %dma_wait3A_224 = tpu.memref_squeeze %dma_wait3A_223 : memref<1x32xf32, #tpu.memory_space<hbm>> -> memref<32xf32, #tpu.memory_space<hbm>>
          tpu.wait_dma2 semaphore(%dma_wait3A_218 : memref<!tpu.dma_semaphore, #tpu.memory_space<semaphore_mem>>) src(%dma_wait3A_224 : memref<32xf32, #tpu.memory_space<hbm>>) dst(%dma_wait3A_221 : memref<32xf32, #tpu.memory_space<vmem>>)
          %scan3A_225 = arith.constant 4 : i32
          %scan3A_226 = arith.addi %scan3A_146, %scan3A_225 : i32
          %dma_wait3A_227 = arith.constant 0 : i32
          %dma_wait3A_228 = arith.constant 0 : i32
          %dma_wait3A_229 = arith.constant 0 : i32
          %dma_wait3A_230 = arith.constant 2 : i32
          %dma_wait3A_231 = arith.constant 0 : i32
          %dma_wait3A_232 = tpu.memref_slice %arg6[%sub3A_104, %dma_wait3A_228, %dma_wait3A_229, %dma_wait3A_231] : memref<2x8x26x32xf32, #tpu.memory_space<vmem>> -> memref<1x1x1x32xf32, #tpu.memory_space<vmem>>
          %dma_wait3A_233 = tpu.memref_squeeze %dma_wait3A_232 : memref<1x1x1x32xf32, #tpu.memory_space<vmem>> -> memref<32xf32, #tpu.memory_space<vmem>>
          %dma_wait3A_234 = arith.constant 0 : i32
          %dma_wait3A_235 = tpu.memref_slice %arg3[%dma_wait3A_227, %dma_wait3A_234] : memref<2600000x32xf32, #tpu.memory_space<hbm>> -> memref<1x32xf32, #tpu.memory_space<hbm>>
          %dma_wait3A_236 = tpu.memref_squeeze %dma_wait3A_235 : memref<1x32xf32, #tpu.memory_space<hbm>> -> memref<32xf32, #tpu.memory_space<hbm>>
          %dma_wait3A_237 = tpu.memref_slice %arg7[%sub3A_104, %dma_wait3A_230] : memref<2x4x!tpu.dma_semaphore, #tpu.memory_space<semaphore_mem>> -> memref<1x1x!tpu.dma_semaphore, #tpu.memory_space<semaphore_mem>>
          %dma_wait3A_238 = tpu.memref_squeeze %dma_wait3A_237 : memref<1x1x!tpu.dma_semaphore, #tpu.memory_space<semaphore_mem>> -> memref<!tpu.dma_semaphore, #tpu.memory_space<semaphore_mem>>
          %dma_wait3A_239 = arith.constant 0 : i32
          %dma_wait3A_240 = tpu.memref_slice %arg6[%sub3A_104, %dma_wait3A_228, %dma_wait3A_229, %dma_wait3A_239] : memref<2x8x26x32xf32, #tpu.memory_space<vmem>> -> memref<1x1x1x32xf32, #tpu.memory_space<vmem>>
          %dma_wait3A_241 = tpu.memref_squeeze %dma_wait3A_240 : memref<1x1x1x32xf32, #tpu.memory_space<vmem>> -> memref<32xf32, #tpu.memory_space<vmem>>
          %dma_wait3A_242 = arith.constant 0 : i32
          %dma_wait3A_243 = tpu.memref_slice %arg3[%dma_wait3A_227, %dma_wait3A_242] : memref<2600000x32xf32, #tpu.memory_space<hbm>> -> memref<1x32xf32, #tpu.memory_space<hbm>>
          %dma_wait3A_244 = tpu.memref_squeeze %dma_wait3A_243 : memref<1x32xf32, #tpu.memory_space<hbm>> -> memref<32xf32, #tpu.memory_space<hbm>>
          tpu.wait_dma2 semaphore(%dma_wait3A_238 : memref<!tpu.dma_semaphore, #tpu.memory_space<semaphore_mem>>) src(%dma_wait3A_244 : memref<32xf32, #tpu.memory_space<hbm>>) dst(%dma_wait3A_241 : memref<32xf32, #tpu.memory_space<vmem>>)
          %scan3A_245 = arith.constant 5 : i32
          %scan3A_246 = arith.addi %scan3A_146, %scan3A_245 : i32
          %dma_wait3A_247 = arith.constant 0 : i32
          %dma_wait3A_248 = arith.constant 0 : i32
          %dma_wait3A_249 = arith.constant 0 : i32
          %dma_wait3A_250 = arith.constant 2 : i32
          %dma_wait3A_251 = arith.constant 0 : i32
          %dma_wait3A_252 = tpu.memref_slice %arg6[%sub3A_104, %dma_wait3A_248, %dma_wait3A_249, %dma_wait3A_251] : memref<2x8x26x32xf32, #tpu.memory_space<vmem>> -> memref<1x1x1x32xf32, #tpu.memory_space<vmem>>
          %dma_wait3A_253 = tpu.memref_squeeze %dma_wait3A_252 : memref<1x1x1x32xf32, #tpu.memory_space<vmem>> -> memref<32xf32, #tpu.memory_space<vmem>>
          %dma_wait3A_254 = arith.constant 0 : i32
          %dma_wait3A_255 = tpu.memref_slice %arg3[%dma_wait3A_247, %dma_wait3A_254] : memref<2600000x32xf32, #tpu.memory_space<hbm>> -> memref<1x32xf32, #tpu.memory_space<hbm>>
          %dma_wait3A_256 = tpu.memref_squeeze %dma_wait3A_255 : memref<1x32xf32, #tpu.memory_space<hbm>> -> memref<32xf32, #tpu.memory_space<hbm>>
          %dma_wait3A_257 = tpu.memref_slice %arg7[%sub3A_104, %dma_wait3A_250] : memref<2x4x!tpu.dma_semaphore, #tpu.memory_space<semaphore_mem>> -> memref<1x1x!tpu.dma_semaphore, #tpu.memory_space<semaphore_mem>>
          %dma_wait3A_258 = tpu.memref_squeeze %dma_wait3A_257 : memref<1x1x!tpu.dma_semaphore, #tpu.memory_space<semaphore_mem>> -> memref<!tpu.dma_semaphore, #tpu.memory_space<semaphore_mem>>
          %dma_wait3A_259 = arith.constant 0 : i32
          %dma_wait3A_260 = tpu.memref_slice %arg6[%sub3A_104, %dma_wait3A_248, %dma_wait3A_249, %dma_wait3A_259] : memref<2x8x26x32xf32, #tpu.memory_space<vmem>> -> memref<1x1x1x32xf32, #tpu.memory_space<vmem>>
          %dma_wait3A_261 = tpu.memref_squeeze %dma_wait3A_260 : memref<1x1x1x32xf32, #tpu.memory_space<vmem>> -> memref<32xf32, #tpu.memory_space<vmem>>
          %dma_wait3A_262 = arith.constant 0 : i32
          %dma_wait3A_263 = tpu.memref_slice %arg3[%dma_wait3A_247, %dma_wait3A_262] : memref<2600000x32xf32, #tpu.memory_space<hbm>> -> memref<1x32xf32, #tpu.memory_space<hbm>>
          %dma_wait3A_264 = tpu.memref_squeeze %dma_wait3A_263 : memref<1x32xf32, #tpu.memory_space<hbm>> -> memref<32xf32, #tpu.memory_space<hbm>>
          tpu.wait_dma2 semaphore(%dma_wait3A_258 : memref<!tpu.dma_semaphore, #tpu.memory_space<semaphore_mem>>) src(%dma_wait3A_264 : memref<32xf32, #tpu.memory_space<hbm>>) dst(%dma_wait3A_261 : memref<32xf32, #tpu.memory_space<vmem>>)
          %scan3A_265 = arith.constant 6 : i32
          %scan3A_266 = arith.addi %scan3A_146, %scan3A_265 : i32
          %dma_wait3A_267 = arith.constant 0 : i32
          %dma_wait3A_268 = arith.constant 0 : i32
          %dma_wait3A_269 = arith.constant 0 : i32
          %dma_wait3A_270 = arith.constant 2 : i32
          %dma_wait3A_271 = arith.constant 0 : i32
          %dma_wait3A_272 = tpu.memref_slice %arg6[%sub3A_104, %dma_wait3A_268, %dma_wait3A_269, %dma_wait3A_271] : memref<2x8x26x32xf32, #tpu.memory_space<vmem>> -> memref<1x1x1x32xf32, #tpu.memory_space<vmem>>
          %dma_wait3A_273 = tpu.memref_squeeze %dma_wait3A_272 : memref<1x1x1x32xf32, #tpu.memory_space<vmem>> -> memref<32xf32, #tpu.memory_space<vmem>>
          %dma_wait3A_274 = arith.constant 0 : i32
          %dma_wait3A_275 = tpu.memref_slice %arg3[%dma_wait3A_267, %dma_wait3A_274] : memref<2600000x32xf32, #tpu.memory_space<hbm>> -> memref<1x32xf32, #tpu.memory_space<hbm>>
          %dma_wait3A_276 = tpu.memref_squeeze %dma_wait3A_275 : memref<1x32xf32, #tpu.memory_space<hbm>> -> memref<32xf32, #tpu.memory_space<hbm>>
          %dma_wait3A_277 = tpu.memref_slice %arg7[%sub3A_104, %dma_wait3A_270] : memref<2x4x!tpu.dma_semaphore, #tpu.memory_space<semaphore_mem>> -> memref<1x1x!tpu.dma_semaphore, #tpu.memory_space<semaphore_mem>>
          %dma_wait3A_278 = tpu.memref_squeeze %dma_wait3A_277 : memref<1x1x!tpu.dma_semaphore, #tpu.memory_space<semaphore_mem>> -> memref<!tpu.dma_semaphore, #tpu.memory_space<semaphore_mem>>
          %dma_wait3A_279 = arith.constant 0 : i32
          %dma_wait3A_280 = tpu.memref_slice %arg6[%sub3A_104, %dma_wait3A_268, %dma_wait3A_269, %dma_wait3A_279] : memref<2x8x26x32xf32, #tpu.memory_space<vmem>> -> memref<1x1x1x32xf32, #tpu.memory_space<vmem>>
          %dma_wait3A_281 = tpu.memref_squeeze %dma_wait3A_280 : memref<1x1x1x32xf32, #tpu.memory_space<vmem>> -> memref<32xf32, #tpu.memory_space<vmem>>
          %dma_wait3A_282 = arith.constant 0 : i32
          %dma_wait3A_283 = tpu.memref_slice %arg3[%dma_wait3A_267, %dma_wait3A_282] : memref<2600000x32xf32, #tpu.memory_space<hbm>> -> memref<1x32xf32, #tpu.memory_space<hbm>>
          %dma_wait3A_284 = tpu.memref_squeeze %dma_wait3A_283 : memref<1x32xf32, #tpu.memory_space<hbm>> -> memref<32xf32, #tpu.memory_space<hbm>>
          tpu.wait_dma2 semaphore(%dma_wait3A_278 : memref<!tpu.dma_semaphore, #tpu.memory_space<semaphore_mem>>) src(%dma_wait3A_284 : memref<32xf32, #tpu.memory_space<hbm>>) dst(%dma_wait3A_281 : memref<32xf32, #tpu.memory_space<vmem>>)
          %scan3A_285 = arith.constant 7 : i32
          %scan3A_286 = arith.addi %scan3A_146, %scan3A_285 : i32
          %dma_wait3A_287 = arith.constant 0 : i32
          %dma_wait3A_288 = arith.constant 0 : i32
          %dma_wait3A_289 = arith.constant 0 : i32
          %dma_wait3A_290 = arith.constant 2 : i32
          %dma_wait3A_291 = arith.constant 0 : i32
          %dma_wait3A_292 = tpu.memref_slice %arg6[%sub3A_104, %dma_wait3A_288, %dma_wait3A_289, %dma_wait3A_291] : memref<2x8x26x32xf32, #tpu.memory_space<vmem>> -> memref<1x1x1x32xf32, #tpu.memory_space<vmem>>
          %dma_wait3A_293 = tpu.memref_squeeze %dma_wait3A_292 : memref<1x1x1x32xf32, #tpu.memory_space<vmem>> -> memref<32xf32, #tpu.memory_space<vmem>>
          %dma_wait3A_294 = arith.constant 0 : i32
          %dma_wait3A_295 = tpu.memref_slice %arg3[%dma_wait3A_287, %dma_wait3A_294] : memref<2600000x32xf32, #tpu.memory_space<hbm>> -> memref<1x32xf32, #tpu.memory_space<hbm>>
          %dma_wait3A_296 = tpu.memref_squeeze %dma_wait3A_295 : memref<1x32xf32, #tpu.memory_space<hbm>> -> memref<32xf32, #tpu.memory_space<hbm>>
          %dma_wait3A_297 = tpu.memref_slice %arg7[%sub3A_104, %dma_wait3A_290] : memref<2x4x!tpu.dma_semaphore, #tpu.memory_space<semaphore_mem>> -> memref<1x1x!tpu.dma_semaphore, #tpu.memory_space<semaphore_mem>>
          %dma_wait3A_298 = tpu.memref_squeeze %dma_wait3A_297 : memref<1x1x!tpu.dma_semaphore, #tpu.memory_space<semaphore_mem>> -> memref<!tpu.dma_semaphore, #tpu.memory_space<semaphore_mem>>
          %dma_wait3A_299 = arith.constant 0 : i32
          %dma_wait3A_300 = tpu.memref_slice %arg6[%sub3A_104, %dma_wait3A_288, %dma_wait3A_289, %dma_wait3A_299] : memref<2x8x26x32xf32, #tpu.memory_space<vmem>> -> memref<1x1x1x32xf32, #tpu.memory_space<vmem>>
          %dma_wait3A_301 = tpu.memref_squeeze %dma_wait3A_300 : memref<1x1x1x32xf32, #tpu.memory_space<vmem>> -> memref<32xf32, #tpu.memory_space<vmem>>
          %dma_wait3A_302 = arith.constant 0 : i32
          %dma_wait3A_303 = tpu.memref_slice %arg3[%dma_wait3A_287, %dma_wait3A_302] : memref<2600000x32xf32, #tpu.memory_space<hbm>> -> memref<1x32xf32, #tpu.memory_space<hbm>>
          %dma_wait3A_304 = tpu.memref_squeeze %dma_wait3A_303 : memref<1x32xf32, #tpu.memory_space<hbm>> -> memref<32xf32, #tpu.memory_space<hbm>>
          tpu.wait_dma2 semaphore(%dma_wait3A_298 : memref<!tpu.dma_semaphore, #tpu.memory_space<semaphore_mem>>) src(%dma_wait3A_304 : memref<32xf32, #tpu.memory_space<hbm>>) dst(%dma_wait3A_301 : memref<32xf32, #tpu.memory_space<vmem>>)
        }
        %scan3A_119 = arith.constant 48 : i32
        %scan3A_120 = arith.constant 0 : i32
        %scan3A_121 = arith.constant 48 : i32
        %scan3A_122 = arith.addi %scan3A_120, %scan3A_121 : i32
        %scan3A_123 = arith.constant 8 : i32
        scf.for %scan3A_146 = %scan3A_120 to %scan3A_122 step %scan3A_123  : i32 {
          %dma_wait3A_147 = arith.constant 0 : i32
          %dma_wait3A_148 = arith.constant 0 : i32
          %dma_wait3A_149 = arith.constant 0 : i32
          %dma_wait3A_150 = arith.constant 3 : i32
          %dma_wait3A_151 = arith.constant 0 : i32
          %dma_wait3A_152 = tpu.memref_slice %arg6[%sub3A_104, %dma_wait3A_148, %dma_wait3A_149, %dma_wait3A_151] : memref<2x8x26x32xf32, #tpu.memory_space<vmem>> -> memref<1x1x1x32xf32, #tpu.memory_space<vmem>>
          %dma_wait3A_153 = tpu.memref_squeeze %dma_wait3A_152 : memref<1x1x1x32xf32, #tpu.memory_space<vmem>> -> memref<32xf32, #tpu.memory_space<vmem>>
          %dma_wait3A_154 = arith.constant 0 : i32
          %dma_wait3A_155 = tpu.memref_slice %arg3[%dma_wait3A_147, %dma_wait3A_154] : memref<2600000x32xf32, #tpu.memory_space<hbm>> -> memref<1x32xf32, #tpu.memory_space<hbm>>
          %dma_wait3A_156 = tpu.memref_squeeze %dma_wait3A_155 : memref<1x32xf32, #tpu.memory_space<hbm>> -> memref<32xf32, #tpu.memory_space<hbm>>
          %dma_wait3A_157 = tpu.memref_slice %arg7[%sub3A_104, %dma_wait3A_150] : memref<2x4x!tpu.dma_semaphore, #tpu.memory_space<semaphore_mem>> -> memref<1x1x!tpu.dma_semaphore, #tpu.memory_space<semaphore_mem>>
          %dma_wait3A_158 = tpu.memref_squeeze %dma_wait3A_157 : memref<1x1x!tpu.dma_semaphore, #tpu.memory_space<semaphore_mem>> -> memref<!tpu.dma_semaphore, #tpu.memory_space<semaphore_mem>>
          %dma_wait3A_159 = arith.constant 0 : i32
          %dma_wait3A_160 = tpu.memref_slice %arg6[%sub3A_104, %dma_wait3A_148, %dma_wait3A_149, %dma_wait3A_159] : memref<2x8x26x32xf32, #tpu.memory_space<vmem>> -> memref<1x1x1x32xf32, #tpu.memory_space<vmem>>
          %dma_wait3A_161 = tpu.memref_squeeze %dma_wait3A_160 : memref<1x1x1x32xf32, #tpu.memory_space<vmem>> -> memref<32xf32, #tpu.memory_space<vmem>>
          %dma_wait3A_162 = arith.constant 0 : i32
          %dma_wait3A_163 = tpu.memref_slice %arg3[%dma_wait3A_147, %dma_wait3A_162] : memref<2600000x32xf32, #tpu.memory_space<hbm>> -> memref<1x32xf32, #tpu.memory_space<hbm>>
          %dma_wait3A_164 = tpu.memref_squeeze %dma_wait3A_163 : memref<1x32xf32, #tpu.memory_space<hbm>> -> memref<32xf32, #tpu.memory_space<hbm>>
          tpu.wait_dma2 semaphore(%dma_wait3A_158 : memref<!tpu.dma_semaphore, #tpu.memory_space<semaphore_mem>>) src(%dma_wait3A_164 : memref<32xf32, #tpu.memory_space<hbm>>) dst(%dma_wait3A_161 : memref<32xf32, #tpu.memory_space<vmem>>)
          %scan3A_165 = arith.constant 1 : i32
          %scan3A_166 = arith.addi %scan3A_146, %scan3A_165 : i32
          %dma_wait3A_167 = arith.constant 0 : i32
          %dma_wait3A_168 = arith.constant 0 : i32
          %dma_wait3A_169 = arith.constant 0 : i32
          %dma_wait3A_170 = arith.constant 3 : i32
          %dma_wait3A_171 = arith.constant 0 : i32
          %dma_wait3A_172 = tpu.memref_slice %arg6[%sub3A_104, %dma_wait3A_168, %dma_wait3A_169, %dma_wait3A_171] : memref<2x8x26x32xf32, #tpu.memory_space<vmem>> -> memref<1x1x1x32xf32, #tpu.memory_space<vmem>>
          %dma_wait3A_173 = tpu.memref_squeeze %dma_wait3A_172 : memref<1x1x1x32xf32, #tpu.memory_space<vmem>> -> memref<32xf32, #tpu.memory_space<vmem>>
          %dma_wait3A_174 = arith.constant 0 : i32
          %dma_wait3A_175 = tpu.memref_slice %arg3[%dma_wait3A_167, %dma_wait3A_174] : memref<2600000x32xf32, #tpu.memory_space<hbm>> -> memref<1x32xf32, #tpu.memory_space<hbm>>
          %dma_wait3A_176 = tpu.memref_squeeze %dma_wait3A_175 : memref<1x32xf32, #tpu.memory_space<hbm>> -> memref<32xf32, #tpu.memory_space<hbm>>
          %dma_wait3A_177 = tpu.memref_slice %arg7[%sub3A_104, %dma_wait3A_170] : memref<2x4x!tpu.dma_semaphore, #tpu.memory_space<semaphore_mem>> -> memref<1x1x!tpu.dma_semaphore, #tpu.memory_space<semaphore_mem>>
          %dma_wait3A_178 = tpu.memref_squeeze %dma_wait3A_177 : memref<1x1x!tpu.dma_semaphore, #tpu.memory_space<semaphore_mem>> -> memref<!tpu.dma_semaphore, #tpu.memory_space<semaphore_mem>>
          %dma_wait3A_179 = arith.constant 0 : i32
          %dma_wait3A_180 = tpu.memref_slice %arg6[%sub3A_104, %dma_wait3A_168, %dma_wait3A_169, %dma_wait3A_179] : memref<2x8x26x32xf32, #tpu.memory_space<vmem>> -> memref<1x1x1x32xf32, #tpu.memory_space<vmem>>
          %dma_wait3A_181 = tpu.memref_squeeze %dma_wait3A_180 : memref<1x1x1x32xf32, #tpu.memory_space<vmem>> -> memref<32xf32, #tpu.memory_space<vmem>>
          %dma_wait3A_182 = arith.constant 0 : i32
          %dma_wait3A_183 = tpu.memref_slice %arg3[%dma_wait3A_167, %dma_wait3A_182] : memref<2600000x32xf32, #tpu.memory_space<hbm>> -> memref<1x32xf32, #tpu.memory_space<hbm>>
          %dma_wait3A_184 = tpu.memref_squeeze %dma_wait3A_183 : memref<1x32xf32, #tpu.memory_space<hbm>> -> memref<32xf32, #tpu.memory_space<hbm>>
          tpu.wait_dma2 semaphore(%dma_wait3A_178 : memref<!tpu.dma_semaphore, #tpu.memory_space<semaphore_mem>>) src(%dma_wait3A_184 : memref<32xf32, #tpu.memory_space<hbm>>) dst(%dma_wait3A_181 : memref<32xf32, #tpu.memory_space<vmem>>)
          %scan3A_185 = arith.constant 2 : i32
          %scan3A_186 = arith.addi %scan3A_146, %scan3A_185 : i32
          %dma_wait3A_187 = arith.constant 0 : i32
          %dma_wait3A_188 = arith.constant 0 : i32
          %dma_wait3A_189 = arith.constant 0 : i32
          %dma_wait3A_190 = arith.constant 3 : i32
          %dma_wait3A_191 = arith.constant 0 : i32
          %dma_wait3A_192 = tpu.memref_slice %arg6[%sub3A_104, %dma_wait3A_188, %dma_wait3A_189, %dma_wait3A_191] : memref<2x8x26x32xf32, #tpu.memory_space<vmem>> -> memref<1x1x1x32xf32, #tpu.memory_space<vmem>>
          %dma_wait3A_193 = tpu.memref_squeeze %dma_wait3A_192 : memref<1x1x1x32xf32, #tpu.memory_space<vmem>> -> memref<32xf32, #tpu.memory_space<vmem>>
          %dma_wait3A_194 = arith.constant 0 : i32
          %dma_wait3A_195 = tpu.memref_slice %arg3[%dma_wait3A_187, %dma_wait3A_194] : memref<2600000x32xf32, #tpu.memory_space<hbm>> -> memref<1x32xf32, #tpu.memory_space<hbm>>
          %dma_wait3A_196 = tpu.memref_squeeze %dma_wait3A_195 : memref<1x32xf32, #tpu.memory_space<hbm>> -> memref<32xf32, #tpu.memory_space<hbm>>
          %dma_wait3A_197 = tpu.memref_slice %arg7[%sub3A_104, %dma_wait3A_190] : memref<2x4x!tpu.dma_semaphore, #tpu.memory_space<semaphore_mem>> -> memref<1x1x!tpu.dma_semaphore, #tpu.memory_space<semaphore_mem>>
          %dma_wait3A_198 = tpu.memref_squeeze %dma_wait3A_197 : memref<1x1x!tpu.dma_semaphore, #tpu.memory_space<semaphore_mem>> -> memref<!tpu.dma_semaphore, #tpu.memory_space<semaphore_mem>>
          %dma_wait3A_199 = arith.constant 0 : i32
          %dma_wait3A_200 = tpu.memref_slice %arg6[%sub3A_104, %dma_wait3A_188, %dma_wait3A_189, %dma_wait3A_199] : memref<2x8x26x32xf32, #tpu.memory_space<vmem>> -> memref<1x1x1x32xf32, #tpu.memory_space<vmem>>
          %dma_wait3A_201 = tpu.memref_squeeze %dma_wait3A_200 : memref<1x1x1x32xf32, #tpu.memory_space<vmem>> -> memref<32xf32, #tpu.memory_space<vmem>>
          %dma_wait3A_202 = arith.constant 0 : i32
          %dma_wait3A_203 = tpu.memref_slice %arg3[%dma_wait3A_187, %dma_wait3A_202] : memref<2600000x32xf32, #tpu.memory_space<hbm>> -> memref<1x32xf32, #tpu.memory_space<hbm>>
          %dma_wait3A_204 = tpu.memref_squeeze %dma_wait3A_203 : memref<1x32xf32, #tpu.memory_space<hbm>> -> memref<32xf32, #tpu.memory_space<hbm>>
          tpu.wait_dma2 semaphore(%dma_wait3A_198 : memref<!tpu.dma_semaphore, #tpu.memory_space<semaphore_mem>>) src(%dma_wait3A_204 : memref<32xf32, #tpu.memory_space<hbm>>) dst(%dma_wait3A_201 : memref<32xf32, #tpu.memory_space<vmem>>)
          %scan3A_205 = arith.constant 3 : i32
          %scan3A_206 = arith.addi %scan3A_146, %scan3A_205 : i32
          %dma_wait3A_207 = arith.constant 0 : i32
          %dma_wait3A_208 = arith.constant 0 : i32
          %dma_wait3A_209 = arith.constant 0 : i32
          %dma_wait3A_210 = arith.constant 3 : i32
          %dma_wait3A_211 = arith.constant 0 : i32
          %dma_wait3A_212 = tpu.memref_slice %arg6[%sub3A_104, %dma_wait3A_208, %dma_wait3A_209, %dma_wait3A_211] : memref<2x8x26x32xf32, #tpu.memory_space<vmem>> -> memref<1x1x1x32xf32, #tpu.memory_space<vmem>>
          %dma_wait3A_213 = tpu.memref_squeeze %dma_wait3A_212 : memref<1x1x1x32xf32, #tpu.memory_space<vmem>> -> memref<32xf32, #tpu.memory_space<vmem>>
          %dma_wait3A_214 = arith.constant 0 : i32
          %dma_wait3A_215 = tpu.memref_slice %arg3[%dma_wait3A_207, %dma_wait3A_214] : memref<2600000x32xf32, #tpu.memory_space<hbm>> -> memref<1x32xf32, #tpu.memory_space<hbm>>
          %dma_wait3A_216 = tpu.memref_squeeze %dma_wait3A_215 : memref<1x32xf32, #tpu.memory_space<hbm>> -> memref<32xf32, #tpu.memory_space<hbm>>
          %dma_wait3A_217 = tpu.memref_slice %arg7[%sub3A_104, %dma_wait3A_210] : memref<2x4x!tpu.dma_semaphore, #tpu.memory_space<semaphore_mem>> -> memref<1x1x!tpu.dma_semaphore, #tpu.memory_space<semaphore_mem>>
          %dma_wait3A_218 = tpu.memref_squeeze %dma_wait3A_217 : memref<1x1x!tpu.dma_semaphore, #tpu.memory_space<semaphore_mem>> -> memref<!tpu.dma_semaphore, #tpu.memory_space<semaphore_mem>>
          %dma_wait3A_219 = arith.constant 0 : i32
          %dma_wait3A_220 = tpu.memref_slice %arg6[%sub3A_104, %dma_wait3A_208, %dma_wait3A_209, %dma_wait3A_219] : memref<2x8x26x32xf32, #tpu.memory_space<vmem>> -> memref<1x1x1x32xf32, #tpu.memory_space<vmem>>
          %dma_wait3A_221 = tpu.memref_squeeze %dma_wait3A_220 : memref<1x1x1x32xf32, #tpu.memory_space<vmem>> -> memref<32xf32, #tpu.memory_space<vmem>>
          %dma_wait3A_222 = arith.constant 0 : i32
          %dma_wait3A_223 = tpu.memref_slice %arg3[%dma_wait3A_207, %dma_wait3A_222] : memref<2600000x32xf32, #tpu.memory_space<hbm>> -> memref<1x32xf32, #tpu.memory_space<hbm>>
          %dma_wait3A_224 = tpu.memref_squeeze %dma_wait3A_223 : memref<1x32xf32, #tpu.memory_space<hbm>> -> memref<32xf32, #tpu.memory_space<hbm>>
          tpu.wait_dma2 semaphore(%dma_wait3A_218 : memref<!tpu.dma_semaphore, #tpu.memory_space<semaphore_mem>>) src(%dma_wait3A_224 : memref<32xf32, #tpu.memory_space<hbm>>) dst(%dma_wait3A_221 : memref<32xf32, #tpu.memory_space<vmem>>)
          %scan3A_225 = arith.constant 4 : i32
          %scan3A_226 = arith.addi %scan3A_146, %scan3A_225 : i32
          %dma_wait3A_227 = arith.constant 0 : i32
          %dma_wait3A_228 = arith.constant 0 : i32
          %dma_wait3A_229 = arith.constant 0 : i32
          %dma_wait3A_230 = arith.constant 3 : i32
          %dma_wait3A_231 = arith.constant 0 : i32
          %dma_wait3A_232 = tpu.memref_slice %arg6[%sub3A_104, %dma_wait3A_228, %dma_wait3A_229, %dma_wait3A_231] : memref<2x8x26x32xf32, #tpu.memory_space<vmem>> -> memref<1x1x1x32xf32, #tpu.memory_space<vmem>>
          %dma_wait3A_233 = tpu.memref_squeeze %dma_wait3A_232 : memref<1x1x1x32xf32, #tpu.memory_space<vmem>> -> memref<32xf32, #tpu.memory_space<vmem>>
          %dma_wait3A_234 = arith.constant 0 : i32
          %dma_wait3A_235 = tpu.memref_slice %arg3[%dma_wait3A_227, %dma_wait3A_234] : memref<2600000x32xf32, #tpu.memory_space<hbm>> -> memref<1x32xf32, #tpu.memory_space<hbm>>
          %dma_wait3A_236 = tpu.memref_squeeze %dma_wait3A_235 : memref<1x32xf32, #tpu.memory_space<hbm>> -> memref<32xf32, #tpu.memory_space<hbm>>
          %dma_wait3A_237 = tpu.memref_slice %arg7[%sub3A_104, %dma_wait3A_230] : memref<2x4x!tpu.dma_semaphore, #tpu.memory_space<semaphore_mem>> -> memref<1x1x!tpu.dma_semaphore, #tpu.memory_space<semaphore_mem>>
          %dma_wait3A_238 = tpu.memref_squeeze %dma_wait3A_237 : memref<1x1x!tpu.dma_semaphore, #tpu.memory_space<semaphore_mem>> -> memref<!tpu.dma_semaphore, #tpu.memory_space<semaphore_mem>>
          %dma_wait3A_239 = arith.constant 0 : i32
          %dma_wait3A_240 = tpu.memref_slice %arg6[%sub3A_104, %dma_wait3A_228, %dma_wait3A_229, %dma_wait3A_239] : memref<2x8x26x32xf32, #tpu.memory_space<vmem>> -> memref<1x1x1x32xf32, #tpu.memory_space<vmem>>
          %dma_wait3A_241 = tpu.memref_squeeze %dma_wait3A_240 : memref<1x1x1x32xf32, #tpu.memory_space<vmem>> -> memref<32xf32, #tpu.memory_space<vmem>>
          %dma_wait3A_242 = arith.constant 0 : i32
          %dma_wait3A_243 = tpu.memref_slice %arg3[%dma_wait3A_227, %dma_wait3A_242] : memref<2600000x32xf32, #tpu.memory_space<hbm>> -> memref<1x32xf32, #tpu.memory_space<hbm>>
          %dma_wait3A_244 = tpu.memref_squeeze %dma_wait3A_243 : memref<1x32xf32, #tpu.memory_space<hbm>> -> memref<32xf32, #tpu.memory_space<hbm>>
          tpu.wait_dma2 semaphore(%dma_wait3A_238 : memref<!tpu.dma_semaphore, #tpu.memory_space<semaphore_mem>>) src(%dma_wait3A_244 : memref<32xf32, #tpu.memory_space<hbm>>) dst(%dma_wait3A_241 : memref<32xf32, #tpu.memory_space<vmem>>)
          %scan3A_245 = arith.constant 5 : i32
          %scan3A_246 = arith.addi %scan3A_146, %scan3A_245 : i32
          %dma_wait3A_247 = arith.constant 0 : i32
          %dma_wait3A_248 = arith.constant 0 : i32
          %dma_wait3A_249 = arith.constant 0 : i32
          %dma_wait3A_250 = arith.constant 3 : i32
          %dma_wait3A_251 = arith.constant 0 : i32
          %dma_wait3A_252 = tpu.memref_slice %arg6[%sub3A_104, %dma_wait3A_248, %dma_wait3A_249, %dma_wait3A_251] : memref<2x8x26x32xf32, #tpu.memory_space<vmem>> -> memref<1x1x1x32xf32, #tpu.memory_space<vmem>>
          %dma_wait3A_253 = tpu.memref_squeeze %dma_wait3A_252 : memref<1x1x1x32xf32, #tpu.memory_space<vmem>> -> memref<32xf32, #tpu.memory_space<vmem>>
          %dma_wait3A_254 = arith.constant 0 : i32
          %dma_wait3A_255 = tpu.memref_slice %arg3[%dma_wait3A_247, %dma_wait3A_254] : memref<2600000x32xf32, #tpu.memory_space<hbm>> -> memref<1x32xf32, #tpu.memory_space<hbm>>
          %dma_wait3A_256 = tpu.memref_squeeze %dma_wait3A_255 : memref<1x32xf32, #tpu.memory_space<hbm>> -> memref<32xf32, #tpu.memory_space<hbm>>
          %dma_wait3A_257 = tpu.memref_slice %arg7[%sub3A_104, %dma_wait3A_250] : memref<2x4x!tpu.dma_semaphore, #tpu.memory_space<semaphore_mem>> -> memref<1x1x!tpu.dma_semaphore, #tpu.memory_space<semaphore_mem>>
          %dma_wait3A_258 = tpu.memref_squeeze %dma_wait3A_257 : memref<1x1x!tpu.dma_semaphore, #tpu.memory_space<semaphore_mem>> -> memref<!tpu.dma_semaphore, #tpu.memory_space<semaphore_mem>>
          %dma_wait3A_259 = arith.constant 0 : i32
          %dma_wait3A_260 = tpu.memref_slice %arg6[%sub3A_104, %dma_wait3A_248, %dma_wait3A_249, %dma_wait3A_259] : memref<2x8x26x32xf32, #tpu.memory_space<vmem>> -> memref<1x1x1x32xf32, #tpu.memory_space<vmem>>
          %dma_wait3A_261 = tpu.memref_squeeze %dma_wait3A_260 : memref<1x1x1x32xf32, #tpu.memory_space<vmem>> -> memref<32xf32, #tpu.memory_space<vmem>>
          %dma_wait3A_262 = arith.constant 0 : i32
          %dma_wait3A_263 = tpu.memref_slice %arg3[%dma_wait3A_247, %dma_wait3A_262] : memref<2600000x32xf32, #tpu.memory_space<hbm>> -> memref<1x32xf32, #tpu.memory_space<hbm>>
          %dma_wait3A_264 = tpu.memref_squeeze %dma_wait3A_263 : memref<1x32xf32, #tpu.memory_space<hbm>> -> memref<32xf32, #tpu.memory_space<hbm>>
          tpu.wait_dma2 semaphore(%dma_wait3A_258 : memref<!tpu.dma_semaphore, #tpu.memory_space<semaphore_mem>>) src(%dma_wait3A_264 : memref<32xf32, #tpu.memory_space<hbm>>) dst(%dma_wait3A_261 : memref<32xf32, #tpu.memory_space<vmem>>)
          %scan3A_265 = arith.constant 6 : i32
          %scan3A_266 = arith.addi %scan3A_146, %scan3A_265 : i32
          %dma_wait3A_267 = arith.constant 0 : i32
          %dma_wait3A_268 = arith.constant 0 : i32
          %dma_wait3A_269 = arith.constant 0 : i32
          %dma_wait3A_270 = arith.constant 3 : i32
          %dma_wait3A_271 = arith.constant 0 : i32
          %dma_wait3A_272 = tpu.memref_slice %arg6[%sub3A_104, %dma_wait3A_268, %dma_wait3A_269, %dma_wait3A_271] : memref<2x8x26x32xf32, #tpu.memory_space<vmem>> -> memref<1x1x1x32xf32, #tpu.memory_space<vmem>>
          %dma_wait3A_273 = tpu.memref_squeeze %dma_wait3A_272 : memref<1x1x1x32xf32, #tpu.memory_space<vmem>> -> memref<32xf32, #tpu.memory_space<vmem>>
          %dma_wait3A_274 = arith.constant 0 : i32
          %dma_wait3A_275 = tpu.memref_slice %arg3[%dma_wait3A_267, %dma_wait3A_274] : memref<2600000x32xf32, #tpu.memory_space<hbm>> -> memref<1x32xf32, #tpu.memory_space<hbm>>
          %dma_wait3A_276 = tpu.memref_squeeze %dma_wait3A_275 : memref<1x32xf32, #tpu.memory_space<hbm>> -> memref<32xf32, #tpu.memory_space<hbm>>
          %dma_wait3A_277 = tpu.memref_slice %arg7[%sub3A_104, %dma_wait3A_270] : memref<2x4x!tpu.dma_semaphore, #tpu.memory_space<semaphore_mem>> -> memref<1x1x!tpu.dma_semaphore, #tpu.memory_space<semaphore_mem>>
          %dma_wait3A_278 = tpu.memref_squeeze %dma_wait3A_277 : memref<1x1x!tpu.dma_semaphore, #tpu.memory_space<semaphore_mem>> -> memref<!tpu.dma_semaphore, #tpu.memory_space<semaphore_mem>>
          %dma_wait3A_279 = arith.constant 0 : i32
          %dma_wait3A_280 = tpu.memref_slice %arg6[%sub3A_104, %dma_wait3A_268, %dma_wait3A_269, %dma_wait3A_279] : memref<2x8x26x32xf32, #tpu.memory_space<vmem>> -> memref<1x1x1x32xf32, #tpu.memory_space<vmem>>
          %dma_wait3A_281 = tpu.memref_squeeze %dma_wait3A_280 : memref<1x1x1x32xf32, #tpu.memory_space<vmem>> -> memref<32xf32, #tpu.memory_space<vmem>>
          %dma_wait3A_282 = arith.constant 0 : i32
          %dma_wait3A_283 = tpu.memref_slice %arg3[%dma_wait3A_267, %dma_wait3A_282] : memref<2600000x32xf32, #tpu.memory_space<hbm>> -> memref<1x32xf32, #tpu.memory_space<hbm>>
          %dma_wait3A_284 = tpu.memref_squeeze %dma_wait3A_283 : memref<1x32xf32, #tpu.memory_space<hbm>> -> memref<32xf32, #tpu.memory_space<hbm>>
          tpu.wait_dma2 semaphore(%dma_wait3A_278 : memref<!tpu.dma_semaphore, #tpu.memory_space<semaphore_mem>>) src(%dma_wait3A_284 : memref<32xf32, #tpu.memory_space<hbm>>) dst(%dma_wait3A_281 : memref<32xf32, #tpu.memory_space<vmem>>)
          %scan3A_285 = arith.constant 7 : i32
          %scan3A_286 = arith.addi %scan3A_146, %scan3A_285 : i32
          %dma_wait3A_287 = arith.constant 0 : i32
          %dma_wait3A_288 = arith.constant 0 : i32
          %dma_wait3A_289 = arith.constant 0 : i32
          %dma_wait3A_290 = arith.constant 3 : i32
          %dma_wait3A_291 = arith.constant 0 : i32
          %dma_wait3A_292 = tpu.memref_slice %arg6[%sub3A_104, %dma_wait3A_288, %dma_wait3A_289, %dma_wait3A_291] : memref<2x8x26x32xf32, #tpu.memory_space<vmem>> -> memref<1x1x1x32xf32, #tpu.memory_space<vmem>>
          %dma_wait3A_293 = tpu.memref_squeeze %dma_wait3A_292 : memref<1x1x1x32xf32, #tpu.memory_space<vmem>> -> memref<32xf32, #tpu.memory_space<vmem>>
          %dma_wait3A_294 = arith.constant 0 : i32
          %dma_wait3A_295 = tpu.memref_slice %arg3[%dma_wait3A_287, %dma_wait3A_294] : memref<2600000x32xf32, #tpu.memory_space<hbm>> -> memref<1x32xf32, #tpu.memory_space<hbm>>
          %dma_wait3A_296 = tpu.memref_squeeze %dma_wait3A_295 : memref<1x32xf32, #tpu.memory_space<hbm>> -> memref<32xf32, #tpu.memory_space<hbm>>
          %dma_wait3A_297 = tpu.memref_slice %arg7[%sub3A_104, %dma_wait3A_290] : memref<2x4x!tpu.dma_semaphore, #tpu.memory_space<semaphore_mem>> -> memref<1x1x!tpu.dma_semaphore, #tpu.memory_space<semaphore_mem>>
          %dma_wait3A_298 = tpu.memref_squeeze %dma_wait3A_297 : memref<1x1x!tpu.dma_semaphore, #tpu.memory_space<semaphore_mem>> -> memref<!tpu.dma_semaphore, #tpu.memory_space<semaphore_mem>>
          %dma_wait3A_299 = arith.constant 0 : i32
          %dma_wait3A_300 = tpu.memref_slice %arg6[%sub3A_104, %dma_wait3A_288, %dma_wait3A_289, %dma_wait3A_299] : memref<2x8x26x32xf32, #tpu.memory_space<vmem>> -> memref<1x1x1x32xf32, #tpu.memory_space<vmem>>
          %dma_wait3A_301 = tpu.memref_squeeze %dma_wait3A_300 : memref<1x1x1x32xf32, #tpu.memory_space<vmem>> -> memref<32xf32, #tpu.memory_space<vmem>>
          %dma_wait3A_302 = arith.constant 0 : i32
          %dma_wait3A_303 = tpu.memref_slice %arg3[%dma_wait3A_287, %dma_wait3A_302] : memref<2600000x32xf32, #tpu.memory_space<hbm>> -> memref<1x32xf32, #tpu.memory_space<hbm>>
          %dma_wait3A_304 = tpu.memref_squeeze %dma_wait3A_303 : memref<1x32xf32, #tpu.memory_space<hbm>> -> memref<32xf32, #tpu.memory_space<hbm>>
          tpu.wait_dma2 semaphore(%dma_wait3A_298 : memref<!tpu.dma_semaphore, #tpu.memory_space<semaphore_mem>>) src(%dma_wait3A_304 : memref<32xf32, #tpu.memory_space<hbm>>) dst(%dma_wait3A_301 : memref<32xf32, #tpu.memory_space<vmem>>)
        }
        %scan3A_124 = arith.constant 48 : i32
        %mul3A_125 = arith.constant 8 : i32
        %mul3A_126 = arith.muli %sub3A_102, %mul3A_125 : i32
        %add3A_127 = arith.addi %mul3A_2, %mul3A_126 : i32
        %dma_start3A_128 = arith.constant 0 : i32
        %dma_start3A_129 = arith.constant 0 : i32
        %dma_start3A_130 = arith.constant 0 : i32
        %dma_start3A_131 = tpu.memref_slice %arg6[%sub3A_104, %dma_start3A_128, %dma_start3A_129, %dma_start3A_130] : memref<2x8x26x32xf32, #tpu.memory_space<vmem>> -> memref<1x8x26x32xf32, #tpu.memory_space<vmem>>
        %dma_start3A_132 = tpu.memref_squeeze %dma_start3A_131 : memref<1x8x26x32xf32, #tpu.memory_space<vmem>> -> memref<8x26x32xf32, #tpu.memory_space<vmem>>
        %dma_start3A_133 = arith.constant 0 : i32
        %dma_start3A_134 = arith.constant 0 : i32
        %dma_start3A_135 = tpu.memref_slice %arg4[%add3A_127, %dma_start3A_133, %dma_start3A_134] : memref<4096x26x32xf32, #tpu.memory_space<hbm>> -> memref<8x26x32xf32, #tpu.memory_space<hbm>>
        %dma_start3A_136 = tpu.memref_slice %arg8[%sub3A_104] : memref<2x!tpu.dma_semaphore, #tpu.memory_space<semaphore_mem>> -> memref<1x!tpu.dma_semaphore, #tpu.memory_space<semaphore_mem>>
        %dma_start3A_137 = tpu.memref_squeeze %dma_start3A_136 : memref<1x!tpu.dma_semaphore, #tpu.memory_space<semaphore_mem>> -> memref<!tpu.dma_semaphore, #tpu.memory_space<semaphore_mem>>
        %dma_start3A_138 = arith.constant 0 : i32
        %dma_start3A_139 = arith.constant 0 : i32
        %dma_start3A_140 = tpu.memref_slice %arg4[%add3A_127, %dma_start3A_138, %dma_start3A_139] : memref<4096x26x32xf32, #tpu.memory_space<hbm>> -> memref<8x26x32xf32, #tpu.memory_space<hbm>>
        %dma_start3A_141 = arith.constant 0 : i32
        %dma_start3A_142 = arith.constant 0 : i32
        %dma_start3A_143 = arith.constant 0 : i32
        %dma_start3A_144 = tpu.memref_slice %arg6[%sub3A_104, %dma_start3A_141, %dma_start3A_142, %dma_start3A_143] : memref<2x8x26x32xf32, #tpu.memory_space<vmem>> -> memref<1x8x26x32xf32, #tpu.memory_space<vmem>>
        %dma_start3A_145 = tpu.memref_squeeze %dma_start3A_144 : memref<1x8x26x32xf32, #tpu.memory_space<vmem>> -> memref<8x26x32xf32, #tpu.memory_space<vmem>>
        tpu.enqueue_dma source(%dma_start3A_145 : memref<8x26x32xf32, #tpu.memory_space<vmem>>) target(%dma_start3A_140 : memref<8x26x32xf32, #tpu.memory_space<hbm>>) target_semaphore(%dma_start3A_137 : memref<!tpu.dma_semaphore, #tpu.memory_space<semaphore_mem>>)
      } else {
      }
    }
    %scan3A_6 = arith.constant 16 : i32
    %rem3A = arith.constant 15 : i32
    %rem3A_7 = arith.constant 2 : i32
    %rem3A_8 = arith.remsi %rem3A, %rem3A_7 : i32
    %scan3A_9 = arith.constant 0 : i32
    %scan3A_10 = arith.constant 56 : i32
    %scan3A_11 = arith.addi %scan3A_9, %scan3A_10 : i32
    %scan3A_12 = arith.constant 8 : i32
    scf.for %scan3A_87 = %scan3A_9 to %scan3A_11 step %scan3A_12  : i32 {
      %dma_wait3A_88 = arith.constant 0 : i32
      %dma_wait3A_89 = arith.constant 0 : i32
      %dma_wait3A_90 = arith.constant 0 : i32
      %dma_wait3A_91 = arith.constant 0 : i32
      %dma_wait3A_92 = arith.constant 0 : i32
      %dma_wait3A_93 = tpu.memref_slice %arg6[%rem3A_8, %dma_wait3A_89, %dma_wait3A_90, %dma_wait3A_92] : memref<2x8x26x32xf32, #tpu.memory_space<vmem>> -> memref<1x1x1x32xf32, #tpu.memory_space<vmem>>
      %dma_wait3A_94 = tpu.memref_squeeze %dma_wait3A_93 : memref<1x1x1x32xf32, #tpu.memory_space<vmem>> -> memref<32xf32, #tpu.memory_space<vmem>>
      %dma_wait3A_95 = arith.constant 0 : i32
      %dma_wait3A_96 = tpu.memref_slice %arg3[%dma_wait3A_88, %dma_wait3A_95] : memref<2600000x32xf32, #tpu.memory_space<hbm>> -> memref<1x32xf32, #tpu.memory_space<hbm>>
      %dma_wait3A_97 = tpu.memref_squeeze %dma_wait3A_96 : memref<1x32xf32, #tpu.memory_space<hbm>> -> memref<32xf32, #tpu.memory_space<hbm>>
      %dma_wait3A_98 = tpu.memref_slice %arg7[%rem3A_8, %dma_wait3A_91] : memref<2x4x!tpu.dma_semaphore, #tpu.memory_space<semaphore_mem>> -> memref<1x1x!tpu.dma_semaphore, #tpu.memory_space<semaphore_mem>>
      %dma_wait3A_99 = tpu.memref_squeeze %dma_wait3A_98 : memref<1x1x!tpu.dma_semaphore, #tpu.memory_space<semaphore_mem>> -> memref<!tpu.dma_semaphore, #tpu.memory_space<semaphore_mem>>
      %dma_wait3A_100 = arith.constant 0 : i32
      %dma_wait3A_101 = tpu.memref_slice %arg6[%rem3A_8, %dma_wait3A_89, %dma_wait3A_90, %dma_wait3A_100] : memref<2x8x26x32xf32, #tpu.memory_space<vmem>> -> memref<1x1x1x32xf32, #tpu.memory_space<vmem>>
      %dma_wait3A_102 = tpu.memref_squeeze %dma_wait3A_101 : memref<1x1x1x32xf32, #tpu.memory_space<vmem>> -> memref<32xf32, #tpu.memory_space<vmem>>
      %dma_wait3A_103 = arith.constant 0 : i32
      %dma_wait3A_104 = tpu.memref_slice %arg3[%dma_wait3A_88, %dma_wait3A_103] : memref<2600000x32xf32, #tpu.memory_space<hbm>> -> memref<1x32xf32, #tpu.memory_space<hbm>>
      %dma_wait3A_105 = tpu.memref_squeeze %dma_wait3A_104 : memref<1x32xf32, #tpu.memory_space<hbm>> -> memref<32xf32, #tpu.memory_space<hbm>>
      tpu.wait_dma2 semaphore(%dma_wait3A_99 : memref<!tpu.dma_semaphore, #tpu.memory_space<semaphore_mem>>) src(%dma_wait3A_105 : memref<32xf32, #tpu.memory_space<hbm>>) dst(%dma_wait3A_102 : memref<32xf32, #tpu.memory_space<vmem>>)
      %scan3A_106 = arith.constant 1 : i32
      %scan3A_107 = arith.addi %scan3A_87, %scan3A_106 : i32
      %dma_wait3A_108 = arith.constant 0 : i32
      %dma_wait3A_109 = arith.constant 0 : i32
      %dma_wait3A_110 = arith.constant 0 : i32
      %dma_wait3A_111 = arith.constant 0 : i32
      %dma_wait3A_112 = arith.constant 0 : i32
      %dma_wait3A_113 = tpu.memref_slice %arg6[%rem3A_8, %dma_wait3A_109, %dma_wait3A_110, %dma_wait3A_112] : memref<2x8x26x32xf32, #tpu.memory_space<vmem>> -> memref<1x1x1x32xf32, #tpu.memory_space<vmem>>
      %dma_wait3A_114 = tpu.memref_squeeze %dma_wait3A_113 : memref<1x1x1x32xf32, #tpu.memory_space<vmem>> -> memref<32xf32, #tpu.memory_space<vmem>>
      %dma_wait3A_115 = arith.constant 0 : i32
      %dma_wait3A_116 = tpu.memref_slice %arg3[%dma_wait3A_108, %dma_wait3A_115] : memref<2600000x32xf32, #tpu.memory_space<hbm>> -> memref<1x32xf32, #tpu.memory_space<hbm>>
      %dma_wait3A_117 = tpu.memref_squeeze %dma_wait3A_116 : memref<1x32xf32, #tpu.memory_space<hbm>> -> memref<32xf32, #tpu.memory_space<hbm>>
      %dma_wait3A_118 = tpu.memref_slice %arg7[%rem3A_8, %dma_wait3A_111] : memref<2x4x!tpu.dma_semaphore, #tpu.memory_space<semaphore_mem>> -> memref<1x1x!tpu.dma_semaphore, #tpu.memory_space<semaphore_mem>>
      %dma_wait3A_119 = tpu.memref_squeeze %dma_wait3A_118 : memref<1x1x!tpu.dma_semaphore, #tpu.memory_space<semaphore_mem>> -> memref<!tpu.dma_semaphore, #tpu.memory_space<semaphore_mem>>
      %dma_wait3A_120 = arith.constant 0 : i32
      %dma_wait3A_121 = tpu.memref_slice %arg6[%rem3A_8, %dma_wait3A_109, %dma_wait3A_110, %dma_wait3A_120] : memref<2x8x26x32xf32, #tpu.memory_space<vmem>> -> memref<1x1x1x32xf32, #tpu.memory_space<vmem>>
      %dma_wait3A_122 = tpu.memref_squeeze %dma_wait3A_121 : memref<1x1x1x32xf32, #tpu.memory_space<vmem>> -> memref<32xf32, #tpu.memory_space<vmem>>
      %dma_wait3A_123 = arith.constant 0 : i32
      %dma_wait3A_124 = tpu.memref_slice %arg3[%dma_wait3A_108, %dma_wait3A_123] : memref<2600000x32xf32, #tpu.memory_space<hbm>> -> memref<1x32xf32, #tpu.memory_space<hbm>>
      %dma_wait3A_125 = tpu.memref_squeeze %dma_wait3A_124 : memref<1x32xf32, #tpu.memory_space<hbm>> -> memref<32xf32, #tpu.memory_space<hbm>>
      tpu.wait_dma2 semaphore(%dma_wait3A_119 : memref<!tpu.dma_semaphore, #tpu.memory_space<semaphore_mem>>) src(%dma_wait3A_125 : memref<32xf32, #tpu.memory_space<hbm>>) dst(%dma_wait3A_122 : memref<32xf32, #tpu.memory_space<vmem>>)
      %scan3A_126 = arith.constant 2 : i32
      %scan3A_127 = arith.addi %scan3A_87, %scan3A_126 : i32
      %dma_wait3A_128 = arith.constant 0 : i32
      %dma_wait3A_129 = arith.constant 0 : i32
      %dma_wait3A_130 = arith.constant 0 : i32
      %dma_wait3A_131 = arith.constant 0 : i32
      %dma_wait3A_132 = arith.constant 0 : i32
      %dma_wait3A_133 = tpu.memref_slice %arg6[%rem3A_8, %dma_wait3A_129, %dma_wait3A_130, %dma_wait3A_132] : memref<2x8x26x32xf32, #tpu.memory_space<vmem>> -> memref<1x1x1x32xf32, #tpu.memory_space<vmem>>
      %dma_wait3A_134 = tpu.memref_squeeze %dma_wait3A_133 : memref<1x1x1x32xf32, #tpu.memory_space<vmem>> -> memref<32xf32, #tpu.memory_space<vmem>>
      %dma_wait3A_135 = arith.constant 0 : i32
      %dma_wait3A_136 = tpu.memref_slice %arg3[%dma_wait3A_128, %dma_wait3A_135] : memref<2600000x32xf32, #tpu.memory_space<hbm>> -> memref<1x32xf32, #tpu.memory_space<hbm>>
      %dma_wait3A_137 = tpu.memref_squeeze %dma_wait3A_136 : memref<1x32xf32, #tpu.memory_space<hbm>> -> memref<32xf32, #tpu.memory_space<hbm>>
      %dma_wait3A_138 = tpu.memref_slice %arg7[%rem3A_8, %dma_wait3A_131] : memref<2x4x!tpu.dma_semaphore, #tpu.memory_space<semaphore_mem>> -> memref<1x1x!tpu.dma_semaphore, #tpu.memory_space<semaphore_mem>>
      %dma_wait3A_139 = tpu.memref_squeeze %dma_wait3A_138 : memref<1x1x!tpu.dma_semaphore, #tpu.memory_space<semaphore_mem>> -> memref<!tpu.dma_semaphore, #tpu.memory_space<semaphore_mem>>
      %dma_wait3A_140 = arith.constant 0 : i32
      %dma_wait3A_141 = tpu.memref_slice %arg6[%rem3A_8, %dma_wait3A_129, %dma_wait3A_130, %dma_wait3A_140] : memref<2x8x26x32xf32, #tpu.memory_space<vmem>> -> memref<1x1x1x32xf32, #tpu.memory_space<vmem>>
      %dma_wait3A_142 = tpu.memref_squeeze %dma_wait3A_141 : memref<1x1x1x32xf32, #tpu.memory_space<vmem>> -> memref<32xf32, #tpu.memory_space<vmem>>
      %dma_wait3A_143 = arith.constant 0 : i32
      %dma_wait3A_144 = tpu.memref_slice %arg3[%dma_wait3A_128, %dma_wait3A_143] : memref<2600000x32xf32, #tpu.memory_space<hbm>> -> memref<1x32xf32, #tpu.memory_space<hbm>>
      %dma_wait3A_145 = tpu.memref_squeeze %dma_wait3A_144 : memref<1x32xf32, #tpu.memory_space<hbm>> -> memref<32xf32, #tpu.memory_space<hbm>>
      tpu.wait_dma2 semaphore(%dma_wait3A_139 : memref<!tpu.dma_semaphore, #tpu.memory_space<semaphore_mem>>) src(%dma_wait3A_145 : memref<32xf32, #tpu.memory_space<hbm>>) dst(%dma_wait3A_142 : memref<32xf32, #tpu.memory_space<vmem>>)
      %scan3A_146 = arith.constant 3 : i32
      %scan3A_147 = arith.addi %scan3A_87, %scan3A_146 : i32
      %dma_wait3A_148 = arith.constant 0 : i32
      %dma_wait3A_149 = arith.constant 0 : i32
      %dma_wait3A_150 = arith.constant 0 : i32
      %dma_wait3A_151 = arith.constant 0 : i32
      %dma_wait3A_152 = arith.constant 0 : i32
      %dma_wait3A_153 = tpu.memref_slice %arg6[%rem3A_8, %dma_wait3A_149, %dma_wait3A_150, %dma_wait3A_152] : memref<2x8x26x32xf32, #tpu.memory_space<vmem>> -> memref<1x1x1x32xf32, #tpu.memory_space<vmem>>
      %dma_wait3A_154 = tpu.memref_squeeze %dma_wait3A_153 : memref<1x1x1x32xf32, #tpu.memory_space<vmem>> -> memref<32xf32, #tpu.memory_space<vmem>>
      %dma_wait3A_155 = arith.constant 0 : i32
      %dma_wait3A_156 = tpu.memref_slice %arg3[%dma_wait3A_148, %dma_wait3A_155] : memref<2600000x32xf32, #tpu.memory_space<hbm>> -> memref<1x32xf32, #tpu.memory_space<hbm>>
      %dma_wait3A_157 = tpu.memref_squeeze %dma_wait3A_156 : memref<1x32xf32, #tpu.memory_space<hbm>> -> memref<32xf32, #tpu.memory_space<hbm>>
      %dma_wait3A_158 = tpu.memref_slice %arg7[%rem3A_8, %dma_wait3A_151] : memref<2x4x!tpu.dma_semaphore, #tpu.memory_space<semaphore_mem>> -> memref<1x1x!tpu.dma_semaphore, #tpu.memory_space<semaphore_mem>>
      %dma_wait3A_159 = tpu.memref_squeeze %dma_wait3A_158 : memref<1x1x!tpu.dma_semaphore, #tpu.memory_space<semaphore_mem>> -> memref<!tpu.dma_semaphore, #tpu.memory_space<semaphore_mem>>
      %dma_wait3A_160 = arith.constant 0 : i32
      %dma_wait3A_161 = tpu.memref_slice %arg6[%rem3A_8, %dma_wait3A_149, %dma_wait3A_150, %dma_wait3A_160] : memref<2x8x26x32xf32, #tpu.memory_space<vmem>> -> memref<1x1x1x32xf32, #tpu.memory_space<vmem>>
      %dma_wait3A_162 = tpu.memref_squeeze %dma_wait3A_161 : memref<1x1x1x32xf32, #tpu.memory_space<vmem>> -> memref<32xf32, #tpu.memory_space<vmem>>
      %dma_wait3A_163 = arith.constant 0 : i32
      %dma_wait3A_164 = tpu.memref_slice %arg3[%dma_wait3A_148, %dma_wait3A_163] : memref<2600000x32xf32, #tpu.memory_space<hbm>> -> memref<1x32xf32, #tpu.memory_space<hbm>>
      %dma_wait3A_165 = tpu.memref_squeeze %dma_wait3A_164 : memref<1x32xf32, #tpu.memory_space<hbm>> -> memref<32xf32, #tpu.memory_space<hbm>>
      tpu.wait_dma2 semaphore(%dma_wait3A_159 : memref<!tpu.dma_semaphore, #tpu.memory_space<semaphore_mem>>) src(%dma_wait3A_165 : memref<32xf32, #tpu.memory_space<hbm>>) dst(%dma_wait3A_162 : memref<32xf32, #tpu.memory_space<vmem>>)
      %scan3A_166 = arith.constant 4 : i32
      %scan3A_167 = arith.addi %scan3A_87, %scan3A_166 : i32
      %dma_wait3A_168 = arith.constant 0 : i32
      %dma_wait3A_169 = arith.constant 0 : i32
      %dma_wait3A_170 = arith.constant 0 : i32
      %dma_wait3A_171 = arith.constant 0 : i32
      %dma_wait3A_172 = arith.constant 0 : i32
      %dma_wait3A_173 = tpu.memref_slice %arg6[%rem3A_8, %dma_wait3A_169, %dma_wait3A_170, %dma_wait3A_172] : memref<2x8x26x32xf32, #tpu.memory_space<vmem>> -> memref<1x1x1x32xf32, #tpu.memory_space<vmem>>
      %dma_wait3A_174 = tpu.memref_squeeze %dma_wait3A_173 : memref<1x1x1x32xf32, #tpu.memory_space<vmem>> -> memref<32xf32, #tpu.memory_space<vmem>>
      %dma_wait3A_175 = arith.constant 0 : i32
      %dma_wait3A_176 = tpu.memref_slice %arg3[%dma_wait3A_168, %dma_wait3A_175] : memref<2600000x32xf32, #tpu.memory_space<hbm>> -> memref<1x32xf32, #tpu.memory_space<hbm>>
      %dma_wait3A_177 = tpu.memref_squeeze %dma_wait3A_176 : memref<1x32xf32, #tpu.memory_space<hbm>> -> memref<32xf32, #tpu.memory_space<hbm>>
      %dma_wait3A_178 = tpu.memref_slice %arg7[%rem3A_8, %dma_wait3A_171] : memref<2x4x!tpu.dma_semaphore, #tpu.memory_space<semaphore_mem>> -> memref<1x1x!tpu.dma_semaphore, #tpu.memory_space<semaphore_mem>>
      %dma_wait3A_179 = tpu.memref_squeeze %dma_wait3A_178 : memref<1x1x!tpu.dma_semaphore, #tpu.memory_space<semaphore_mem>> -> memref<!tpu.dma_semaphore, #tpu.memory_space<semaphore_mem>>
      %dma_wait3A_180 = arith.constant 0 : i32
      %dma_wait3A_181 = tpu.memref_slice %arg6[%rem3A_8, %dma_wait3A_169, %dma_wait3A_170, %dma_wait3A_180] : memref<2x8x26x32xf32, #tpu.memory_space<vmem>> -> memref<1x1x1x32xf32, #tpu.memory_space<vmem>>
      %dma_wait3A_182 = tpu.memref_squeeze %dma_wait3A_181 : memref<1x1x1x32xf32, #tpu.memory_space<vmem>> -> memref<32xf32, #tpu.memory_space<vmem>>
      %dma_wait3A_183 = arith.constant 0 : i32
      %dma_wait3A_184 = tpu.memref_slice %arg3[%dma_wait3A_168, %dma_wait3A_183] : memref<2600000x32xf32, #tpu.memory_space<hbm>> -> memref<1x32xf32, #tpu.memory_space<hbm>>
      %dma_wait3A_185 = tpu.memref_squeeze %dma_wait3A_184 : memref<1x32xf32, #tpu.memory_space<hbm>> -> memref<32xf32, #tpu.memory_space<hbm>>
      tpu.wait_dma2 semaphore(%dma_wait3A_179 : memref<!tpu.dma_semaphore, #tpu.memory_space<semaphore_mem>>) src(%dma_wait3A_185 : memref<32xf32, #tpu.memory_space<hbm>>) dst(%dma_wait3A_182 : memref<32xf32, #tpu.memory_space<vmem>>)
      %scan3A_186 = arith.constant 5 : i32
      %scan3A_187 = arith.addi %scan3A_87, %scan3A_186 : i32
      %dma_wait3A_188 = arith.constant 0 : i32
      %dma_wait3A_189 = arith.constant 0 : i32
      %dma_wait3A_190 = arith.constant 0 : i32
      %dma_wait3A_191 = arith.constant 0 : i32
      %dma_wait3A_192 = arith.constant 0 : i32
      %dma_wait3A_193 = tpu.memref_slice %arg6[%rem3A_8, %dma_wait3A_189, %dma_wait3A_190, %dma_wait3A_192] : memref<2x8x26x32xf32, #tpu.memory_space<vmem>> -> memref<1x1x1x32xf32, #tpu.memory_space<vmem>>
      %dma_wait3A_194 = tpu.memref_squeeze %dma_wait3A_193 : memref<1x1x1x32xf32, #tpu.memory_space<vmem>> -> memref<32xf32, #tpu.memory_space<vmem>>
      %dma_wait3A_195 = arith.constant 0 : i32
      %dma_wait3A_196 = tpu.memref_slice %arg3[%dma_wait3A_188, %dma_wait3A_195] : memref<2600000x32xf32, #tpu.memory_space<hbm>> -> memref<1x32xf32, #tpu.memory_space<hbm>>
      %dma_wait3A_197 = tpu.memref_squeeze %dma_wait3A_196 : memref<1x32xf32, #tpu.memory_space<hbm>> -> memref<32xf32, #tpu.memory_space<hbm>>
      %dma_wait3A_198 = tpu.memref_slice %arg7[%rem3A_8, %dma_wait3A_191] : memref<2x4x!tpu.dma_semaphore, #tpu.memory_space<semaphore_mem>> -> memref<1x1x!tpu.dma_semaphore, #tpu.memory_space<semaphore_mem>>
      %dma_wait3A_199 = tpu.memref_squeeze %dma_wait3A_198 : memref<1x1x!tpu.dma_semaphore, #tpu.memory_space<semaphore_mem>> -> memref<!tpu.dma_semaphore, #tpu.memory_space<semaphore_mem>>
      %dma_wait3A_200 = arith.constant 0 : i32
      %dma_wait3A_201 = tpu.memref_slice %arg6[%rem3A_8, %dma_wait3A_189, %dma_wait3A_190, %dma_wait3A_200] : memref<2x8x26x32xf32, #tpu.memory_space<vmem>> -> memref<1x1x1x32xf32, #tpu.memory_space<vmem>>
      %dma_wait3A_202 = tpu.memref_squeeze %dma_wait3A_201 : memref<1x1x1x32xf32, #tpu.memory_space<vmem>> -> memref<32xf32, #tpu.memory_space<vmem>>
      %dma_wait3A_203 = arith.constant 0 : i32
      %dma_wait3A_204 = tpu.memref_slice %arg3[%dma_wait3A_188, %dma_wait3A_203] : memref<2600000x32xf32, #tpu.memory_space<hbm>> -> memref<1x32xf32, #tpu.memory_space<hbm>>
      %dma_wait3A_205 = tpu.memref_squeeze %dma_wait3A_204 : memref<1x32xf32, #tpu.memory_space<hbm>> -> memref<32xf32, #tpu.memory_space<hbm>>
      tpu.wait_dma2 semaphore(%dma_wait3A_199 : memref<!tpu.dma_semaphore, #tpu.memory_space<semaphore_mem>>) src(%dma_wait3A_205 : memref<32xf32, #tpu.memory_space<hbm>>) dst(%dma_wait3A_202 : memref<32xf32, #tpu.memory_space<vmem>>)
      %scan3A_206 = arith.constant 6 : i32
      %scan3A_207 = arith.addi %scan3A_87, %scan3A_206 : i32
      %dma_wait3A_208 = arith.constant 0 : i32
      %dma_wait3A_209 = arith.constant 0 : i32
      %dma_wait3A_210 = arith.constant 0 : i32
      %dma_wait3A_211 = arith.constant 0 : i32
      %dma_wait3A_212 = arith.constant 0 : i32
      %dma_wait3A_213 = tpu.memref_slice %arg6[%rem3A_8, %dma_wait3A_209, %dma_wait3A_210, %dma_wait3A_212] : memref<2x8x26x32xf32, #tpu.memory_space<vmem>> -> memref<1x1x1x32xf32, #tpu.memory_space<vmem>>
      %dma_wait3A_214 = tpu.memref_squeeze %dma_wait3A_213 : memref<1x1x1x32xf32, #tpu.memory_space<vmem>> -> memref<32xf32, #tpu.memory_space<vmem>>
      %dma_wait3A_215 = arith.constant 0 : i32
      %dma_wait3A_216 = tpu.memref_slice %arg3[%dma_wait3A_208, %dma_wait3A_215] : memref<2600000x32xf32, #tpu.memory_space<hbm>> -> memref<1x32xf32, #tpu.memory_space<hbm>>
      %dma_wait3A_217 = tpu.memref_squeeze %dma_wait3A_216 : memref<1x32xf32, #tpu.memory_space<hbm>> -> memref<32xf32, #tpu.memory_space<hbm>>
      %dma_wait3A_218 = tpu.memref_slice %arg7[%rem3A_8, %dma_wait3A_211] : memref<2x4x!tpu.dma_semaphore, #tpu.memory_space<semaphore_mem>> -> memref<1x1x!tpu.dma_semaphore, #tpu.memory_space<semaphore_mem>>
      %dma_wait3A_219 = tpu.memref_squeeze %dma_wait3A_218 : memref<1x1x!tpu.dma_semaphore, #tpu.memory_space<semaphore_mem>> -> memref<!tpu.dma_semaphore, #tpu.memory_space<semaphore_mem>>
      %dma_wait3A_220 = arith.constant 0 : i32
      %dma_wait3A_221 = tpu.memref_slice %arg6[%rem3A_8, %dma_wait3A_209, %dma_wait3A_210, %dma_wait3A_220] : memref<2x8x26x32xf32, #tpu.memory_space<vmem>> -> memref<1x1x1x32xf32, #tpu.memory_space<vmem>>
      %dma_wait3A_222 = tpu.memref_squeeze %dma_wait3A_221 : memref<1x1x1x32xf32, #tpu.memory_space<vmem>> -> memref<32xf32, #tpu.memory_space<vmem>>
      %dma_wait3A_223 = arith.constant 0 : i32
      %dma_wait3A_224 = tpu.memref_slice %arg3[%dma_wait3A_208, %dma_wait3A_223] : memref<2600000x32xf32, #tpu.memory_space<hbm>> -> memref<1x32xf32, #tpu.memory_space<hbm>>
      %dma_wait3A_225 = tpu.memref_squeeze %dma_wait3A_224 : memref<1x32xf32, #tpu.memory_space<hbm>> -> memref<32xf32, #tpu.memory_space<hbm>>
      tpu.wait_dma2 semaphore(%dma_wait3A_219 : memref<!tpu.dma_semaphore, #tpu.memory_space<semaphore_mem>>) src(%dma_wait3A_225 : memref<32xf32, #tpu.memory_space<hbm>>) dst(%dma_wait3A_222 : memref<32xf32, #tpu.memory_space<vmem>>)
      %scan3A_226 = arith.constant 7 : i32
      %scan3A_227 = arith.addi %scan3A_87, %scan3A_226 : i32
      %dma_wait3A_228 = arith.constant 0 : i32
      %dma_wait3A_229 = arith.constant 0 : i32
      %dma_wait3A_230 = arith.constant 0 : i32
      %dma_wait3A_231 = arith.constant 0 : i32
      %dma_wait3A_232 = arith.constant 0 : i32
      %dma_wait3A_233 = tpu.memref_slice %arg6[%rem3A_8, %dma_wait3A_229, %dma_wait3A_230, %dma_wait3A_232] : memref<2x8x26x32xf32, #tpu.memory_space<vmem>> -> memref<1x1x1x32xf32, #tpu.memory_space<vmem>>
      %dma_wait3A_234 = tpu.memref_squeeze %dma_wait3A_233 : memref<1x1x1x32xf32, #tpu.memory_space<vmem>> -> memref<32xf32, #tpu.memory_space<vmem>>
      %dma_wait3A_235 = arith.constant 0 : i32
      %dma_wait3A_236 = tpu.memref_slice %arg3[%dma_wait3A_228, %dma_wait3A_235] : memref<2600000x32xf32, #tpu.memory_space<hbm>> -> memref<1x32xf32, #tpu.memory_space<hbm>>
      %dma_wait3A_237 = tpu.memref_squeeze %dma_wait3A_236 : memref<1x32xf32, #tpu.memory_space<hbm>> -> memref<32xf32, #tpu.memory_space<hbm>>
      %dma_wait3A_238 = tpu.memref_slice %arg7[%rem3A_8, %dma_wait3A_231] : memref<2x4x!tpu.dma_semaphore, #tpu.memory_space<semaphore_mem>> -> memref<1x1x!tpu.dma_semaphore, #tpu.memory_space<semaphore_mem>>
      %dma_wait3A_239 = tpu.memref_squeeze %dma_wait3A_238 : memref<1x1x!tpu.dma_semaphore, #tpu.memory_space<semaphore_mem>> -> memref<!tpu.dma_semaphore, #tpu.memory_space<semaphore_mem>>
      %dma_wait3A_240 = arith.constant 0 : i32
      %dma_wait3A_241 = tpu.memref_slice %arg6[%rem3A_8, %dma_wait3A_229, %dma_wait3A_230, %dma_wait3A_240] : memref<2x8x26x32xf32, #tpu.memory_space<vmem>> -> memref<1x1x1x32xf32, #tpu.memory_space<vmem>>
      %dma_wait3A_242 = tpu.memref_squeeze %dma_wait3A_241 : memref<1x1x1x32xf32, #tpu.memory_space<vmem>> -> memref<32xf32, #tpu.memory_space<vmem>>
      %dma_wait3A_243 = arith.constant 0 : i32
      %dma_wait3A_244 = tpu.memref_slice %arg3[%dma_wait3A_228, %dma_wait3A_243] : memref<2600000x32xf32, #tpu.memory_space<hbm>> -> memref<1x32xf32, #tpu.memory_space<hbm>>
      %dma_wait3A_245 = tpu.memref_squeeze %dma_wait3A_244 : memref<1x32xf32, #tpu.memory_space<hbm>> -> memref<32xf32, #tpu.memory_space<hbm>>
      tpu.wait_dma2 semaphore(%dma_wait3A_239 : memref<!tpu.dma_semaphore, #tpu.memory_space<semaphore_mem>>) src(%dma_wait3A_245 : memref<32xf32, #tpu.memory_space<hbm>>) dst(%dma_wait3A_242 : memref<32xf32, #tpu.memory_space<vmem>>)
    }
    %scan3A_13 = arith.constant 56 : i32
    %scan3A_14 = arith.constant 0 : i32
    %scan3A_15 = arith.constant 56 : i32
    %scan3A_16 = arith.addi %scan3A_14, %scan3A_15 : i32
    %scan3A_17 = arith.constant 8 : i32
    scf.for %scan3A_87 = %scan3A_14 to %scan3A_16 step %scan3A_17  : i32 {
      %dma_wait3A_88 = arith.constant 0 : i32
      %dma_wait3A_89 = arith.constant 0 : i32
      %dma_wait3A_90 = arith.constant 0 : i32
      %dma_wait3A_91 = arith.constant 1 : i32
      %dma_wait3A_92 = arith.constant 0 : i32
      %dma_wait3A_93 = tpu.memref_slice %arg6[%rem3A_8, %dma_wait3A_89, %dma_wait3A_90, %dma_wait3A_92] : memref<2x8x26x32xf32, #tpu.memory_space<vmem>> -> memref<1x1x1x32xf32, #tpu.memory_space<vmem>>
      %dma_wait3A_94 = tpu.memref_squeeze %dma_wait3A_93 : memref<1x1x1x32xf32, #tpu.memory_space<vmem>> -> memref<32xf32, #tpu.memory_space<vmem>>
      %dma_wait3A_95 = arith.constant 0 : i32
      %dma_wait3A_96 = tpu.memref_slice %arg3[%dma_wait3A_88, %dma_wait3A_95] : memref<2600000x32xf32, #tpu.memory_space<hbm>> -> memref<1x32xf32, #tpu.memory_space<hbm>>
      %dma_wait3A_97 = tpu.memref_squeeze %dma_wait3A_96 : memref<1x32xf32, #tpu.memory_space<hbm>> -> memref<32xf32, #tpu.memory_space<hbm>>
      %dma_wait3A_98 = tpu.memref_slice %arg7[%rem3A_8, %dma_wait3A_91] : memref<2x4x!tpu.dma_semaphore, #tpu.memory_space<semaphore_mem>> -> memref<1x1x!tpu.dma_semaphore, #tpu.memory_space<semaphore_mem>>
      %dma_wait3A_99 = tpu.memref_squeeze %dma_wait3A_98 : memref<1x1x!tpu.dma_semaphore, #tpu.memory_space<semaphore_mem>> -> memref<!tpu.dma_semaphore, #tpu.memory_space<semaphore_mem>>
      %dma_wait3A_100 = arith.constant 0 : i32
      %dma_wait3A_101 = tpu.memref_slice %arg6[%rem3A_8, %dma_wait3A_89, %dma_wait3A_90, %dma_wait3A_100] : memref<2x8x26x32xf32, #tpu.memory_space<vmem>> -> memref<1x1x1x32xf32, #tpu.memory_space<vmem>>
      %dma_wait3A_102 = tpu.memref_squeeze %dma_wait3A_101 : memref<1x1x1x32xf32, #tpu.memory_space<vmem>> -> memref<32xf32, #tpu.memory_space<vmem>>
      %dma_wait3A_103 = arith.constant 0 : i32
      %dma_wait3A_104 = tpu.memref_slice %arg3[%dma_wait3A_88, %dma_wait3A_103] : memref<2600000x32xf32, #tpu.memory_space<hbm>> -> memref<1x32xf32, #tpu.memory_space<hbm>>
      %dma_wait3A_105 = tpu.memref_squeeze %dma_wait3A_104 : memref<1x32xf32, #tpu.memory_space<hbm>> -> memref<32xf32, #tpu.memory_space<hbm>>
      tpu.wait_dma2 semaphore(%dma_wait3A_99 : memref<!tpu.dma_semaphore, #tpu.memory_space<semaphore_mem>>) src(%dma_wait3A_105 : memref<32xf32, #tpu.memory_space<hbm>>) dst(%dma_wait3A_102 : memref<32xf32, #tpu.memory_space<vmem>>)
      %scan3A_106 = arith.constant 1 : i32
      %scan3A_107 = arith.addi %scan3A_87, %scan3A_106 : i32
      %dma_wait3A_108 = arith.constant 0 : i32
      %dma_wait3A_109 = arith.constant 0 : i32
      %dma_wait3A_110 = arith.constant 0 : i32
      %dma_wait3A_111 = arith.constant 1 : i32
      %dma_wait3A_112 = arith.constant 0 : i32
      %dma_wait3A_113 = tpu.memref_slice %arg6[%rem3A_8, %dma_wait3A_109, %dma_wait3A_110, %dma_wait3A_112] : memref<2x8x26x32xf32, #tpu.memory_space<vmem>> -> memref<1x1x1x32xf32, #tpu.memory_space<vmem>>
      %dma_wait3A_114 = tpu.memref_squeeze %dma_wait3A_113 : memref<1x1x1x32xf32, #tpu.memory_space<vmem>> -> memref<32xf32, #tpu.memory_space<vmem>>
      %dma_wait3A_115 = arith.constant 0 : i32
      %dma_wait3A_116 = tpu.memref_slice %arg3[%dma_wait3A_108, %dma_wait3A_115] : memref<2600000x32xf32, #tpu.memory_space<hbm>> -> memref<1x32xf32, #tpu.memory_space<hbm>>
      %dma_wait3A_117 = tpu.memref_squeeze %dma_wait3A_116 : memref<1x32xf32, #tpu.memory_space<hbm>> -> memref<32xf32, #tpu.memory_space<hbm>>
      %dma_wait3A_118 = tpu.memref_slice %arg7[%rem3A_8, %dma_wait3A_111] : memref<2x4x!tpu.dma_semaphore, #tpu.memory_space<semaphore_mem>> -> memref<1x1x!tpu.dma_semaphore, #tpu.memory_space<semaphore_mem>>
      %dma_wait3A_119 = tpu.memref_squeeze %dma_wait3A_118 : memref<1x1x!tpu.dma_semaphore, #tpu.memory_space<semaphore_mem>> -> memref<!tpu.dma_semaphore, #tpu.memory_space<semaphore_mem>>
      %dma_wait3A_120 = arith.constant 0 : i32
      %dma_wait3A_121 = tpu.memref_slice %arg6[%rem3A_8, %dma_wait3A_109, %dma_wait3A_110, %dma_wait3A_120] : memref<2x8x26x32xf32, #tpu.memory_space<vmem>> -> memref<1x1x1x32xf32, #tpu.memory_space<vmem>>
      %dma_wait3A_122 = tpu.memref_squeeze %dma_wait3A_121 : memref<1x1x1x32xf32, #tpu.memory_space<vmem>> -> memref<32xf32, #tpu.memory_space<vmem>>
      %dma_wait3A_123 = arith.constant 0 : i32
      %dma_wait3A_124 = tpu.memref_slice %arg3[%dma_wait3A_108, %dma_wait3A_123] : memref<2600000x32xf32, #tpu.memory_space<hbm>> -> memref<1x32xf32, #tpu.memory_space<hbm>>
      %dma_wait3A_125 = tpu.memref_squeeze %dma_wait3A_124 : memref<1x32xf32, #tpu.memory_space<hbm>> -> memref<32xf32, #tpu.memory_space<hbm>>
      tpu.wait_dma2 semaphore(%dma_wait3A_119 : memref<!tpu.dma_semaphore, #tpu.memory_space<semaphore_mem>>) src(%dma_wait3A_125 : memref<32xf32, #tpu.memory_space<hbm>>) dst(%dma_wait3A_122 : memref<32xf32, #tpu.memory_space<vmem>>)
      %scan3A_126 = arith.constant 2 : i32
      %scan3A_127 = arith.addi %scan3A_87, %scan3A_126 : i32
      %dma_wait3A_128 = arith.constant 0 : i32
      %dma_wait3A_129 = arith.constant 0 : i32
      %dma_wait3A_130 = arith.constant 0 : i32
      %dma_wait3A_131 = arith.constant 1 : i32
      %dma_wait3A_132 = arith.constant 0 : i32
      %dma_wait3A_133 = tpu.memref_slice %arg6[%rem3A_8, %dma_wait3A_129, %dma_wait3A_130, %dma_wait3A_132] : memref<2x8x26x32xf32, #tpu.memory_space<vmem>> -> memref<1x1x1x32xf32, #tpu.memory_space<vmem>>
      %dma_wait3A_134 = tpu.memref_squeeze %dma_wait3A_133 : memref<1x1x1x32xf32, #tpu.memory_space<vmem>> -> memref<32xf32, #tpu.memory_space<vmem>>
      %dma_wait3A_135 = arith.constant 0 : i32
      %dma_wait3A_136 = tpu.memref_slice %arg3[%dma_wait3A_128, %dma_wait3A_135] : memref<2600000x32xf32, #tpu.memory_space<hbm>> -> memref<1x32xf32, #tpu.memory_space<hbm>>
      %dma_wait3A_137 = tpu.memref_squeeze %dma_wait3A_136 : memref<1x32xf32, #tpu.memory_space<hbm>> -> memref<32xf32, #tpu.memory_space<hbm>>
      %dma_wait3A_138 = tpu.memref_slice %arg7[%rem3A_8, %dma_wait3A_131] : memref<2x4x!tpu.dma_semaphore, #tpu.memory_space<semaphore_mem>> -> memref<1x1x!tpu.dma_semaphore, #tpu.memory_space<semaphore_mem>>
      %dma_wait3A_139 = tpu.memref_squeeze %dma_wait3A_138 : memref<1x1x!tpu.dma_semaphore, #tpu.memory_space<semaphore_mem>> -> memref<!tpu.dma_semaphore, #tpu.memory_space<semaphore_mem>>
      %dma_wait3A_140 = arith.constant 0 : i32
      %dma_wait3A_141 = tpu.memref_slice %arg6[%rem3A_8, %dma_wait3A_129, %dma_wait3A_130, %dma_wait3A_140] : memref<2x8x26x32xf32, #tpu.memory_space<vmem>> -> memref<1x1x1x32xf32, #tpu.memory_space<vmem>>
      %dma_wait3A_142 = tpu.memref_squeeze %dma_wait3A_141 : memref<1x1x1x32xf32, #tpu.memory_space<vmem>> -> memref<32xf32, #tpu.memory_space<vmem>>
      %dma_wait3A_143 = arith.constant 0 : i32
      %dma_wait3A_144 = tpu.memref_slice %arg3[%dma_wait3A_128, %dma_wait3A_143] : memref<2600000x32xf32, #tpu.memory_space<hbm>> -> memref<1x32xf32, #tpu.memory_space<hbm>>
      %dma_wait3A_145 = tpu.memref_squeeze %dma_wait3A_144 : memref<1x32xf32, #tpu.memory_space<hbm>> -> memref<32xf32, #tpu.memory_space<hbm>>
      tpu.wait_dma2 semaphore(%dma_wait3A_139 : memref<!tpu.dma_semaphore, #tpu.memory_space<semaphore_mem>>) src(%dma_wait3A_145 : memref<32xf32, #tpu.memory_space<hbm>>) dst(%dma_wait3A_142 : memref<32xf32, #tpu.memory_space<vmem>>)
      %scan3A_146 = arith.constant 3 : i32
      %scan3A_147 = arith.addi %scan3A_87, %scan3A_146 : i32
      %dma_wait3A_148 = arith.constant 0 : i32
      %dma_wait3A_149 = arith.constant 0 : i32
      %dma_wait3A_150 = arith.constant 0 : i32
      %dma_wait3A_151 = arith.constant 1 : i32
      %dma_wait3A_152 = arith.constant 0 : i32
      %dma_wait3A_153 = tpu.memref_slice %arg6[%rem3A_8, %dma_wait3A_149, %dma_wait3A_150, %dma_wait3A_152] : memref<2x8x26x32xf32, #tpu.memory_space<vmem>> -> memref<1x1x1x32xf32, #tpu.memory_space<vmem>>
      %dma_wait3A_154 = tpu.memref_squeeze %dma_wait3A_153 : memref<1x1x1x32xf32, #tpu.memory_space<vmem>> -> memref<32xf32, #tpu.memory_space<vmem>>
      %dma_wait3A_155 = arith.constant 0 : i32
      %dma_wait3A_156 = tpu.memref_slice %arg3[%dma_wait3A_148, %dma_wait3A_155] : memref<2600000x32xf32, #tpu.memory_space<hbm>> -> memref<1x32xf32, #tpu.memory_space<hbm>>
      %dma_wait3A_157 = tpu.memref_squeeze %dma_wait3A_156 : memref<1x32xf32, #tpu.memory_space<hbm>> -> memref<32xf32, #tpu.memory_space<hbm>>
      %dma_wait3A_158 = tpu.memref_slice %arg7[%rem3A_8, %dma_wait3A_151] : memref<2x4x!tpu.dma_semaphore, #tpu.memory_space<semaphore_mem>> -> memref<1x1x!tpu.dma_semaphore, #tpu.memory_space<semaphore_mem>>
      %dma_wait3A_159 = tpu.memref_squeeze %dma_wait3A_158 : memref<1x1x!tpu.dma_semaphore, #tpu.memory_space<semaphore_mem>> -> memref<!tpu.dma_semaphore, #tpu.memory_space<semaphore_mem>>
      %dma_wait3A_160 = arith.constant 0 : i32
      %dma_wait3A_161 = tpu.memref_slice %arg6[%rem3A_8, %dma_wait3A_149, %dma_wait3A_150, %dma_wait3A_160] : memref<2x8x26x32xf32, #tpu.memory_space<vmem>> -> memref<1x1x1x32xf32, #tpu.memory_space<vmem>>
      %dma_wait3A_162 = tpu.memref_squeeze %dma_wait3A_161 : memref<1x1x1x32xf32, #tpu.memory_space<vmem>> -> memref<32xf32, #tpu.memory_space<vmem>>
      %dma_wait3A_163 = arith.constant 0 : i32
      %dma_wait3A_164 = tpu.memref_slice %arg3[%dma_wait3A_148, %dma_wait3A_163] : memref<2600000x32xf32, #tpu.memory_space<hbm>> -> memref<1x32xf32, #tpu.memory_space<hbm>>
      %dma_wait3A_165 = tpu.memref_squeeze %dma_wait3A_164 : memref<1x32xf32, #tpu.memory_space<hbm>> -> memref<32xf32, #tpu.memory_space<hbm>>
      tpu.wait_dma2 semaphore(%dma_wait3A_159 : memref<!tpu.dma_semaphore, #tpu.memory_space<semaphore_mem>>) src(%dma_wait3A_165 : memref<32xf32, #tpu.memory_space<hbm>>) dst(%dma_wait3A_162 : memref<32xf32, #tpu.memory_space<vmem>>)
      %scan3A_166 = arith.constant 4 : i32
      %scan3A_167 = arith.addi %scan3A_87, %scan3A_166 : i32
      %dma_wait3A_168 = arith.constant 0 : i32
      %dma_wait3A_169 = arith.constant 0 : i32
      %dma_wait3A_170 = arith.constant 0 : i32
      %dma_wait3A_171 = arith.constant 1 : i32
      %dma_wait3A_172 = arith.constant 0 : i32
      %dma_wait3A_173 = tpu.memref_slice %arg6[%rem3A_8, %dma_wait3A_169, %dma_wait3A_170, %dma_wait3A_172] : memref<2x8x26x32xf32, #tpu.memory_space<vmem>> -> memref<1x1x1x32xf32, #tpu.memory_space<vmem>>
      %dma_wait3A_174 = tpu.memref_squeeze %dma_wait3A_173 : memref<1x1x1x32xf32, #tpu.memory_space<vmem>> -> memref<32xf32, #tpu.memory_space<vmem>>
      %dma_wait3A_175 = arith.constant 0 : i32
      %dma_wait3A_176 = tpu.memref_slice %arg3[%dma_wait3A_168, %dma_wait3A_175] : memref<2600000x32xf32, #tpu.memory_space<hbm>> -> memref<1x32xf32, #tpu.memory_space<hbm>>
      %dma_wait3A_177 = tpu.memref_squeeze %dma_wait3A_176 : memref<1x32xf32, #tpu.memory_space<hbm>> -> memref<32xf32, #tpu.memory_space<hbm>>
      %dma_wait3A_178 = tpu.memref_slice %arg7[%rem3A_8, %dma_wait3A_171] : memref<2x4x!tpu.dma_semaphore, #tpu.memory_space<semaphore_mem>> -> memref<1x1x!tpu.dma_semaphore, #tpu.memory_space<semaphore_mem>>
      %dma_wait3A_179 = tpu.memref_squeeze %dma_wait3A_178 : memref<1x1x!tpu.dma_semaphore, #tpu.memory_space<semaphore_mem>> -> memref<!tpu.dma_semaphore, #tpu.memory_space<semaphore_mem>>
      %dma_wait3A_180 = arith.constant 0 : i32
      %dma_wait3A_181 = tpu.memref_slice %arg6[%rem3A_8, %dma_wait3A_169, %dma_wait3A_170, %dma_wait3A_180] : memref<2x8x26x32xf32, #tpu.memory_space<vmem>> -> memref<1x1x1x32xf32, #tpu.memory_space<vmem>>
      %dma_wait3A_182 = tpu.memref_squeeze %dma_wait3A_181 : memref<1x1x1x32xf32, #tpu.memory_space<vmem>> -> memref<32xf32, #tpu.memory_space<vmem>>
      %dma_wait3A_183 = arith.constant 0 : i32
      %dma_wait3A_184 = tpu.memref_slice %arg3[%dma_wait3A_168, %dma_wait3A_183] : memref<2600000x32xf32, #tpu.memory_space<hbm>> -> memref<1x32xf32, #tpu.memory_space<hbm>>
      %dma_wait3A_185 = tpu.memref_squeeze %dma_wait3A_184 : memref<1x32xf32, #tpu.memory_space<hbm>> -> memref<32xf32, #tpu.memory_space<hbm>>
      tpu.wait_dma2 semaphore(%dma_wait3A_179 : memref<!tpu.dma_semaphore, #tpu.memory_space<semaphore_mem>>) src(%dma_wait3A_185 : memref<32xf32, #tpu.memory_space<hbm>>) dst(%dma_wait3A_182 : memref<32xf32, #tpu.memory_space<vmem>>)
      %scan3A_186 = arith.constant 5 : i32
      %scan3A_187 = arith.addi %scan3A_87, %scan3A_186 : i32
      %dma_wait3A_188 = arith.constant 0 : i32
      %dma_wait3A_189 = arith.constant 0 : i32
      %dma_wait3A_190 = arith.constant 0 : i32
      %dma_wait3A_191 = arith.constant 1 : i32
      %dma_wait3A_192 = arith.constant 0 : i32
      %dma_wait3A_193 = tpu.memref_slice %arg6[%rem3A_8, %dma_wait3A_189, %dma_wait3A_190, %dma_wait3A_192] : memref<2x8x26x32xf32, #tpu.memory_space<vmem>> -> memref<1x1x1x32xf32, #tpu.memory_space<vmem>>
      %dma_wait3A_194 = tpu.memref_squeeze %dma_wait3A_193 : memref<1x1x1x32xf32, #tpu.memory_space<vmem>> -> memref<32xf32, #tpu.memory_space<vmem>>
      %dma_wait3A_195 = arith.constant 0 : i32
      %dma_wait3A_196 = tpu.memref_slice %arg3[%dma_wait3A_188, %dma_wait3A_195] : memref<2600000x32xf32, #tpu.memory_space<hbm>> -> memref<1x32xf32, #tpu.memory_space<hbm>>
      %dma_wait3A_197 = tpu.memref_squeeze %dma_wait3A_196 : memref<1x32xf32, #tpu.memory_space<hbm>> -> memref<32xf32, #tpu.memory_space<hbm>>
      %dma_wait3A_198 = tpu.memref_slice %arg7[%rem3A_8, %dma_wait3A_191] : memref<2x4x!tpu.dma_semaphore, #tpu.memory_space<semaphore_mem>> -> memref<1x1x!tpu.dma_semaphore, #tpu.memory_space<semaphore_mem>>
      %dma_wait3A_199 = tpu.memref_squeeze %dma_wait3A_198 : memref<1x1x!tpu.dma_semaphore, #tpu.memory_space<semaphore_mem>> -> memref<!tpu.dma_semaphore, #tpu.memory_space<semaphore_mem>>
      %dma_wait3A_200 = arith.constant 0 : i32
      %dma_wait3A_201 = tpu.memref_slice %arg6[%rem3A_8, %dma_wait3A_189, %dma_wait3A_190, %dma_wait3A_200] : memref<2x8x26x32xf32, #tpu.memory_space<vmem>> -> memref<1x1x1x32xf32, #tpu.memory_space<vmem>>
      %dma_wait3A_202 = tpu.memref_squeeze %dma_wait3A_201 : memref<1x1x1x32xf32, #tpu.memory_space<vmem>> -> memref<32xf32, #tpu.memory_space<vmem>>
      %dma_wait3A_203 = arith.constant 0 : i32
      %dma_wait3A_204 = tpu.memref_slice %arg3[%dma_wait3A_188, %dma_wait3A_203] : memref<2600000x32xf32, #tpu.memory_space<hbm>> -> memref<1x32xf32, #tpu.memory_space<hbm>>
      %dma_wait3A_205 = tpu.memref_squeeze %dma_wait3A_204 : memref<1x32xf32, #tpu.memory_space<hbm>> -> memref<32xf32, #tpu.memory_space<hbm>>
      tpu.wait_dma2 semaphore(%dma_wait3A_199 : memref<!tpu.dma_semaphore, #tpu.memory_space<semaphore_mem>>) src(%dma_wait3A_205 : memref<32xf32, #tpu.memory_space<hbm>>) dst(%dma_wait3A_202 : memref<32xf32, #tpu.memory_space<vmem>>)
      %scan3A_206 = arith.constant 6 : i32
      %scan3A_207 = arith.addi %scan3A_87, %scan3A_206 : i32
      %dma_wait3A_208 = arith.constant 0 : i32
      %dma_wait3A_209 = arith.constant 0 : i32
      %dma_wait3A_210 = arith.constant 0 : i32
      %dma_wait3A_211 = arith.constant 1 : i32
      %dma_wait3A_212 = arith.constant 0 : i32
      %dma_wait3A_213 = tpu.memref_slice %arg6[%rem3A_8, %dma_wait3A_209, %dma_wait3A_210, %dma_wait3A_212] : memref<2x8x26x32xf32, #tpu.memory_space<vmem>> -> memref<1x1x1x32xf32, #tpu.memory_space<vmem>>
      %dma_wait3A_214 = tpu.memref_squeeze %dma_wait3A_213 : memref<1x1x1x32xf32, #tpu.memory_space<vmem>> -> memref<32xf32, #tpu.memory_space<vmem>>
      %dma_wait3A_215 = arith.constant 0 : i32
      %dma_wait3A_216 = tpu.memref_slice %arg3[%dma_wait3A_208, %dma_wait3A_215] : memref<2600000x32xf32, #tpu.memory_space<hbm>> -> memref<1x32xf32, #tpu.memory_space<hbm>>
      %dma_wait3A_217 = tpu.memref_squeeze %dma_wait3A_216 : memref<1x32xf32, #tpu.memory_space<hbm>> -> memref<32xf32, #tpu.memory_space<hbm>>
      %dma_wait3A_218 = tpu.memref_slice %arg7[%rem3A_8, %dma_wait3A_211] : memref<2x4x!tpu.dma_semaphore, #tpu.memory_space<semaphore_mem>> -> memref<1x1x!tpu.dma_semaphore, #tpu.memory_space<semaphore_mem>>
      %dma_wait3A_219 = tpu.memref_squeeze %dma_wait3A_218 : memref<1x1x!tpu.dma_semaphore, #tpu.memory_space<semaphore_mem>> -> memref<!tpu.dma_semaphore, #tpu.memory_space<semaphore_mem>>
      %dma_wait3A_220 = arith.constant 0 : i32
      %dma_wait3A_221 = tpu.memref_slice %arg6[%rem3A_8, %dma_wait3A_209, %dma_wait3A_210, %dma_wait3A_220] : memref<2x8x26x32xf32, #tpu.memory_space<vmem>> -> memref<1x1x1x32xf32, #tpu.memory_space<vmem>>
      %dma_wait3A_222 = tpu.memref_squeeze %dma_wait3A_221 : memref<1x1x1x32xf32, #tpu.memory_space<vmem>> -> memref<32xf32, #tpu.memory_space<vmem>>
      %dma_wait3A_223 = arith.constant 0 : i32
      %dma_wait3A_224 = tpu.memref_slice %arg3[%dma_wait3A_208, %dma_wait3A_223] : memref<2600000x32xf32, #tpu.memory_space<hbm>> -> memref<1x32xf32, #tpu.memory_space<hbm>>
      %dma_wait3A_225 = tpu.memref_squeeze %dma_wait3A_224 : memref<1x32xf32, #tpu.memory_space<hbm>> -> memref<32xf32, #tpu.memory_space<hbm>>
      tpu.wait_dma2 semaphore(%dma_wait3A_219 : memref<!tpu.dma_semaphore, #tpu.memory_space<semaphore_mem>>) src(%dma_wait3A_225 : memref<32xf32, #tpu.memory_space<hbm>>) dst(%dma_wait3A_222 : memref<32xf32, #tpu.memory_space<vmem>>)
      %scan3A_226 = arith.constant 7 : i32
      %scan3A_227 = arith.addi %scan3A_87, %scan3A_226 : i32
      %dma_wait3A_228 = arith.constant 0 : i32
      %dma_wait3A_229 = arith.constant 0 : i32
      %dma_wait3A_230 = arith.constant 0 : i32
      %dma_wait3A_231 = arith.constant 1 : i32
      %dma_wait3A_232 = arith.constant 0 : i32
      %dma_wait3A_233 = tpu.memref_slice %arg6[%rem3A_8, %dma_wait3A_229, %dma_wait3A_230, %dma_wait3A_232] : memref<2x8x26x32xf32, #tpu.memory_space<vmem>> -> memref<1x1x1x32xf32, #tpu.memory_space<vmem>>
      %dma_wait3A_234 = tpu.memref_squeeze %dma_wait3A_233 : memref<1x1x1x32xf32, #tpu.memory_space<vmem>> -> memref<32xf32, #tpu.memory_space<vmem>>
      %dma_wait3A_235 = arith.constant 0 : i32
      %dma_wait3A_236 = tpu.memref_slice %arg3[%dma_wait3A_228, %dma_wait3A_235] : memref<2600000x32xf32, #tpu.memory_space<hbm>> -> memref<1x32xf32, #tpu.memory_space<hbm>>
      %dma_wait3A_237 = tpu.memref_squeeze %dma_wait3A_236 : memref<1x32xf32, #tpu.memory_space<hbm>> -> memref<32xf32, #tpu.memory_space<hbm>>
      %dma_wait3A_238 = tpu.memref_slice %arg7[%rem3A_8, %dma_wait3A_231] : memref<2x4x!tpu.dma_semaphore, #tpu.memory_space<semaphore_mem>> -> memref<1x1x!tpu.dma_semaphore, #tpu.memory_space<semaphore_mem>>
      %dma_wait3A_239 = tpu.memref_squeeze %dma_wait3A_238 : memref<1x1x!tpu.dma_semaphore, #tpu.memory_space<semaphore_mem>> -> memref<!tpu.dma_semaphore, #tpu.memory_space<semaphore_mem>>
      %dma_wait3A_240 = arith.constant 0 : i32
      %dma_wait3A_241 = tpu.memref_slice %arg6[%rem3A_8, %dma_wait3A_229, %dma_wait3A_230, %dma_wait3A_240] : memref<2x8x26x32xf32, #tpu.memory_space<vmem>> -> memref<1x1x1x32xf32, #tpu.memory_space<vmem>>
      %dma_wait3A_242 = tpu.memref_squeeze %dma_wait3A_241 : memref<1x1x1x32xf32, #tpu.memory_space<vmem>> -> memref<32xf32, #tpu.memory_space<vmem>>
      %dma_wait3A_243 = arith.constant 0 : i32
      %dma_wait3A_244 = tpu.memref_slice %arg3[%dma_wait3A_228, %dma_wait3A_243] : memref<2600000x32xf32, #tpu.memory_space<hbm>> -> memref<1x32xf32, #tpu.memory_space<hbm>>
      %dma_wait3A_245 = tpu.memref_squeeze %dma_wait3A_244 : memref<1x32xf32, #tpu.memory_space<hbm>> -> memref<32xf32, #tpu.memory_space<hbm>>
      tpu.wait_dma2 semaphore(%dma_wait3A_239 : memref<!tpu.dma_semaphore, #tpu.memory_space<semaphore_mem>>) src(%dma_wait3A_245 : memref<32xf32, #tpu.memory_space<hbm>>) dst(%dma_wait3A_242 : memref<32xf32, #tpu.memory_space<vmem>>)
    }
    %scan3A_18 = arith.constant 56 : i32
    %scan3A_19 = arith.constant 0 : i32
    %scan3A_20 = arith.constant 48 : i32
    %scan3A_21 = arith.addi %scan3A_19, %scan3A_20 : i32
    %scan3A_22 = arith.constant 8 : i32
    scf.for %scan3A_87 = %scan3A_19 to %scan3A_21 step %scan3A_22  : i32 {
      %dma_wait3A_88 = arith.constant 0 : i32
      %dma_wait3A_89 = arith.constant 0 : i32
      %dma_wait3A_90 = arith.constant 0 : i32
      %dma_wait3A_91 = arith.constant 2 : i32
      %dma_wait3A_92 = arith.constant 0 : i32
      %dma_wait3A_93 = tpu.memref_slice %arg6[%rem3A_8, %dma_wait3A_89, %dma_wait3A_90, %dma_wait3A_92] : memref<2x8x26x32xf32, #tpu.memory_space<vmem>> -> memref<1x1x1x32xf32, #tpu.memory_space<vmem>>
      %dma_wait3A_94 = tpu.memref_squeeze %dma_wait3A_93 : memref<1x1x1x32xf32, #tpu.memory_space<vmem>> -> memref<32xf32, #tpu.memory_space<vmem>>
      %dma_wait3A_95 = arith.constant 0 : i32
      %dma_wait3A_96 = tpu.memref_slice %arg3[%dma_wait3A_88, %dma_wait3A_95] : memref<2600000x32xf32, #tpu.memory_space<hbm>> -> memref<1x32xf32, #tpu.memory_space<hbm>>
      %dma_wait3A_97 = tpu.memref_squeeze %dma_wait3A_96 : memref<1x32xf32, #tpu.memory_space<hbm>> -> memref<32xf32, #tpu.memory_space<hbm>>
      %dma_wait3A_98 = tpu.memref_slice %arg7[%rem3A_8, %dma_wait3A_91] : memref<2x4x!tpu.dma_semaphore, #tpu.memory_space<semaphore_mem>> -> memref<1x1x!tpu.dma_semaphore, #tpu.memory_space<semaphore_mem>>
      %dma_wait3A_99 = tpu.memref_squeeze %dma_wait3A_98 : memref<1x1x!tpu.dma_semaphore, #tpu.memory_space<semaphore_mem>> -> memref<!tpu.dma_semaphore, #tpu.memory_space<semaphore_mem>>
      %dma_wait3A_100 = arith.constant 0 : i32
      %dma_wait3A_101 = tpu.memref_slice %arg6[%rem3A_8, %dma_wait3A_89, %dma_wait3A_90, %dma_wait3A_100] : memref<2x8x26x32xf32, #tpu.memory_space<vmem>> -> memref<1x1x1x32xf32, #tpu.memory_space<vmem>>
      %dma_wait3A_102 = tpu.memref_squeeze %dma_wait3A_101 : memref<1x1x1x32xf32, #tpu.memory_space<vmem>> -> memref<32xf32, #tpu.memory_space<vmem>>
      %dma_wait3A_103 = arith.constant 0 : i32
      %dma_wait3A_104 = tpu.memref_slice %arg3[%dma_wait3A_88, %dma_wait3A_103] : memref<2600000x32xf32, #tpu.memory_space<hbm>> -> memref<1x32xf32, #tpu.memory_space<hbm>>
      %dma_wait3A_105 = tpu.memref_squeeze %dma_wait3A_104 : memref<1x32xf32, #tpu.memory_space<hbm>> -> memref<32xf32, #tpu.memory_space<hbm>>
      tpu.wait_dma2 semaphore(%dma_wait3A_99 : memref<!tpu.dma_semaphore, #tpu.memory_space<semaphore_mem>>) src(%dma_wait3A_105 : memref<32xf32, #tpu.memory_space<hbm>>) dst(%dma_wait3A_102 : memref<32xf32, #tpu.memory_space<vmem>>)
      %scan3A_106 = arith.constant 1 : i32
      %scan3A_107 = arith.addi %scan3A_87, %scan3A_106 : i32
      %dma_wait3A_108 = arith.constant 0 : i32
      %dma_wait3A_109 = arith.constant 0 : i32
      %dma_wait3A_110 = arith.constant 0 : i32
      %dma_wait3A_111 = arith.constant 2 : i32
      %dma_wait3A_112 = arith.constant 0 : i32
      %dma_wait3A_113 = tpu.memref_slice %arg6[%rem3A_8, %dma_wait3A_109, %dma_wait3A_110, %dma_wait3A_112] : memref<2x8x26x32xf32, #tpu.memory_space<vmem>> -> memref<1x1x1x32xf32, #tpu.memory_space<vmem>>
      %dma_wait3A_114 = tpu.memref_squeeze %dma_wait3A_113 : memref<1x1x1x32xf32, #tpu.memory_space<vmem>> -> memref<32xf32, #tpu.memory_space<vmem>>
      %dma_wait3A_115 = arith.constant 0 : i32
      %dma_wait3A_116 = tpu.memref_slice %arg3[%dma_wait3A_108, %dma_wait3A_115] : memref<2600000x32xf32, #tpu.memory_space<hbm>> -> memref<1x32xf32, #tpu.memory_space<hbm>>
      %dma_wait3A_117 = tpu.memref_squeeze %dma_wait3A_116 : memref<1x32xf32, #tpu.memory_space<hbm>> -> memref<32xf32, #tpu.memory_space<hbm>>
      %dma_wait3A_118 = tpu.memref_slice %arg7[%rem3A_8, %dma_wait3A_111] : memref<2x4x!tpu.dma_semaphore, #tpu.memory_space<semaphore_mem>> -> memref<1x1x!tpu.dma_semaphore, #tpu.memory_space<semaphore_mem>>
      %dma_wait3A_119 = tpu.memref_squeeze %dma_wait3A_118 : memref<1x1x!tpu.dma_semaphore, #tpu.memory_space<semaphore_mem>> -> memref<!tpu.dma_semaphore, #tpu.memory_space<semaphore_mem>>
      %dma_wait3A_120 = arith.constant 0 : i32
      %dma_wait3A_121 = tpu.memref_slice %arg6[%rem3A_8, %dma_wait3A_109, %dma_wait3A_110, %dma_wait3A_120] : memref<2x8x26x32xf32, #tpu.memory_space<vmem>> -> memref<1x1x1x32xf32, #tpu.memory_space<vmem>>
      %dma_wait3A_122 = tpu.memref_squeeze %dma_wait3A_121 : memref<1x1x1x32xf32, #tpu.memory_space<vmem>> -> memref<32xf32, #tpu.memory_space<vmem>>
      %dma_wait3A_123 = arith.constant 0 : i32
      %dma_wait3A_124 = tpu.memref_slice %arg3[%dma_wait3A_108, %dma_wait3A_123] : memref<2600000x32xf32, #tpu.memory_space<hbm>> -> memref<1x32xf32, #tpu.memory_space<hbm>>
      %dma_wait3A_125 = tpu.memref_squeeze %dma_wait3A_124 : memref<1x32xf32, #tpu.memory_space<hbm>> -> memref<32xf32, #tpu.memory_space<hbm>>
      tpu.wait_dma2 semaphore(%dma_wait3A_119 : memref<!tpu.dma_semaphore, #tpu.memory_space<semaphore_mem>>) src(%dma_wait3A_125 : memref<32xf32, #tpu.memory_space<hbm>>) dst(%dma_wait3A_122 : memref<32xf32, #tpu.memory_space<vmem>>)
      %scan3A_126 = arith.constant 2 : i32
      %scan3A_127 = arith.addi %scan3A_87, %scan3A_126 : i32
      %dma_wait3A_128 = arith.constant 0 : i32
      %dma_wait3A_129 = arith.constant 0 : i32
      %dma_wait3A_130 = arith.constant 0 : i32
      %dma_wait3A_131 = arith.constant 2 : i32
      %dma_wait3A_132 = arith.constant 0 : i32
      %dma_wait3A_133 = tpu.memref_slice %arg6[%rem3A_8, %dma_wait3A_129, %dma_wait3A_130, %dma_wait3A_132] : memref<2x8x26x32xf32, #tpu.memory_space<vmem>> -> memref<1x1x1x32xf32, #tpu.memory_space<vmem>>
      %dma_wait3A_134 = tpu.memref_squeeze %dma_wait3A_133 : memref<1x1x1x32xf32, #tpu.memory_space<vmem>> -> memref<32xf32, #tpu.memory_space<vmem>>
      %dma_wait3A_135 = arith.constant 0 : i32
      %dma_wait3A_136 = tpu.memref_slice %arg3[%dma_wait3A_128, %dma_wait3A_135] : memref<2600000x32xf32, #tpu.memory_space<hbm>> -> memref<1x32xf32, #tpu.memory_space<hbm>>
      %dma_wait3A_137 = tpu.memref_squeeze %dma_wait3A_136 : memref<1x32xf32, #tpu.memory_space<hbm>> -> memref<32xf32, #tpu.memory_space<hbm>>
      %dma_wait3A_138 = tpu.memref_slice %arg7[%rem3A_8, %dma_wait3A_131] : memref<2x4x!tpu.dma_semaphore, #tpu.memory_space<semaphore_mem>> -> memref<1x1x!tpu.dma_semaphore, #tpu.memory_space<semaphore_mem>>
      %dma_wait3A_139 = tpu.memref_squeeze %dma_wait3A_138 : memref<1x1x!tpu.dma_semaphore, #tpu.memory_space<semaphore_mem>> -> memref<!tpu.dma_semaphore, #tpu.memory_space<semaphore_mem>>
      %dma_wait3A_140 = arith.constant 0 : i32
      %dma_wait3A_141 = tpu.memref_slice %arg6[%rem3A_8, %dma_wait3A_129, %dma_wait3A_130, %dma_wait3A_140] : memref<2x8x26x32xf32, #tpu.memory_space<vmem>> -> memref<1x1x1x32xf32, #tpu.memory_space<vmem>>
      %dma_wait3A_142 = tpu.memref_squeeze %dma_wait3A_141 : memref<1x1x1x32xf32, #tpu.memory_space<vmem>> -> memref<32xf32, #tpu.memory_space<vmem>>
      %dma_wait3A_143 = arith.constant 0 : i32
      %dma_wait3A_144 = tpu.memref_slice %arg3[%dma_wait3A_128, %dma_wait3A_143] : memref<2600000x32xf32, #tpu.memory_space<hbm>> -> memref<1x32xf32, #tpu.memory_space<hbm>>
      %dma_wait3A_145 = tpu.memref_squeeze %dma_wait3A_144 : memref<1x32xf32, #tpu.memory_space<hbm>> -> memref<32xf32, #tpu.memory_space<hbm>>
      tpu.wait_dma2 semaphore(%dma_wait3A_139 : memref<!tpu.dma_semaphore, #tpu.memory_space<semaphore_mem>>) src(%dma_wait3A_145 : memref<32xf32, #tpu.memory_space<hbm>>) dst(%dma_wait3A_142 : memref<32xf32, #tpu.memory_space<vmem>>)
      %scan3A_146 = arith.constant 3 : i32
      %scan3A_147 = arith.addi %scan3A_87, %scan3A_146 : i32
      %dma_wait3A_148 = arith.constant 0 : i32
      %dma_wait3A_149 = arith.constant 0 : i32
      %dma_wait3A_150 = arith.constant 0 : i32
      %dma_wait3A_151 = arith.constant 2 : i32
      %dma_wait3A_152 = arith.constant 0 : i32
      %dma_wait3A_153 = tpu.memref_slice %arg6[%rem3A_8, %dma_wait3A_149, %dma_wait3A_150, %dma_wait3A_152] : memref<2x8x26x32xf32, #tpu.memory_space<vmem>> -> memref<1x1x1x32xf32, #tpu.memory_space<vmem>>
      %dma_wait3A_154 = tpu.memref_squeeze %dma_wait3A_153 : memref<1x1x1x32xf32, #tpu.memory_space<vmem>> -> memref<32xf32, #tpu.memory_space<vmem>>
      %dma_wait3A_155 = arith.constant 0 : i32
      %dma_wait3A_156 = tpu.memref_slice %arg3[%dma_wait3A_148, %dma_wait3A_155] : memref<2600000x32xf32, #tpu.memory_space<hbm>> -> memref<1x32xf32, #tpu.memory_space<hbm>>
      %dma_wait3A_157 = tpu.memref_squeeze %dma_wait3A_156 : memref<1x32xf32, #tpu.memory_space<hbm>> -> memref<32xf32, #tpu.memory_space<hbm>>
      %dma_wait3A_158 = tpu.memref_slice %arg7[%rem3A_8, %dma_wait3A_151] : memref<2x4x!tpu.dma_semaphore, #tpu.memory_space<semaphore_mem>> -> memref<1x1x!tpu.dma_semaphore, #tpu.memory_space<semaphore_mem>>
      %dma_wait3A_159 = tpu.memref_squeeze %dma_wait3A_158 : memref<1x1x!tpu.dma_semaphore, #tpu.memory_space<semaphore_mem>> -> memref<!tpu.dma_semaphore, #tpu.memory_space<semaphore_mem>>
      %dma_wait3A_160 = arith.constant 0 : i32
      %dma_wait3A_161 = tpu.memref_slice %arg6[%rem3A_8, %dma_wait3A_149, %dma_wait3A_150, %dma_wait3A_160] : memref<2x8x26x32xf32, #tpu.memory_space<vmem>> -> memref<1x1x1x32xf32, #tpu.memory_space<vmem>>
      %dma_wait3A_162 = tpu.memref_squeeze %dma_wait3A_161 : memref<1x1x1x32xf32, #tpu.memory_space<vmem>> -> memref<32xf32, #tpu.memory_space<vmem>>
      %dma_wait3A_163 = arith.constant 0 : i32
      %dma_wait3A_164 = tpu.memref_slice %arg3[%dma_wait3A_148, %dma_wait3A_163] : memref<2600000x32xf32, #tpu.memory_space<hbm>> -> memref<1x32xf32, #tpu.memory_space<hbm>>
      %dma_wait3A_165 = tpu.memref_squeeze %dma_wait3A_164 : memref<1x32xf32, #tpu.memory_space<hbm>> -> memref<32xf32, #tpu.memory_space<hbm>>
      tpu.wait_dma2 semaphore(%dma_wait3A_159 : memref<!tpu.dma_semaphore, #tpu.memory_space<semaphore_mem>>) src(%dma_wait3A_165 : memref<32xf32, #tpu.memory_space<hbm>>) dst(%dma_wait3A_162 : memref<32xf32, #tpu.memory_space<vmem>>)
      %scan3A_166 = arith.constant 4 : i32
      %scan3A_167 = arith.addi %scan3A_87, %scan3A_166 : i32
      %dma_wait3A_168 = arith.constant 0 : i32
      %dma_wait3A_169 = arith.constant 0 : i32
      %dma_wait3A_170 = arith.constant 0 : i32
      %dma_wait3A_171 = arith.constant 2 : i32
      %dma_wait3A_172 = arith.constant 0 : i32
      %dma_wait3A_173 = tpu.memref_slice %arg6[%rem3A_8, %dma_wait3A_169, %dma_wait3A_170, %dma_wait3A_172] : memref<2x8x26x32xf32, #tpu.memory_space<vmem>> -> memref<1x1x1x32xf32, #tpu.memory_space<vmem>>
      %dma_wait3A_174 = tpu.memref_squeeze %dma_wait3A_173 : memref<1x1x1x32xf32, #tpu.memory_space<vmem>> -> memref<32xf32, #tpu.memory_space<vmem>>
      %dma_wait3A_175 = arith.constant 0 : i32
      %dma_wait3A_176 = tpu.memref_slice %arg3[%dma_wait3A_168, %dma_wait3A_175] : memref<2600000x32xf32, #tpu.memory_space<hbm>> -> memref<1x32xf32, #tpu.memory_space<hbm>>
      %dma_wait3A_177 = tpu.memref_squeeze %dma_wait3A_176 : memref<1x32xf32, #tpu.memory_space<hbm>> -> memref<32xf32, #tpu.memory_space<hbm>>
      %dma_wait3A_178 = tpu.memref_slice %arg7[%rem3A_8, %dma_wait3A_171] : memref<2x4x!tpu.dma_semaphore, #tpu.memory_space<semaphore_mem>> -> memref<1x1x!tpu.dma_semaphore, #tpu.memory_space<semaphore_mem>>
      %dma_wait3A_179 = tpu.memref_squeeze %dma_wait3A_178 : memref<1x1x!tpu.dma_semaphore, #tpu.memory_space<semaphore_mem>> -> memref<!tpu.dma_semaphore, #tpu.memory_space<semaphore_mem>>
      %dma_wait3A_180 = arith.constant 0 : i32
      %dma_wait3A_181 = tpu.memref_slice %arg6[%rem3A_8, %dma_wait3A_169, %dma_wait3A_170, %dma_wait3A_180] : memref<2x8x26x32xf32, #tpu.memory_space<vmem>> -> memref<1x1x1x32xf32, #tpu.memory_space<vmem>>
      %dma_wait3A_182 = tpu.memref_squeeze %dma_wait3A_181 : memref<1x1x1x32xf32, #tpu.memory_space<vmem>> -> memref<32xf32, #tpu.memory_space<vmem>>
      %dma_wait3A_183 = arith.constant 0 : i32
      %dma_wait3A_184 = tpu.memref_slice %arg3[%dma_wait3A_168, %dma_wait3A_183] : memref<2600000x32xf32, #tpu.memory_space<hbm>> -> memref<1x32xf32, #tpu.memory_space<hbm>>
      %dma_wait3A_185 = tpu.memref_squeeze %dma_wait3A_184 : memref<1x32xf32, #tpu.memory_space<hbm>> -> memref<32xf32, #tpu.memory_space<hbm>>
      tpu.wait_dma2 semaphore(%dma_wait3A_179 : memref<!tpu.dma_semaphore, #tpu.memory_space<semaphore_mem>>) src(%dma_wait3A_185 : memref<32xf32, #tpu.memory_space<hbm>>) dst(%dma_wait3A_182 : memref<32xf32, #tpu.memory_space<vmem>>)
      %scan3A_186 = arith.constant 5 : i32
      %scan3A_187 = arith.addi %scan3A_87, %scan3A_186 : i32
      %dma_wait3A_188 = arith.constant 0 : i32
      %dma_wait3A_189 = arith.constant 0 : i32
      %dma_wait3A_190 = arith.constant 0 : i32
      %dma_wait3A_191 = arith.constant 2 : i32
      %dma_wait3A_192 = arith.constant 0 : i32
      %dma_wait3A_193 = tpu.memref_slice %arg6[%rem3A_8, %dma_wait3A_189, %dma_wait3A_190, %dma_wait3A_192] : memref<2x8x26x32xf32, #tpu.memory_space<vmem>> -> memref<1x1x1x32xf32, #tpu.memory_space<vmem>>
      %dma_wait3A_194 = tpu.memref_squeeze %dma_wait3A_193 : memref<1x1x1x32xf32, #tpu.memory_space<vmem>> -> memref<32xf32, #tpu.memory_space<vmem>>
      %dma_wait3A_195 = arith.constant 0 : i32
      %dma_wait3A_196 = tpu.memref_slice %arg3[%dma_wait3A_188, %dma_wait3A_195] : memref<2600000x32xf32, #tpu.memory_space<hbm>> -> memref<1x32xf32, #tpu.memory_space<hbm>>
      %dma_wait3A_197 = tpu.memref_squeeze %dma_wait3A_196 : memref<1x32xf32, #tpu.memory_space<hbm>> -> memref<32xf32, #tpu.memory_space<hbm>>
      %dma_wait3A_198 = tpu.memref_slice %arg7[%rem3A_8, %dma_wait3A_191] : memref<2x4x!tpu.dma_semaphore, #tpu.memory_space<semaphore_mem>> -> memref<1x1x!tpu.dma_semaphore, #tpu.memory_space<semaphore_mem>>
      %dma_wait3A_199 = tpu.memref_squeeze %dma_wait3A_198 : memref<1x1x!tpu.dma_semaphore, #tpu.memory_space<semaphore_mem>> -> memref<!tpu.dma_semaphore, #tpu.memory_space<semaphore_mem>>
      %dma_wait3A_200 = arith.constant 0 : i32
      %dma_wait3A_201 = tpu.memref_slice %arg6[%rem3A_8, %dma_wait3A_189, %dma_wait3A_190, %dma_wait3A_200] : memref<2x8x26x32xf32, #tpu.memory_space<vmem>> -> memref<1x1x1x32xf32, #tpu.memory_space<vmem>>
      %dma_wait3A_202 = tpu.memref_squeeze %dma_wait3A_201 : memref<1x1x1x32xf32, #tpu.memory_space<vmem>> -> memref<32xf32, #tpu.memory_space<vmem>>
      %dma_wait3A_203 = arith.constant 0 : i32
      %dma_wait3A_204 = tpu.memref_slice %arg3[%dma_wait3A_188, %dma_wait3A_203] : memref<2600000x32xf32, #tpu.memory_space<hbm>> -> memref<1x32xf32, #tpu.memory_space<hbm>>
      %dma_wait3A_205 = tpu.memref_squeeze %dma_wait3A_204 : memref<1x32xf32, #tpu.memory_space<hbm>> -> memref<32xf32, #tpu.memory_space<hbm>>
      tpu.wait_dma2 semaphore(%dma_wait3A_199 : memref<!tpu.dma_semaphore, #tpu.memory_space<semaphore_mem>>) src(%dma_wait3A_205 : memref<32xf32, #tpu.memory_space<hbm>>) dst(%dma_wait3A_202 : memref<32xf32, #tpu.memory_space<vmem>>)
      %scan3A_206 = arith.constant 6 : i32
      %scan3A_207 = arith.addi %scan3A_87, %scan3A_206 : i32
      %dma_wait3A_208 = arith.constant 0 : i32
      %dma_wait3A_209 = arith.constant 0 : i32
      %dma_wait3A_210 = arith.constant 0 : i32
      %dma_wait3A_211 = arith.constant 2 : i32
      %dma_wait3A_212 = arith.constant 0 : i32
      %dma_wait3A_213 = tpu.memref_slice %arg6[%rem3A_8, %dma_wait3A_209, %dma_wait3A_210, %dma_wait3A_212] : memref<2x8x26x32xf32, #tpu.memory_space<vmem>> -> memref<1x1x1x32xf32, #tpu.memory_space<vmem>>
      %dma_wait3A_214 = tpu.memref_squeeze %dma_wait3A_213 : memref<1x1x1x32xf32, #tpu.memory_space<vmem>> -> memref<32xf32, #tpu.memory_space<vmem>>
      %dma_wait3A_215 = arith.constant 0 : i32
      %dma_wait3A_216 = tpu.memref_slice %arg3[%dma_wait3A_208, %dma_wait3A_215] : memref<2600000x32xf32, #tpu.memory_space<hbm>> -> memref<1x32xf32, #tpu.memory_space<hbm>>
      %dma_wait3A_217 = tpu.memref_squeeze %dma_wait3A_216 : memref<1x32xf32, #tpu.memory_space<hbm>> -> memref<32xf32, #tpu.memory_space<hbm>>
      %dma_wait3A_218 = tpu.memref_slice %arg7[%rem3A_8, %dma_wait3A_211] : memref<2x4x!tpu.dma_semaphore, #tpu.memory_space<semaphore_mem>> -> memref<1x1x!tpu.dma_semaphore, #tpu.memory_space<semaphore_mem>>
      %dma_wait3A_219 = tpu.memref_squeeze %dma_wait3A_218 : memref<1x1x!tpu.dma_semaphore, #tpu.memory_space<semaphore_mem>> -> memref<!tpu.dma_semaphore, #tpu.memory_space<semaphore_mem>>
      %dma_wait3A_220 = arith.constant 0 : i32
      %dma_wait3A_221 = tpu.memref_slice %arg6[%rem3A_8, %dma_wait3A_209, %dma_wait3A_210, %dma_wait3A_220] : memref<2x8x26x32xf32, #tpu.memory_space<vmem>> -> memref<1x1x1x32xf32, #tpu.memory_space<vmem>>
      %dma_wait3A_222 = tpu.memref_squeeze %dma_wait3A_221 : memref<1x1x1x32xf32, #tpu.memory_space<vmem>> -> memref<32xf32, #tpu.memory_space<vmem>>
      %dma_wait3A_223 = arith.constant 0 : i32
      %dma_wait3A_224 = tpu.memref_slice %arg3[%dma_wait3A_208, %dma_wait3A_223] : memref<2600000x32xf32, #tpu.memory_space<hbm>> -> memref<1x32xf32, #tpu.memory_space<hbm>>
      %dma_wait3A_225 = tpu.memref_squeeze %dma_wait3A_224 : memref<1x32xf32, #tpu.memory_space<hbm>> -> memref<32xf32, #tpu.memory_space<hbm>>
      tpu.wait_dma2 semaphore(%dma_wait3A_219 : memref<!tpu.dma_semaphore, #tpu.memory_space<semaphore_mem>>) src(%dma_wait3A_225 : memref<32xf32, #tpu.memory_space<hbm>>) dst(%dma_wait3A_222 : memref<32xf32, #tpu.memory_space<vmem>>)
      %scan3A_226 = arith.constant 7 : i32
      %scan3A_227 = arith.addi %scan3A_87, %scan3A_226 : i32
      %dma_wait3A_228 = arith.constant 0 : i32
      %dma_wait3A_229 = arith.constant 0 : i32
      %dma_wait3A_230 = arith.constant 0 : i32
      %dma_wait3A_231 = arith.constant 2 : i32
      %dma_wait3A_232 = arith.constant 0 : i32
      %dma_wait3A_233 = tpu.memref_slice %arg6[%rem3A_8, %dma_wait3A_229, %dma_wait3A_230, %dma_wait3A_232] : memref<2x8x26x32xf32, #tpu.memory_space<vmem>> -> memref<1x1x1x32xf32, #tpu.memory_space<vmem>>
      %dma_wait3A_234 = tpu.memref_squeeze %dma_wait3A_233 : memref<1x1x1x32xf32, #tpu.memory_space<vmem>> -> memref<32xf32, #tpu.memory_space<vmem>>
      %dma_wait3A_235 = arith.constant 0 : i32
      %dma_wait3A_236 = tpu.memref_slice %arg3[%dma_wait3A_228, %dma_wait3A_235] : memref<2600000x32xf32, #tpu.memory_space<hbm>> -> memref<1x32xf32, #tpu.memory_space<hbm>>
      %dma_wait3A_237 = tpu.memref_squeeze %dma_wait3A_236 : memref<1x32xf32, #tpu.memory_space<hbm>> -> memref<32xf32, #tpu.memory_space<hbm>>
      %dma_wait3A_238 = tpu.memref_slice %arg7[%rem3A_8, %dma_wait3A_231] : memref<2x4x!tpu.dma_semaphore, #tpu.memory_space<semaphore_mem>> -> memref<1x1x!tpu.dma_semaphore, #tpu.memory_space<semaphore_mem>>
      %dma_wait3A_239 = tpu.memref_squeeze %dma_wait3A_238 : memref<1x1x!tpu.dma_semaphore, #tpu.memory_space<semaphore_mem>> -> memref<!tpu.dma_semaphore, #tpu.memory_space<semaphore_mem>>
      %dma_wait3A_240 = arith.constant 0 : i32
      %dma_wait3A_241 = tpu.memref_slice %arg6[%rem3A_8, %dma_wait3A_229, %dma_wait3A_230, %dma_wait3A_240] : memref<2x8x26x32xf32, #tpu.memory_space<vmem>> -> memref<1x1x1x32xf32, #tpu.memory_space<vmem>>
      %dma_wait3A_242 = tpu.memref_squeeze %dma_wait3A_241 : memref<1x1x1x32xf32, #tpu.memory_space<vmem>> -> memref<32xf32, #tpu.memory_space<vmem>>
      %dma_wait3A_243 = arith.constant 0 : i32
      %dma_wait3A_244 = tpu.memref_slice %arg3[%dma_wait3A_228, %dma_wait3A_243] : memref<2600000x32xf32, #tpu.memory_space<hbm>> -> memref<1x32xf32, #tpu.memory_space<hbm>>
      %dma_wait3A_245 = tpu.memref_squeeze %dma_wait3A_244 : memref<1x32xf32, #tpu.memory_space<hbm>> -> memref<32xf32, #tpu.memory_space<hbm>>
      tpu.wait_dma2 semaphore(%dma_wait3A_239 : memref<!tpu.dma_semaphore, #tpu.memory_space<semaphore_mem>>) src(%dma_wait3A_245 : memref<32xf32, #tpu.memory_space<hbm>>) dst(%dma_wait3A_242 : memref<32xf32, #tpu.memory_space<vmem>>)
    }
    %scan3A_23 = arith.constant 48 : i32
    %scan3A_24 = arith.constant 0 : i32
    %scan3A_25 = arith.constant 48 : i32
    %scan3A_26 = arith.addi %scan3A_24, %scan3A_25 : i32
    %scan3A_27 = arith.constant 8 : i32
    scf.for %scan3A_87 = %scan3A_24 to %scan3A_26 step %scan3A_27  : i32 {
      %dma_wait3A_88 = arith.constant 0 : i32
      %dma_wait3A_89 = arith.constant 0 : i32
      %dma_wait3A_90 = arith.constant 0 : i32
      %dma_wait3A_91 = arith.constant 3 : i32
      %dma_wait3A_92 = arith.constant 0 : i32
      %dma_wait3A_93 = tpu.memref_slice %arg6[%rem3A_8, %dma_wait3A_89, %dma_wait3A_90, %dma_wait3A_92] : memref<2x8x26x32xf32, #tpu.memory_space<vmem>> -> memref<1x1x1x32xf32, #tpu.memory_space<vmem>>
      %dma_wait3A_94 = tpu.memref_squeeze %dma_wait3A_93 : memref<1x1x1x32xf32, #tpu.memory_space<vmem>> -> memref<32xf32, #tpu.memory_space<vmem>>
      %dma_wait3A_95 = arith.constant 0 : i32
      %dma_wait3A_96 = tpu.memref_slice %arg3[%dma_wait3A_88, %dma_wait3A_95] : memref<2600000x32xf32, #tpu.memory_space<hbm>> -> memref<1x32xf32, #tpu.memory_space<hbm>>
      %dma_wait3A_97 = tpu.memref_squeeze %dma_wait3A_96 : memref<1x32xf32, #tpu.memory_space<hbm>> -> memref<32xf32, #tpu.memory_space<hbm>>
      %dma_wait3A_98 = tpu.memref_slice %arg7[%rem3A_8, %dma_wait3A_91] : memref<2x4x!tpu.dma_semaphore, #tpu.memory_space<semaphore_mem>> -> memref<1x1x!tpu.dma_semaphore, #tpu.memory_space<semaphore_mem>>
      %dma_wait3A_99 = tpu.memref_squeeze %dma_wait3A_98 : memref<1x1x!tpu.dma_semaphore, #tpu.memory_space<semaphore_mem>> -> memref<!tpu.dma_semaphore, #tpu.memory_space<semaphore_mem>>
      %dma_wait3A_100 = arith.constant 0 : i32
      %dma_wait3A_101 = tpu.memref_slice %arg6[%rem3A_8, %dma_wait3A_89, %dma_wait3A_90, %dma_wait3A_100] : memref<2x8x26x32xf32, #tpu.memory_space<vmem>> -> memref<1x1x1x32xf32, #tpu.memory_space<vmem>>
      %dma_wait3A_102 = tpu.memref_squeeze %dma_wait3A_101 : memref<1x1x1x32xf32, #tpu.memory_space<vmem>> -> memref<32xf32, #tpu.memory_space<vmem>>
      %dma_wait3A_103 = arith.constant 0 : i32
      %dma_wait3A_104 = tpu.memref_slice %arg3[%dma_wait3A_88, %dma_wait3A_103] : memref<2600000x32xf32, #tpu.memory_space<hbm>> -> memref<1x32xf32, #tpu.memory_space<hbm>>
      %dma_wait3A_105 = tpu.memref_squeeze %dma_wait3A_104 : memref<1x32xf32, #tpu.memory_space<hbm>> -> memref<32xf32, #tpu.memory_space<hbm>>
      tpu.wait_dma2 semaphore(%dma_wait3A_99 : memref<!tpu.dma_semaphore, #tpu.memory_space<semaphore_mem>>) src(%dma_wait3A_105 : memref<32xf32, #tpu.memory_space<hbm>>) dst(%dma_wait3A_102 : memref<32xf32, #tpu.memory_space<vmem>>)
      %scan3A_106 = arith.constant 1 : i32
      %scan3A_107 = arith.addi %scan3A_87, %scan3A_106 : i32
      %dma_wait3A_108 = arith.constant 0 : i32
      %dma_wait3A_109 = arith.constant 0 : i32
      %dma_wait3A_110 = arith.constant 0 : i32
      %dma_wait3A_111 = arith.constant 3 : i32
      %dma_wait3A_112 = arith.constant 0 : i32
      %dma_wait3A_113 = tpu.memref_slice %arg6[%rem3A_8, %dma_wait3A_109, %dma_wait3A_110, %dma_wait3A_112] : memref<2x8x26x32xf32, #tpu.memory_space<vmem>> -> memref<1x1x1x32xf32, #tpu.memory_space<vmem>>
      %dma_wait3A_114 = tpu.memref_squeeze %dma_wait3A_113 : memref<1x1x1x32xf32, #tpu.memory_space<vmem>> -> memref<32xf32, #tpu.memory_space<vmem>>
      %dma_wait3A_115 = arith.constant 0 : i32
      %dma_wait3A_116 = tpu.memref_slice %arg3[%dma_wait3A_108, %dma_wait3A_115] : memref<2600000x32xf32, #tpu.memory_space<hbm>> -> memref<1x32xf32, #tpu.memory_space<hbm>>
      %dma_wait3A_117 = tpu.memref_squeeze %dma_wait3A_116 : memref<1x32xf32, #tpu.memory_space<hbm>> -> memref<32xf32, #tpu.memory_space<hbm>>
      %dma_wait3A_118 = tpu.memref_slice %arg7[%rem3A_8, %dma_wait3A_111] : memref<2x4x!tpu.dma_semaphore, #tpu.memory_space<semaphore_mem>> -> memref<1x1x!tpu.dma_semaphore, #tpu.memory_space<semaphore_mem>>
      %dma_wait3A_119 = tpu.memref_squeeze %dma_wait3A_118 : memref<1x1x!tpu.dma_semaphore, #tpu.memory_space<semaphore_mem>> -> memref<!tpu.dma_semaphore, #tpu.memory_space<semaphore_mem>>
      %dma_wait3A_120 = arith.constant 0 : i32
      %dma_wait3A_121 = tpu.memref_slice %arg6[%rem3A_8, %dma_wait3A_109, %dma_wait3A_110, %dma_wait3A_120] : memref<2x8x26x32xf32, #tpu.memory_space<vmem>> -> memref<1x1x1x32xf32, #tpu.memory_space<vmem>>
      %dma_wait3A_122 = tpu.memref_squeeze %dma_wait3A_121 : memref<1x1x1x32xf32, #tpu.memory_space<vmem>> -> memref<32xf32, #tpu.memory_space<vmem>>
      %dma_wait3A_123 = arith.constant 0 : i32
      %dma_wait3A_124 = tpu.memref_slice %arg3[%dma_wait3A_108, %dma_wait3A_123] : memref<2600000x32xf32, #tpu.memory_space<hbm>> -> memref<1x32xf32, #tpu.memory_space<hbm>>
      %dma_wait3A_125 = tpu.memref_squeeze %dma_wait3A_124 : memref<1x32xf32, #tpu.memory_space<hbm>> -> memref<32xf32, #tpu.memory_space<hbm>>
      tpu.wait_dma2 semaphore(%dma_wait3A_119 : memref<!tpu.dma_semaphore, #tpu.memory_space<semaphore_mem>>) src(%dma_wait3A_125 : memref<32xf32, #tpu.memory_space<hbm>>) dst(%dma_wait3A_122 : memref<32xf32, #tpu.memory_space<vmem>>)
      %scan3A_126 = arith.constant 2 : i32
      %scan3A_127 = arith.addi %scan3A_87, %scan3A_126 : i32
      %dma_wait3A_128 = arith.constant 0 : i32
      %dma_wait3A_129 = arith.constant 0 : i32
      %dma_wait3A_130 = arith.constant 0 : i32
      %dma_wait3A_131 = arith.constant 3 : i32
      %dma_wait3A_132 = arith.constant 0 : i32
      %dma_wait3A_133 = tpu.memref_slice %arg6[%rem3A_8, %dma_wait3A_129, %dma_wait3A_130, %dma_wait3A_132] : memref<2x8x26x32xf32, #tpu.memory_space<vmem>> -> memref<1x1x1x32xf32, #tpu.memory_space<vmem>>
      %dma_wait3A_134 = tpu.memref_squeeze %dma_wait3A_133 : memref<1x1x1x32xf32, #tpu.memory_space<vmem>> -> memref<32xf32, #tpu.memory_space<vmem>>
      %dma_wait3A_135 = arith.constant 0 : i32
      %dma_wait3A_136 = tpu.memref_slice %arg3[%dma_wait3A_128, %dma_wait3A_135] : memref<2600000x32xf32, #tpu.memory_space<hbm>> -> memref<1x32xf32, #tpu.memory_space<hbm>>
      %dma_wait3A_137 = tpu.memref_squeeze %dma_wait3A_136 : memref<1x32xf32, #tpu.memory_space<hbm>> -> memref<32xf32, #tpu.memory_space<hbm>>
      %dma_wait3A_138 = tpu.memref_slice %arg7[%rem3A_8, %dma_wait3A_131] : memref<2x4x!tpu.dma_semaphore, #tpu.memory_space<semaphore_mem>> -> memref<1x1x!tpu.dma_semaphore, #tpu.memory_space<semaphore_mem>>
      %dma_wait3A_139 = tpu.memref_squeeze %dma_wait3A_138 : memref<1x1x!tpu.dma_semaphore, #tpu.memory_space<semaphore_mem>> -> memref<!tpu.dma_semaphore, #tpu.memory_space<semaphore_mem>>
      %dma_wait3A_140 = arith.constant 0 : i32
      %dma_wait3A_141 = tpu.memref_slice %arg6[%rem3A_8, %dma_wait3A_129, %dma_wait3A_130, %dma_wait3A_140] : memref<2x8x26x32xf32, #tpu.memory_space<vmem>> -> memref<1x1x1x32xf32, #tpu.memory_space<vmem>>
      %dma_wait3A_142 = tpu.memref_squeeze %dma_wait3A_141 : memref<1x1x1x32xf32, #tpu.memory_space<vmem>> -> memref<32xf32, #tpu.memory_space<vmem>>
      %dma_wait3A_143 = arith.constant 0 : i32
      %dma_wait3A_144 = tpu.memref_slice %arg3[%dma_wait3A_128, %dma_wait3A_143] : memref<2600000x32xf32, #tpu.memory_space<hbm>> -> memref<1x32xf32, #tpu.memory_space<hbm>>
      %dma_wait3A_145 = tpu.memref_squeeze %dma_wait3A_144 : memref<1x32xf32, #tpu.memory_space<hbm>> -> memref<32xf32, #tpu.memory_space<hbm>>
      tpu.wait_dma2 semaphore(%dma_wait3A_139 : memref<!tpu.dma_semaphore, #tpu.memory_space<semaphore_mem>>) src(%dma_wait3A_145 : memref<32xf32, #tpu.memory_space<hbm>>) dst(%dma_wait3A_142 : memref<32xf32, #tpu.memory_space<vmem>>)
      %scan3A_146 = arith.constant 3 : i32
      %scan3A_147 = arith.addi %scan3A_87, %scan3A_146 : i32
      %dma_wait3A_148 = arith.constant 0 : i32
      %dma_wait3A_149 = arith.constant 0 : i32
      %dma_wait3A_150 = arith.constant 0 : i32
      %dma_wait3A_151 = arith.constant 3 : i32
      %dma_wait3A_152 = arith.constant 0 : i32
      %dma_wait3A_153 = tpu.memref_slice %arg6[%rem3A_8, %dma_wait3A_149, %dma_wait3A_150, %dma_wait3A_152] : memref<2x8x26x32xf32, #tpu.memory_space<vmem>> -> memref<1x1x1x32xf32, #tpu.memory_space<vmem>>
      %dma_wait3A_154 = tpu.memref_squeeze %dma_wait3A_153 : memref<1x1x1x32xf32, #tpu.memory_space<vmem>> -> memref<32xf32, #tpu.memory_space<vmem>>
      %dma_wait3A_155 = arith.constant 0 : i32
      %dma_wait3A_156 = tpu.memref_slice %arg3[%dma_wait3A_148, %dma_wait3A_155] : memref<2600000x32xf32, #tpu.memory_space<hbm>> -> memref<1x32xf32, #tpu.memory_space<hbm>>
      %dma_wait3A_157 = tpu.memref_squeeze %dma_wait3A_156 : memref<1x32xf32, #tpu.memory_space<hbm>> -> memref<32xf32, #tpu.memory_space<hbm>>
      %dma_wait3A_158 = tpu.memref_slice %arg7[%rem3A_8, %dma_wait3A_151] : memref<2x4x!tpu.dma_semaphore, #tpu.memory_space<semaphore_mem>> -> memref<1x1x!tpu.dma_semaphore, #tpu.memory_space<semaphore_mem>>
      %dma_wait3A_159 = tpu.memref_squeeze %dma_wait3A_158 : memref<1x1x!tpu.dma_semaphore, #tpu.memory_space<semaphore_mem>> -> memref<!tpu.dma_semaphore, #tpu.memory_space<semaphore_mem>>
      %dma_wait3A_160 = arith.constant 0 : i32
      %dma_wait3A_161 = tpu.memref_slice %arg6[%rem3A_8, %dma_wait3A_149, %dma_wait3A_150, %dma_wait3A_160] : memref<2x8x26x32xf32, #tpu.memory_space<vmem>> -> memref<1x1x1x32xf32, #tpu.memory_space<vmem>>
      %dma_wait3A_162 = tpu.memref_squeeze %dma_wait3A_161 : memref<1x1x1x32xf32, #tpu.memory_space<vmem>> -> memref<32xf32, #tpu.memory_space<vmem>>
      %dma_wait3A_163 = arith.constant 0 : i32
      %dma_wait3A_164 = tpu.memref_slice %arg3[%dma_wait3A_148, %dma_wait3A_163] : memref<2600000x32xf32, #tpu.memory_space<hbm>> -> memref<1x32xf32, #tpu.memory_space<hbm>>
      %dma_wait3A_165 = tpu.memref_squeeze %dma_wait3A_164 : memref<1x32xf32, #tpu.memory_space<hbm>> -> memref<32xf32, #tpu.memory_space<hbm>>
      tpu.wait_dma2 semaphore(%dma_wait3A_159 : memref<!tpu.dma_semaphore, #tpu.memory_space<semaphore_mem>>) src(%dma_wait3A_165 : memref<32xf32, #tpu.memory_space<hbm>>) dst(%dma_wait3A_162 : memref<32xf32, #tpu.memory_space<vmem>>)
      %scan3A_166 = arith.constant 4 : i32
      %scan3A_167 = arith.addi %scan3A_87, %scan3A_166 : i32
      %dma_wait3A_168 = arith.constant 0 : i32
      %dma_wait3A_169 = arith.constant 0 : i32
      %dma_wait3A_170 = arith.constant 0 : i32
      %dma_wait3A_171 = arith.constant 3 : i32
      %dma_wait3A_172 = arith.constant 0 : i32
      %dma_wait3A_173 = tpu.memref_slice %arg6[%rem3A_8, %dma_wait3A_169, %dma_wait3A_170, %dma_wait3A_172] : memref<2x8x26x32xf32, #tpu.memory_space<vmem>> -> memref<1x1x1x32xf32, #tpu.memory_space<vmem>>
      %dma_wait3A_174 = tpu.memref_squeeze %dma_wait3A_173 : memref<1x1x1x32xf32, #tpu.memory_space<vmem>> -> memref<32xf32, #tpu.memory_space<vmem>>
      %dma_wait3A_175 = arith.constant 0 : i32
      %dma_wait3A_176 = tpu.memref_slice %arg3[%dma_wait3A_168, %dma_wait3A_175] : memref<2600000x32xf32, #tpu.memory_space<hbm>> -> memref<1x32xf32, #tpu.memory_space<hbm>>
      %dma_wait3A_177 = tpu.memref_squeeze %dma_wait3A_176 : memref<1x32xf32, #tpu.memory_space<hbm>> -> memref<32xf32, #tpu.memory_space<hbm>>
      %dma_wait3A_178 = tpu.memref_slice %arg7[%rem3A_8, %dma_wait3A_171] : memref<2x4x!tpu.dma_semaphore, #tpu.memory_space<semaphore_mem>> -> memref<1x1x!tpu.dma_semaphore, #tpu.memory_space<semaphore_mem>>
      %dma_wait3A_179 = tpu.memref_squeeze %dma_wait3A_178 : memref<1x1x!tpu.dma_semaphore, #tpu.memory_space<semaphore_mem>> -> memref<!tpu.dma_semaphore, #tpu.memory_space<semaphore_mem>>
      %dma_wait3A_180 = arith.constant 0 : i32
      %dma_wait3A_181 = tpu.memref_slice %arg6[%rem3A_8, %dma_wait3A_169, %dma_wait3A_170, %dma_wait3A_180] : memref<2x8x26x32xf32, #tpu.memory_space<vmem>> -> memref<1x1x1x32xf32, #tpu.memory_space<vmem>>
      %dma_wait3A_182 = tpu.memref_squeeze %dma_wait3A_181 : memref<1x1x1x32xf32, #tpu.memory_space<vmem>> -> memref<32xf32, #tpu.memory_space<vmem>>
      %dma_wait3A_183 = arith.constant 0 : i32
      %dma_wait3A_184 = tpu.memref_slice %arg3[%dma_wait3A_168, %dma_wait3A_183] : memref<2600000x32xf32, #tpu.memory_space<hbm>> -> memref<1x32xf32, #tpu.memory_space<hbm>>
      %dma_wait3A_185 = tpu.memref_squeeze %dma_wait3A_184 : memref<1x32xf32, #tpu.memory_space<hbm>> -> memref<32xf32, #tpu.memory_space<hbm>>
      tpu.wait_dma2 semaphore(%dma_wait3A_179 : memref<!tpu.dma_semaphore, #tpu.memory_space<semaphore_mem>>) src(%dma_wait3A_185 : memref<32xf32, #tpu.memory_space<hbm>>) dst(%dma_wait3A_182 : memref<32xf32, #tpu.memory_space<vmem>>)
      %scan3A_186 = arith.constant 5 : i32
      %scan3A_187 = arith.addi %scan3A_87, %scan3A_186 : i32
      %dma_wait3A_188 = arith.constant 0 : i32
      %dma_wait3A_189 = arith.constant 0 : i32
      %dma_wait3A_190 = arith.constant 0 : i32
      %dma_wait3A_191 = arith.constant 3 : i32
      %dma_wait3A_192 = arith.constant 0 : i32
      %dma_wait3A_193 = tpu.memref_slice %arg6[%rem3A_8, %dma_wait3A_189, %dma_wait3A_190, %dma_wait3A_192] : memref<2x8x26x32xf32, #tpu.memory_space<vmem>> -> memref<1x1x1x32xf32, #tpu.memory_space<vmem>>
      %dma_wait3A_194 = tpu.memref_squeeze %dma_wait3A_193 : memref<1x1x1x32xf32, #tpu.memory_space<vmem>> -> memref<32xf32, #tpu.memory_space<vmem>>
      %dma_wait3A_195 = arith.constant 0 : i32
      %dma_wait3A_196 = tpu.memref_slice %arg3[%dma_wait3A_188, %dma_wait3A_195] : memref<2600000x32xf32, #tpu.memory_space<hbm>> -> memref<1x32xf32, #tpu.memory_space<hbm>>
      %dma_wait3A_197 = tpu.memref_squeeze %dma_wait3A_196 : memref<1x32xf32, #tpu.memory_space<hbm>> -> memref<32xf32, #tpu.memory_space<hbm>>
      %dma_wait3A_198 = tpu.memref_slice %arg7[%rem3A_8, %dma_wait3A_191] : memref<2x4x!tpu.dma_semaphore, #tpu.memory_space<semaphore_mem>> -> memref<1x1x!tpu.dma_semaphore, #tpu.memory_space<semaphore_mem>>
      %dma_wait3A_199 = tpu.memref_squeeze %dma_wait3A_198 : memref<1x1x!tpu.dma_semaphore, #tpu.memory_space<semaphore_mem>> -> memref<!tpu.dma_semaphore, #tpu.memory_space<semaphore_mem>>
      %dma_wait3A_200 = arith.constant 0 : i32
      %dma_wait3A_201 = tpu.memref_slice %arg6[%rem3A_8, %dma_wait3A_189, %dma_wait3A_190, %dma_wait3A_200] : memref<2x8x26x32xf32, #tpu.memory_space<vmem>> -> memref<1x1x1x32xf32, #tpu.memory_space<vmem>>
      %dma_wait3A_202 = tpu.memref_squeeze %dma_wait3A_201 : memref<1x1x1x32xf32, #tpu.memory_space<vmem>> -> memref<32xf32, #tpu.memory_space<vmem>>
      %dma_wait3A_203 = arith.constant 0 : i32
      %dma_wait3A_204 = tpu.memref_slice %arg3[%dma_wait3A_188, %dma_wait3A_203] : memref<2600000x32xf32, #tpu.memory_space<hbm>> -> memref<1x32xf32, #tpu.memory_space<hbm>>
      %dma_wait3A_205 = tpu.memref_squeeze %dma_wait3A_204 : memref<1x32xf32, #tpu.memory_space<hbm>> -> memref<32xf32, #tpu.memory_space<hbm>>
      tpu.wait_dma2 semaphore(%dma_wait3A_199 : memref<!tpu.dma_semaphore, #tpu.memory_space<semaphore_mem>>) src(%dma_wait3A_205 : memref<32xf32, #tpu.memory_space<hbm>>) dst(%dma_wait3A_202 : memref<32xf32, #tpu.memory_space<vmem>>)
      %scan3A_206 = arith.constant 6 : i32
      %scan3A_207 = arith.addi %scan3A_87, %scan3A_206 : i32
      %dma_wait3A_208 = arith.constant 0 : i32
      %dma_wait3A_209 = arith.constant 0 : i32
      %dma_wait3A_210 = arith.constant 0 : i32
      %dma_wait3A_211 = arith.constant 3 : i32
      %dma_wait3A_212 = arith.constant 0 : i32
      %dma_wait3A_213 = tpu.memref_slice %arg6[%rem3A_8, %dma_wait3A_209, %dma_wait3A_210, %dma_wait3A_212] : memref<2x8x26x32xf32, #tpu.memory_space<vmem>> -> memref<1x1x1x32xf32, #tpu.memory_space<vmem>>
      %dma_wait3A_214 = tpu.memref_squeeze %dma_wait3A_213 : memref<1x1x1x32xf32, #tpu.memory_space<vmem>> -> memref<32xf32, #tpu.memory_space<vmem>>
      %dma_wait3A_215 = arith.constant 0 : i32
      %dma_wait3A_216 = tpu.memref_slice %arg3[%dma_wait3A_208, %dma_wait3A_215] : memref<2600000x32xf32, #tpu.memory_space<hbm>> -> memref<1x32xf32, #tpu.memory_space<hbm>>
      %dma_wait3A_217 = tpu.memref_squeeze %dma_wait3A_216 : memref<1x32xf32, #tpu.memory_space<hbm>> -> memref<32xf32, #tpu.memory_space<hbm>>
      %dma_wait3A_218 = tpu.memref_slice %arg7[%rem3A_8, %dma_wait3A_211] : memref<2x4x!tpu.dma_semaphore, #tpu.memory_space<semaphore_mem>> -> memref<1x1x!tpu.dma_semaphore, #tpu.memory_space<semaphore_mem>>
      %dma_wait3A_219 = tpu.memref_squeeze %dma_wait3A_218 : memref<1x1x!tpu.dma_semaphore, #tpu.memory_space<semaphore_mem>> -> memref<!tpu.dma_semaphore, #tpu.memory_space<semaphore_mem>>
      %dma_wait3A_220 = arith.constant 0 : i32
      %dma_wait3A_221 = tpu.memref_slice %arg6[%rem3A_8, %dma_wait3A_209, %dma_wait3A_210, %dma_wait3A_220] : memref<2x8x26x32xf32, #tpu.memory_space<vmem>> -> memref<1x1x1x32xf32, #tpu.memory_space<vmem>>
      %dma_wait3A_222 = tpu.memref_squeeze %dma_wait3A_221 : memref<1x1x1x32xf32, #tpu.memory_space<vmem>> -> memref<32xf32, #tpu.memory_space<vmem>>
      %dma_wait3A_223 = arith.constant 0 : i32
      %dma_wait3A_224 = tpu.memref_slice %arg3[%dma_wait3A_208, %dma_wait3A_223] : memref<2600000x32xf32, #tpu.memory_space<hbm>> -> memref<1x32xf32, #tpu.memory_space<hbm>>
      %dma_wait3A_225 = tpu.memref_squeeze %dma_wait3A_224 : memref<1x32xf32, #tpu.memory_space<hbm>> -> memref<32xf32, #tpu.memory_space<hbm>>
      tpu.wait_dma2 semaphore(%dma_wait3A_219 : memref<!tpu.dma_semaphore, #tpu.memory_space<semaphore_mem>>) src(%dma_wait3A_225 : memref<32xf32, #tpu.memory_space<hbm>>) dst(%dma_wait3A_222 : memref<32xf32, #tpu.memory_space<vmem>>)
      %scan3A_226 = arith.constant 7 : i32
      %scan3A_227 = arith.addi %scan3A_87, %scan3A_226 : i32
      %dma_wait3A_228 = arith.constant 0 : i32
      %dma_wait3A_229 = arith.constant 0 : i32
      %dma_wait3A_230 = arith.constant 0 : i32
      %dma_wait3A_231 = arith.constant 3 : i32
      %dma_wait3A_232 = arith.constant 0 : i32
      %dma_wait3A_233 = tpu.memref_slice %arg6[%rem3A_8, %dma_wait3A_229, %dma_wait3A_230, %dma_wait3A_232] : memref<2x8x26x32xf32, #tpu.memory_space<vmem>> -> memref<1x1x1x32xf32, #tpu.memory_space<vmem>>
      %dma_wait3A_234 = tpu.memref_squeeze %dma_wait3A_233 : memref<1x1x1x32xf32, #tpu.memory_space<vmem>> -> memref<32xf32, #tpu.memory_space<vmem>>
      %dma_wait3A_235 = arith.constant 0 : i32
      %dma_wait3A_236 = tpu.memref_slice %arg3[%dma_wait3A_228, %dma_wait3A_235] : memref<2600000x32xf32, #tpu.memory_space<hbm>> -> memref<1x32xf32, #tpu.memory_space<hbm>>
      %dma_wait3A_237 = tpu.memref_squeeze %dma_wait3A_236 : memref<1x32xf32, #tpu.memory_space<hbm>> -> memref<32xf32, #tpu.memory_space<hbm>>
      %dma_wait3A_238 = tpu.memref_slice %arg7[%rem3A_8, %dma_wait3A_231] : memref<2x4x!tpu.dma_semaphore, #tpu.memory_space<semaphore_mem>> -> memref<1x1x!tpu.dma_semaphore, #tpu.memory_space<semaphore_mem>>
      %dma_wait3A_239 = tpu.memref_squeeze %dma_wait3A_238 : memref<1x1x!tpu.dma_semaphore, #tpu.memory_space<semaphore_mem>> -> memref<!tpu.dma_semaphore, #tpu.memory_space<semaphore_mem>>
      %dma_wait3A_240 = arith.constant 0 : i32
      %dma_wait3A_241 = tpu.memref_slice %arg6[%rem3A_8, %dma_wait3A_229, %dma_wait3A_230, %dma_wait3A_240] : memref<2x8x26x32xf32, #tpu.memory_space<vmem>> -> memref<1x1x1x32xf32, #tpu.memory_space<vmem>>
      %dma_wait3A_242 = tpu.memref_squeeze %dma_wait3A_241 : memref<1x1x1x32xf32, #tpu.memory_space<vmem>> -> memref<32xf32, #tpu.memory_space<vmem>>
      %dma_wait3A_243 = arith.constant 0 : i32
      %dma_wait3A_244 = tpu.memref_slice %arg3[%dma_wait3A_228, %dma_wait3A_243] : memref<2600000x32xf32, #tpu.memory_space<hbm>> -> memref<1x32xf32, #tpu.memory_space<hbm>>
      %dma_wait3A_245 = tpu.memref_squeeze %dma_wait3A_244 : memref<1x32xf32, #tpu.memory_space<hbm>> -> memref<32xf32, #tpu.memory_space<hbm>>
      tpu.wait_dma2 semaphore(%dma_wait3A_239 : memref<!tpu.dma_semaphore, #tpu.memory_space<semaphore_mem>>) src(%dma_wait3A_245 : memref<32xf32, #tpu.memory_space<hbm>>) dst(%dma_wait3A_242 : memref<32xf32, #tpu.memory_space<vmem>>)
    }
    %scan3A_28 = arith.constant 48 : i32
    %add3A_29 = arith.constant 120 : i32
    %add3A_30 = arith.addi %mul3A_2, %add3A_29 : i32
    %dma_start3A = arith.constant 0 : i32
    %dma_start3A_31 = arith.constant 0 : i32
    %dma_start3A_32 = arith.constant 0 : i32
    %dma_start3A_33 = tpu.memref_slice %arg6[%rem3A_8, %dma_start3A, %dma_start3A_31, %dma_start3A_32] : memref<2x8x26x32xf32, #tpu.memory_space<vmem>> -> memref<1x8x26x32xf32, #tpu.memory_space<vmem>>
    %dma_start3A_34 = tpu.memref_squeeze %dma_start3A_33 : memref<1x8x26x32xf32, #tpu.memory_space<vmem>> -> memref<8x26x32xf32, #tpu.memory_space<vmem>>
    %dma_start3A_35 = arith.constant 0 : i32
    %dma_start3A_36 = arith.constant 0 : i32
    %dma_start3A_37 = tpu.memref_slice %arg4[%add3A_30, %dma_start3A_35, %dma_start3A_36] : memref<4096x26x32xf32, #tpu.memory_space<hbm>> -> memref<8x26x32xf32, #tpu.memory_space<hbm>>
    %dma_start3A_38 = tpu.memref_slice %arg8[%rem3A_8] : memref<2x!tpu.dma_semaphore, #tpu.memory_space<semaphore_mem>> -> memref<1x!tpu.dma_semaphore, #tpu.memory_space<semaphore_mem>>
    %dma_start3A_39 = tpu.memref_squeeze %dma_start3A_38 : memref<1x!tpu.dma_semaphore, #tpu.memory_space<semaphore_mem>> -> memref<!tpu.dma_semaphore, #tpu.memory_space<semaphore_mem>>
    %dma_start3A_40 = arith.constant 0 : i32
    %dma_start3A_41 = arith.constant 0 : i32
    %dma_start3A_42 = tpu.memref_slice %arg4[%add3A_30, %dma_start3A_40, %dma_start3A_41] : memref<4096x26x32xf32, #tpu.memory_space<hbm>> -> memref<8x26x32xf32, #tpu.memory_space<hbm>>
    %dma_start3A_43 = arith.constant 0 : i32
    %dma_start3A_44 = arith.constant 0 : i32
    %dma_start3A_45 = arith.constant 0 : i32
    %dma_start3A_46 = tpu.memref_slice %arg6[%rem3A_8, %dma_start3A_43, %dma_start3A_44, %dma_start3A_45] : memref<2x8x26x32xf32, #tpu.memory_space<vmem>> -> memref<1x8x26x32xf32, #tpu.memory_space<vmem>>
    %dma_start3A_47 = tpu.memref_squeeze %dma_start3A_46 : memref<1x8x26x32xf32, #tpu.memory_space<vmem>> -> memref<8x26x32xf32, #tpu.memory_space<vmem>>
    tpu.enqueue_dma source(%dma_start3A_47 : memref<8x26x32xf32, #tpu.memory_space<vmem>>) target(%dma_start3A_42 : memref<8x26x32xf32, #tpu.memory_space<hbm>>) target_semaphore(%dma_start3A_39 : memref<!tpu.dma_semaphore, #tpu.memory_space<semaphore_mem>>)
    %dma_wait3A = arith.constant 0 : i32
    %dma_wait3A_48 = arith.constant 0 : i32
    %dma_wait3A_49 = arith.constant 0 : i32
    %dma_wait3A_50 = arith.constant 0 : i32
    %dma_wait3A_51 = arith.constant 0 : i32
    %dma_wait3A_52 = tpu.memref_slice %arg6[%dma_wait3A, %dma_wait3A_49, %dma_wait3A_50, %dma_wait3A_51] : memref<2x8x26x32xf32, #tpu.memory_space<vmem>> -> memref<1x8x26x32xf32, #tpu.memory_space<vmem>>
    %dma_wait3A_53 = tpu.memref_squeeze %dma_wait3A_52 : memref<1x8x26x32xf32, #tpu.memory_space<vmem>> -> memref<8x26x32xf32, #tpu.memory_space<vmem>>
    %dma_wait3A_54 = arith.constant 0 : i32
    %dma_wait3A_55 = arith.constant 0 : i32
    %dma_wait3A_56 = tpu.memref_slice %arg4[%mul3A_2, %dma_wait3A_54, %dma_wait3A_55] : memref<4096x26x32xf32, #tpu.memory_space<hbm>> -> memref<8x26x32xf32, #tpu.memory_space<hbm>>
    %dma_wait3A_57 = tpu.memref_slice %arg8[%dma_wait3A_48] : memref<2x!tpu.dma_semaphore, #tpu.memory_space<semaphore_mem>> -> memref<1x!tpu.dma_semaphore, #tpu.memory_space<semaphore_mem>>
    %dma_wait3A_58 = tpu.memref_squeeze %dma_wait3A_57 : memref<1x!tpu.dma_semaphore, #tpu.memory_space<semaphore_mem>> -> memref<!tpu.dma_semaphore, #tpu.memory_space<semaphore_mem>>
    %dma_wait3A_59 = arith.constant 0 : i32
    %dma_wait3A_60 = arith.constant 0 : i32
    %dma_wait3A_61 = tpu.memref_slice %arg4[%mul3A_2, %dma_wait3A_59, %dma_wait3A_60] : memref<4096x26x32xf32, #tpu.memory_space<hbm>> -> memref<8x26x32xf32, #tpu.memory_space<hbm>>
    %dma_wait3A_62 = arith.constant 0 : i32
    %dma_wait3A_63 = arith.constant 0 : i32
    %dma_wait3A_64 = arith.constant 0 : i32
    %dma_wait3A_65 = tpu.memref_slice %arg6[%dma_wait3A, %dma_wait3A_62, %dma_wait3A_63, %dma_wait3A_64] : memref<2x8x26x32xf32, #tpu.memory_space<vmem>> -> memref<1x8x26x32xf32, #tpu.memory_space<vmem>>
    %dma_wait3A_66 = tpu.memref_squeeze %dma_wait3A_65 : memref<1x8x26x32xf32, #tpu.memory_space<vmem>> -> memref<8x26x32xf32, #tpu.memory_space<vmem>>
    tpu.wait_dma2 semaphore(%dma_wait3A_58 : memref<!tpu.dma_semaphore, #tpu.memory_space<semaphore_mem>>) src(%dma_wait3A_66 : memref<8x26x32xf32, #tpu.memory_space<vmem>>) dst(%dma_wait3A_61 : memref<8x26x32xf32, #tpu.memory_space<hbm>>)
    %dma_wait3A_67 = arith.constant 1 : i32
    %dma_wait3A_68 = arith.constant 1 : i32
    %dma_wait3A_69 = arith.constant 0 : i32
    %dma_wait3A_70 = arith.constant 0 : i32
    %dma_wait3A_71 = arith.constant 0 : i32
    %dma_wait3A_72 = tpu.memref_slice %arg6[%dma_wait3A_67, %dma_wait3A_69, %dma_wait3A_70, %dma_wait3A_71] : memref<2x8x26x32xf32, #tpu.memory_space<vmem>> -> memref<1x8x26x32xf32, #tpu.memory_space<vmem>>
    %dma_wait3A_73 = tpu.memref_squeeze %dma_wait3A_72 : memref<1x8x26x32xf32, #tpu.memory_space<vmem>> -> memref<8x26x32xf32, #tpu.memory_space<vmem>>
    %dma_wait3A_74 = arith.constant 0 : i32
    %dma_wait3A_75 = arith.constant 0 : i32
    %dma_wait3A_76 = tpu.memref_slice %arg4[%mul3A_2, %dma_wait3A_74, %dma_wait3A_75] : memref<4096x26x32xf32, #tpu.memory_space<hbm>> -> memref<8x26x32xf32, #tpu.memory_space<hbm>>
    %dma_wait3A_77 = tpu.memref_slice %arg8[%dma_wait3A_68] : memref<2x!tpu.dma_semaphore, #tpu.memory_space<semaphore_mem>> -> memref<1x!tpu.dma_semaphore, #tpu.memory_space<semaphore_mem>>
    %dma_wait3A_78 = tpu.memref_squeeze %dma_wait3A_77 : memref<1x!tpu.dma_semaphore, #tpu.memory_space<semaphore_mem>> -> memref<!tpu.dma_semaphore, #tpu.memory_space<semaphore_mem>>
    %dma_wait3A_79 = arith.constant 0 : i32
    %dma_wait3A_80 = arith.constant 0 : i32
    %dma_wait3A_81 = tpu.memref_slice %arg4[%mul3A_2, %dma_wait3A_79, %dma_wait3A_80] : memref<4096x26x32xf32, #tpu.memory_space<hbm>> -> memref<8x26x32xf32, #tpu.memory_space<hbm>>
    %dma_wait3A_82 = arith.constant 0 : i32
    %dma_wait3A_83 = arith.constant 0 : i32
    %dma_wait3A_84 = arith.constant 0 : i32
    %dma_wait3A_85 = tpu.memref_slice %arg6[%dma_wait3A_67, %dma_wait3A_82, %dma_wait3A_83, %dma_wait3A_84] : memref<2x8x26x32xf32, #tpu.memory_space<vmem>> -> memref<1x8x26x32xf32, #tpu.memory_space<vmem>>
    %dma_wait3A_86 = tpu.memref_squeeze %dma_wait3A_85 : memref<1x8x26x32xf32, #tpu.memory_space<vmem>> -> memref<8x26x32xf32, #tpu.memory_space<vmem>>
    tpu.wait_dma2 semaphore(%dma_wait3A_78 : memref<!tpu.dma_semaphore, #tpu.memory_space<semaphore_mem>>) src(%dma_wait3A_86 : memref<8x26x32xf32, #tpu.memory_space<vmem>>) dst(%dma_wait3A_81 : memref<8x26x32xf32, #tpu.memory_space<hbm>>)
    return
  }
}

</mosaic_0001>

<sc_bundles>
// kernel: kernel.3.cloned.1.call-start
scs
__scs_entry_jumppad:
0x0: {  	(pc) =	sbr.rel $0x88, $3  }
0x1: {  	(tag) =	ssettag $0x0;
	lr =	simm.s32 $0x1  }
0x2: {  	[smem:$0x3F9F] =	sst lr;
	_ =	strace $0xD0000000  }
0x3: {  	_ = 	snop  }
0x4: {  	_ = 	snop  }
0x5: {  	_ = 	snop  }
0x6: {  	_ = 	snop  }
0x7: {  	_ = 	snop  }
__scs_overlays_trampoline_lowered:
0x8: {  	[smem:$0x3FAE] =	sst s0  }
0x9: {  	[smem:$0x3FAF] =	sst s1  }
0xa: {  	[smem:$0x3FB0] =	sst s2  }
0xb: {  	[smem:$0x3FB1] =	sst s3  }
0xc: {  	[smem:$0x3FB2] =	sst s4  }
0xd: {  	[smem:$0x3FB3] =	sst s5  }
0xe: {  	[smem:$0x3FB4] =	sst s6  }
0xf: {  	[smem:$0x3FB5] =	sst s7  }
0x10: {  	[smem:$0x3FB6] =	sst s8  }
0x11: {  	[smem:$0x3FB7] =	sst s9;
	s0 =	simm.s32 @!p0 $0x0  }
0x12: {  	s1 =	sld [smem:$0x3F9D];
	s0 =	simm.s32 @p0 $0x1  }
0x13: {  	[smem:$0x3FB8] =	sst s0;
	s0 =	simm.s32 @!p1 $0x0  }
0x14: {  	s2 =	sld [smem:$0x3F9C];
	s0 =	simm.s32 @p1 $0x1  }
0x15: {  	[smem:$0x3FB9] =	sst s0;
	s0 =	simm.s32 @!p2 $0x0  }
0x16: {  	s3 =	sld [smem:$0x3FDB];
	s0 =	simm.s32 @p2 $0x1  }
0x17: {  	s4 =	simm.s32 $0x1BF5;
	[smem:$0x3FBB] =	sst s0  }
0x18: {  	s0 =	sld [smem:$0x3F9E];
	_ =	swait.ge [sflag:s4], $0x0  }
0x19: {  	s7 =	sld [smem:$0x3F9F]  }
0x1a: {  	s8 =	sadd.s32 $0xFFFFE003, lr  }
0x1b: {  	s9 =	sadd.s32 $0xFFFFFEF7, lr;
	s5 =	simm.s32 $0xFFFFFFFF;
	p2 =	slt.u32 s8, $0xFFFFF086  }
0x1c: {  	p1 =	slt.u32 s9, $0xF7A;
	s5 =	simm.s32 @!p2 $0x0  }
0x1d: {  	s5 =	simm.s32 @p1 $0x1;
	p0 =	seq.s32 s7, s2  }
0x1e: {  	s7 =	smul.u32 @!p0 $0xF7A, s2;
	p2 =	seq.s32 @!p0 s5, $0x0  }
0x1f: {  	s9 =	smul.u32 $0xF7A, s1;
	s8 =	simm.s32 @!p0 $0x1BF5;
	p2 =	por !p2, p0  }
0x20: {  	[sflag:s8] =	ssyncset.s32 @!p0 $0xFFFFF086;
	s6 =	sadd.s32 @!p0 s3, s7;
	s7 =	simm.s32 @!p0 $0x108  }
0x21: {  	s3 =	sadd.s32 s3, s9;
	s6 =	sadd.s32 @!p0 $0x88, s6;
	s7 =	simm.s32 @p2 $0x1082  }
0x22: {  	[simem:s7], [sflag:s8] =	dma.local @!p0 [hbm:s6], $0xF7A  }
0x23: {  	s9 =	sor.u32 $0xD0000000, s2;
	s6 =	simm.s32 $0x108;
	_ =	swait.ge @!p0 [sflag:s8], $0x0  }
0x24: {  	s3 =	sadd.s32 $0x88, s3;
	s6 =	simm.s32 @!p1 $0x1082;
	[sflag:s4] =	ssyncset.s32 $0xFFFFF086  }
0x25: {  	[simem:s6], [sflag:s4] =	dma.local [hbm:s3], $0xF7A  }
0x26: {  	[smem:$0x3F9F] =	sst s1;
	(tag) =	ssettag s2;
	_ =	strace s9  }
0x27: {  	s1 =	sld [smem:$0x3FAF]  }
0x28: {  	s2 =	sld [smem:$0x3FB0]  }
0x29: {  	s4 =	sld [smem:$0x3FB2]  }
0x2a: {  	p0 =	seq.s32 s5, $0x0;
	s5 =	sld [smem:$0x3FB3]  }
0x2b: {  	s6 =	sld [smem:$0x3FB4]  }
0x2c: {  	s7 =	sld [smem:$0x3FB5]  }
0x2d: {  	s3 =	simm.s32 $0x108;
	s8 =	sld [smem:$0x3FB6]  }
0x2e: {  	s3 =	simm.s32 @!p0 $0x1082;
	s9 =	sld [smem:$0x3FB7]  }
0x2f: {  	lr =	sadd.s32 s0, s3;
	s0 =	sld [smem:$0x3FAE]  }
0x30: {  	s3 =	sld [smem:$0x3FB1]  }
0x31: {  	[smem:$0x3FBA] =	sst s10  }
0x32: {  	s10 =	sld [smem:$0x3FB8];
	_ =	sdelay $0x3  }
0x33: {  	p0 =	seq.s32 s10, $0x1;
	s10 =	sld [smem:$0x3FBA];
	_ =	sdelay $0x3  }
0x34: {  	[smem:$0x3FBA] =	sst s10  }
0x35: {  	s10 =	sld [smem:$0x3FB9];
	_ =	sdelay $0x3  }
0x36: {  	p1 =	seq.s32 s10, $0x1;
	s10 =	sld [smem:$0x3FBA];
	_ =	sdelay $0x3  }
0x37: {  	[smem:$0x3FBA] =	sst s10  }
0x38: {  	s10 =	sld [smem:$0x3FBB]  }
0x39: {  	_ = 	snop;
	(pc) =	sbr.ind lr, $3  }
0x3a: {  	_ = 	snop  }
0x3b: {  	_ = 	snop  }
0x3c: {  	p2 =	seq.s32 s10, $0x1;
	s10 =	sld [smem:$0x3FBA]  }
0x3d: {  	_ =	shalt  }
0x3e: {  	_ =	shalt  }
0x3f: {  	_ =	shalt  }
0x40: {  	_ =	shalt  }
0x41: {  	_ =	shalt  }
0x42: {  	_ =	shalt  }
0x43: {  	_ =	shalt  }
0x44: {  	_ =	shalt  }
0x45: {  	_ =	shalt  }
0x46: {  	_ =	shalt  }
0x47: {  	_ =	shalt  }
0x48: {  	_ =	shalt  }
0x49: {  	_ =	shalt  }
0x4a: {  	_ =	shalt  }
0x4b: {  	_ =	shalt  }
0x4c: {  	_ =	shalt  }
0x4d: {  	_ =	shalt  }
0x4e: {  	_ =	shalt  }
0x4f: {  	_ =	shalt  }
0x50: {  	_ =	shalt  }
0x51: {  	_ =	shalt  }
0x52: {  	_ =	shalt  }
0x53: {  	_ =	shalt  }
0x54: {  	_ =	shalt  }
0x55: {  	_ =	shalt  }
0x56: {  	_ =	shalt  }
0x57: {  	_ =	shalt  }
0x58: {  	_ =	shalt  }
0x59: {  	_ =	shalt  }
0x5a: {  	_ =	shalt  }
0x5b: {  	_ =	shalt  }
0x5c: {  	_ =	shalt  }
0x5d: {  	_ =	shalt  }
0x5e: {  	_ =	shalt  }
0x5f: {  	_ =	shalt  }
0x60: {  	_ =	shalt  }
0x61: {  	_ =	shalt  }
0x62: {  	_ =	shalt  }
0x63: {  	_ =	shalt  }
0x64: {  	_ =	shalt  }
0x65: {  	_ =	shalt  }
0x66: {  	_ =	shalt  }
0x67: {  	_ =	shalt  }
0x68: {  	_ =	shalt  }
0x69: {  	_ =	shalt  }
0x6a: {  	_ =	shalt  }
0x6b: {  	_ =	shalt  }
0x6c: {  	_ =	shalt  }
0x6d: {  	_ =	shalt  }
0x6e: {  	_ =	shalt  }
0x6f: {  	_ =	shalt  }
0x70: {  	_ =	shalt  }
0x71: {  	_ =	shalt  }
0x72: {  	_ =	shalt  }
0x73: {  	_ =	shalt  }
0x74: {  	_ =	shalt  }
0x75: {  	_ =	shalt  }
0x76: {  	_ =	shalt  }
0x77: {  	_ =	shalt  }
0x78: {  	_ =	shalt  }
0x79: {  	_ =	shalt  }
0x7a: {  	_ =	shalt  }
0x7b: {  	_ =	shalt  }
0x7c: {  	_ =	shalt  }
0x7d: {  	_ =	shalt  }
0x7e: {  	_ =	shalt  }
0x7f: {  	_ =	shalt  }
0x80: {  	_ =	shalt  }
0x81: {  	_ =	shalt  }
0x82: {  	_ =	shalt  }
0x83: {  	_ =	shalt  }
0x84: {  	_ =	shalt  }
0x85: {  	_ =	shalt  }
0x86: {  	_ =	shalt  }
0x87: {  	_ =	shalt  }
.Lfunc_end0:
.L_simem_size_0:
called_computation_lowered:
.L_overlay_start_0:
0x88: {  	s2 =	sld [smem:$0x3FD9]  }
0x89: {  	s3 =	sld [smem:$0x3FFE];
	_ =	sdelay $0x1  }
0x8a: {  	s1 =	srdreg.scid  }
0x8b: {  	s0 =	sand.u32 $0x1, s1  }
0x8c: {  	s17 =	sshll.u32 s0, $0xA;
	s2 =	sadd.s32 s3, s2  }
0x8d: {  	s2 =	sadd.s32 s2, s17  }
0x8e: {  	[smem:$0x3FC6] =	sst s2  }
0x8f: {  	_ = 	snop  }
0x90: {  	s2 =	sld [smem:$0x3FD0];
	(tm) =	ssettm $0x1  }
0x91: {  	s18 =	sld [smem:$0x3FFB];
	_ =	sdelay $0x3  }
0x92: {  	_ =	strace s18  }
0x93: {  	s3 =	sld [smem:$0x3FFC];
	_ =	sdelay $0x3  }
0x94: {  	_ =	strace s3  }
0x95: {  	s3 =	sld [smem:$0x3FFD];
	_ =	sdelay $0x3  }
0x96: {  	_ =	strace s3  }
0x97: {  	_ =	strace $0x8FFFFFFF  }
0x98: {  	s19 =	sld [smem:$0x3FDB];
	_ =	sdelay $0x1  }
0x99: {  	s4 =	simm.s32 $_scs_section_size  }
0x9a: {  	s5 =	simm.s32 $_size__tile_overlayer_lowered;
	s6 =	simm.s32 $_tile_overlayer_lowered  }
0x9b: {  	s22 =	simm.s32 $0x1BFF;
	s21 =	sshll.u32 s6, $0x1;
	s3 =	sadd.s32 s4, s19  }
0x9c: {  	s7 =	simm.s32 $0x0;
	s20 =	sshll.u32 s5, $0x1;
	s5 =	sadd.s32 s21, s3  }
0x9d: {  	[timem:s7], [sflag:s22] =	dma.local [hbm:s5], s20  }
0x9e: {  	_ =	swait.ge [sflag:s22], s20  }
0x9f: {  	s4 =	ssub.s32 $0x0, s20;
	[sflag:s22] =	ssyncset.done $0x0  }
0xa0: {  	[sflag:s22] =	ssyncadd.s32 s4;
	_ =	sdelay $0x1  }
0xa1: {  	s23 =	simm.s32 $0x1B8B  }
0xa2: {  	_ =	swait.ge [sflag:s23], $0x1  }
0xa3: {  	[sflag:s23] =	ssyncset.done $0x0  }
0xa4: {  	s25 =	simm.s32 $0x1B8E;
	s24 =	sld [smem:$0x3FFE];
	[sflag:s23] =	ssyncadd.s32 $0xFFFFFFFF  }
0xa5: {  	s26 =	simm.s32 $execute0_lowered;
	[smem:$0x3FD2] =	sst s25  }
0xa6: {  	s5 =	sshll.u32 s26, $0x1;
	_ =	strace $0x80000046;
	[dreg:$0x1] =	wrdreg $0xFFFFFFFF  }
0xa7: {  	s28 =	simm.s32 $_size_execute0_lowered;
	s3 =	sadd.s32 s3, s5;
	[dreg:$0x0] =	wrdreg $0x0  }
0xa8: {  	s5 =	sshll.u32 s28, $0x1;
	[dreg:$0x2] =	wrdreg s3  }
0xa9: {  	[dreg:$0x3] =	wrdreg s5  }
0xaa: {  	[dreg:$0x4] =	wrdreg $0xC0  }
0xab: {  	_ =	task [dreg:s7], $0x5FFFF  }
0xac: {  	[dreg:$0x1] =	wrdreg $0xFFFFFFFF  }
0xad: {  	[dreg:$0x0] =	wrdreg $0x60  }
0xae: {  	[dreg:$0x2] =	wrdreg s2  }
0xaf: {  	[dreg:$0x3] =	wrdreg s24  }
0xb0: {  	[dreg:$0x4] =	wrdreg $0x9  }
0xb1: {  	_ =	task.clear_ibuf [dreg:s7], $0x5FFFF;
	_ =	strace $0x90000046  }
0xb2: {  	s29 =	simm.s32 $0x9;
	_ =	strace $0x80000048  }
0xb3: {  	_ =	swait.ge [sflag:s29], $0x1  }
0xb4: {  	[sflag:s29] =	ssyncadd.s32 $0xFFFFFFFF  }
0xb5: {  	_ =	strace $0x90000048  }
0xb6: {  	_ =	sfence  }
0xb7: {  	s30 =	sld [smem:$0x0];
	_ =	sdelay $0x2  }
0xb8: {  	s31 =	sshll.u32 s1, $0xD;
	s1 =	sshrl.u32 s1, $0x2  }
0xb9: {  	s3 =	sand.u32 $0x4000, s31;
	s1 =	sadd.s32 s1, s30  }
0xba: {  	s0 =	sor.u32 s3, s0;
	s1 =	sshll.u32 s1, $0x11  }
0xbb: {  	s0 =	sor.u32 s1, s0  }
0xbc: {  	s0 =	sadd.s32 $0x8F2B, s0  }
0xbd: {  	[sflag:s0] =	ssyncadd.remote.s32 $0x1  }
0xbe: {  	_ =	sfence.sel $0xFFFF  }
0xbf: {  	[dreg:$0x0] =	wrdreg $0xFFFFFFFF;
	(pc) =	sbr.abs _section_cstart, $3  }
0xc0: {  	[dreg:$0x1] =	wrdreg $0xFFFFFFFF  }
0xc1: {  	_ =	task.clear_ibuf [dreg:s7], $0x2FFFF;
	_ =	strace $0x9FFFFFFF  }
0xc2: {  	(tm) =	ssettm $0x7FFFFFFF  }
0xc3: {  	_ =	shalt  }
tec
execute0_lowered:
.L_overlay_start_1:
0x0: {  	(tag) =	ssettag $0x1  }
0x1: {  	s0 =	rddreg [dreg:$0x0]  }
0x2: {  	s1 =	rddreg [dreg:$0x1]  }
0x3: {  	s2 =	srdreg.scid;
	s19 =	simm.s32 $0x0;
	s3 =	stileid.u32  }
0x4: {  	s2 =	sand.u32 $0x1, s2;
	[smem:$0x7FF] =	sst s19;
	s4 =	sshll.u32 s3, $0x8  }
0x5: {  	s24 =	sadd.s32 $0x400, s1;
	s6 =	sadd.s32 $0x27AC800, s1;
	s5 =	sshll.u32 s2, $0x7  }
0x6: {  	_ =	strace $0x80000047;
	s25 =	ssub.s32 $0x2, s2;
	s4 =	sor.u32 s5, s4  }
0x7: {  	s28 =	sshrl.u32 s25, $0x1;
	s26 =	sshll.u32 s4, $0x9;
	s4 =	sshll.u32 s4, $0x4  }
0x8: {  	[dreg:$0x13] =	wrdreg s6;
	s1 =	ssub.s32 s25, s28;
	s0 =	sadd.s32 s0, s4  }
0x9: {  	s30 =	smax.u32 s1, $0x1;
	[dreg:$0x14] =	wrdreg s0  }
0xa: {  	s6 =	sadd.s32 s26, s6;
	s31 =	sadd.s32 $0x1FFFF000, s26;
	[dreg:$0x16] =	wrdreg s30  }
0xb: {  	s29 =	sadd.s32 $0xF000, s6;
	[dreg:$0x17] =	wrdreg s31  }
0xc: {  	s2 =	simm.s32 $0x0;
	[dreg:$0x15] =	wrdreg s29  }
.LBB2_1:
0xd: {  	[dreg:$0x18] =	wrdreg s2  }
.Ltmp0:
0xe: {  	s0 =	rddreg [dreg:$0x14];
	s31 =	simm.s32 $0xB;
	(pc) =	sbr.rel .LBB2_2-.Ltmp0, $4  }
0xf: {  	[tilespmem:s19], [sflag:$0xB] =	stream.linear.gather [hbm4b:s0+s19], $0x4000, $0x38;
	[tilespmem:$0x14000] =	vst v63  }
0x10: {  	_ =	swait.ge [sflag:s31], $0x4000  }
0x11: {  	p0 =	por $0x0, $0x0;
	[sflag:s31] =	ssyncset.done $0x0  }
0x12: {  	s1 =	simm.s32 $0x0;
	s6 =	simm.s32 $0x0;
	[sflag:s31] =	ssyncadd.s32 $0xFFFFC000  }
.LBB2_10:
0x13: {  	s6 =	sadd.s32 $0x1, s6  }
0x14: {  	p1 =	sne.s32 s6, $0x10  }
.Ltmp1:
0x15: {  	_ = 	snop;
	(pc) =	sbr.rel @!p1 .LBB2_11-.Ltmp1, $3  }
0x16: {  	_ =	sdelay $0x1  }
0x17: {  	s1 =	rddreg [dreg:$0x19]  }
0x18: {  	p0 =	por !p0, !p0;
	s0 =	simm.s32 $0xFFFFFFF8;
	s1 =	sadd.s32 $0x400, s1  }
.LBB2_2:
0x19: {  	s0 =	simm.s32 $0x1  }
0x1a: {  	s0 =	simm.s32 @!p0 $0x0  }
0x1b: {  	s0 =	sshll.u32 s0, $0xF  }
0x1c: {  	s4 =	sand.u32 $0x1, s6;
	p1 =	slt.u32 s6, $0x2;
	s0 =	sor.u32 $0x4000, s0  }
0x1d: {  	[dreg:$0x3] =	wrdreg s0;
	s0 =	sadd.s32 @!p1 $0x9, s4  }
0x1e: {  	_ =	swait.ge @!p1 [sflag:s0], $0x6800  }
0x1f: {  	[sflag:s0] =	ssyncset.done @!p1 $0x0  }
0x20: {  	[sflag:s0] =	ssyncadd.s32 @!p1 $0xFFFF9800  }
0x21: {  	v0 =	vld [tilespmem:s1+$0x0];
	_ =	sdelay $0x4  }
0x22: {  	v1 =	vshll.u32 v0, $0x7;
	(v2sf) =	vpush v0, $0x0  }
0x23: {  	(v2sf) =	vpush v1, $0x7  }
0x24: {  	(v2sf) =	vpush v1, $0x8  }
0x25: {  	(v2sf) =	vpush v1, $0x6  }
0x26: {  	(v2sf) =	vpush v1, $0x1  }
0x27: {  	s11 =	sshll.u32 s6, $0xC;
	[dreg:$0x1a] =	wrdreg s6  }
0x28: {  	[dreg:$0x1b] =	wrdreg s11;
	(v2sf) =	vpush v1, $0x2  }
0x29: {  	s12 =	sshll.u32 s4, $0x2;
	[dreg:$0x1c] =	wrdreg s4;
	(v2sf) =	vpush v1, $0x4  }
0x2a: {  	s20 =	sor.u32 $0x2, s12;
	[dreg:$0x19] =	wrdreg s1;
	(v2sf) =	vpush v1, $0x3  }
0x2b: {  	s21 =	sshllo.u32 s4, $0x2;
	[dreg:$0x4] =	wrdreg s20  }
0x2c: {  	[dreg:$0x7] =	wrdreg s21  }
0x2d: {  	s15 =	simm.s32 $0x4000;
	s3 =	sor.u32 $0x1, s12;
	s2 =	rddreg [dreg:$0x3]  }
0x2e: {  	s16 =	sadd.s32 $0x80, s1;
	[dreg:$0x6] =	wrdreg s3;
	s14 =	sadd.s32 $0x0, s2  }
0x2f: {  	s0 =	sadd.s32 $0x4, s12;
	s8 =	sadd.s32 $0x200, s14;
	s5 =	sadd.s32 $0x100, s14;
	(v2sf) =	vpush v1, $0x5  }
0x30: {  	s4 =	sadd.s32 $0x500, s14;
	s7 =	sadd.s32 $0x80, s14;
	s2 =	sadd.s32 $0x300, s14  }
0x31: {  	s6 =	sadd.s32 $0x480, s14;
	s29 =	sadd.s32 $0xA80, s14;
	s9 =	spop (v2sf)  }
0x32: {  	s26 =	sadd.s32 $0xB00, s14;
	s30 =	sadd.s32 $0x900, s14;
	v0 =	vld [tilespmem:s1+$0xA];
	s10 =	spop (v2sf)  }
0x33: {  	s22 =	sadd.s32 $0x980, s14;
	s9 =	sshll.u32 s9, $0x4;
	s11 =	spop (v2sf)  }
0x34: {  	s28 =	sadd.s32 $0xA00, s14;
	s9 =	sand.u32 $0x1FFFFFF0, s9;
	s12 =	spop (v2sf)  }
0x35: {  	[dreg:$0x5] =	wrdreg s0;
	(v2sf) =	vpush v1, $0xB;
	s9 =	sadd.s32 s24, s9;
	s13 =	spop (v2sf)  }
0x36: {  	[tilespmem:s14], [sflag:s3] =	stream.linear.gather [hbm4b:s9+s19], $0x80, $0x38;
	[tilespmem:$0x14000] =	vst v63  }
0x37: {  	[dreg:$0x8] =	wrdreg s28;
	v0 =	vshll.u32 v0, $0x7;
	(v2sf) =	vpush v1, $0xE;
	s13 =	sadd.s32 $0xC35000, s13;
	s17 =	spop (v2sf)  }
0x38: {  	s28 =	sadd.s32 $0x5573000, s10;
	(v2sf) =	vpush v0, $0x7;
	s13 =	sshrl.u32 s13, $0x3;
	s18 =	spop (v2sf)  }
0x39: {  	s17 =	sadd.s32 $0x186A000, s17;
	s13 =	sadd.s32 s24, s13;
	s25 =	spop (v2sf)  }
0x3a: {  	(v2sf) =	vpush v0, $0x6;
	[tilespmem:s7], [sflag:s20] =	stream.linear.gather [hbm4b:s13+s19], $0x80, $0x38;
	[tilespmem:$0x14000] =	vst v63  }
0x3b: {  	s23 =	sshrl.u32 s17, $0x3;
	s17 =	sadd.s32 $0x180, s14;
	s31 =	sadd.s32 $0x249F000, s25  }
0x3c: {  	(v2sf) =	vpush v1, $0x9;
	s13 =	sadd.s32 s24, s23;
	s23 =	sadd.s32 $0x800, s14;
	s25 =	sadd.s32 $0x30D4000, s18  }
0x3d: {  	s7 =	sadd.s32 $0x280, s14;
	s18 =	sadd.s32 $0x493E000, s12;
	[dreg:$0x9] =	wrdreg s23  }
0x3e: {  	s9 =	sshrl.u32 s31, $0x3;
	s31 =	spop (v2sf);
	s1 =	sshrl.u32 s25, $0x3  }
0x3f: {  	(v2sf) =	vpush v1, $0xA;
	[tilespmem:s5], [sflag:s21] =	stream.linear.gather [hbm4b:s13+s19], $0x80, $0x38;
	[tilespmem:$0x14000] =	vst v63  }
0x40: {  	s25 =	sadd.s32 $0x61A8000, s11;
	s9 =	sadd.s32 s24, s9;
	s10 =	sadd.s32 $0x3D09000, s31  }
0x41: {  	[tilespmem:s17], [sflag:s0] =	stream.linear.gather [hbm4b:s9+s19], $0x80, $0x38;
	[tilespmem:$0x14000] =	vst v63  }
0x42: {  	(v2sf) =	vpush v0, $0x8;
	s5 =	sadd.s32 $0x880, s14;
	s13 =	sadd.s32 s24, s1;
	s10 =	sshrl.u32 s10, $0x3  }
0x43: {  	(v2sf) =	vpush v1, $0xC;
	[tilespmem:s8], [sflag:s3] =	stream.linear.gather [hbm4b:s13+s19], $0x80, $0x38;
	[tilespmem:$0x14000] =	vst v63  }
0x44: {  	s31 =	sadd.s32 $0x380, s14;
	s10 =	sadd.s32 s24, s10;
	s23 =	spop (v2sf)  }
0x45: {  	[tilespmem:s7], [sflag:s20] =	stream.linear.gather [hbm4b:s10+s19], $0x80, $0x38;
	[tilespmem:$0x14000] =	vst v63  }
0x46: {  	s1 =	sadd.s32 $0x400, s14;
	s8 =	sshrl.u32 s18, $0x3;
	s13 =	spop (v2sf)  }
0x47: {  	s9 =	sshrl.u32 s28, $0x3;
	s8 =	sadd.s32 s24, s8;
	s17 =	spop (v2sf)  }
0x48: {  	[tilespmem:s2], [sflag:s21] =	stream.linear.gather [hbm4b:s8+s19], $0x80, $0x38;
	[tilespmem:$0x14000] =	vst v63  }
0x49: {  	s9 =	sadd.s32 s24, s9;
	s10 =	sshrl.u32 s25, $0x3;
	(v2sf) =	vpush v1, $0xD;
	s11 =	spop (v2sf)  }
0x4a: {  	[tilespmem:s31], [sflag:s0] =	stream.linear.gather [hbm4b:s9+s19], $0x80, $0x38;
	[tilespmem:$0x14000] =	vst v63  }
0x4b: {  	s18 =	sadd.s32 $0x700, s14;
	s7 =	sadd.s32 s24, s10;
	s28 =	spop (v2sf);
	(v2sf) =	vpush v0, $0x9  }
0x4c: {  	[tilespmem:s1], [sflag:s3] =	stream.linear.gather [hbm4b:s7+s19], $0x80, $0x38;
	(v2sf) =	vpush v1, $0xF;
	[tilespmem:$0x14000] =	vst v63  }
0x4d: {  	s12 =	sadd.s32 $0x8647000, s23;
	s23 =	sadd.s32 $0x580, s14;
	s2 =	sadd.s32 $0x6DDD000, s28  }
0x4e: {  	s9 =	sadd.s32 $0x780, s14;
	s10 =	spop (v2sf);
	s2 =	sshrl.u32 s2, $0x3  }
0x4f: {  	s28 =	sadd.s32 $0xAAE6000, s13;
	s8 =	sadd.s32 $0x7A12000, s10;
	s2 =	sadd.s32 s24, s2  }
0x50: {  	[tilespmem:s6], [sflag:s20] =	stream.linear.gather [hbm4b:s2+s19], $0x80, $0x38;
	[tilespmem:$0x14000] =	vst v63  }
0x51: {  	s10 =	sshrl.u32 s28, $0x3;
	s8 =	sshrl.u32 s8, $0x3;
	s20 =	spop (v2sf)  }
0x52: {  	s6 =	sshrl.u32 s12, $0x3;
	s8 =	sadd.s32 s24, s8;
	s25 =	spop (v2sf)  }
0x53: {  	[tilespmem:s4], [sflag:s21] =	stream.linear.gather [hbm4b:s8+s19], $0x80, $0x38;
	[tilespmem:$0x14000] =	vst v63  }
0x54: {  	s2 =	sadd.s32 $0x600, s14;
	s6 =	sadd.s32 s24, s6;
	s31 =	sadd.s32 $0x927C000, s25  }
0x55: {  	[tilespmem:s23], [sflag:s0] =	stream.linear.gather [hbm4b:s6+s19], $0x80, $0x38;
	[tilespmem:$0x14000] =	vst v63  }
0x56: {  	s21 =	sadd.s32 $0xCF85000, s17;
	s23 =	sadd.s32 $0x680, s14;
	s0 =	sadd.s32 $0xDBBA000, s20  }
0x57: {  	s6 =	sshrl.u32 s31, $0x3;
	s20 =	sadd.s32 $0xC350000, s11;
	s11 =	sshrl.u32 s21, $0x3  }
0x58: {  	(v2sf) =	vpush v0, $0xA;
	s12 =	sshrl.u32 s0, $0x3;
	s6 =	sadd.s32 s24, s6;
	s1 =	spop (v2sf)  }
0x59: {  	(v2sf) =	vpush v0, $0xB;
	[tilespmem:s2], [sflag:s3] =	stream.linear.gather [hbm4b:s6+s19], $0x80, $0x38;
	[tilespmem:$0x14000] =	vst v63  }
0x5a: {  	(v2sf) =	vpush v0, $0xC;
	s2 =	sshrl.u32 s20, $0x3;
	s7 =	sadd.s32 $0x9EB1000, s1;
	s25 =	spop (v2sf)  }
0x5b: {  	(v2sf) =	vpush v0, $0xD;
	s13 =	sshrl.u32 s7, $0x3;
	s28 =	sadd.s32 $0xE7EF000, s25;
	s31 =	spop (v2sf)  }
0x5c: {  	(v2sf) =	vpush v0, $0xE;
	s4 =	sadd.s32 s24, s13;
	s8 =	sadd.s32 $0xB71B000, s31;
	s6 =	sshrl.u32 s28, $0x3  }
.LBB2_3:
0x5d: {  	_ =	sdelay $0x3  }
0x5e: {  	s31 =	rddreg [dreg:$0x4]  }
0x5f: {  	[tilespmem:s23], [sflag:s31] =	stream.linear.gather [hbm4b:s4+s19], $0x80, $0x38;
	[tilespmem:$0x14000] =	vst v63  }
0x60: {  	s10 =	sadd.s32 s24, s10;
	s8 =	sshrl.u32 s8, $0x3;
	s25 =	rddreg [dreg:$0x7]  }
0x61: {  	(v2sf) =	vpush v0, $0xF;
	[tilespmem:s18], [sflag:s25] =	stream.linear.gather [hbm4b:s10+s19], $0x80, $0x38;
	[tilespmem:$0x14000] =	vst v63  }
0x62: {  	s28 =	rddreg [dreg:$0x5];
	s8 =	sadd.s32 s24, s8  }
0x63: {  	[tilespmem:s9], [sflag:s28] =	stream.linear.gather [hbm4b:s8+s19], $0x80, $0x38;
	[tilespmem:$0x14000] =	vst v63  }
0x64: {  	s2 =	sadd.s32 s24, s2;
	s13 =	spop (v2sf)  }
0x65: {  	s0 =	rddreg [dreg:$0x9];
	s20 =	sadd.s32 s24, s11;
	s3 =	sadd.s32 $0xF424000, s13  }
0x66: {  	s7 =	spop (v2sf);
	s17 =	sshrl.u32 s3, $0x3;
	s3 =	rddreg [dreg:$0x6]  }
0x67: {  	[tilespmem:s0], [sflag:s3] =	stream.linear.gather [hbm4b:s2+s19], $0x80, $0x38;
	[tilespmem:$0x14000] =	vst v63  }
0x68: {  	s6 =	sadd.s32 s24, s6;
	s23 =	sadd.s32 s24, s12;
	s18 =	sadd.s32 $0x10059000, s7  }
0x69: {  	[tilespmem:s5], [sflag:s31] =	stream.linear.gather [hbm4b:s20+s19], $0x80, $0x38;
	[tilespmem:$0x14000] =	vst v63  }
0x6a: {  	s12 =	rddreg [dreg:$0x8];
	s21 =	spop (v2sf);
	s7 =	sshrl.u32 s18, $0x3  }
0x6b: {  	[tilespmem:s30], [sflag:s25] =	stream.linear.gather [hbm4b:s23+s19], $0x80, $0x38;
	[tilespmem:$0x14000] =	vst v63  }
0x6c: {  	s0 =	sadd.s32 $0x10C8E000, s21;
	s1 =	spop (v2sf);
	s10 =	sadd.s32 s24, s17  }
0x6d: {  	[tilespmem:s22], [sflag:s28] =	stream.linear.gather [hbm4b:s6+s19], $0x80, $0x38;
	[tilespmem:$0x14000] =	vst v63  }
0x6e: {  	s9 =	sadd.s32 $0x118C3000, s1;
	s11 =	spop (v2sf);
	s13 =	sadd.s32 s24, s7  }
0x6f: {  	[tilespmem:s12], [sflag:s3] =	stream.linear.gather [hbm4b:s10+s19], $0x80, $0x38;
	[tilespmem:$0x14000] =	vst v63  }
0x70: {  	s5 =	sshrl.u32 s0, $0x3;
	s17 =	sadd.s32 $0x124F8000, s11;
	s18 =	spop (v2sf)  }
0x71: {  	[tilespmem:s29], [sflag:s31] =	stream.linear.gather [hbm4b:s13+s19], $0x80, $0x38;
	[tilespmem:$0x14000] =	vst v63  }
0x72: {  	s20 =	sadd.s32 s24, s5;
	s21 =	sshrl.u32 s17, $0x3;
	s6 =	sshrl.u32 s9, $0x3  }
0x73: {  	[tilespmem:s26], [sflag:s25] =	stream.linear.gather [hbm4b:s20+s19], $0x80, $0x38;
	[tilespmem:$0x14000] =	vst v63  }
0x74: {  	s23 =	sadd.s32 $0xB80, s14;
	s22 =	sadd.s32 $0x1312D000, s18;
	s6 =	sadd.s32 s24, s6  }
0x75: {  	[tilespmem:s23], [sflag:s28] =	stream.linear.gather [hbm4b:s6+s19], $0x80, $0x38;
	[tilespmem:$0x14000] =	vst v63  }
0x76: {  	s5 =	sadd.s32 s24, s21;
	s7 =	sshrl.u32 s22, $0x3;
	s26 =	sadd.s32 $0xC00, s14  }
0x77: {  	[tilespmem:s26], [sflag:s3] =	stream.linear.gather [hbm4b:s5+s19], $0x80, $0x38;
	[tilespmem:$0x14000] =	vst v63  }
0x78: {  	s0 =	sadd.s32 $0xC80, s14;
	s1 =	sadd.s32 s24, s7  }
0x79: {  	[tilespmem:s0], [sflag:s31] =	stream.linear.gather [hbm4b:s1+s19], $0x80, $0x38;
	[tilespmem:$0x14000] =	vst v63  }
0x7a: {  	v0 =	vld [tilespmem:s16+$0x0];
	_ =	sdelay $0x4  }
0x7b: {  	v1 =	vshll.u32 v0, $0x7;
	(v2sf) =	vpush v0, $0x0  }
0x7c: {  	(v2sf) =	vpush v1, $0x7  }
0x7d: {  	s4 =	smov.u32 s15  }
0x7e: {  	s4 =	sshra.s32 s4, $0x2;
	s5 =	rddreg [dreg:$0x3];
	(v2sf) =	vpush v1, $0x8  }
0x7f: {  	p1 =	sne.s32 s15, $0x1C000;
	s14 =	sadd.s32 s4, s5;
	(v2sf) =	vpush v1, $0x6  }
0x80: {  	s15 =	sadd.s32 $0x4000, s15;
	s30 =	simm.s32 $0x0;
	s6 =	sadd.s32 $0x200, s14  }
0x81: {  	s12 =	sadd.s32 $0x100, s14;
	s7 =	sadd.s32 $0x500, s14;
	[dreg:$0xf] =	wrdreg s6;
	(v2sf) =	vpush v1, $0x1  }
0x82: {  	s8 =	sadd.s32 $0x300, s14;
	s9 =	sadd.s32 $0x480, s14;
	[dreg:$0xa] =	wrdreg s7;
	(v2sf) =	vpush v1, $0x2  }
0x83: {  	s29 =	sadd.s32 $0xA80, s14;
	s10 =	sadd.s32 $0x900, s14;
	[dreg:$0x10] =	wrdreg s8;
	(v2sf) =	vpush v1, $0x4  }
0x84: {  	s22 =	sadd.s32 $0x980, s14;
	s11 =	sadd.s32 $0xA00, s14;
	[dreg:$0xd] =	wrdreg s9;
	(v2sf) =	vpush v1, $0x3  }
0x85: {  	s26 =	sadd.s32 $0x180, s14;
	s13 =	sadd.s32 $0x800, s14;
	[dreg:$0x12] =	wrdreg s10  }
0x86: {  	s17 =	sadd.s32 $0x880, s14;
	s18 =	sadd.s32 $0x400, s14;
	[dreg:$0x8] =	wrdreg s11;
	v0 =	vld [tilespmem:s16+$0xA]  }
0x87: {  	s4 =	sadd.s32 $0x780, s14;
	s19 =	sadd.s32 $0x600, s14;
	[dreg:$0x9] =	wrdreg s13;
	(v2sf) =	vpush v1, $0x5  }
0x88: {  	s23 =	sadd.s32 $0x680, s14;
	s21 =	sadd.s32 $0x580, s14;
	[dreg:$0xb] =	wrdreg s17;
	(v2sf) =	vpush v1, $0xB  }
0x89: {  	s6 =	sadd.s32 $0x80, s14;
	s8 =	sadd.s32 $0xB00, s14;
	[dreg:$0x11] =	wrdreg s18;
	(v2sf) =	vpush v1, $0xE  }
0x8a: {  	s13 =	sadd.s32 $0x700, s14;
	[dreg:$0xc] =	wrdreg s19;
	s20 =	spop (v2sf)  }
0x8b: {  	[dreg:$0xe] =	wrdreg s21;
	v0 =	vshll.u32 v0, $0x7;
	s2 =	sshll.u32 s20, $0x4;
	s0 =	spop (v2sf)  }
0x8c: {  	s16 =	sadd.s32 $0x80, s16;
	(v2sf) =	vpush v0, $0x7;
	s2 =	sand.u32 $0x1FFFFFF0, s2;
	s10 =	sadd.s32 $0x5573000, s0  }
0x8d: {  	s19 =	spop (v2sf);
	s11 =	sadd.s32 s24, s2;
	s2 =	sadd.s32 $0x280, s14  }
0x8e: {  	(v2sf) =	vpush v0, $0x6;
	s17 =	spop (v2sf);
	s10 =	sshrl.u32 s10, $0x3;
	s19 =	sadd.s32 $0x61A8000, s19  }
0x8f: {  	[tilespmem:s14], [sflag:s3] =	stream.linear.gather [hbm4b:s11+s30], $0x80, $0x38;
	[tilespmem:$0x14000] =	vst v63  }
0x90: {  	(v2sf) =	vpush v1, $0x9;
	s17 =	sadd.s32 $0x493E000, s17;
	s1 =	spop (v2sf);
	s19 =	sshrl.u32 s19, $0x3  }
0x91: {  	s10 =	sadd.s32 s24, s10;
	s20 =	sadd.s32 $0xC35000, s1;
	s5 =	spop (v2sf)  }
0x92: {  	s18 =	sshrl.u32 s17, $0x3;
	s20 =	sshrl.u32 s20, $0x3;
	s7 =	spop (v2sf)  }
0x93: {  	(v2sf) =	vpush v1, $0xA;
	s17 =	sadd.s32 $0x186A000, s5;
	s20 =	sadd.s32 s24, s20;
	s9 =	spop (v2sf)  }
0x94: {  	s21 =	sshrl.u32 s17, $0x3;
	s0 =	sadd.s32 $0x30D4000, s7;
	s17 =	sadd.s32 $0x249F000, s9  }
0x95: {  	[tilespmem:s6], [sflag:s31] =	stream.linear.gather [hbm4b:s20+s30], $0x80, $0x38;
	[tilespmem:$0x14000] =	vst v63  }
0x96: {  	s7 =	spop (v2sf);
	s9 =	sshrl.u32 s0, $0x3;
	s21 =	sadd.s32 s24, s21  }
0x97: {  	(v2sf) =	vpush v0, $0x8;
	s1 =	sshrl.u32 s17, $0x3;
	s5 =	spop (v2sf);
	s0 =	sadd.s32 $0x3D09000, s7  }
0x98: {  	(v2sf) =	vpush v1, $0xC;
	s17 =	sadd.s32 $0x8647000, s5;
	s7 =	spop (v2sf);
	s0 =	sshrl.u32 s0, $0x3  }
0x99: {  	[tilespmem:s12], [sflag:s25] =	stream.linear.gather [hbm4b:s21+s30], $0x80, $0x38;
	[tilespmem:$0x14000] =	vst v63  }
0x9a: {  	(v2sf) =	vpush v1, $0xD;
	s1 =	sadd.s32 s24, s1;
	s12 =	rddreg [dreg:$0xf];
	s11 =	sshrl.u32 s17, $0x3  }
0x9b: {  	s17 =	spop (v2sf);
	s5 =	sadd.s32 $0xAAE6000, s7;
	s0 =	sadd.s32 s24, s0  }
0x9c: {  	[tilespmem:s26], [sflag:s28] =	stream.linear.gather [hbm4b:s1+s30], $0x80, $0x38;
	[tilespmem:$0x14000] =	vst v63  }
0x9d: {  	s7 =	spop (v2sf);
	s26 =	smov.u32 s8;
	s8 =	sadd.s32 s24, s9  }
0x9e: {  	[tilespmem:s12], [sflag:s3] =	stream.linear.gather [hbm4b:s8+s30], $0x80, $0x38;
	[tilespmem:$0x14000] =	vst v63  }
0x9f: {  	s9 =	smov.u32 s4;
	s4 =	sadd.s32 s24, s18;
	s6 =	spop (v2sf)  }
0xa0: {  	s18 =	smov.u32 s13;
	s8 =	rddreg [dreg:$0x10];
	s21 =	sadd.s32 $0x6DDD000, s6  }
0xa1: {  	[tilespmem:s2], [sflag:s31] =	stream.linear.gather [hbm4b:s0+s30], $0x80, $0x38;
	[tilespmem:$0x14000] =	vst v63  }
0xa2: {  	s2 =	sadd.s32 $0x380, s14;
	s6 =	spop (v2sf);
	s20 =	sshrl.u32 s21, $0x3  }
0xa3: {  	(v2sf) =	vpush v0, $0x9;
	[tilespmem:s8], [sflag:s25] =	stream.linear.gather [hbm4b:s4+s30], $0x80, $0x38;
	[tilespmem:$0x14000] =	vst v63  }
0xa4: {  	s21 =	sadd.s32 $0x7A12000, s6;
	(v2sf) =	vpush v1, $0xF;
	s8 =	rddreg [dreg:$0x11];
	s20 =	sadd.s32 s24, s20  }
0xa5: {  	[tilespmem:s2], [sflag:s28] =	stream.linear.gather [hbm4b:s10+s30], $0x80, $0x38;
	[tilespmem:$0x14000] =	vst v63  }
0xa6: {  	s1 =	sshrl.u32 s21, $0x3;
	s30 =	rddreg [dreg:$0x12];
	s12 =	spop (v2sf)  }
0xa7: {  	s10 =	sshrl.u32 s5, $0x3;
	s1 =	sadd.s32 s24, s1;
	s6 =	spop (v2sf)  }
0xa8: {  	s12 =	sadd.s32 $0xDBBA000, s12;
	s21 =	sadd.s32 $0x927C000, s6;
	s6 =	sadd.s32 s24, s19  }
0xa9: {  	s19 =	simm.s32 $0x0;
	s0 =	sshrl.u32 s21, $0x3;
	s4 =	spop (v2sf)  }
0xaa: {  	[tilespmem:s8], [sflag:s3] =	stream.linear.gather [hbm4b:s6+s19], $0x80, $0x38;
	[tilespmem:$0x14000] =	vst v63  }
0xab: {  	s21 =	sadd.s32 $0xC350000, s7;
	s6 =	rddreg [dreg:$0xd];
	s7 =	sadd.s32 $0xCF85000, s17  }
0xac: {  	[tilespmem:s6], [sflag:s31] =	stream.linear.gather [hbm4b:s20+s19], $0x80, $0x38;
	[tilespmem:$0x14000] =	vst v63  }
0xad: {  	s8 =	rddreg [dreg:$0xa];
	s17 =	sadd.s32 s24, s11;
	s2 =	sadd.s32 $0x9EB1000, s4  }
0xae: {  	[tilespmem:s8], [sflag:s25] =	stream.linear.gather [hbm4b:s1+s19], $0x80, $0x38;
	[tilespmem:$0x14000] =	vst v63  }
0xaf: {  	s13 =	sshrl.u32 s2, $0x3;
	s2 =	sshrl.u32 s21, $0x3;
	s21 =	rddreg [dreg:$0xe]  }
0xb0: {  	[tilespmem:s21], [sflag:s28] =	stream.linear.gather [hbm4b:s17+s19], $0x80, $0x38;
	[tilespmem:$0x14000] =	vst v63  }
.Ltmp2:
0xb1: {  	s5 =	rddreg [dreg:$0xb];
	(v2sf) =	vpush v0, $0xA;
	s12 =	sshrl.u32 s12, $0x3;
	(pc) =	sbr.rel @p1 .LBB2_3-.Ltmp2, $4  }
0xb2: {  	(v2sf) =	vpush v0, $0xB;
	s11 =	sshrl.u32 s7, $0x3;
	s0 =	sadd.s32 s24, s0;
	s20 =	spop (v2sf)  }
0xb3: {  	(v2sf) =	vpush v0, $0xC;
	s31 =	rddreg [dreg:$0xc];
	s25 =	sadd.s32 $0xE7EF000, s20;
	s28 =	spop (v2sf)  }
0xb4: {  	(v2sf) =	vpush v0, $0xD;
	[tilespmem:s31], [sflag:s3] =	stream.linear.gather [hbm4b:s0+s19], $0x80, $0x38;
	[tilespmem:$0x14000] =	vst v63  }
0xb5: {  	s4 =	sadd.s32 s24, s13;
	(v2sf) =	vpush v0, $0xE;
	s8 =	sadd.s32 $0xB71B000, s28;
	s6 =	sshrl.u32 s25, $0x3  }
0xb6: {  	_ =	sdelay $0x2  }
0xb7: {  	s7 =	rddreg [dreg:$0x4]  }
0xb8: {  	s1 =	sshrl.u32 s8, $0x3;
	s8 =	rddreg [dreg:$0x7]  }
0xb9: {  	[tilespmem:s23], [sflag:s7] =	stream.linear.gather [hbm4b:s4+s19], $0x80, $0x38;
	[tilespmem:$0x14000] =	vst v63  }
0xba: {  	s0 =	sadd.s32 s24, s10;
	s31 =	rddreg [dreg:$0x5]  }
0xbb: {  	[tilespmem:s18], [sflag:s8] =	stream.linear.gather [hbm4b:s0+s19], $0x80, $0x38;
	[tilespmem:$0x14000] =	vst v63  }
0xbc: {  	s2 =	sadd.s32 s24, s2;
	s13 =	rddreg [dreg:$0x9];
	s25 =	sadd.s32 s24, s1  }
0xbd: {  	[tilespmem:s9], [sflag:s31] =	stream.linear.gather [hbm4b:s25+s19], $0x80, $0x38;
	[tilespmem:$0x14000] =	vst v63  }
0xbe: {  	s20 =	sadd.s32 s24, s6;
	s6 =	rddreg [dreg:$0x1a];
	s3 =	spop (v2sf);
	(v2sf) =	vpush v0, $0xF  }
0xbf: {  	s15 =	sadd.s32 s24, s11;
	s28 =	sadd.s32 $0xF424000, s3;
	s3 =	rddreg [dreg:$0x6]  }
0xc0: {  	[tilespmem:s13], [sflag:s3] =	stream.linear.gather [hbm4b:s2+s19], $0x80, $0x38;
	[tilespmem:$0x14000] =	vst v63  }
0xc1: {  	s17 =	sadd.s32 s24, s12;
	p1 =	seq.s32 s6, $0x0;
	s9 =	spop (v2sf)  }
0xc2: {  	[tilespmem:s5], [sflag:s7] =	stream.linear.gather [hbm4b:s15+s19], $0x80, $0x38;
	[tilespmem:$0x14000] =	vst v63  }
0xc3: {  	s1 =	sshrl.u32 s28, $0x3;
	s0 =	sadd.s32 $0x10059000, s9;
	s16 =	spop (v2sf)  }
0xc4: {  	[tilespmem:s30], [sflag:s8] =	stream.linear.gather [hbm4b:s17+s19], $0x80, $0x38;
	[tilespmem:$0x14000] =	vst v63  }
0xc5: {  	s0 =	sshrl.u32 s0, $0x3;
	s4 =	sadd.s32 $0x10C8E000, s16;
	s18 =	spop (v2sf)  }
0xc6: {  	[tilespmem:s22], [sflag:s31] =	stream.linear.gather [hbm4b:s20+s19], $0x80, $0x38;
	[tilespmem:$0x14000] =	vst v63  }
0xc7: {  	s1 =	sadd.s32 s24, s1;
	s4 =	sshrl.u32 s4, $0x3;
	s22 =	rddreg [dreg:$0x8]  }
0xc8: {  	[tilespmem:s22], [sflag:s3] =	stream.linear.gather [hbm4b:s1+s19], $0x80, $0x38;
	[tilespmem:$0x14000] =	vst v63  }
0xc9: {  	s2 =	sadd.s32 $0x118C3000, s18;
	s21 =	spop (v2sf);
	s0 =	sadd.s32 s24, s0  }
0xca: {  	[tilespmem:s29], [sflag:s7] =	stream.linear.gather [hbm4b:s0+s19], $0x80, $0x38;
	[tilespmem:$0x14000] =	vst v63  }
0xcb: {  	s23 =	sshrl.u32 s2, $0x3;
	s25 =	sadd.s32 $0x124F8000, s21;
	s4 =	sadd.s32 s24, s4  }
0xcc: {  	[tilespmem:s26], [sflag:s8] =	stream.linear.gather [hbm4b:s4+s19], $0x80, $0x38;
	[tilespmem:$0x14000] =	vst v63  }
0xcd: {  	s1 =	sadd.s32 s24, s23;
	s29 =	sadd.s32 $0xB80, s14;
	s28 =	spop (v2sf)  }
0xce: {  	[tilespmem:s29], [sflag:s31] =	stream.linear.gather [hbm4b:s1+s19], $0x80, $0x38;
	[tilespmem:$0x14000] =	vst v63  }
.Ltmp3:
0xcf: {  	s2 =	sshrl.u32 s25, $0x3;
	s0 =	sadd.s32 $0x1312D000, s28;
	(pc) =	sbr.rel @p1 .LBB2_10-.Ltmp3, $4  }
0xd0: {  	s30 =	sadd.s32 $0xC00, s14;
	s2 =	sadd.s32 s24, s2;
	s0 =	sshrl.u32 s0, $0x3  }
0xd1: {  	[tilespmem:s30], [sflag:s3] =	stream.linear.gather [hbm4b:s2+s19], $0x80, $0x38;
	[tilespmem:$0x14000] =	vst v63  }
0xd2: {  	s31 =	sadd.s32 $0xC80, s14;
	s0 =	sadd.s32 s24, s0  }
0xd3: {  	[tilespmem:s31], [sflag:s7] =	stream.linear.gather [hbm4b:s0+s19], $0x80, $0x38;
	[tilespmem:$0x14000] =	vst v63  }
0xd4: {  	s0 =	rddreg [dreg:$0x1c]  }
0xd5: {  	s29 =	sxor.u32 $0x1, s0  }
0xd6: {  	s0 =	sshll.u32 s29, $0x2  }
0xd7: {  	s1 =	sor.u32 $0x1, s0  }
0xd8: {  	_ =	swait.ge [sflag:s1], $0x80  }
0xd9: {  	[sflag:s1] =	ssyncset.done $0x0  }
0xda: {  	[sflag:s1] =	ssyncadd.s32 $0xFFFFFF80  }
0xdb: {  	_ =	swait.ge [sflag:s1], $0x80  }
0xdc: {  	[sflag:s1] =	ssyncset.done $0x0  }
0xdd: {  	[sflag:s1] =	ssyncadd.s32 $0xFFFFFF80  }
0xde: {  	_ =	swait.ge [sflag:s1], $0x80  }
0xdf: {  	[sflag:s1] =	ssyncset.done $0x0  }
0xe0: {  	[sflag:s1] =	ssyncadd.s32 $0xFFFFFF80  }
0xe1: {  	_ =	swait.ge [sflag:s1], $0x80  }
0xe2: {  	[sflag:s1] =	ssyncset.done $0x0  }
0xe3: {  	[sflag:s1] =	ssyncadd.s32 $0xFFFFFF80  }
0xe4: {  	_ =	swait.ge [sflag:s1], $0x80  }
0xe5: {  	[sflag:s1] =	ssyncset.done $0x0  }
0xe6: {  	[sflag:s1] =	ssyncadd.s32 $0xFFFFFF80  }
0xe7: {  	_ =	swait.ge [sflag:s1], $0x80  }
0xe8: {  	[sflag:s1] =	ssyncset.done $0x0  }
0xe9: {  	[sflag:s1] =	ssyncadd.s32 $0xFFFFFF80  }
0xea: {  	_ =	swait.ge [sflag:s1], $0x80  }
0xeb: {  	[sflag:s1] =	ssyncset.done $0x0  }
0xec: {  	[sflag:s1] =	ssyncadd.s32 $0xFFFFFF80  }
0xed: {  	_ =	swait.ge [sflag:s1], $0x80  }
0xee: {  	s2 =	simm.s32 $0x0;
	[sflag:s1] =	ssyncset.done $0x0  }
.LBB2_6:
0xef: {  	s2 =	sadd.s32 $0x8, s2;
	[sflag:s1] =	ssyncadd.s32 $0xFFFFFF80  }
0xf0: {  	_ =	swait.ge [sflag:s1], $0x80;
	p1 =	slt.u32 s2, $0x30  }
0xf1: {  	[sflag:s1] =	ssyncset.done $0x0  }
0xf2: {  	[sflag:s1] =	ssyncadd.s32 $0xFFFFFF80  }
0xf3: {  	_ =	swait.ge [sflag:s1], $0x80  }
0xf4: {  	[sflag:s1] =	ssyncset.done $0x0  }
0xf5: {  	[sflag:s1] =	ssyncadd.s32 $0xFFFFFF80  }
0xf6: {  	_ =	swait.ge [sflag:s1], $0x80  }
0xf7: {  	[sflag:s1] =	ssyncset.done $0x0  }
0xf8: {  	[sflag:s1] =	ssyncadd.s32 $0xFFFFFF80  }
0xf9: {  	_ =	swait.ge [sflag:s1], $0x80  }
0xfa: {  	[sflag:s1] =	ssyncset.done $0x0  }
0xfb: {  	[sflag:s1] =	ssyncadd.s32 $0xFFFFFF80  }
0xfc: {  	_ =	swait.ge [sflag:s1], $0x80  }
0xfd: {  	[sflag:s1] =	ssyncset.done $0x0  }
0xfe: {  	[sflag:s1] =	ssyncadd.s32 $0xFFFFFF80  }
0xff: {  	_ =	swait.ge [sflag:s1], $0x80  }
0x100: {  	[sflag:s1] =	ssyncset.done $0x0  }
0x101: {  	[sflag:s1] =	ssyncadd.s32 $0xFFFFFF80  }
.Ltmp4:
0x102: {  	_ =	swait.ge [sflag:s1], $0x80;
	(pc) =	sbr.rel @p1 .LBB2_6-.Ltmp4, $4  }
0x103: {  	[sflag:s1] =	ssyncset.done $0x0  }
0x104: {  	[sflag:s1] =	ssyncadd.s32 $0xFFFFFF80  }
0x105: {  	_ =	swait.ge [sflag:s1], $0x80  }
0x106: {  	[sflag:s1] =	ssyncset.done $0x0  }
0x107: {  	[sflag:s1] =	ssyncadd.s32 $0xFFFFFF80;
	s1 =	sadd.s32 $0x2, s0  }
0x108: {  	_ =	swait.ge [sflag:s1], $0x80  }
0x109: {  	[sflag:s1] =	ssyncset.done $0x0  }
0x10a: {  	[sflag:s1] =	ssyncadd.s32 $0xFFFFFF80  }
0x10b: {  	_ =	swait.ge [sflag:s1], $0x80  }
0x10c: {  	[sflag:s1] =	ssyncset.done $0x0  }
0x10d: {  	[sflag:s1] =	ssyncadd.s32 $0xFFFFFF80  }
0x10e: {  	_ =	swait.ge [sflag:s1], $0x80  }
0x10f: {  	[sflag:s1] =	ssyncset.done $0x0  }
0x110: {  	[sflag:s1] =	ssyncadd.s32 $0xFFFFFF80  }
0x111: {  	_ =	swait.ge [sflag:s1], $0x80  }
0x112: {  	[sflag:s1] =	ssyncset.done $0x0  }
0x113: {  	[sflag:s1] =	ssyncadd.s32 $0xFFFFFF80  }
0x114: {  	_ =	swait.ge [sflag:s1], $0x80  }
0x115: {  	[sflag:s1] =	ssyncset.done $0x0  }
0x116: {  	[sflag:s1] =	ssyncadd.s32 $0xFFFFFF80  }
0x117: {  	_ =	swait.ge [sflag:s1], $0x80  }
0x118: {  	[sflag:s1] =	ssyncset.done $0x0  }
0x119: {  	[sflag:s1] =	ssyncadd.s32 $0xFFFFFF80  }
0x11a: {  	_ =	swait.ge [sflag:s1], $0x80  }
0x11b: {  	[sflag:s1] =	ssyncset.done $0x0  }
0x11c: {  	[sflag:s1] =	ssyncadd.s32 $0xFFFFFF80  }
0x11d: {  	_ =	swait.ge [sflag:s1], $0x80  }
0x11e: {  	s2 =	simm.s32 $0x0;
	[sflag:s1] =	ssyncset.done $0x0  }
.LBB2_8:
0x11f: {  	s2 =	sadd.s32 $0x8, s2;
	[sflag:s1] =	ssyncadd.s32 $0xFFFFFF80  }
0x120: {  	_ =	swait.ge [sflag:s1], $0x80;
	p1 =	slt.u32 s2, $0x30  }
0x121: {  	[sflag:s1] =	ssyncset.done $0x0  }
0x122: {  	[sflag:s1] =	ssyncadd.s32 $0xFFFFFF80  }
0x123: {  	_ =	swait.ge [sflag:s1], $0x80  }
0x124: {  	[sflag:s1] =	ssyncset.done $0x0  }
0x125: {  	[sflag:s1] =	ssyncadd.s32 $0xFFFFFF80  }
0x126: {  	_ =	swait.ge [sflag:s1], $0x80  }
0x127: {  	[sflag:s1] =	ssyncset.done $0x0  }
0x128: {  	[sflag:s1] =	ssyncadd.s32 $0xFFFFFF80  }
0x129: {  	_ =	swait.ge [sflag:s1], $0x80  }
0x12a: {  	[sflag:s1] =	ssyncset.done $0x0  }
0x12b: {  	[sflag:s1] =	ssyncadd.s32 $0xFFFFFF80  }
0x12c: {  	_ =	swait.ge [sflag:s1], $0x80  }
0x12d: {  	[sflag:s1] =	ssyncset.done $0x0  }
0x12e: {  	[sflag:s1] =	ssyncadd.s32 $0xFFFFFF80  }
0x12f: {  	_ =	swait.ge [sflag:s1], $0x80  }
0x130: {  	[sflag:s1] =	ssyncset.done $0x0  }
0x131: {  	[sflag:s1] =	ssyncadd.s32 $0xFFFFFF80  }
.Ltmp5:
0x132: {  	_ =	swait.ge [sflag:s1], $0x80;
	(pc) =	sbr.rel @p1 .LBB2_8-.Ltmp5, $4  }
0x133: {  	[sflag:s1] =	ssyncset.done $0x0  }
0x134: {  	[sflag:s1] =	ssyncadd.s32 $0xFFFFFF80  }
0x135: {  	_ =	swait.ge [sflag:s1], $0x80  }
0x136: {  	[sflag:s1] =	ssyncset.done $0x0  }
0x137: {  	[sflag:s1] =	ssyncadd.s32 $0xFFFFFF80;
	s13 =	sadd.s32 $0x3, s0  }
0x138: {  	_ =	swait.ge [sflag:s13], $0x80  }
0x139: {  	[sflag:s13] =	ssyncset.done $0x0  }
0x13a: {  	[sflag:s13] =	ssyncadd.s32 $0xFFFFFF80  }
0x13b: {  	_ =	swait.ge [sflag:s13], $0x80  }
0x13c: {  	[sflag:s13] =	ssyncset.done $0x0  }
0x13d: {  	[sflag:s13] =	ssyncadd.s32 $0xFFFFFF80  }
0x13e: {  	_ =	swait.ge [sflag:s13], $0x80  }
0x13f: {  	[sflag:s13] =	ssyncset.done $0x0  }
0x140: {  	[sflag:s13] =	ssyncadd.s32 $0xFFFFFF80  }
0x141: {  	_ =	swait.ge [sflag:s13], $0x80  }
0x142: {  	[sflag:s13] =	ssyncset.done $0x0  }
0x143: {  	[sflag:s13] =	ssyncadd.s32 $0xFFFFFF80  }
0x144: {  	_ =	swait.ge [sflag:s13], $0x80  }
0x145: {  	[sflag:s13] =	ssyncset.done $0x0  }
0x146: {  	[sflag:s13] =	ssyncadd.s32 $0xFFFFFF80  }
0x147: {  	_ =	swait.ge [sflag:s13], $0x80  }
0x148: {  	[sflag:s13] =	ssyncset.done $0x0  }
0x149: {  	[sflag:s13] =	ssyncadd.s32 $0xFFFFFF80  }
0x14a: {  	_ =	swait.ge [sflag:s13], $0x80  }
0x14b: {  	[sflag:s13] =	ssyncset.done $0x0  }
0x14c: {  	[sflag:s13] =	ssyncadd.s32 $0xFFFFFF80  }
0x14d: {  	_ =	swait.ge [sflag:s13], $0x80  }
0x14e: {  	[sflag:s13] =	ssyncset.done $0x0  }
0x14f: {  	[sflag:s13] =	ssyncadd.s32 $0xFFFFFF80  }
0x150: {  	_ =	swait.ge [sflag:s13], $0x80  }
0x151: {  	[sflag:s13] =	ssyncset.done $0x0  }
0x152: {  	[sflag:s13] =	ssyncadd.s32 $0xFFFFFF80  }
0x153: {  	_ =	swait.ge [sflag:s13], $0x80  }
0x154: {  	[sflag:s13] =	ssyncset.done $0x0  }
0x155: {  	[sflag:s13] =	ssyncadd.s32 $0xFFFFFF80  }
0x156: {  	_ =	swait.ge [sflag:s13], $0x80  }
0x157: {  	[sflag:s13] =	ssyncset.done $0x0  }
0x158: {  	[sflag:s13] =	ssyncadd.s32 $0xFFFFFF80  }
0x159: {  	_ =	swait.ge [sflag:s13], $0x80  }
0x15a: {  	[sflag:s13] =	ssyncset.done $0x0  }
0x15b: {  	[sflag:s13] =	ssyncadd.s32 $0xFFFFFF80  }
0x15c: {  	_ =	swait.ge [sflag:s13], $0x80  }
0x15d: {  	[sflag:s13] =	ssyncset.done $0x0  }
0x15e: {  	[sflag:s13] =	ssyncadd.s32 $0xFFFFFF80  }
0x15f: {  	_ =	swait.ge [sflag:s13], $0x80  }
0x160: {  	[sflag:s13] =	ssyncset.done $0x0  }
0x161: {  	[sflag:s13] =	ssyncadd.s32 $0xFFFFFF80  }
0x162: {  	_ =	swait.ge [sflag:s13], $0x80  }
0x163: {  	[sflag:s13] =	ssyncset.done $0x0  }
0x164: {  	[sflag:s13] =	ssyncadd.s32 $0xFFFFFF80  }
0x165: {  	_ =	swait.ge [sflag:s13], $0x80  }
0x166: {  	[sflag:s13] =	ssyncset.done $0x0  }
0x167: {  	[sflag:s13] =	ssyncadd.s32 $0xFFFFFF80  }
0x168: {  	_ =	swait.ge [sflag:s13], $0x80  }
0x169: {  	[sflag:s13] =	ssyncset.done $0x0  }
0x16a: {  	[sflag:s13] =	ssyncadd.s32 $0xFFFFFF80  }
0x16b: {  	_ =	swait.ge [sflag:s13], $0x80  }
0x16c: {  	[sflag:s13] =	ssyncset.done $0x0  }
0x16d: {  	[sflag:s13] =	ssyncadd.s32 $0xFFFFFF80  }
0x16e: {  	_ =	swait.ge [sflag:s13], $0x80  }
0x16f: {  	[sflag:s13] =	ssyncset.done $0x0  }
0x170: {  	[sflag:s13] =	ssyncadd.s32 $0xFFFFFF80  }
0x171: {  	_ =	swait.ge [sflag:s13], $0x80  }
0x172: {  	[sflag:s13] =	ssyncset.done $0x0  }
0x173: {  	[sflag:s13] =	ssyncadd.s32 $0xFFFFFF80  }
0x174: {  	_ =	swait.ge [sflag:s13], $0x80  }
0x175: {  	[sflag:s13] =	ssyncset.done $0x0  }
0x176: {  	[sflag:s13] =	ssyncadd.s32 $0xFFFFFF80  }
0x177: {  	_ =	swait.ge [sflag:s13], $0x80  }
0x178: {  	[sflag:s13] =	ssyncset.done $0x0  }
0x179: {  	[sflag:s13] =	ssyncadd.s32 $0xFFFFFF80  }
0x17a: {  	_ =	swait.ge [sflag:s13], $0x80  }
0x17b: {  	[sflag:s13] =	ssyncset.done $0x0  }
0x17c: {  	[sflag:s13] =	ssyncadd.s32 $0xFFFFFF80  }
0x17d: {  	_ =	swait.ge [sflag:s13], $0x80  }
0x17e: {  	[sflag:s13] =	ssyncset.done $0x0  }
0x17f: {  	[sflag:s13] =	ssyncadd.s32 $0xFFFFFF80  }
0x180: {  	_ =	swait.ge [sflag:s13], $0x80  }
0x181: {  	[sflag:s13] =	ssyncset.done $0x0  }
0x182: {  	[sflag:s13] =	ssyncadd.s32 $0xFFFFFF80  }
0x183: {  	_ =	swait.ge [sflag:s13], $0x80  }
0x184: {  	[sflag:s13] =	ssyncset.done $0x0  }
0x185: {  	[sflag:s13] =	ssyncadd.s32 $0xFFFFFF80  }
0x186: {  	_ =	swait.ge [sflag:s13], $0x80  }
0x187: {  	[sflag:s13] =	ssyncset.done $0x0  }
0x188: {  	[sflag:s13] =	ssyncadd.s32 $0xFFFFFF80  }
0x189: {  	_ =	swait.ge [sflag:s13], $0x80  }
0x18a: {  	[sflag:s13] =	ssyncset.done $0x0  }
0x18b: {  	[sflag:s13] =	ssyncadd.s32 $0xFFFFFF80  }
0x18c: {  	_ =	swait.ge [sflag:s13], $0x80  }
0x18d: {  	[sflag:s13] =	ssyncset.done $0x0  }
0x18e: {  	[sflag:s13] =	ssyncadd.s32 $0xFFFFFF80  }
0x18f: {  	_ =	swait.ge [sflag:s13], $0x80  }
0x190: {  	[sflag:s13] =	ssyncset.done $0x0  }
0x191: {  	[sflag:s13] =	ssyncadd.s32 $0xFFFFFF80  }
0x192: {  	_ =	swait.ge [sflag:s13], $0x80  }
0x193: {  	[sflag:s13] =	ssyncset.done $0x0  }
0x194: {  	[sflag:s13] =	ssyncadd.s32 $0xFFFFFF80  }
0x195: {  	_ =	swait.ge [sflag:s13], $0x80  }
0x196: {  	[sflag:s13] =	ssyncset.done $0x0  }
0x197: {  	[sflag:s13] =	ssyncadd.s32 $0xFFFFFF80  }
0x198: {  	_ =	swait.ge [sflag:s13], $0x80  }
0x199: {  	[sflag:s13] =	ssyncset.done $0x0  }
0x19a: {  	[sflag:s13] =	ssyncadd.s32 $0xFFFFFF80  }
0x19b: {  	_ =	swait.ge [sflag:s13], $0x80  }
0x19c: {  	[sflag:s13] =	ssyncset.done $0x0  }
0x19d: {  	[sflag:s13] =	ssyncadd.s32 $0xFFFFFF80  }
0x19e: {  	_ =	swait.ge [sflag:s13], $0x80  }
0x19f: {  	[sflag:s13] =	ssyncset.done $0x0  }
0x1a0: {  	[sflag:s13] =	ssyncadd.s32 $0xFFFFFF80  }
0x1a1: {  	_ =	swait.ge [sflag:s13], $0x80  }
0x1a2: {  	[sflag:s13] =	ssyncset.done $0x0  }
0x1a3: {  	[sflag:s13] =	ssyncadd.s32 $0xFFFFFF80  }
0x1a4: {  	_ =	swait.ge [sflag:s13], $0x80  }
0x1a5: {  	[sflag:s13] =	ssyncset.done $0x0  }
0x1a6: {  	[sflag:s13] =	ssyncadd.s32 $0xFFFFFF80  }
0x1a7: {  	_ =	swait.ge [sflag:s13], $0x80  }
0x1a8: {  	[sflag:s13] =	ssyncset.done $0x0  }
0x1a9: {  	[sflag:s13] =	ssyncadd.s32 $0xFFFFFF80  }
0x1aa: {  	_ =	swait.ge [sflag:s13], $0x80  }
0x1ab: {  	[sflag:s13] =	ssyncset.done $0x0  }
0x1ac: {  	[sflag:s13] =	ssyncadd.s32 $0xFFFFFF80  }
0x1ad: {  	_ =	swait.ge [sflag:s13], $0x80  }
0x1ae: {  	[sflag:s13] =	ssyncset.done $0x0  }
0x1af: {  	[sflag:s13] =	ssyncadd.s32 $0xFFFFFF80  }
0x1b0: {  	_ =	swait.ge [sflag:s13], $0x80  }
0x1b1: {  	[sflag:s13] =	ssyncset.done $0x0  }
0x1b2: {  	[sflag:s13] =	ssyncadd.s32 $0xFFFFFF80  }
0x1b3: {  	_ =	swait.ge [sflag:s13], $0x80  }
0x1b4: {  	[sflag:s13] =	ssyncset.done $0x0  }
0x1b5: {  	[sflag:s13] =	ssyncadd.s32 $0xFFFFFF80  }
0x1b6: {  	_ =	swait.ge [sflag:s13], $0x80  }
0x1b7: {  	[sflag:s13] =	ssyncset.done $0x0  }
0x1b8: {  	[sflag:s13] =	ssyncadd.s32 $0xFFFFFF80  }
0x1b9: {  	_ =	swait.ge [sflag:s13], $0x80  }
0x1ba: {  	[sflag:s13] =	ssyncset.done $0x0  }
0x1bb: {  	[sflag:s13] =	ssyncadd.s32 $0xFFFFFF80  }
0x1bc: {  	_ =	swait.ge [sflag:s13], $0x80  }
0x1bd: {  	[sflag:s13] =	ssyncset.done $0x0  }
0x1be: {  	[sflag:s13] =	ssyncadd.s32 $0xFFFFFF80  }
0x1bf: {  	_ =	swait.ge [sflag:s13], $0x80  }
0x1c0: {  	[sflag:s13] =	ssyncset.done $0x0  }
0x1c1: {  	[sflag:s13] =	ssyncadd.s32 $0xFFFFFF80  }
0x1c2: {  	_ =	swait.ge [sflag:s13], $0x80  }
0x1c3: {  	[sflag:s13] =	ssyncset.done $0x0  }
0x1c4: {  	[sflag:s13] =	ssyncadd.s32 $0xFFFFFF80  }
0x1c5: {  	_ =	swait.ge [sflag:s13], $0x80  }
0x1c6: {  	[sflag:s13] =	ssyncset.done $0x0  }
0x1c7: {  	s14 =	sadd.s32 $0x4, s0;
	[sflag:s13] =	ssyncadd.s32 $0xFFFFFF80  }
0x1c8: {  	_ =	swait.ge [sflag:s14], $0x80  }
0x1c9: {  	[sflag:s14] =	ssyncset.done $0x0  }
0x1ca: {  	[sflag:s14] =	ssyncadd.s32 $0xFFFFFF80  }
0x1cb: {  	_ =	swait.ge [sflag:s14], $0x80  }
0x1cc: {  	[sflag:s14] =	ssyncset.done $0x0  }
0x1cd: {  	[sflag:s14] =	ssyncadd.s32 $0xFFFFFF80  }
0x1ce: {  	_ =	swait.ge [sflag:s14], $0x80  }
0x1cf: {  	[sflag:s14] =	ssyncset.done $0x0  }
0x1d0: {  	[sflag:s14] =	ssyncadd.s32 $0xFFFFFF80  }
0x1d1: {  	_ =	swait.ge [sflag:s14], $0x80  }
0x1d2: {  	[sflag:s14] =	ssyncset.done $0x0  }
0x1d3: {  	[sflag:s14] =	ssyncadd.s32 $0xFFFFFF80  }
0x1d4: {  	_ =	swait.ge [sflag:s14], $0x80  }
0x1d5: {  	[sflag:s14] =	ssyncset.done $0x0  }
0x1d6: {  	[sflag:s14] =	ssyncadd.s32 $0xFFFFFF80  }
0x1d7: {  	_ =	swait.ge [sflag:s14], $0x80  }
0x1d8: {  	[sflag:s14] =	ssyncset.done $0x0  }
0x1d9: {  	[sflag:s14] =	ssyncadd.s32 $0xFFFFFF80  }
0x1da: {  	_ =	swait.ge [sflag:s14], $0x80  }
0x1db: {  	[sflag:s14] =	ssyncset.done $0x0  }
0x1dc: {  	[sflag:s14] =	ssyncadd.s32 $0xFFFFFF80  }
0x1dd: {  	_ =	swait.ge [sflag:s14], $0x80  }
0x1de: {  	[sflag:s14] =	ssyncset.done $0x0  }
0x1df: {  	[sflag:s14] =	ssyncadd.s32 $0xFFFFFF80  }
0x1e0: {  	_ =	swait.ge [sflag:s14], $0x80  }
0x1e1: {  	[sflag:s14] =	ssyncset.done $0x0  }
0x1e2: {  	[sflag:s14] =	ssyncadd.s32 $0xFFFFFF80  }
0x1e3: {  	_ =	swait.ge [sflag:s14], $0x80  }
0x1e4: {  	[sflag:s14] =	ssyncset.done $0x0  }
0x1e5: {  	[sflag:s14] =	ssyncadd.s32 $0xFFFFFF80  }
0x1e6: {  	_ =	swait.ge [sflag:s14], $0x80  }
0x1e7: {  	[sflag:s14] =	ssyncset.done $0x0  }
0x1e8: {  	[sflag:s14] =	ssyncadd.s32 $0xFFFFFF80  }
0x1e9: {  	_ =	swait.ge [sflag:s14], $0x80  }
0x1ea: {  	[sflag:s14] =	ssyncset.done $0x0  }
0x1eb: {  	[sflag:s14] =	ssyncadd.s32 $0xFFFFFF80  }
0x1ec: {  	_ =	swait.ge [sflag:s14], $0x80  }
0x1ed: {  	[sflag:s14] =	ssyncset.done $0x0  }
0x1ee: {  	[sflag:s14] =	ssyncadd.s32 $0xFFFFFF80  }
0x1ef: {  	_ =	swait.ge [sflag:s14], $0x80  }
0x1f0: {  	[sflag:s14] =	ssyncset.done $0x0  }
0x1f1: {  	[sflag:s14] =	ssyncadd.s32 $0xFFFFFF80  }
0x1f2: {  	_ =	swait.ge [sflag:s14], $0x80  }
0x1f3: {  	[sflag:s14] =	ssyncset.done $0x0  }
0x1f4: {  	[sflag:s14] =	ssyncadd.s32 $0xFFFFFF80  }
0x1f5: {  	_ =	swait.ge [sflag:s14], $0x80  }
0x1f6: {  	[sflag:s14] =	ssyncset.done $0x0  }
0x1f7: {  	[sflag:s14] =	ssyncadd.s32 $0xFFFFFF80  }
0x1f8: {  	_ =	swait.ge [sflag:s14], $0x80  }
0x1f9: {  	[sflag:s14] =	ssyncset.done $0x0  }
0x1fa: {  	[sflag:s14] =	ssyncadd.s32 $0xFFFFFF80  }
0x1fb: {  	_ =	swait.ge [sflag:s14], $0x80  }
0x1fc: {  	[sflag:s14] =	ssyncset.done $0x0  }
0x1fd: {  	[sflag:s14] =	ssyncadd.s32 $0xFFFFFF80  }
0x1fe: {  	_ =	swait.ge [sflag:s14], $0x80  }
0x1ff: {  	[sflag:s14] =	ssyncset.done $0x0  }
0x200: {  	[sflag:s14] =	ssyncadd.s32 $0xFFFFFF80  }
0x201: {  	_ =	swait.ge [sflag:s14], $0x80  }
0x202: {  	[sflag:s14] =	ssyncset.done $0x0  }
0x203: {  	[sflag:s14] =	ssyncadd.s32 $0xFFFFFF80  }
0x204: {  	_ =	swait.ge [sflag:s14], $0x80  }
0x205: {  	[sflag:s14] =	ssyncset.done $0x0  }
0x206: {  	[sflag:s14] =	ssyncadd.s32 $0xFFFFFF80  }
0x207: {  	_ =	swait.ge [sflag:s14], $0x80  }
0x208: {  	[sflag:s14] =	ssyncset.done $0x0  }
0x209: {  	[sflag:s14] =	ssyncadd.s32 $0xFFFFFF80  }
0x20a: {  	_ =	swait.ge [sflag:s14], $0x80  }
0x20b: {  	[sflag:s14] =	ssyncset.done $0x0  }
0x20c: {  	[sflag:s14] =	ssyncadd.s32 $0xFFFFFF80  }
0x20d: {  	_ =	swait.ge [sflag:s14], $0x80  }
0x20e: {  	[sflag:s14] =	ssyncset.done $0x0  }
0x20f: {  	[sflag:s14] =	ssyncadd.s32 $0xFFFFFF80  }
0x210: {  	_ =	swait.ge [sflag:s14], $0x80  }
0x211: {  	[sflag:s14] =	ssyncset.done $0x0  }
0x212: {  	[sflag:s14] =	ssyncadd.s32 $0xFFFFFF80  }
0x213: {  	_ =	swait.ge [sflag:s14], $0x80  }
0x214: {  	[sflag:s14] =	ssyncset.done $0x0  }
0x215: {  	[sflag:s14] =	ssyncadd.s32 $0xFFFFFF80  }
0x216: {  	_ =	swait.ge [sflag:s14], $0x80  }
0x217: {  	[sflag:s14] =	ssyncset.done $0x0  }
0x218: {  	[sflag:s14] =	ssyncadd.s32 $0xFFFFFF80  }
0x219: {  	_ =	swait.ge [sflag:s14], $0x80  }
0x21a: {  	[sflag:s14] =	ssyncset.done $0x0  }
0x21b: {  	[sflag:s14] =	ssyncadd.s32 $0xFFFFFF80  }
0x21c: {  	_ =	swait.ge [sflag:s14], $0x80  }
0x21d: {  	[sflag:s14] =	ssyncset.done $0x0  }
0x21e: {  	[sflag:s14] =	ssyncadd.s32 $0xFFFFFF80  }
0x21f: {  	_ =	swait.ge [sflag:s14], $0x80  }
0x220: {  	[sflag:s14] =	ssyncset.done $0x0  }
0x221: {  	[sflag:s14] =	ssyncadd.s32 $0xFFFFFF80  }
0x222: {  	_ =	swait.ge [sflag:s14], $0x80  }
0x223: {  	[sflag:s14] =	ssyncset.done $0x0  }
0x224: {  	[sflag:s14] =	ssyncadd.s32 $0xFFFFFF80  }
0x225: {  	_ =	swait.ge [sflag:s14], $0x80  }
0x226: {  	[sflag:s14] =	ssyncset.done $0x0  }
0x227: {  	[sflag:s14] =	ssyncadd.s32 $0xFFFFFF80  }
0x228: {  	_ =	swait.ge [sflag:s14], $0x80  }
0x229: {  	[sflag:s14] =	ssyncset.done $0x0  }
0x22a: {  	[sflag:s14] =	ssyncadd.s32 $0xFFFFFF80  }
0x22b: {  	_ =	swait.ge [sflag:s14], $0x80  }
0x22c: {  	[sflag:s14] =	ssyncset.done $0x0  }
0x22d: {  	[sflag:s14] =	ssyncadd.s32 $0xFFFFFF80  }
0x22e: {  	_ =	swait.ge [sflag:s14], $0x80  }
0x22f: {  	[sflag:s14] =	ssyncset.done $0x0  }
0x230: {  	[sflag:s14] =	ssyncadd.s32 $0xFFFFFF80  }
0x231: {  	_ =	swait.ge [sflag:s14], $0x80  }
0x232: {  	[sflag:s14] =	ssyncset.done $0x0  }
0x233: {  	[sflag:s14] =	ssyncadd.s32 $0xFFFFFF80  }
0x234: {  	_ =	swait.ge [sflag:s14], $0x80  }
0x235: {  	[sflag:s14] =	ssyncset.done $0x0  }
0x236: {  	[sflag:s14] =	ssyncadd.s32 $0xFFFFFF80  }
0x237: {  	_ =	swait.ge [sflag:s14], $0x80  }
0x238: {  	[sflag:s14] =	ssyncset.done $0x0  }
0x239: {  	[sflag:s14] =	ssyncadd.s32 $0xFFFFFF80  }
0x23a: {  	_ =	swait.ge [sflag:s14], $0x80  }
0x23b: {  	[sflag:s14] =	ssyncset.done $0x0  }
0x23c: {  	[sflag:s14] =	ssyncadd.s32 $0xFFFFFF80  }
0x23d: {  	_ =	swait.ge [sflag:s14], $0x80  }
0x23e: {  	[sflag:s14] =	ssyncset.done $0x0  }
0x23f: {  	[sflag:s14] =	ssyncadd.s32 $0xFFFFFF80  }
0x240: {  	_ =	swait.ge [sflag:s14], $0x80  }
0x241: {  	[sflag:s14] =	ssyncset.done $0x0  }
0x242: {  	[sflag:s14] =	ssyncadd.s32 $0xFFFFFF80  }
0x243: {  	_ =	swait.ge [sflag:s14], $0x80  }
0x244: {  	[sflag:s14] =	ssyncset.done $0x0  }
0x245: {  	[sflag:s14] =	ssyncadd.s32 $0xFFFFFF80  }
0x246: {  	_ =	swait.ge [sflag:s14], $0x80  }
0x247: {  	[sflag:s14] =	ssyncset.done $0x0  }
0x248: {  	[sflag:s14] =	ssyncadd.s32 $0xFFFFFF80  }
0x249: {  	_ =	swait.ge [sflag:s14], $0x80  }
0x24a: {  	[sflag:s14] =	ssyncset.done $0x0  }
0x24b: {  	[sflag:s14] =	ssyncadd.s32 $0xFFFFFF80  }
0x24c: {  	_ =	swait.ge [sflag:s14], $0x80  }
0x24d: {  	[sflag:s14] =	ssyncset.done $0x0  }
0x24e: {  	[sflag:s14] =	ssyncadd.s32 $0xFFFFFF80  }
0x24f: {  	_ =	swait.ge [sflag:s14], $0x80  }
0x250: {  	[sflag:s14] =	ssyncset.done $0x0  }
0x251: {  	[sflag:s14] =	ssyncadd.s32 $0xFFFFFF80  }
0x252: {  	_ =	swait.ge [sflag:s14], $0x80  }
0x253: {  	[sflag:s14] =	ssyncset.done $0x0  }
0x254: {  	[sflag:s14] =	ssyncadd.s32 $0xFFFFFF80  }
0x255: {  	_ =	swait.ge [sflag:s14], $0x80  }
0x256: {  	s15 =	rddreg [dreg:$0x17]  }
0x257: {  	s2 =	rddreg [dreg:$0x1b]  }
0x258: {  	s16 =	sshll.u32 s29, $0xF;
	s17 =	sadd.s32 $0x9, s29;
	s1 =	sadd.s32 s15, s2  }
0x259: {  	[sflag:s14] =	ssyncset.done $0x0;
	s5 =	rddreg [dreg:$0x13];
	s1 =	sand.u32 $0x1FFFF000, s1  }
0x25a: {  	s4 =	sor.u32 $0x4000, s16;
	[sflag:s14] =	ssyncadd.s32 $0xFFFFFF80;
	s1 =	sadd.s32 s5, s1  }
0x25b: {  	[hbm4b:s1+s19] =	stream.linear.scatter [tilespmem:s4], [sflag:s17], $0xD00, $0x38;
	[tilespmem:$0x14000] =	vst v63  }
0x25c: {  	s18 =	sor.u32 $0x5000, s16;
	s5 =	sadd.s32 $0x200, s1  }
0x25d: {  	[hbm4b:s5+s19] =	stream.linear.scatter [tilespmem:s18], [sflag:s17], $0xD00, $0x38;
	[tilespmem:$0x14000] =	vst v63  }
0x25e: {  	s20 =	sor.u32 $0x6000, s16;
	s21 =	sadd.s32 $0x400, s1  }
0x25f: {  	[hbm4b:s21+s19] =	stream.linear.scatter [tilespmem:s20], [sflag:s17], $0xD00, $0x38;
	[tilespmem:$0x14000] =	vst v63  }
0x260: {  	s22 =	sor.u32 $0x7000, s16;
	s23 =	sadd.s32 $0x600, s1  }
0x261: {  	[hbm4b:s23+s19] =	stream.linear.scatter [tilespmem:s22], [sflag:s17], $0xD00, $0x38;
	[tilespmem:$0x14000] =	vst v63  }
0x262: {  	s25 =	sadd.s32 $0x8000, s16;
	s26 =	sadd.s32 $0x800, s1  }
0x263: {  	[hbm4b:s26+s19] =	stream.linear.scatter [tilespmem:s25], [sflag:s17], $0xD00, $0x38;
	[tilespmem:$0x14000] =	vst v63  }
0x264: {  	s28 =	sadd.s32 $0x9000, s16;
	s29 =	sadd.s32 $0xA00, s1  }
0x265: {  	[hbm4b:s29+s19] =	stream.linear.scatter [tilespmem:s28], [sflag:s17], $0xD00, $0x38;
	[tilespmem:$0x14000] =	vst v63  }
.Ltmp6:
0x266: {  	_ = 	snop;
	(pc) =	sbr.rel .LBB2_10-.Ltmp6, $4  }
0x267: {  	s30 =	sadd.s32 $0xA000, s16;
	s31 =	sadd.s32 $0xC00, s1  }
0x268: {  	[hbm4b:s31+s19] =	stream.linear.scatter [tilespmem:s30], [sflag:s17], $0xD00, $0x38;
	[tilespmem:$0x14000] =	vst v63  }
0x269: {  	s0 =	sadd.s32 $0xB000, s16;
	s1 =	sadd.s32 $0xE00, s1  }
0x26a: {  	[hbm4b:s1+s19] =	stream.linear.scatter [tilespmem:s0], [sflag:s17], $0xD00, $0x38;
	[tilespmem:$0x14000] =	vst v63  }
.LBB2_11:
0x26b: {  	s1 =	simm.s32 $0x5  }
0x26c: {  	_ =	swait.ge [sflag:s1], $0x80  }
0x26d: {  	[sflag:s1] =	ssyncset.done $0x0  }
0x26e: {  	[sflag:s1] =	ssyncadd.s32 $0xFFFFFF80  }
0x26f: {  	_ =	swait.ge [sflag:s1], $0x80  }
0x270: {  	[sflag:s1] =	ssyncset.done $0x0  }
0x271: {  	[sflag:s1] =	ssyncadd.s32 $0xFFFFFF80  }
0x272: {  	_ =	swait.ge [sflag:s1], $0x80  }
0x273: {  	[sflag:s1] =	ssyncset.done $0x0  }
0x274: {  	[sflag:s1] =	ssyncadd.s32 $0xFFFFFF80  }
0x275: {  	_ =	swait.ge [sflag:s1], $0x80  }
0x276: {  	[sflag:s1] =	ssyncset.done $0x0  }
0x277: {  	[sflag:s1] =	ssyncadd.s32 $0xFFFFFF80  }
0x278: {  	_ =	swait.ge [sflag:s1], $0x80  }
0x279: {  	[sflag:s1] =	ssyncset.done $0x0  }
0x27a: {  	[sflag:s1] =	ssyncadd.s32 $0xFFFFFF80  }
0x27b: {  	_ =	swait.ge [sflag:s1], $0x80  }
0x27c: {  	[sflag:s1] =	ssyncset.done $0x0  }
0x27d: {  	[sflag:s1] =	ssyncadd.s32 $0xFFFFFF80  }
0x27e: {  	_ =	swait.ge [sflag:s1], $0x80  }
0x27f: {  	[sflag:s1] =	ssyncset.done $0x0  }
0x280: {  	[sflag:s1] =	ssyncadd.s32 $0xFFFFFF80  }
0x281: {  	_ =	swait.ge [sflag:s1], $0x80  }
0x282: {  	s0 =	sadd.s32 $0x8, s0;
	[sflag:s1] =	ssyncset.done $0x0  }
.LBB2_12:
0x283: {  	s0 =	sadd.s32 $0x8, s0;
	[sflag:s1] =	ssyncadd.s32 $0xFFFFFF80  }
0x284: {  	_ =	swait.ge [sflag:s1], $0x80;
	p0 =	slt.u32 s0, $0x30  }
0x285: {  	[sflag:s1] =	ssyncset.done $0x0  }
0x286: {  	[sflag:s1] =	ssyncadd.s32 $0xFFFFFF80  }
0x287: {  	_ =	swait.ge [sflag:s1], $0x80  }
0x288: {  	[sflag:s1] =	ssyncset.done $0x0  }
0x289: {  	[sflag:s1] =	ssyncadd.s32 $0xFFFFFF80  }
0x28a: {  	_ =	swait.ge [sflag:s1], $0x80  }
0x28b: {  	[sflag:s1] =	ssyncset.done $0x0  }
0x28c: {  	[sflag:s1] =	ssyncadd.s32 $0xFFFFFF80  }
0x28d: {  	_ =	swait.ge [sflag:s1], $0x80  }
0x28e: {  	[sflag:s1] =	ssyncset.done $0x0  }
0x28f: {  	[sflag:s1] =	ssyncadd.s32 $0xFFFFFF80  }
0x290: {  	_ =	swait.ge [sflag:s1], $0x80  }
0x291: {  	[sflag:s1] =	ssyncset.done $0x0  }
0x292: {  	[sflag:s1] =	ssyncadd.s32 $0xFFFFFF80  }
0x293: {  	_ =	swait.ge [sflag:s1], $0x80  }
0x294: {  	[sflag:s1] =	ssyncset.done $0x0  }
0x295: {  	[sflag:s1] =	ssyncadd.s32 $0xFFFFFF80  }
.Ltmp7:
0x296: {  	_ =	swait.ge [sflag:s1], $0x80;
	(pc) =	sbr.rel @p0 .LBB2_12-.Ltmp7, $4  }
0x297: {  	[sflag:s1] =	ssyncset.done $0x0  }
0x298: {  	[sflag:s1] =	ssyncadd.s32 $0xFFFFFF80  }
0x299: {  	_ =	swait.ge [sflag:s1], $0x80  }
0x29a: {  	[sflag:s1] =	ssyncset.done $0x0  }
0x29b: {  	[sflag:s1] =	ssyncadd.s32 $0xFFFFFF80;
	s1 =	simm.s32 $0x6  }
0x29c: {  	_ =	swait.ge [sflag:s1], $0x80  }
0x29d: {  	[sflag:s1] =	ssyncset.done $0x0  }
0x29e: {  	[sflag:s1] =	ssyncadd.s32 $0xFFFFFF80  }
0x29f: {  	_ =	swait.ge [sflag:s1], $0x80  }
0x2a0: {  	[sflag:s1] =	ssyncset.done $0x0  }
0x2a1: {  	[sflag:s1] =	ssyncadd.s32 $0xFFFFFF80  }
0x2a2: {  	_ =	swait.ge [sflag:s1], $0x80  }
0x2a3: {  	[sflag:s1] =	ssyncset.done $0x0  }
0x2a4: {  	[sflag:s1] =	ssyncadd.s32 $0xFFFFFF80  }
0x2a5: {  	_ =	swait.ge [sflag:s1], $0x80  }
0x2a6: {  	[sflag:s1] =	ssyncset.done $0x0  }
0x2a7: {  	[sflag:s1] =	ssyncadd.s32 $0xFFFFFF80  }
0x2a8: {  	_ =	swait.ge [sflag:s1], $0x80  }
0x2a9: {  	[sflag:s1] =	ssyncset.done $0x0  }
0x2aa: {  	[sflag:s1] =	ssyncadd.s32 $0xFFFFFF80  }
0x2ab: {  	_ =	swait.ge [sflag:s1], $0x80  }
0x2ac: {  	[sflag:s1] =	ssyncset.done $0x0  }
0x2ad: {  	[sflag:s1] =	ssyncadd.s32 $0xFFFFFF80  }
0x2ae: {  	_ =	swait.ge [sflag:s1], $0x80  }
0x2af: {  	[sflag:s1] =	ssyncset.done $0x0  }
0x2b0: {  	[sflag:s1] =	ssyncadd.s32 $0xFFFFFF80  }
0x2b1: {  	_ =	swait.ge [sflag:s1], $0x80  }
0x2b2: {  	s0 =	simm.s32 $0x0;
	[sflag:s1] =	ssyncset.done $0x0  }
.LBB2_14:
0x2b3: {  	s0 =	sadd.s32 $0x8, s0;
	[sflag:s1] =	ssyncadd.s32 $0xFFFFFF80  }
0x2b4: {  	_ =	swait.ge [sflag:s1], $0x80;
	p0 =	slt.u32 s0, $0x30  }
0x2b5: {  	[sflag:s1] =	ssyncset.done $0x0  }
0x2b6: {  	[sflag:s1] =	ssyncadd.s32 $0xFFFFFF80  }
0x2b7: {  	_ =	swait.ge [sflag:s1], $0x80  }
0x2b8: {  	[sflag:s1] =	ssyncset.done $0x0  }
0x2b9: {  	[sflag:s1] =	ssyncadd.s32 $0xFFFFFF80  }
0x2ba: {  	_ =	swait.ge [sflag:s1], $0x80  }
0x2bb: {  	[sflag:s1] =	ssyncset.done $0x0  }
0x2bc: {  	[sflag:s1] =	ssyncadd.s32 $0xFFFFFF80  }
0x2bd: {  	_ =	swait.ge [sflag:s1], $0x80  }
0x2be: {  	[sflag:s1] =	ssyncset.done $0x0  }
0x2bf: {  	[sflag:s1] =	ssyncadd.s32 $0xFFFFFF80  }
0x2c0: {  	_ =	swait.ge [sflag:s1], $0x80  }
0x2c1: {  	[sflag:s1] =	ssyncset.done $0x0  }
0x2c2: {  	[sflag:s1] =	ssyncadd.s32 $0xFFFFFF80  }
0x2c3: {  	_ =	swait.ge [sflag:s1], $0x80  }
0x2c4: {  	[sflag:s1] =	ssyncset.done $0x0  }
0x2c5: {  	[sflag:s1] =	ssyncadd.s32 $0xFFFFFF80  }
.Ltmp8:
0x2c6: {  	_ =	swait.ge [sflag:s1], $0x80;
	(pc) =	sbr.rel @p0 .LBB2_14-.Ltmp8, $4  }
0x2c7: {  	[sflag:s1] =	ssyncset.done $0x0  }
0x2c8: {  	[sflag:s1] =	ssyncadd.s32 $0xFFFFFF80  }
0x2c9: {  	_ =	swait.ge [sflag:s1], $0x80  }
0x2ca: {  	[sflag:s1] =	ssyncset.done $0x0  }
0x2cb: {  	[sflag:s1] =	ssyncadd.s32 $0xFFFFFF80;
	s0 =	simm.s32 $0x7  }
0x2cc: {  	_ =	swait.ge [sflag:s0], $0x80  }
0x2cd: {  	[sflag:s0] =	ssyncset.done $0x0  }
0x2ce: {  	[sflag:s0] =	ssyncadd.s32 $0xFFFFFF80  }
0x2cf: {  	_ =	swait.ge [sflag:s0], $0x80  }
0x2d0: {  	[sflag:s0] =	ssyncset.done $0x0  }
0x2d1: {  	[sflag:s0] =	ssyncadd.s32 $0xFFFFFF80  }
0x2d2: {  	_ =	swait.ge [sflag:s0], $0x80  }
0x2d3: {  	[sflag:s0] =	ssyncset.done $0x0  }
0x2d4: {  	[sflag:s0] =	ssyncadd.s32 $0xFFFFFF80  }
0x2d5: {  	_ =	swait.ge [sflag:s0], $0x80  }
0x2d6: {  	[sflag:s0] =	ssyncset.done $0x0  }
0x2d7: {  	[sflag:s0] =	ssyncadd.s32 $0xFFFFFF80  }
0x2d8: {  	_ =	swait.ge [sflag:s0], $0x80  }
0x2d9: {  	[sflag:s0] =	ssyncset.done $0x0  }
0x2da: {  	[sflag:s0] =	ssyncadd.s32 $0xFFFFFF80  }
0x2db: {  	_ =	swait.ge [sflag:s0], $0x80  }
0x2dc: {  	[sflag:s0] =	ssyncset.done $0x0  }
0x2dd: {  	[sflag:s0] =	ssyncadd.s32 $0xFFFFFF80  }
0x2de: {  	_ =	swait.ge [sflag:s0], $0x80  }
0x2df: {  	[sflag:s0] =	ssyncset.done $0x0  }
0x2e0: {  	[sflag:s0] =	ssyncadd.s32 $0xFFFFFF80  }
0x2e1: {  	_ =	swait.ge [sflag:s0], $0x80  }
0x2e2: {  	[sflag:s0] =	ssyncset.done $0x0  }
0x2e3: {  	[sflag:s0] =	ssyncadd.s32 $0xFFFFFF80  }
0x2e4: {  	_ =	swait.ge [sflag:s0], $0x80  }
0x2e5: {  	[sflag:s0] =	ssyncset.done $0x0  }
0x2e6: {  	[sflag:s0] =	ssyncadd.s32 $0xFFFFFF80  }
0x2e7: {  	_ =	swait.ge [sflag:s0], $0x80  }
0x2e8: {  	[sflag:s0] =	ssyncset.done $0x0  }
0x2e9: {  	[sflag:s0] =	ssyncadd.s32 $0xFFFFFF80  }
0x2ea: {  	_ =	swait.ge [sflag:s0], $0x80  }
0x2eb: {  	[sflag:s0] =	ssyncset.done $0x0  }
0x2ec: {  	[sflag:s0] =	ssyncadd.s32 $0xFFFFFF80  }
0x2ed: {  	_ =	swait.ge [sflag:s0], $0x80  }
0x2ee: {  	[sflag:s0] =	ssyncset.done $0x0  }
0x2ef: {  	[sflag:s0] =	ssyncadd.s32 $0xFFFFFF80  }
0x2f0: {  	_ =	swait.ge [sflag:s0], $0x80  }
0x2f1: {  	[sflag:s0] =	ssyncset.done $0x0  }
0x2f2: {  	[sflag:s0] =	ssyncadd.s32 $0xFFFFFF80  }
0x2f3: {  	_ =	swait.ge [sflag:s0], $0x80  }
0x2f4: {  	[sflag:s0] =	ssyncset.done $0x0  }
0x2f5: {  	[sflag:s0] =	ssyncadd.s32 $0xFFFFFF80  }
0x2f6: {  	_ =	swait.ge [sflag:s0], $0x80  }
0x2f7: {  	[sflag:s0] =	ssyncset.done $0x0  }
0x2f8: {  	[sflag:s0] =	ssyncadd.s32 $0xFFFFFF80  }
0x2f9: {  	_ =	swait.ge [sflag:s0], $0x80  }
0x2fa: {  	[sflag:s0] =	ssyncset.done $0x0  }
0x2fb: {  	[sflag:s0] =	ssyncadd.s32 $0xFFFFFF80  }
0x2fc: {  	_ =	swait.ge [sflag:s0], $0x80  }
0x2fd: {  	[sflag:s0] =	ssyncset.done $0x0  }
0x2fe: {  	[sflag:s0] =	ssyncadd.s32 $0xFFFFFF80  }
0x2ff: {  	_ =	swait.ge [sflag:s0], $0x80  }
0x300: {  	[sflag:s0] =	ssyncset.done $0x0  }
0x301: {  	[sflag:s0] =	ssyncadd.s32 $0xFFFFFF80  }
0x302: {  	_ =	swait.ge [sflag:s0], $0x80  }
0x303: {  	[sflag:s0] =	ssyncset.done $0x0  }
0x304: {  	[sflag:s0] =	ssyncadd.s32 $0xFFFFFF80  }
0x305: {  	_ =	swait.ge [sflag:s0], $0x80  }
0x306: {  	[sflag:s0] =	ssyncset.done $0x0  }
0x307: {  	[sflag:s0] =	ssyncadd.s32 $0xFFFFFF80  }
0x308: {  	_ =	swait.ge [sflag:s0], $0x80  }
0x309: {  	[sflag:s0] =	ssyncset.done $0x0  }
0x30a: {  	[sflag:s0] =	ssyncadd.s32 $0xFFFFFF80  }
0x30b: {  	_ =	swait.ge [sflag:s0], $0x80  }
0x30c: {  	[sflag:s0] =	ssyncset.done $0x0  }
0x30d: {  	[sflag:s0] =	ssyncadd.s32 $0xFFFFFF80  }
0x30e: {  	_ =	swait.ge [sflag:s0], $0x80  }
0x30f: {  	[sflag:s0] =	ssyncset.done $0x0  }
0x310: {  	[sflag:s0] =	ssyncadd.s32 $0xFFFFFF80  }
0x311: {  	_ =	swait.ge [sflag:s0], $0x80  }
0x312: {  	[sflag:s0] =	ssyncset.done $0x0  }
0x313: {  	[sflag:s0] =	ssyncadd.s32 $0xFFFFFF80  }
0x314: {  	_ =	swait.ge [sflag:s0], $0x80  }
0x315: {  	[sflag:s0] =	ssyncset.done $0x0  }
0x316: {  	[sflag:s0] =	ssyncadd.s32 $0xFFFFFF80  }
0x317: {  	_ =	swait.ge [sflag:s0], $0x80  }
0x318: {  	[sflag:s0] =	ssyncset.done $0x0  }
0x319: {  	[sflag:s0] =	ssyncadd.s32 $0xFFFFFF80  }
0x31a: {  	_ =	swait.ge [sflag:s0], $0x80  }
0x31b: {  	[sflag:s0] =	ssyncset.done $0x0  }
0x31c: {  	[sflag:s0] =	ssyncadd.s32 $0xFFFFFF80  }
0x31d: {  	_ =	swait.ge [sflag:s0], $0x80  }
0x31e: {  	[sflag:s0] =	ssyncset.done $0x0  }
0x31f: {  	[sflag:s0] =	ssyncadd.s32 $0xFFFFFF80  }
0x320: {  	_ =	swait.ge [sflag:s0], $0x80  }
0x321: {  	[sflag:s0] =	ssyncset.done $0x0  }
0x322: {  	[sflag:s0] =	ssyncadd.s32 $0xFFFFFF80  }
0x323: {  	_ =	swait.ge [sflag:s0], $0x80  }
0x324: {  	[sflag:s0] =	ssyncset.done $0x0  }
0x325: {  	[sflag:s0] =	ssyncadd.s32 $0xFFFFFF80  }
0x326: {  	_ =	swait.ge [sflag:s0], $0x80  }
0x327: {  	[sflag:s0] =	ssyncset.done $0x0  }
0x328: {  	[sflag:s0] =	ssyncadd.s32 $0xFFFFFF80  }
0x329: {  	_ =	swait.ge [sflag:s0], $0x80  }
0x32a: {  	[sflag:s0] =	ssyncset.done $0x0  }
0x32b: {  	[sflag:s0] =	ssyncadd.s32 $0xFFFFFF80  }
0x32c: {  	_ =	swait.ge [sflag:s0], $0x80  }
0x32d: {  	[sflag:s0] =	ssyncset.done $0x0  }
0x32e: {  	[sflag:s0] =	ssyncadd.s32 $0xFFFFFF80  }
0x32f: {  	_ =	swait.ge [sflag:s0], $0x80  }
0x330: {  	[sflag:s0] =	ssyncset.done $0x0  }
0x331: {  	[sflag:s0] =	ssyncadd.s32 $0xFFFFFF80  }
0x332: {  	_ =	swait.ge [sflag:s0], $0x80  }
0x333: {  	[sflag:s0] =	ssyncset.done $0x0  }
0x334: {  	[sflag:s0] =	ssyncadd.s32 $0xFFFFFF80  }
0x335: {  	_ =	swait.ge [sflag:s0], $0x80  }
0x336: {  	[sflag:s0] =	ssyncset.done $0x0  }
0x337: {  	[sflag:s0] =	ssyncadd.s32 $0xFFFFFF80  }
0x338: {  	_ =	swait.ge [sflag:s0], $0x80  }
0x339: {  	[sflag:s0] =	ssyncset.done $0x0  }
0x33a: {  	[sflag:s0] =	ssyncadd.s32 $0xFFFFFF80  }
0x33b: {  	_ =	swait.ge [sflag:s0], $0x80  }
0x33c: {  	[sflag:s0] =	ssyncset.done $0x0  }
0x33d: {  	[sflag:s0] =	ssyncadd.s32 $0xFFFFFF80  }
0x33e: {  	_ =	swait.ge [sflag:s0], $0x80  }
0x33f: {  	[sflag:s0] =	ssyncset.done $0x0  }
0x340: {  	[sflag:s0] =	ssyncadd.s32 $0xFFFFFF80  }
0x341: {  	_ =	swait.ge [sflag:s0], $0x80  }
0x342: {  	[sflag:s0] =	ssyncset.done $0x0  }
0x343: {  	[sflag:s0] =	ssyncadd.s32 $0xFFFFFF80  }
0x344: {  	_ =	swait.ge [sflag:s0], $0x80  }
0x345: {  	[sflag:s0] =	ssyncset.done $0x0  }
0x346: {  	[sflag:s0] =	ssyncadd.s32 $0xFFFFFF80  }
0x347: {  	_ =	swait.ge [sflag:s0], $0x80  }
0x348: {  	[sflag:s0] =	ssyncset.done $0x0  }
0x349: {  	[sflag:s0] =	ssyncadd.s32 $0xFFFFFF80  }
0x34a: {  	_ =	swait.ge [sflag:s0], $0x80  }
0x34b: {  	[sflag:s0] =	ssyncset.done $0x0  }
0x34c: {  	[sflag:s0] =	ssyncadd.s32 $0xFFFFFF80  }
0x34d: {  	_ =	swait.ge [sflag:s0], $0x80  }
0x34e: {  	[sflag:s0] =	ssyncset.done $0x0  }
0x34f: {  	[sflag:s0] =	ssyncadd.s32 $0xFFFFFF80  }
0x350: {  	_ =	swait.ge [sflag:s0], $0x80  }
0x351: {  	[sflag:s0] =	ssyncset.done $0x0  }
0x352: {  	[sflag:s0] =	ssyncadd.s32 $0xFFFFFF80  }
0x353: {  	_ =	swait.ge [sflag:s0], $0x80  }
0x354: {  	[sflag:s0] =	ssyncset.done $0x0  }
0x355: {  	[sflag:s0] =	ssyncadd.s32 $0xFFFFFF80  }
0x356: {  	_ =	swait.ge [sflag:s0], $0x80  }
0x357: {  	[sflag:s0] =	ssyncset.done $0x0  }
0x358: {  	[sflag:s0] =	ssyncadd.s32 $0xFFFFFF80  }
0x359: {  	_ =	swait.ge [sflag:s0], $0x80  }
0x35a: {  	[sflag:s0] =	ssyncset.done $0x0  }
0x35b: {  	s9 =	simm.s32 $0x8;
	[sflag:s0] =	ssyncadd.s32 $0xFFFFFF80  }
0x35c: {  	_ =	swait.ge [sflag:s9], $0x80  }
0x35d: {  	[sflag:s9] =	ssyncset.done $0x0  }
0x35e: {  	[sflag:s9] =	ssyncadd.s32 $0xFFFFFF80  }
0x35f: {  	_ =	swait.ge [sflag:s9], $0x80  }
0x360: {  	[sflag:s9] =	ssyncset.done $0x0  }
0x361: {  	[sflag:s9] =	ssyncadd.s32 $0xFFFFFF80  }
0x362: {  	_ =	swait.ge [sflag:s9], $0x80  }
0x363: {  	[sflag:s9] =	ssyncset.done $0x0  }
0x364: {  	[sflag:s9] =	ssyncadd.s32 $0xFFFFFF80  }
0x365: {  	_ =	swait.ge [sflag:s9], $0x80  }
0x366: {  	[sflag:s9] =	ssyncset.done $0x0  }
0x367: {  	[sflag:s9] =	ssyncadd.s32 $0xFFFFFF80  }
0x368: {  	_ =	swait.ge [sflag:s9], $0x80  }
0x369: {  	[sflag:s9] =	ssyncset.done $0x0  }
0x36a: {  	[sflag:s9] =	ssyncadd.s32 $0xFFFFFF80  }
0x36b: {  	_ =	swait.ge [sflag:s9], $0x80  }
0x36c: {  	[sflag:s9] =	ssyncset.done $0x0  }
0x36d: {  	[sflag:s9] =	ssyncadd.s32 $0xFFFFFF80  }
0x36e: {  	_ =	swait.ge [sflag:s9], $0x80  }
0x36f: {  	[sflag:s9] =	ssyncset.done $0x0  }
0x370: {  	[sflag:s9] =	ssyncadd.s32 $0xFFFFFF80  }
0x371: {  	_ =	swait.ge [sflag:s9], $0x80  }
0x372: {  	[sflag:s9] =	ssyncset.done $0x0  }
0x373: {  	[sflag:s9] =	ssyncadd.s32 $0xFFFFFF80  }
0x374: {  	_ =	swait.ge [sflag:s9], $0x80  }
0x375: {  	[sflag:s9] =	ssyncset.done $0x0  }
0x376: {  	[sflag:s9] =	ssyncadd.s32 $0xFFFFFF80  }
0x377: {  	_ =	swait.ge [sflag:s9], $0x80  }
0x378: {  	[sflag:s9] =	ssyncset.done $0x0  }
0x379: {  	[sflag:s9] =	ssyncadd.s32 $0xFFFFFF80  }
0x37a: {  	_ =	swait.ge [sflag:s9], $0x80  }
0x37b: {  	[sflag:s9] =	ssyncset.done $0x0  }
0x37c: {  	[sflag:s9] =	ssyncadd.s32 $0xFFFFFF80  }
0x37d: {  	_ =	swait.ge [sflag:s9], $0x80  }
0x37e: {  	[sflag:s9] =	ssyncset.done $0x0  }
0x37f: {  	[sflag:s9] =	ssyncadd.s32 $0xFFFFFF80  }
0x380: {  	_ =	swait.ge [sflag:s9], $0x80  }
0x381: {  	[sflag:s9] =	ssyncset.done $0x0  }
0x382: {  	[sflag:s9] =	ssyncadd.s32 $0xFFFFFF80  }
0x383: {  	_ =	swait.ge [sflag:s9], $0x80  }
0x384: {  	[sflag:s9] =	ssyncset.done $0x0  }
0x385: {  	[sflag:s9] =	ssyncadd.s32 $0xFFFFFF80  }
0x386: {  	_ =	swait.ge [sflag:s9], $0x80  }
0x387: {  	[sflag:s9] =	ssyncset.done $0x0  }
0x388: {  	[sflag:s9] =	ssyncadd.s32 $0xFFFFFF80  }
0x389: {  	_ =	swait.ge [sflag:s9], $0x80  }
0x38a: {  	[sflag:s9] =	ssyncset.done $0x0  }
0x38b: {  	[sflag:s9] =	ssyncadd.s32 $0xFFFFFF80  }
0x38c: {  	_ =	swait.ge [sflag:s9], $0x80  }
0x38d: {  	[sflag:s9] =	ssyncset.done $0x0  }
0x38e: {  	[sflag:s9] =	ssyncadd.s32 $0xFFFFFF80  }
0x38f: {  	_ =	swait.ge [sflag:s9], $0x80  }
0x390: {  	[sflag:s9] =	ssyncset.done $0x0  }
0x391: {  	[sflag:s9] =	ssyncadd.s32 $0xFFFFFF80  }
0x392: {  	_ =	swait.ge [sflag:s9], $0x80  }
0x393: {  	[sflag:s9] =	ssyncset.done $0x0  }
0x394: {  	[sflag:s9] =	ssyncadd.s32 $0xFFFFFF80  }
0x395: {  	_ =	swait.ge [sflag:s9], $0x80  }
0x396: {  	[sflag:s9] =	ssyncset.done $0x0  }
0x397: {  	[sflag:s9] =	ssyncadd.s32 $0xFFFFFF80  }
0x398: {  	_ =	swait.ge [sflag:s9], $0x80  }
0x399: {  	[sflag:s9] =	ssyncset.done $0x0  }
0x39a: {  	[sflag:s9] =	ssyncadd.s32 $0xFFFFFF80  }
0x39b: {  	_ =	swait.ge [sflag:s9], $0x80  }
0x39c: {  	[sflag:s9] =	ssyncset.done $0x0  }
0x39d: {  	[sflag:s9] =	ssyncadd.s32 $0xFFFFFF80  }
0x39e: {  	_ =	swait.ge [sflag:s9], $0x80  }
0x39f: {  	[sflag:s9] =	ssyncset.done $0x0  }
0x3a0: {  	[sflag:s9] =	ssyncadd.s32 $0xFFFFFF80  }
0x3a1: {  	_ =	swait.ge [sflag:s9], $0x80  }
0x3a2: {  	[sflag:s9] =	ssyncset.done $0x0  }
0x3a3: {  	[sflag:s9] =	ssyncadd.s32 $0xFFFFFF80  }
0x3a4: {  	_ =	swait.ge [sflag:s9], $0x80  }
0x3a5: {  	[sflag:s9] =	ssyncset.done $0x0  }
0x3a6: {  	[sflag:s9] =	ssyncadd.s32 $0xFFFFFF80  }
0x3a7: {  	_ =	swait.ge [sflag:s9], $0x80  }
0x3a8: {  	[sflag:s9] =	ssyncset.done $0x0  }
0x3a9: {  	[sflag:s9] =	ssyncadd.s32 $0xFFFFFF80  }
0x3aa: {  	_ =	swait.ge [sflag:s9], $0x80  }
0x3ab: {  	[sflag:s9] =	ssyncset.done $0x0  }
0x3ac: {  	[sflag:s9] =	ssyncadd.s32 $0xFFFFFF80  }
0x3ad: {  	_ =	swait.ge [sflag:s9], $0x80  }
0x3ae: {  	[sflag:s9] =	ssyncset.done $0x0  }
0x3af: {  	[sflag:s9] =	ssyncadd.s32 $0xFFFFFF80  }
0x3b0: {  	_ =	swait.ge [sflag:s9], $0x80  }
0x3b1: {  	[sflag:s9] =	ssyncset.done $0x0  }
0x3b2: {  	[sflag:s9] =	ssyncadd.s32 $0xFFFFFF80  }
0x3b3: {  	_ =	swait.ge [sflag:s9], $0x80  }
0x3b4: {  	[sflag:s9] =	ssyncset.done $0x0  }
0x3b5: {  	[sflag:s9] =	ssyncadd.s32 $0xFFFFFF80  }
0x3b6: {  	_ =	swait.ge [sflag:s9], $0x80  }
0x3b7: {  	[sflag:s9] =	ssyncset.done $0x0  }
0x3b8: {  	[sflag:s9] =	ssyncadd.s32 $0xFFFFFF80  }
0x3b9: {  	_ =	swait.ge [sflag:s9], $0x80  }
0x3ba: {  	[sflag:s9] =	ssyncset.done $0x0  }
0x3bb: {  	[sflag:s9] =	ssyncadd.s32 $0xFFFFFF80  }
0x3bc: {  	_ =	swait.ge [sflag:s9], $0x80  }
0x3bd: {  	[sflag:s9] =	ssyncset.done $0x0  }
0x3be: {  	[sflag:s9] =	ssyncadd.s32 $0xFFFFFF80  }
0x3bf: {  	_ =	swait.ge [sflag:s9], $0x80  }
0x3c0: {  	[sflag:s9] =	ssyncset.done $0x0  }
0x3c1: {  	[sflag:s9] =	ssyncadd.s32 $0xFFFFFF80  }
0x3c2: {  	_ =	swait.ge [sflag:s9], $0x80  }
0x3c3: {  	[sflag:s9] =	ssyncset.done $0x0  }
0x3c4: {  	[sflag:s9] =	ssyncadd.s32 $0xFFFFFF80  }
0x3c5: {  	_ =	swait.ge [sflag:s9], $0x80  }
0x3c6: {  	[sflag:s9] =	ssyncset.done $0x0  }
0x3c7: {  	[sflag:s9] =	ssyncadd.s32 $0xFFFFFF80  }
0x3c8: {  	_ =	swait.ge [sflag:s9], $0x80  }
0x3c9: {  	[sflag:s9] =	ssyncset.done $0x0  }
0x3ca: {  	[sflag:s9] =	ssyncadd.s32 $0xFFFFFF80  }
0x3cb: {  	_ =	swait.ge [sflag:s9], $0x80  }
0x3cc: {  	[sflag:s9] =	ssyncset.done $0x0  }
0x3cd: {  	[sflag:s9] =	ssyncadd.s32 $0xFFFFFF80  }
0x3ce: {  	_ =	swait.ge [sflag:s9], $0x80  }
0x3cf: {  	[sflag:s9] =	ssyncset.done $0x0  }
0x3d0: {  	[sflag:s9] =	ssyncadd.s32 $0xFFFFFF80  }
0x3d1: {  	_ =	swait.ge [sflag:s9], $0x80  }
0x3d2: {  	[sflag:s9] =	ssyncset.done $0x0  }
0x3d3: {  	[sflag:s9] =	ssyncadd.s32 $0xFFFFFF80  }
0x3d4: {  	_ =	swait.ge [sflag:s9], $0x80  }
0x3d5: {  	[sflag:s9] =	ssyncset.done $0x0  }
0x3d6: {  	[sflag:s9] =	ssyncadd.s32 $0xFFFFFF80  }
0x3d7: {  	_ =	swait.ge [sflag:s9], $0x80  }
0x3d8: {  	[sflag:s9] =	ssyncset.done $0x0  }
0x3d9: {  	[sflag:s9] =	ssyncadd.s32 $0xFFFFFF80  }
0x3da: {  	_ =	swait.ge [sflag:s9], $0x80  }
0x3db: {  	[sflag:s9] =	ssyncset.done $0x0  }
0x3dc: {  	[sflag:s9] =	ssyncadd.s32 $0xFFFFFF80  }
0x3dd: {  	_ =	swait.ge [sflag:s9], $0x80  }
0x3de: {  	[sflag:s9] =	ssyncset.done $0x0  }
0x3df: {  	[sflag:s9] =	ssyncadd.s32 $0xFFFFFF80  }
0x3e0: {  	_ =	swait.ge [sflag:s9], $0x80  }
0x3e1: {  	[sflag:s9] =	ssyncset.done $0x0  }
0x3e2: {  	[sflag:s9] =	ssyncadd.s32 $0xFFFFFF80  }
0x3e3: {  	_ =	swait.ge [sflag:s9], $0x80  }
0x3e4: {  	[sflag:s9] =	ssyncset.done $0x0  }
0x3e5: {  	[sflag:s9] =	ssyncadd.s32 $0xFFFFFF80  }
0x3e6: {  	_ =	swait.ge [sflag:s9], $0x80  }
0x3e7: {  	[sflag:s9] =	ssyncset.done $0x0  }
0x3e8: {  	[sflag:s9] =	ssyncadd.s32 $0xFFFFFF80  }
0x3e9: {  	_ =	swait.ge [sflag:s9], $0x80  }
0x3ea: {  	[sflag:s9] =	ssyncset.done $0x0  }
0x3eb: {  	s11 =	simm.s32 $0xC000;
	s10 =	rddreg [dreg:$0x15];
	[sflag:s9] =	ssyncadd.s32 $0xFFFFFF80  }
0x3ec: {  	[hbm4b:s10+s19] =	stream.linear.scatter [tilespmem:s11], [sflag:$0xA], $0xD00, $0x38;
	[tilespmem:$0x14000] =	vst v63  }
0x3ed: {  	s2 =	simm.s32 $0xD000;
	s12 =	sadd.s32 $0x200, s10  }
0x3ee: {  	[hbm4b:s12+s19] =	stream.linear.scatter [tilespmem:s2], [sflag:$0xA], $0xD00, $0x38;
	[tilespmem:$0x14000] =	vst v63  }
0x3ef: {  	s14 =	simm.s32 $0xE000;
	s13 =	sadd.s32 $0x400, s10  }
0x3f0: {  	[hbm4b:s13+s19] =	stream.linear.scatter [tilespmem:s14], [sflag:$0xA], $0xD00, $0x38;
	[tilespmem:$0x14000] =	vst v63  }
0x3f1: {  	s16 =	simm.s32 $0xF000;
	s15 =	sadd.s32 $0x600, s10  }
0x3f2: {  	[hbm4b:s15+s19] =	stream.linear.scatter [tilespmem:s16], [sflag:$0xA], $0xD00, $0x38;
	[tilespmem:$0x14000] =	vst v63  }
0x3f3: {  	s18 =	simm.s32 $0x10000;
	s17 =	sadd.s32 $0x800, s10  }
0x3f4: {  	[hbm4b:s17+s19] =	stream.linear.scatter [tilespmem:s18], [sflag:$0xA], $0xD00, $0x38;
	[tilespmem:$0x14000] =	vst v63  }
0x3f5: {  	s21 =	simm.s32 $0x11000;
	s20 =	sadd.s32 $0xA00, s10  }
0x3f6: {  	[hbm4b:s20+s19] =	stream.linear.scatter [tilespmem:s21], [sflag:$0xA], $0xD00, $0x38;
	[tilespmem:$0x14000] =	vst v63  }
0x3f7: {  	s23 =	simm.s32 $0x12000;
	s22 =	sadd.s32 $0xC00, s10  }
0x3f8: {  	[hbm4b:s22+s19] =	stream.linear.scatter [tilespmem:s23], [sflag:$0xA], $0xD00, $0x38;
	[tilespmem:$0x14000] =	vst v63  }
0x3f9: {  	s26 =	simm.s32 $0x13000;
	s28 =	simm.s32 $0x9;
	s25 =	sadd.s32 $0xE00, s10  }
0x3fa: {  	[hbm4b:s25+s19] =	stream.linear.scatter [tilespmem:s26], [sflag:$0xA], $0xD00, $0x38;
	[tilespmem:$0x14000] =	vst v63  }
0x3fb: {  	_ =	swait.ge [sflag:s28], $0x6800  }
0x3fc: {  	[sflag:s28] =	ssyncset.done $0x0  }
0x3fd: {  	s29 =	simm.s32 $0xA;
	[sflag:s28] =	ssyncadd.s32 $0xFFFF9800  }
0x3fe: {  	_ =	swait.ge [sflag:s29], $0x6800  }
0x3ff: {  	s30 =	rddreg [dreg:$0x18]  }
0x400: {  	s31 =	rddreg [dreg:$0x16];
	s2 =	sadd.s32 $0x1, s30  }
0x401: {  	p0 =	sne.s32 s2, s31  }
.Ltmp9:
0x402: {  	_ = 	snop;
	(pc) =	sbr.rel @p0 .LBB2_1-.Ltmp9, $3  }
0x403: {  	_ =	sdelay $0x1  }
0x404: {  	[sflag:s29] =	ssyncset.done $0x0  }
0x405: {  	[sflag:s29] =	ssyncadd.s32 $0xFFFF9800  }
0x406: {  	_ =	sfence.sel $0x180000  }
0x407: {  	[bflag:$0x0] =	sbarrier.arrive $0xFFFF  }
0x408: {  	_ =	strace $0x90000047  }
0x409: {  	s0 =	stileid.u32;
	[bflag:$0x2] =	sbarrier.arrive $0xFFFF  }
0x40a: {  	p0 =	sne.s32 s0, $0x0;
	s0 =	rddreg [dreg:$0x2]  }
0x40b: {  	s0 =	sadd.s32 @!p0 $0x100000, s0  }
0x40c: {  	[sflag:s0] =	ssyncadd.tile.s32 @!p0 $0x1;
	_ =	shalt  }
.Lfunc_end2:
_tile_overlayer_lowered:
.L_overlay_start_2:
0x40d: {  	(tag) =	ssettag $0x2  }
0x40e: {  	s0 =	rddreg [dreg:$0x0];
	s2 =	stileid.u32  }
0x40f: {  	s1 =	rddreg [dreg:$0x1];
	p0 =	sne.s32 s2, $0x0  }
0x410: {  	s3 =	rddreg [dreg:$0x2];
	[bflag:$0x3] =	sbarrier.arrive $0xFFFF;
	s2 =	simm.s32 @!p0 $0x1C0B  }
0x411: {  	[timem:s3], [sflag:s2] =	dma.local @!p0 [hbm:s0], s1  }
0x412: {  	s0 =	simm.s32 @!p0 $0xB  }
0x413: {  	_ =	swait.ge @!p0 [sflag:s0], s1  }
0x414: {  	s1 =	ssub.s32 @!p0 $0x0, s1;
	[sflag:s0] =	ssyncset.done @!p0 $0x0  }
0x415: {  	[sflag:s0] =	ssyncadd.s32 @!p0 s1  }
0x416: {  	[bflag:$0x3] =	sbarrier.arrive $0xFFFF  }
0x417: {  	_ =	shalt  }

</sc_bundles>
